<compile_context>
chip_gen: v7x
topology: tpu7x:2x2x1
jax: 0.10.2.dev20260603
libtpu: 0.0.44.dev20260713+nightly
codegen_flags: <defaults>
</compile_context>

<pallas_src>
import functools
import math

import numpy as np

import jax
import jax.numpy as jnp
from jax import lax
from jax.experimental import pallas as pl
from jax.experimental.pallas import tpu as pltpu
from jax.experimental.pallas import tpu_sc as plsc

VOCAB = 100000
D_MODEL = 1024
BATCH = 4
SEQ = 4096
SCALE = math.sqrt(D_MODEL)

NC = 2
NS = 16
NW = NC * NS
S_PER_W = SEQ // NW
CH = 4
NCHUNK = S_PER_W // CH
R = BATCH * CH
GRP = 4
NROUND = NCHUNK // GRP
LANES = 16
K = D_MODEL // LANES
NPE = 2


def _pe_matrix():
    pos = np.arange(SEQ, dtype=np.float64).reshape(-1, 1)
    emb = np.arange(D_MODEL, dtype=np.float64) * 2.0 / D_MODEL
    emb = np.power(10000.0, emb)
    xm = pos / emb
    pe = np.zeros((SEQ, D_MODEL), dtype=np.float64)
    pe[:, 0::2] = np.sin(xm[:, 0::2])
    pe[:, 1::2] = np.cos(xm[:, 1::2])
    return pe.astype(np.float32)


_PE = _pe_matrix()

_MESH = plsc.VectorSubcoreMesh(core_axis_name="c", subcore_axis_name="s")


@functools.partial(
    pl.kernel,
    out_type=jax.ShapeDtypeStruct((BATCH * SEQ, D_MODEL), jnp.float32),
    mesh=_MESH,
    scratch_types=[
        pltpu.VMEM((NCHUNK, R), jnp.int32),
        pltpu.VMEM((NPE, CH, D_MODEL), jnp.float32),
        pltpu.VMEM((GRP, BATCH, CH, D_MODEL), jnp.float32),
        pltpu.SemaphoreType.DMA,
        pltpu.SemaphoreType.DMA,
        pltpu.SemaphoreType.DMA,
    ],
)
def _sc_embed(x_hbm, table_hbm, pe_hbm, out_hbm, idx_v, pe_v, rows_v,
              gsem, psem, ssem):
    wid = lax.axis_index("s") * NC + lax.axis_index("c")
    s0 = wid * S_PER_W

    pltpu.sync_copy(x_hbm.at[wid], idx_v)

    def gather_copies(t, slot):
        return [
            pltpu.make_async_copy(
                table_hbm.at[idx_v.at[t, pl.ds(b * CH, CH)]],
                rows_v.at[slot, b],
                gsem,
            )
            for b in range(BATCH)
        ]

    def pe_copy(t, slot):
        return pltpu.make_async_copy(
            pe_hbm.at[pl.ds(s0 + t * CH, CH)], pe_v.at[slot], psem
        )

    def store_copies(t, slot):
        return [
            pltpu.make_async_copy(
                rows_v.at[slot, b],
                out_hbm.at[pl.ds(b * SEQ + s0 + t * CH, CH)],
                ssem,
            )
            for b in range(BATCH)
        ]

    for cp in gather_copies(0, 0) + gather_copies(1, 1) + gather_copies(2, 2):
        cp.start()
    pe_copy(0, 0).start()
    pe_copy(1, 1).start()

    def round_body(r, _):
        for j in range(GRP):
            t = r * GRP + j
            pslot = j % NPE

            for cp in gather_copies(t, j):
                cp.wait()
            pe_copy(t, pslot).wait()

            def vec_body(k, _, j=j, pslot=pslot):
                off = pl.ds(k * LANES, LANES)
                for i in range(CH):
                    pvec = pe_v[pslot, i, off]
                    for b in range(BATCH):
                        sl = (j, b, i, off)
                        rows_v[sl] = rows_v[sl] * SCALE + pvec
                return 0

            lax.fori_loop(0, K, vec_body, 0)

            for cp in store_copies(t, j):
                cp.start()

            if j > 0:
                for cp in store_copies(t - 1, j - 1):
                    cp.wait()
            else:
                @pl.when(r >= 1)
                def _(t=t):
                    for cp in store_copies(t - 1, GRP - 1):
                        cp.wait()

            def pre_gather(t=t, j=j):
                for cp in gather_copies(t + 3, (j + 3) % GRP):
                    cp.start()

            def pre_pe(t=t, pslot=pslot):
                pe_copy(t + 2, pslot).start()

            if j == 0:
                pre_gather()
            else:
                pl.when(r < NROUND - 1)(pre_gather)
            if j < 2:
                pre_pe()
            else:
                pl.when(r < NROUND - 1)(pre_pe)

        return 0

    lax.fori_loop(0, NROUND, round_body, 0)

    for cp in store_copies(NCHUNK - 1, GRP - 1):
        cp.wait()


def kernel(x, table):
    x_r = (
        x.reshape(BATCH, NW, NCHUNK, CH)
        .transpose(1, 2, 0, 3)
        .reshape(NW, NCHUNK, R)
    )
    out = _sc_embed(x_r, table, jnp.asarray(_PE))
    return out.reshape(BATCH, SEQ, D_MODEL)

# --- scband reference (transcript-rebuilt; emitter-appended) ---
"""Pipeline reference for scband-positional-embedding-11218454577450 (READ-ONLY COPY).

The authoritative reference and input builder live on the scoring server;
editing this copy changes nothing except your own understanding.
"""

import jax, jax.numpy as jnp
import numpy as np
import math

VOCAB = 100000
INPUT_SEQ_LENGTH = 4096
D_MODEL = 1024
BATCH = 4
SEQ = 4096


def _position_encoding_matrix(input_seq_length, d_embedding):
    pos = jnp.arange(input_seq_length, dtype=jnp.float32).reshape(-1, 1)
    emb = jnp.arange(d_embedding, dtype=jnp.float32) * 2.0 / d_embedding
    emb = jnp.power(10000.0, emb)
    x_matrix = pos / emb
    pe = jnp.zeros((input_seq_length, d_embedding), dtype=jnp.float32)
    pe = pe.at[:, 0::2].set(jnp.sin(x_matrix[:, 0::2]))
    pe = pe.at[:, 1::2].set(jnp.cos(x_matrix[:, 1::2]))
    return pe


def setup_inputs(seed: int = 0) -> dict:
    key = jax.random.key(seed)
    k1, k2 = jax.random.split(key)
    x = jax.random.randint(k1, (BATCH, SEQ), 0, VOCAB, dtype=jnp.int32)
    # nn.Embedding default init: N(0, 1)
    table = jax.random.normal(k2, (VOCAB, D_MODEL), dtype=jnp.float32)
    return {"x": x, "table": table}


def reference(x, table):
    # embedding lookup
    y = jnp.take(table, x, axis=0)
    # scale_embedding=True -> multiply by sqrt(d_model)
    y = y * math.sqrt(D_MODEL)
    # positional encoding sliced to the input sequence length, broadcast over batch
    pe = _position_encoding_matrix(INPUT_SEQ_LENGTH, D_MODEL)[: x.shape[1], :]
    pe = jnp.expand_dims(pe, 0)
    return y + pe

if __name__ == "__main__":
    import jax
    _d = setup_inputs()
    print(jax.jit(kernel)(*tuple(_d.values())))

</pallas_src>

<mosaic_0001>
#map = affine_map<(d0, d1) -> (0, 0, 0)>
#map1 = affine_map<(d0, d1) -> (0, 0)>
module attributes {stable_mosaic.version = 14 : i64} {
  func.func @_sc_embed(%arg0: i32, %arg1: i32, %arg2: memref<32x32x16xi32, #tpu.memory_space<hbm>>, %arg3: memref<100000x1024xf32, #tpu.memory_space<hbm>>, %arg4: memref<4096x1024xf32, #tpu.memory_space<hbm>>, %arg5: memref<16384x1024xf32, #tpu.memory_space<hbm>>, %arg6: memref<32x16xi32, #tpu.memory_space<vmem>>, %arg7: memref<2x4x1024xf32, #tpu.memory_space<vmem>>, %arg8: memref<4x4x4x1024xf32, #tpu.memory_space<vmem>>, %arg9: memref<!tpu.dma_semaphore, #tpu.memory_space<semaphore_mem>>, %arg10: memref<!tpu.dma_semaphore, #tpu.memory_space<semaphore_mem>>, %arg11: memref<!tpu.dma_semaphore, #tpu.memory_space<semaphore_mem>>) attributes {dimension_semantics = [#tpu.dimension_semantics<core_parallel>, #tpu.dimension_semantics<subcore_parallel>], iteration_bounds = array<i64: 2, 16>, scalar_prefetch = 0 : i64, scratch_operands = 6 : i64, tpu.core_type = #tpu.core_type<sc_vector_subcore>, window_params = [{transform_indices = #map}, {transform_indices = #map1}, {transform_indices = #map1}, {transform_indices = #map1}]} {
    %mul3A = arith.constant 2 : i32
    %mul3A_0 = arith.muli %arg1, %mul3A : i32
    %add3A = arith.addi %mul3A_0, %arg0 : i32
    %mul3A_1 = arith.constant 128 : i32
    %mul3A_2 = arith.muli %add3A, %mul3A_1 : i32
    "tpu.region"() ({
      %run_scoped3A = tpu.sem_alloc : memref<!tpu.dma_semaphore, #tpu.memory_space<semaphore_mem>>
      %dma_start3A_265 = arith.constant 0 : i32
      %dma_start3A_266 = arith.constant 0 : i32
      %dma_start3A_267 = tpu.memref_slice %arg2[%add3A, %dma_start3A_265, %dma_start3A_266] : memref<32x32x16xi32, #tpu.memory_space<hbm>> -> memref<1x32x16xi32, #tpu.memory_space<hbm>>
      %dma_start3A_268 = tpu.memref_squeeze %dma_start3A_267 : memref<1x32x16xi32, #tpu.memory_space<hbm>> -> memref<32x16xi32, #tpu.memory_space<hbm>>
      %dma_start3A_269 = arith.constant 0 : i32
      %dma_start3A_270 = arith.constant 0 : i32
      %dma_start3A_271 = tpu.memref_slice %arg2[%add3A, %dma_start3A_269, %dma_start3A_270] : memref<32x32x16xi32, #tpu.memory_space<hbm>> -> memref<1x32x16xi32, #tpu.memory_space<hbm>>
      %dma_start3A_272 = tpu.memref_squeeze %dma_start3A_271 : memref<1x32x16xi32, #tpu.memory_space<hbm>> -> memref<32x16xi32, #tpu.memory_space<hbm>>
      tpu.enqueue_dma source(%dma_start3A_272 : memref<32x16xi32, #tpu.memory_space<hbm>>) target(%arg6 : memref<32x16xi32, #tpu.memory_space<vmem>>) target_semaphore(%run_scoped3A : memref<!tpu.dma_semaphore, #tpu.memory_space<semaphore_mem>>)
      %dma_wait3A_273 = arith.constant 0 : i32
      %dma_wait3A_274 = arith.constant 0 : i32
      %dma_wait3A_275 = tpu.memref_slice %arg2[%add3A, %dma_wait3A_273, %dma_wait3A_274] : memref<32x32x16xi32, #tpu.memory_space<hbm>> -> memref<1x32x16xi32, #tpu.memory_space<hbm>>
      %dma_wait3A_276 = tpu.memref_squeeze %dma_wait3A_275 : memref<1x32x16xi32, #tpu.memory_space<hbm>> -> memref<32x16xi32, #tpu.memory_space<hbm>>
      %dma_wait3A_277 = arith.constant 0 : i32
      %dma_wait3A_278 = arith.constant 0 : i32
      %dma_wait3A_279 = tpu.memref_slice %arg2[%add3A, %dma_wait3A_277, %dma_wait3A_278] : memref<32x32x16xi32, #tpu.memory_space<hbm>> -> memref<1x32x16xi32, #tpu.memory_space<hbm>>
      %dma_wait3A_280 = tpu.memref_squeeze %dma_wait3A_279 : memref<1x32x16xi32, #tpu.memory_space<hbm>> -> memref<32x16xi32, #tpu.memory_space<hbm>>
      tpu.wait_dma2 semaphore(%run_scoped3A : memref<!tpu.dma_semaphore, #tpu.memory_space<semaphore_mem>>) src(%dma_wait3A_280 : memref<32x16xi32, #tpu.memory_space<hbm>>) dst(%arg6 : memref<32x16xi32, #tpu.memory_space<vmem>>)
      tpu.yield
    }) : () -> ()
    %dma_start3A = arith.constant 0 : i32
    %dma_start3A_3 = arith.constant 0 : i32
    %dma_start3A_4 = arith.constant 0 : i32
    %dma_start3A_5 = arith.constant 0 : i32
    %dma_start3A_6 = arith.constant 0 : i32
    %dma_start3A_7 = tpu.memref_slice %arg8[%dma_start3A_3, %dma_start3A_4, %dma_start3A_5, %dma_start3A_6] : memref<4x4x4x1024xf32, #tpu.memory_space<vmem>> -> memref<1x1x4x1024xf32, #tpu.memory_space<vmem>>
    %dma_start3A_8 = tpu.memref_squeeze %dma_start3A_7 : memref<1x1x4x1024xf32, #tpu.memory_space<vmem>> -> memref<4x1024xf32, #tpu.memory_space<vmem>>
    %dma_start3A_9 = arith.constant 0 : i32
    %dma_start3A_10 = tpu.memref_slice %arg6[%dma_start3A, %dma_start3A_9] : memref<32x16xi32, #tpu.memory_space<vmem>> -> memref<1x4xi32, #tpu.memory_space<vmem>>
    %dma_start3A_11 = tpu.memref_squeeze %dma_start3A_10 : memref<1x4xi32, #tpu.memory_space<vmem>> -> memref<4xi32, #tpu.memory_space<vmem>>
    %dma_start3A_12 = arith.constant 0 : i32
    %dma_start3A_13 = arith.constant 0 : i32
    %dma_start3A_14 = tpu.memref_slice %arg3[%dma_start3A_12, %dma_start3A_13] : memref<100000x1024xf32, #tpu.memory_space<hbm>> -> memref<100000x1024xf32, #tpu.memory_space<hbm>>
    tpu.enqueue_indirect_dma source(%dma_start3A_14 : memref<100000x1024xf32, #tpu.memory_space<hbm>>) target(%dma_start3A_8 : memref<4x1024xf32, #tpu.memory_space<vmem>>) offsets(%dma_start3A_11 : memref<4xi32, #tpu.memory_space<vmem>>) semaphore(%arg9 : memref<!tpu.dma_semaphore, #tpu.memory_space<semaphore_mem>>)
    %dma_start3A_15 = arith.constant 0 : i32
    %dma_start3A_16 = arith.constant 0 : i32
    %dma_start3A_17 = arith.constant 1 : i32
    %dma_start3A_18 = arith.constant 0 : i32
    %dma_start3A_19 = arith.constant 0 : i32
    %dma_start3A_20 = tpu.memref_slice %arg8[%dma_start3A_16, %dma_start3A_17, %dma_start3A_18, %dma_start3A_19] : memref<4x4x4x1024xf32, #tpu.memory_space<vmem>> -> memref<1x1x4x1024xf32, #tpu.memory_space<vmem>>
    %dma_start3A_21 = tpu.memref_squeeze %dma_start3A_20 : memref<1x1x4x1024xf32, #tpu.memory_space<vmem>> -> memref<4x1024xf32, #tpu.memory_space<vmem>>
    %dma_start3A_22 = arith.constant 4 : i32
    %dma_start3A_23 = tpu.memref_slice %arg6[%dma_start3A_15, %dma_start3A_22] : memref<32x16xi32, #tpu.memory_space<vmem>> -> memref<1x4xi32, #tpu.memory_space<vmem>>
    %dma_start3A_24 = tpu.memref_squeeze %dma_start3A_23 : memref<1x4xi32, #tpu.memory_space<vmem>> -> memref<4xi32, #tpu.memory_space<vmem>>
    %dma_start3A_25 = arith.constant 0 : i32
    %dma_start3A_26 = arith.constant 0 : i32
    %dma_start3A_27 = tpu.memref_slice %arg3[%dma_start3A_25, %dma_start3A_26] : memref<100000x1024xf32, #tpu.memory_space<hbm>> -> memref<100000x1024xf32, #tpu.memory_space<hbm>>
    tpu.enqueue_indirect_dma source(%dma_start3A_27 : memref<100000x1024xf32, #tpu.memory_space<hbm>>) target(%dma_start3A_21 : memref<4x1024xf32, #tpu.memory_space<vmem>>) offsets(%dma_start3A_24 : memref<4xi32, #tpu.memory_space<vmem>>) semaphore(%arg9 : memref<!tpu.dma_semaphore, #tpu.memory_space<semaphore_mem>>)
    %dma_start3A_28 = arith.constant 0 : i32
    %dma_start3A_29 = arith.constant 0 : i32
    %dma_start3A_30 = arith.constant 2 : i32
    %dma_start3A_31 = arith.constant 0 : i32
    %dma_start3A_32 = arith.constant 0 : i32
    %dma_start3A_33 = tpu.memref_slice %arg8[%dma_start3A_29, %dma_start3A_30, %dma_start3A_31, %dma_start3A_32] : memref<4x4x4x1024xf32, #tpu.memory_space<vmem>> -> memref<1x1x4x1024xf32, #tpu.memory_space<vmem>>
    %dma_start3A_34 = tpu.memref_squeeze %dma_start3A_33 : memref<1x1x4x1024xf32, #tpu.memory_space<vmem>> -> memref<4x1024xf32, #tpu.memory_space<vmem>>
    %dma_start3A_35 = arith.constant 8 : i32
    %dma_start3A_36 = tpu.memref_slice %arg6[%dma_start3A_28, %dma_start3A_35] : memref<32x16xi32, #tpu.memory_space<vmem>> -> memref<1x4xi32, #tpu.memory_space<vmem>>
    %dma_start3A_37 = tpu.memref_squeeze %dma_start3A_36 : memref<1x4xi32, #tpu.memory_space<vmem>> -> memref<4xi32, #tpu.memory_space<vmem>>
    %dma_start3A_38 = arith.constant 0 : i32
    %dma_start3A_39 = arith.constant 0 : i32
    %dma_start3A_40 = tpu.memref_slice %arg3[%dma_start3A_38, %dma_start3A_39] : memref<100000x1024xf32, #tpu.memory_space<hbm>> -> memref<100000x1024xf32, #tpu.memory_space<hbm>>
    tpu.enqueue_indirect_dma source(%dma_start3A_40 : memref<100000x1024xf32, #tpu.memory_space<hbm>>) target(%dma_start3A_34 : memref<4x1024xf32, #tpu.memory_space<vmem>>) offsets(%dma_start3A_37 : memref<4xi32, #tpu.memory_space<vmem>>) semaphore(%arg9 : memref<!tpu.dma_semaphore, #tpu.memory_space<semaphore_mem>>)
    %dma_start3A_41 = arith.constant 0 : i32
    %dma_start3A_42 = arith.constant 0 : i32
    %dma_start3A_43 = arith.constant 3 : i32
    %dma_start3A_44 = arith.constant 0 : i32
    %dma_start3A_45 = arith.constant 0 : i32
    %dma_start3A_46 = tpu.memref_slice %arg8[%dma_start3A_42, %dma_start3A_43, %dma_start3A_44, %dma_start3A_45] : memref<4x4x4x1024xf32, #tpu.memory_space<vmem>> -> memref<1x1x4x1024xf32, #tpu.memory_space<vmem>>
    %dma_start3A_47 = tpu.memref_squeeze %dma_start3A_46 : memref<1x1x4x1024xf32, #tpu.memory_space<vmem>> -> memref<4x1024xf32, #tpu.memory_space<vmem>>
    %dma_start3A_48 = arith.constant 12 : i32
    %dma_start3A_49 = tpu.memref_slice %arg6[%dma_start3A_41, %dma_start3A_48] : memref<32x16xi32, #tpu.memory_space<vmem>> -> memref<1x4xi32, #tpu.memory_space<vmem>>
    %dma_start3A_50 = tpu.memref_squeeze %dma_start3A_49 : memref<1x4xi32, #tpu.memory_space<vmem>> -> memref<4xi32, #tpu.memory_space<vmem>>
    %dma_start3A_51 = arith.constant 0 : i32
    %dma_start3A_52 = arith.constant 0 : i32
    %dma_start3A_53 = tpu.memref_slice %arg3[%dma_start3A_51, %dma_start3A_52] : memref<100000x1024xf32, #tpu.memory_space<hbm>> -> memref<100000x1024xf32, #tpu.memory_space<hbm>>
    tpu.enqueue_indirect_dma source(%dma_start3A_53 : memref<100000x1024xf32, #tpu.memory_space<hbm>>) target(%dma_start3A_47 : memref<4x1024xf32, #tpu.memory_space<vmem>>) offsets(%dma_start3A_50 : memref<4xi32, #tpu.memory_space<vmem>>) semaphore(%arg9 : memref<!tpu.dma_semaphore, #tpu.memory_space<semaphore_mem>>)
    %dma_start3A_54 = arith.constant 1 : i32
    %dma_start3A_55 = arith.constant 1 : i32
    %dma_start3A_56 = arith.constant 0 : i32
    %dma_start3A_57 = arith.constant 0 : i32
    %dma_start3A_58 = arith.constant 0 : i32
    %dma_start3A_59 = tpu.memref_slice %arg8[%dma_start3A_55, %dma_start3A_56, %dma_start3A_57, %dma_start3A_58] : memref<4x4x4x1024xf32, #tpu.memory_space<vmem>> -> memref<1x1x4x1024xf32, #tpu.memory_space<vmem>>
    %dma_start3A_60 = tpu.memref_squeeze %dma_start3A_59 : memref<1x1x4x1024xf32, #tpu.memory_space<vmem>> -> memref<4x1024xf32, #tpu.memory_space<vmem>>
    %dma_start3A_61 = arith.constant 0 : i32
    %dma_start3A_62 = tpu.memref_slice %arg6[%dma_start3A_54, %dma_start3A_61] : memref<32x16xi32, #tpu.memory_space<vmem>> -> memref<1x4xi32, #tpu.memory_space<vmem>>
    %dma_start3A_63 = tpu.memref_squeeze %dma_start3A_62 : memref<1x4xi32, #tpu.memory_space<vmem>> -> memref<4xi32, #tpu.memory_space<vmem>>
    %dma_start3A_64 = arith.constant 0 : i32
    %dma_start3A_65 = arith.constant 0 : i32
    %dma_start3A_66 = tpu.memref_slice %arg3[%dma_start3A_64, %dma_start3A_65] : memref<100000x1024xf32, #tpu.memory_space<hbm>> -> memref<100000x1024xf32, #tpu.memory_space<hbm>>
    tpu.enqueue_indirect_dma source(%dma_start3A_66 : memref<100000x1024xf32, #tpu.memory_space<hbm>>) target(%dma_start3A_60 : memref<4x1024xf32, #tpu.memory_space<vmem>>) offsets(%dma_start3A_63 : memref<4xi32, #tpu.memory_space<vmem>>) semaphore(%arg9 : memref<!tpu.dma_semaphore, #tpu.memory_space<semaphore_mem>>)
    %dma_start3A_67 = arith.constant 1 : i32
    %dma_start3A_68 = arith.constant 1 : i32
    %dma_start3A_69 = arith.constant 1 : i32
    %dma_start3A_70 = arith.constant 0 : i32
    %dma_start3A_71 = arith.constant 0 : i32
    %dma_start3A_72 = tpu.memref_slice %arg8[%dma_start3A_68, %dma_start3A_69, %dma_start3A_70, %dma_start3A_71] : memref<4x4x4x1024xf32, #tpu.memory_space<vmem>> -> memref<1x1x4x1024xf32, #tpu.memory_space<vmem>>
    %dma_start3A_73 = tpu.memref_squeeze %dma_start3A_72 : memref<1x1x4x1024xf32, #tpu.memory_space<vmem>> -> memref<4x1024xf32, #tpu.memory_space<vmem>>
    %dma_start3A_74 = arith.constant 4 : i32
    %dma_start3A_75 = tpu.memref_slice %arg6[%dma_start3A_67, %dma_start3A_74] : memref<32x16xi32, #tpu.memory_space<vmem>> -> memref<1x4xi32, #tpu.memory_space<vmem>>
    %dma_start3A_76 = tpu.memref_squeeze %dma_start3A_75 : memref<1x4xi32, #tpu.memory_space<vmem>> -> memref<4xi32, #tpu.memory_space<vmem>>
    %dma_start3A_77 = arith.constant 0 : i32
    %dma_start3A_78 = arith.constant 0 : i32
    %dma_start3A_79 = tpu.memref_slice %arg3[%dma_start3A_77, %dma_start3A_78] : memref<100000x1024xf32, #tpu.memory_space<hbm>> -> memref<100000x1024xf32, #tpu.memory_space<hbm>>
    tpu.enqueue_indirect_dma source(%dma_start3A_79 : memref<100000x1024xf32, #tpu.memory_space<hbm>>) target(%dma_start3A_73 : memref<4x1024xf32, #tpu.memory_space<vmem>>) offsets(%dma_start3A_76 : memref<4xi32, #tpu.memory_space<vmem>>) semaphore(%arg9 : memref<!tpu.dma_semaphore, #tpu.memory_space<semaphore_mem>>)
    %dma_start3A_80 = arith.constant 1 : i32
    %dma_start3A_81 = arith.constant 1 : i32
    %dma_start3A_82 = arith.constant 2 : i32
    %dma_start3A_83 = arith.constant 0 : i32
    %dma_start3A_84 = arith.constant 0 : i32
    %dma_start3A_85 = tpu.memref_slice %arg8[%dma_start3A_81, %dma_start3A_82, %dma_start3A_83, %dma_start3A_84] : memref<4x4x4x1024xf32, #tpu.memory_space<vmem>> -> memref<1x1x4x1024xf32, #tpu.memory_space<vmem>>
    %dma_start3A_86 = tpu.memref_squeeze %dma_start3A_85 : memref<1x1x4x1024xf32, #tpu.memory_space<vmem>> -> memref<4x1024xf32, #tpu.memory_space<vmem>>
    %dma_start3A_87 = arith.constant 8 : i32
    %dma_start3A_88 = tpu.memref_slice %arg6[%dma_start3A_80, %dma_start3A_87] : memref<32x16xi32, #tpu.memory_space<vmem>> -> memref<1x4xi32, #tpu.memory_space<vmem>>
    %dma_start3A_89 = tpu.memref_squeeze %dma_start3A_88 : memref<1x4xi32, #tpu.memory_space<vmem>> -> memref<4xi32, #tpu.memory_space<vmem>>
    %dma_start3A_90 = arith.constant 0 : i32
    %dma_start3A_91 = arith.constant 0 : i32
    %dma_start3A_92 = tpu.memref_slice %arg3[%dma_start3A_90, %dma_start3A_91] : memref<100000x1024xf32, #tpu.memory_space<hbm>> -> memref<100000x1024xf32, #tpu.memory_space<hbm>>
    tpu.enqueue_indirect_dma source(%dma_start3A_92 : memref<100000x1024xf32, #tpu.memory_space<hbm>>) target(%dma_start3A_86 : memref<4x1024xf32, #tpu.memory_space<vmem>>) offsets(%dma_start3A_89 : memref<4xi32, #tpu.memory_space<vmem>>) semaphore(%arg9 : memref<!tpu.dma_semaphore, #tpu.memory_space<semaphore_mem>>)
    %dma_start3A_93 = arith.constant 1 : i32
    %dma_start3A_94 = arith.constant 1 : i32
    %dma_start3A_95 = arith.constant 3 : i32
    %dma_start3A_96 = arith.constant 0 : i32
    %dma_start3A_97 = arith.constant 0 : i32
    %dma_start3A_98 = tpu.memref_slice %arg8[%dma_start3A_94, %dma_start3A_95, %dma_start3A_96, %dma_start3A_97] : memref<4x4x4x1024xf32, #tpu.memory_space<vmem>> -> memref<1x1x4x1024xf32, #tpu.memory_space<vmem>>
    %dma_start3A_99 = tpu.memref_squeeze %dma_start3A_98 : memref<1x1x4x1024xf32, #tpu.memory_space<vmem>> -> memref<4x1024xf32, #tpu.memory_space<vmem>>
    %dma_start3A_100 = arith.constant 12 : i32
    %dma_start3A_101 = tpu.memref_slice %arg6[%dma_start3A_93, %dma_start3A_100] : memref<32x16xi32, #tpu.memory_space<vmem>> -> memref<1x4xi32, #tpu.memory_space<vmem>>
    %dma_start3A_102 = tpu.memref_squeeze %dma_start3A_101 : memref<1x4xi32, #tpu.memory_space<vmem>> -> memref<4xi32, #tpu.memory_space<vmem>>
    %dma_start3A_103 = arith.constant 0 : i32
    %dma_start3A_104 = arith.constant 0 : i32
    %dma_start3A_105 = tpu.memref_slice %arg3[%dma_start3A_103, %dma_start3A_104] : memref<100000x1024xf32, #tpu.memory_space<hbm>> -> memref<100000x1024xf32, #tpu.memory_space<hbm>>
    tpu.enqueue_indirect_dma source(%dma_start3A_105 : memref<100000x1024xf32, #tpu.memory_space<hbm>>) target(%dma_start3A_99 : memref<4x1024xf32, #tpu.memory_space<vmem>>) offsets(%dma_start3A_102 : memref<4xi32, #tpu.memory_space<vmem>>) semaphore(%arg9 : memref<!tpu.dma_semaphore, #tpu.memory_space<semaphore_mem>>)
    %dma_start3A_106 = arith.constant 2 : i32
    %dma_start3A_107 = arith.constant 2 : i32
    %dma_start3A_108 = arith.constant 0 : i32
    %dma_start3A_109 = arith.constant 0 : i32
    %dma_start3A_110 = arith.constant 0 : i32
    %dma_start3A_111 = tpu.memref_slice %arg8[%dma_start3A_107, %dma_start3A_108, %dma_start3A_109, %dma_start3A_110] : memref<4x4x4x1024xf32, #tpu.memory_space<vmem>> -> memref<1x1x4x1024xf32, #tpu.memory_space<vmem>>
    %dma_start3A_112 = tpu.memref_squeeze %dma_start3A_111 : memref<1x1x4x1024xf32, #tpu.memory_space<vmem>> -> memref<4x1024xf32, #tpu.memory_space<vmem>>
    %dma_start3A_113 = arith.constant 0 : i32
    %dma_start3A_114 = tpu.memref_slice %arg6[%dma_start3A_106, %dma_start3A_113] : memref<32x16xi32, #tpu.memory_space<vmem>> -> memref<1x4xi32, #tpu.memory_space<vmem>>
    %dma_start3A_115 = tpu.memref_squeeze %dma_start3A_114 : memref<1x4xi32, #tpu.memory_space<vmem>> -> memref<4xi32, #tpu.memory_space<vmem>>
    %dma_start3A_116 = arith.constant 0 : i32
    %dma_start3A_117 = arith.constant 0 : i32
    %dma_start3A_118 = tpu.memref_slice %arg3[%dma_start3A_116, %dma_start3A_117] : memref<100000x1024xf32, #tpu.memory_space<hbm>> -> memref<100000x1024xf32, #tpu.memory_space<hbm>>
    tpu.enqueue_indirect_dma source(%dma_start3A_118 : memref<100000x1024xf32, #tpu.memory_space<hbm>>) target(%dma_start3A_112 : memref<4x1024xf32, #tpu.memory_space<vmem>>) offsets(%dma_start3A_115 : memref<4xi32, #tpu.memory_space<vmem>>) semaphore(%arg9 : memref<!tpu.dma_semaphore, #tpu.memory_space<semaphore_mem>>)
    %dma_start3A_119 = arith.constant 2 : i32
    %dma_start3A_120 = arith.constant 2 : i32
    %dma_start3A_121 = arith.constant 1 : i32
    %dma_start3A_122 = arith.constant 0 : i32
    %dma_start3A_123 = arith.constant 0 : i32
    %dma_start3A_124 = tpu.memref_slice %arg8[%dma_start3A_120, %dma_start3A_121, %dma_start3A_122, %dma_start3A_123] : memref<4x4x4x1024xf32, #tpu.memory_space<vmem>> -> memref<1x1x4x1024xf32, #tpu.memory_space<vmem>>
    %dma_start3A_125 = tpu.memref_squeeze %dma_start3A_124 : memref<1x1x4x1024xf32, #tpu.memory_space<vmem>> -> memref<4x1024xf32, #tpu.memory_space<vmem>>
    %dma_start3A_126 = arith.constant 4 : i32
    %dma_start3A_127 = tpu.memref_slice %arg6[%dma_start3A_119, %dma_start3A_126] : memref<32x16xi32, #tpu.memory_space<vmem>> -> memref<1x4xi32, #tpu.memory_space<vmem>>
    %dma_start3A_128 = tpu.memref_squeeze %dma_start3A_127 : memref<1x4xi32, #tpu.memory_space<vmem>> -> memref<4xi32, #tpu.memory_space<vmem>>
    %dma_start3A_129 = arith.constant 0 : i32
    %dma_start3A_130 = arith.constant 0 : i32
    %dma_start3A_131 = tpu.memref_slice %arg3[%dma_start3A_129, %dma_start3A_130] : memref<100000x1024xf32, #tpu.memory_space<hbm>> -> memref<100000x1024xf32, #tpu.memory_space<hbm>>
    tpu.enqueue_indirect_dma source(%dma_start3A_131 : memref<100000x1024xf32, #tpu.memory_space<hbm>>) target(%dma_start3A_125 : memref<4x1024xf32, #tpu.memory_space<vmem>>) offsets(%dma_start3A_128 : memref<4xi32, #tpu.memory_space<vmem>>) semaphore(%arg9 : memref<!tpu.dma_semaphore, #tpu.memory_space<semaphore_mem>>)
    %dma_start3A_132 = arith.constant 2 : i32
    %dma_start3A_133 = arith.constant 2 : i32
    %dma_start3A_134 = arith.constant 2 : i32
    %dma_start3A_135 = arith.constant 0 : i32
    %dma_start3A_136 = arith.constant 0 : i32
    %dma_start3A_137 = tpu.memref_slice %arg8[%dma_start3A_133, %dma_start3A_134, %dma_start3A_135, %dma_start3A_136] : memref<4x4x4x1024xf32, #tpu.memory_space<vmem>> -> memref<1x1x4x1024xf32, #tpu.memory_space<vmem>>
    %dma_start3A_138 = tpu.memref_squeeze %dma_start3A_137 : memref<1x1x4x1024xf32, #tpu.memory_space<vmem>> -> memref<4x1024xf32, #tpu.memory_space<vmem>>
    %dma_start3A_139 = arith.constant 8 : i32
    %dma_start3A_140 = tpu.memref_slice %arg6[%dma_start3A_132, %dma_start3A_139] : memref<32x16xi32, #tpu.memory_space<vmem>> -> memref<1x4xi32, #tpu.memory_space<vmem>>
    %dma_start3A_141 = tpu.memref_squeeze %dma_start3A_140 : memref<1x4xi32, #tpu.memory_space<vmem>> -> memref<4xi32, #tpu.memory_space<vmem>>
    %dma_start3A_142 = arith.constant 0 : i32
    %dma_start3A_143 = arith.constant 0 : i32
    %dma_start3A_144 = tpu.memref_slice %arg3[%dma_start3A_142, %dma_start3A_143] : memref<100000x1024xf32, #tpu.memory_space<hbm>> -> memref<100000x1024xf32, #tpu.memory_space<hbm>>
    tpu.enqueue_indirect_dma source(%dma_start3A_144 : memref<100000x1024xf32, #tpu.memory_space<hbm>>) target(%dma_start3A_138 : memref<4x1024xf32, #tpu.memory_space<vmem>>) offsets(%dma_start3A_141 : memref<4xi32, #tpu.memory_space<vmem>>) semaphore(%arg9 : memref<!tpu.dma_semaphore, #tpu.memory_space<semaphore_mem>>)
    %dma_start3A_145 = arith.constant 2 : i32
    %dma_start3A_146 = arith.constant 2 : i32
    %dma_start3A_147 = arith.constant 3 : i32
    %dma_start3A_148 = arith.constant 0 : i32
    %dma_start3A_149 = arith.constant 0 : i32
    %dma_start3A_150 = tpu.memref_slice %arg8[%dma_start3A_146, %dma_start3A_147, %dma_start3A_148, %dma_start3A_149] : memref<4x4x4x1024xf32, #tpu.memory_space<vmem>> -> memref<1x1x4x1024xf32, #tpu.memory_space<vmem>>
    %dma_start3A_151 = tpu.memref_squeeze %dma_start3A_150 : memref<1x1x4x1024xf32, #tpu.memory_space<vmem>> -> memref<4x1024xf32, #tpu.memory_space<vmem>>
    %dma_start3A_152 = arith.constant 12 : i32
    %dma_start3A_153 = tpu.memref_slice %arg6[%dma_start3A_145, %dma_start3A_152] : memref<32x16xi32, #tpu.memory_space<vmem>> -> memref<1x4xi32, #tpu.memory_space<vmem>>
    %dma_start3A_154 = tpu.memref_squeeze %dma_start3A_153 : memref<1x4xi32, #tpu.memory_space<vmem>> -> memref<4xi32, #tpu.memory_space<vmem>>
    %dma_start3A_155 = arith.constant 0 : i32
    %dma_start3A_156 = arith.constant 0 : i32
    %dma_start3A_157 = tpu.memref_slice %arg3[%dma_start3A_155, %dma_start3A_156] : memref<100000x1024xf32, #tpu.memory_space<hbm>> -> memref<100000x1024xf32, #tpu.memory_space<hbm>>
    tpu.enqueue_indirect_dma source(%dma_start3A_157 : memref<100000x1024xf32, #tpu.memory_space<hbm>>) target(%dma_start3A_151 : memref<4x1024xf32, #tpu.memory_space<vmem>>) offsets(%dma_start3A_154 : memref<4xi32, #tpu.memory_space<vmem>>) semaphore(%arg9 : memref<!tpu.dma_semaphore, #tpu.memory_space<semaphore_mem>>)
    %add3A_158 = arith.constant 0 : i32
    %add3A_159 = arith.addi %mul3A_2, %add3A_158 : i32
    %dma_start3A_160 = arith.constant 0 : i32
    %dma_start3A_161 = arith.constant 0 : i32
    %dma_start3A_162 = arith.constant 0 : i32
    %dma_start3A_163 = tpu.memref_slice %arg7[%dma_start3A_160, %dma_start3A_161, %dma_start3A_162] : memref<2x4x1024xf32, #tpu.memory_space<vmem>> -> memref<1x4x1024xf32, #tpu.memory_space<vmem>>
    %dma_start3A_164 = tpu.memref_squeeze %dma_start3A_163 : memref<1x4x1024xf32, #tpu.memory_space<vmem>> -> memref<4x1024xf32, #tpu.memory_space<vmem>>
    %dma_start3A_165 = arith.constant 0 : i32
    %dma_start3A_166 = tpu.memref_slice %arg4[%add3A_159, %dma_start3A_165] : memref<4096x1024xf32, #tpu.memory_space<hbm>> -> memref<4x1024xf32, #tpu.memory_space<hbm>>
    %dma_start3A_167 = arith.constant 0 : i32
    %dma_start3A_168 = arith.constant 0 : i32
    %dma_start3A_169 = tpu.memref_slice %arg7[%dma_start3A_160, %dma_start3A_167, %dma_start3A_168] : memref<2x4x1024xf32, #tpu.memory_space<vmem>> -> memref<1x4x1024xf32, #tpu.memory_space<vmem>>
    %dma_start3A_170 = tpu.memref_squeeze %dma_start3A_169 : memref<1x4x1024xf32, #tpu.memory_space<vmem>> -> memref<4x1024xf32, #tpu.memory_space<vmem>>
    %dma_start3A_171 = arith.constant 0 : i32
    %dma_start3A_172 = tpu.memref_slice %arg4[%add3A_159, %dma_start3A_171] : memref<4096x1024xf32, #tpu.memory_space<hbm>> -> memref<4x1024xf32, #tpu.memory_space<hbm>>
    tpu.enqueue_dma source(%dma_start3A_172 : memref<4x1024xf32, #tpu.memory_space<hbm>>) target(%dma_start3A_170 : memref<4x1024xf32, #tpu.memory_space<vmem>>) target_semaphore(%arg10 : memref<!tpu.dma_semaphore, #tpu.memory_space<semaphore_mem>>)
    %add3A_173 = arith.constant 4 : i32
    %add3A_174 = arith.addi %mul3A_2, %add3A_173 : i32
    %dma_start3A_175 = arith.constant 1 : i32
    %dma_start3A_176 = arith.constant 0 : i32
    %dma_start3A_177 = arith.constant 0 : i32
    %dma_start3A_178 = tpu.memref_slice %arg7[%dma_start3A_175, %dma_start3A_176, %dma_start3A_177] : memref<2x4x1024xf32, #tpu.memory_space<vmem>> -> memref<1x4x1024xf32, #tpu.memory_space<vmem>>
    %dma_start3A_179 = tpu.memref_squeeze %dma_start3A_178 : memref<1x4x1024xf32, #tpu.memory_space<vmem>> -> memref<4x1024xf32, #tpu.memory_space<vmem>>
    %dma_start3A_180 = arith.constant 0 : i32
    %dma_start3A_181 = tpu.memref_slice %arg4[%add3A_174, %dma_start3A_180] : memref<4096x1024xf32, #tpu.memory_space<hbm>> -> memref<4x1024xf32, #tpu.memory_space<hbm>>
    %dma_start3A_182 = arith.constant 0 : i32
    %dma_start3A_183 = arith.constant 0 : i32
    %dma_start3A_184 = tpu.memref_slice %arg7[%dma_start3A_175, %dma_start3A_182, %dma_start3A_183] : memref<2x4x1024xf32, #tpu.memory_space<vmem>> -> memref<1x4x1024xf32, #tpu.memory_space<vmem>>
    %dma_start3A_185 = tpu.memref_squeeze %dma_start3A_184 : memref<1x4x1024xf32, #tpu.memory_space<vmem>> -> memref<4x1024xf32, #tpu.memory_space<vmem>>
    %dma_start3A_186 = arith.constant 0 : i32
    %dma_start3A_187 = tpu.memref_slice %arg4[%add3A_174, %dma_start3A_186] : memref<4096x1024xf32, #tpu.memory_space<hbm>> -> memref<4x1024xf32, #tpu.memory_space<hbm>>
    tpu.enqueue_dma source(%dma_start3A_187 : memref<4x1024xf32, #tpu.memory_space<hbm>>) target(%dma_start3A_185 : memref<4x1024xf32, #tpu.memory_space<vmem>>) target_semaphore(%arg10 : memref<!tpu.dma_semaphore, #tpu.memory_space<semaphore_mem>>)
    %scan3A = arith.constant 0 : i32
    %scan3A_188 = arith.constant 0 : i32
    %scan3A_189 = arith.constant 8 : i32
    %scan3A_190 = arith.addi %scan3A_188, %scan3A_189 : i32
    %scan3A_191 = arith.constant 1 : i32
    %scan3A_192 = scf.for %scan3A_265 = %scan3A_188 to %scan3A_190 step %scan3A_191 iter_args(%scan3A_266 = %scan3A) -> (i32)  : i32 {
      %mul3A_267 = arith.constant 4 : i32
      %mul3A_268 = arith.muli %scan3A_265, %mul3A_267 : i32
      %add3A_269 = arith.constant 0 : i32
      %add3A_270 = arith.addi %mul3A_268, %add3A_269 : i32
      %dma_wait3A_271 = arith.constant 0 : i32
      %dma_wait3A_272 = arith.constant 0 : i32
      %dma_wait3A_273 = arith.constant 0 : i32
      %dma_wait3A_274 = arith.constant 0 : i32
      %dma_wait3A_275 = tpu.memref_slice %arg8[%dma_wait3A_271, %dma_wait3A_272, %dma_wait3A_273, %dma_wait3A_274] : memref<4x4x4x1024xf32, #tpu.memory_space<vmem>> -> memref<1x1x4x1024xf32, #tpu.memory_space<vmem>>
      %dma_wait3A_276 = tpu.memref_squeeze %dma_wait3A_275 : memref<1x1x4x1024xf32, #tpu.memory_space<vmem>> -> memref<4x1024xf32, #tpu.memory_space<vmem>>
      %dma_wait3A_277 = arith.constant 0 : i32
      %dma_wait3A_278 = tpu.memref_slice %arg6[%add3A_270, %dma_wait3A_277] : memref<32x16xi32, #tpu.memory_space<vmem>> -> memref<1x4xi32, #tpu.memory_space<vmem>>
      %dma_wait3A_279 = tpu.memref_squeeze %dma_wait3A_278 : memref<1x4xi32, #tpu.memory_space<vmem>> -> memref<4xi32, #tpu.memory_space<vmem>>
      %dma_wait3A_280 = arith.constant 0 : i32
      %dma_wait3A_281 = arith.constant 0 : i32
      %dma_wait3A_282 = tpu.memref_slice %arg3[%dma_wait3A_280, %dma_wait3A_281] : memref<100000x1024xf32, #tpu.memory_space<hbm>> -> memref<100000x1024xf32, #tpu.memory_space<hbm>>
      tpu.wait_indirect_dma semaphore(%arg9 : memref<!tpu.dma_semaphore, #tpu.memory_space<semaphore_mem>>) src(%dma_wait3A_282 : memref<100000x1024xf32, #tpu.memory_space<hbm>>) dst(%dma_wait3A_276 : memref<4x1024xf32, #tpu.memory_space<vmem>>)
      %dma_wait3A_283 = arith.constant 0 : i32
      %dma_wait3A_284 = arith.constant 1 : i32
      %dma_wait3A_285 = arith.constant 0 : i32
      %dma_wait3A_286 = arith.constant 0 : i32
      %dma_wait3A_287 = tpu.memref_slice %arg8[%dma_wait3A_283, %dma_wait3A_284, %dma_wait3A_285, %dma_wait3A_286] : memref<4x4x4x1024xf32, #tpu.memory_space<vmem>> -> memref<1x1x4x1024xf32, #tpu.memory_space<vmem>>
      %dma_wait3A_288 = tpu.memref_squeeze %dma_wait3A_287 : memref<1x1x4x1024xf32, #tpu.memory_space<vmem>> -> memref<4x1024xf32, #tpu.memory_space<vmem>>
      %dma_wait3A_289 = arith.constant 4 : i32
      %dma_wait3A_290 = tpu.memref_slice %arg6[%add3A_270, %dma_wait3A_289] : memref<32x16xi32, #tpu.memory_space<vmem>> -> memref<1x4xi32, #tpu.memory_space<vmem>>
      %dma_wait3A_291 = tpu.memref_squeeze %dma_wait3A_290 : memref<1x4xi32, #tpu.memory_space<vmem>> -> memref<4xi32, #tpu.memory_space<vmem>>
      %dma_wait3A_292 = arith.constant 0 : i32
      %dma_wait3A_293 = arith.constant 0 : i32
      %dma_wait3A_294 = tpu.memref_slice %arg3[%dma_wait3A_292, %dma_wait3A_293] : memref<100000x1024xf32, #tpu.memory_space<hbm>> -> memref<100000x1024xf32, #tpu.memory_space<hbm>>
      tpu.wait_indirect_dma semaphore(%arg9 : memref<!tpu.dma_semaphore, #tpu.memory_space<semaphore_mem>>) src(%dma_wait3A_294 : memref<100000x1024xf32, #tpu.memory_space<hbm>>) dst(%dma_wait3A_288 : memref<4x1024xf32, #tpu.memory_space<vmem>>)
      %dma_wait3A_295 = arith.constant 0 : i32
      %dma_wait3A_296 = arith.constant 2 : i32
      %dma_wait3A_297 = arith.constant 0 : i32
      %dma_wait3A_298 = arith.constant 0 : i32
      %dma_wait3A_299 = tpu.memref_slice %arg8[%dma_wait3A_295, %dma_wait3A_296, %dma_wait3A_297, %dma_wait3A_298] : memref<4x4x4x1024xf32, #tpu.memory_space<vmem>> -> memref<1x1x4x1024xf32, #tpu.memory_space<vmem>>
      %dma_wait3A_300 = tpu.memref_squeeze %dma_wait3A_299 : memref<1x1x4x1024xf32, #tpu.memory_space<vmem>> -> memref<4x1024xf32, #tpu.memory_space<vmem>>
      %dma_wait3A_301 = arith.constant 8 : i32
      %dma_wait3A_302 = tpu.memref_slice %arg6[%add3A_270, %dma_wait3A_301] : memref<32x16xi32, #tpu.memory_space<vmem>> -> memref<1x4xi32, #tpu.memory_space<vmem>>
      %dma_wait3A_303 = tpu.memref_squeeze %dma_wait3A_302 : memref<1x4xi32, #tpu.memory_space<vmem>> -> memref<4xi32, #tpu.memory_space<vmem>>
      %dma_wait3A_304 = arith.constant 0 : i32
      %dma_wait3A_305 = arith.constant 0 : i32
      %dma_wait3A_306 = tpu.memref_slice %arg3[%dma_wait3A_304, %dma_wait3A_305] : memref<100000x1024xf32, #tpu.memory_space<hbm>> -> memref<100000x1024xf32, #tpu.memory_space<hbm>>
      tpu.wait_indirect_dma semaphore(%arg9 : memref<!tpu.dma_semaphore, #tpu.memory_space<semaphore_mem>>) src(%dma_wait3A_306 : memref<100000x1024xf32, #tpu.memory_space<hbm>>) dst(%dma_wait3A_300 : memref<4x1024xf32, #tpu.memory_space<vmem>>)
      %dma_wait3A_307 = arith.constant 0 : i32
      %dma_wait3A_308 = arith.constant 3 : i32
      %dma_wait3A_309 = arith.constant 0 : i32
      %dma_wait3A_310 = arith.constant 0 : i32
      %dma_wait3A_311 = tpu.memref_slice %arg8[%dma_wait3A_307, %dma_wait3A_308, %dma_wait3A_309, %dma_wait3A_310] : memref<4x4x4x1024xf32, #tpu.memory_space<vmem>> -> memref<1x1x4x1024xf32, #tpu.memory_space<vmem>>
      %dma_wait3A_312 = tpu.memref_squeeze %dma_wait3A_311 : memref<1x1x4x1024xf32, #tpu.memory_space<vmem>> -> memref<4x1024xf32, #tpu.memory_space<vmem>>
      %dma_wait3A_313 = arith.constant 12 : i32
      %dma_wait3A_314 = tpu.memref_slice %arg6[%add3A_270, %dma_wait3A_313] : memref<32x16xi32, #tpu.memory_space<vmem>> -> memref<1x4xi32, #tpu.memory_space<vmem>>
      %dma_wait3A_315 = tpu.memref_squeeze %dma_wait3A_314 : memref<1x4xi32, #tpu.memory_space<vmem>> -> memref<4xi32, #tpu.memory_space<vmem>>
      %dma_wait3A_316 = arith.constant 0 : i32
      %dma_wait3A_317 = arith.constant 0 : i32
      %dma_wait3A_318 = tpu.memref_slice %arg3[%dma_wait3A_316, %dma_wait3A_317] : memref<100000x1024xf32, #tpu.memory_space<hbm>> -> memref<100000x1024xf32, #tpu.memory_space<hbm>>
      tpu.wait_indirect_dma semaphore(%arg9 : memref<!tpu.dma_semaphore, #tpu.memory_space<semaphore_mem>>) src(%dma_wait3A_318 : memref<100000x1024xf32, #tpu.memory_space<hbm>>) dst(%dma_wait3A_312 : memref<4x1024xf32, #tpu.memory_space<vmem>>)
      %mul3A_319 = arith.constant 4 : i32
      %mul3A_320 = arith.muli %add3A_270, %mul3A_319 : i32
      %add3A_321 = arith.addi %mul3A_2, %mul3A_320 : i32
      %dma_wait3A_322 = arith.constant 0 : i32
      %dma_wait3A_323 = arith.constant 0 : i32
      %dma_wait3A_324 = arith.constant 0 : i32
      %dma_wait3A_325 = tpu.memref_slice %arg7[%dma_wait3A_322, %dma_wait3A_323, %dma_wait3A_324] : memref<2x4x1024xf32, #tpu.memory_space<vmem>> -> memref<1x4x1024xf32, #tpu.memory_space<vmem>>
      %dma_wait3A_326 = tpu.memref_squeeze %dma_wait3A_325 : memref<1x4x1024xf32, #tpu.memory_space<vmem>> -> memref<4x1024xf32, #tpu.memory_space<vmem>>
      %dma_wait3A_327 = arith.constant 0 : i32
      %dma_wait3A_328 = tpu.memref_slice %arg4[%add3A_321, %dma_wait3A_327] : memref<4096x1024xf32, #tpu.memory_space<hbm>> -> memref<4x1024xf32, #tpu.memory_space<hbm>>
      %dma_wait3A_329 = arith.constant 0 : i32
      %dma_wait3A_330 = arith.constant 0 : i32
      %dma_wait3A_331 = tpu.memref_slice %arg7[%dma_wait3A_322, %dma_wait3A_329, %dma_wait3A_330] : memref<2x4x1024xf32, #tpu.memory_space<vmem>> -> memref<1x4x1024xf32, #tpu.memory_space<vmem>>
      %dma_wait3A_332 = tpu.memref_squeeze %dma_wait3A_331 : memref<1x4x1024xf32, #tpu.memory_space<vmem>> -> memref<4x1024xf32, #tpu.memory_space<vmem>>
      %dma_wait3A_333 = arith.constant 0 : i32
      %dma_wait3A_334 = tpu.memref_slice %arg4[%add3A_321, %dma_wait3A_333] : memref<4096x1024xf32, #tpu.memory_space<hbm>> -> memref<4x1024xf32, #tpu.memory_space<hbm>>
      tpu.wait_dma2 semaphore(%arg10 : memref<!tpu.dma_semaphore, #tpu.memory_space<semaphore_mem>>) src(%dma_wait3A_334 : memref<4x1024xf32, #tpu.memory_space<hbm>>) dst(%dma_wait3A_332 : memref<4x1024xf32, #tpu.memory_space<vmem>>)
      %scan3A_335 = arith.constant 0 : i32
      %scan3A_336 = arith.constant 0 : i32
      %scan3A_337 = arith.constant 64 : i32
      %scan3A_338 = arith.addi %scan3A_336, %scan3A_337 : i32
      %scan3A_339 = arith.constant 1 : i32
      %scan3A_340 = scf.for %scan3A_1217 = %scan3A_336 to %scan3A_338 step %scan3A_339 iter_args(%scan3A_1218 = %scan3A_335) -> (i32)  : i32 {
        %mul3A_1219 = arith.constant 16 : i32
        %mul3A_1220 = arith.muli %scan3A_1217, %mul3A_1219 : i32
        %get3A = arith.constant 0 : i32
        %get3A_1221 = arith.constant 0 : i32
        %get3A_1222 = arith.index_cast %get3A : i32 to index
        %get3A_1223 = arith.index_cast %get3A_1221 : i32 to index
        %get3A_1224 = arith.index_cast %mul3A_1220 : i32 to index
        %get3A_1225 = tpu.vector_load %arg7[%get3A_1222, %get3A_1223, %get3A_1224] {strides = array<i32>} : memref<2x4x1024xf32, #tpu.memory_space<vmem>>, vector<1x1x16xf32>,
        %get3A_1226 = vector.shape_cast %get3A_1225 : vector<1x1x16xf32> to vector<16xf32>
        %get3A_1227 = arith.constant 0 : i32
        %get3A_1228 = arith.constant 0 : i32
        %get3A_1229 = arith.constant 0 : i32
        %get3A_1230 = arith.index_cast %get3A_1227 : i32 to index
        %get3A_1231 = arith.index_cast %get3A_1228 : i32 to index
        %get3A_1232 = arith.index_cast %get3A_1229 : i32 to index
        %get3A_1233 = arith.index_cast %mul3A_1220 : i32 to index
        %get3A_1234 = tpu.vector_load %arg8[%get3A_1230, %get3A_1231, %get3A_1232, %get3A_1233] {strides = array<i32>} : memref<4x4x4x1024xf32, #tpu.memory_space<vmem>>, vector<1x1x1x16xf32>,
        %get3A_1235 = vector.shape_cast %get3A_1234 : vector<1x1x1x16xf32> to vector<16xf32>
        %mul3A_1236 = arith.constant 3.200000e+01 : f32
        %mul3A_1237 = vector.broadcast %mul3A_1236 : f32 to vector<16xf32>
        %mul3A_1238 = arith.mulf %get3A_1235, %mul3A_1237 : vector<16xf32>
        %add3A_1239 = arith.addf %mul3A_1238, %get3A_1226 : vector<16xf32>
        %swap3A = arith.constant 0 : i32
        %swap3A_1240 = arith.constant 0 : i32
        %swap3A_1241 = arith.constant 0 : i32
        %swap3A_1242 = arith.index_cast %swap3A : i32 to index
        %swap3A_1243 = arith.index_cast %swap3A_1240 : i32 to index
        %swap3A_1244 = arith.index_cast %swap3A_1241 : i32 to index
        %swap3A_1245 = arith.index_cast %mul3A_1220 : i32 to index
        %swap3A_1246 = tpu.vector_load %arg8[%swap3A_1242, %swap3A_1243, %swap3A_1244, %swap3A_1245] {strides = array<i32>} : memref<4x4x4x1024xf32, #tpu.memory_space<vmem>>, vector<1x1x1x16xf32>,
        %swap3A_1247 = vector.shape_cast %swap3A_1246 : vector<1x1x1x16xf32> to vector<16xf32>
        %swap3A_1248 = vector.shape_cast %add3A_1239 : vector<16xf32> to vector<1x1x1x16xf32>
        tpu.vector_store %arg8[%swap3A_1242, %swap3A_1243, %swap3A_1244, %swap3A_1245], %swap3A_1248 {strides = array<i32>} : memref<4x4x4x1024xf32, #tpu.memory_space<vmem>>, vector<1x1x1x16xf32>,
        %get3A_1249 = arith.constant 0 : i32
        %get3A_1250 = arith.constant 1 : i32
        %get3A_1251 = arith.constant 0 : i32
        %get3A_1252 = arith.index_cast %get3A_1249 : i32 to index
        %get3A_1253 = arith.index_cast %get3A_1250 : i32 to index
        %get3A_1254 = arith.index_cast %get3A_1251 : i32 to index
        %get3A_1255 = arith.index_cast %mul3A_1220 : i32 to index
        %get3A_1256 = tpu.vector_load %arg8[%get3A_1252, %get3A_1253, %get3A_1254, %get3A_1255] {strides = array<i32>} : memref<4x4x4x1024xf32, #tpu.memory_space<vmem>>, vector<1x1x1x16xf32>,
        %get3A_1257 = vector.shape_cast %get3A_1256 : vector<1x1x1x16xf32> to vector<16xf32>
        %mul3A_1258 = arith.constant 3.200000e+01 : f32
        %mul3A_1259 = vector.broadcast %mul3A_1258 : f32 to vector<16xf32>
        %mul3A_1260 = arith.mulf %get3A_1257, %mul3A_1259 : vector<16xf32>
        %add3A_1261 = arith.addf %mul3A_1260, %get3A_1226 : vector<16xf32>
        %swap3A_1262 = arith.constant 0 : i32
        %swap3A_1263 = arith.constant 1 : i32
        %swap3A_1264 = arith.constant 0 : i32
        %swap3A_1265 = arith.index_cast %swap3A_1262 : i32 to index
        %swap3A_1266 = arith.index_cast %swap3A_1263 : i32 to index
        %swap3A_1267 = arith.index_cast %swap3A_1264 : i32 to index
        %swap3A_1268 = arith.index_cast %mul3A_1220 : i32 to index
        %swap3A_1269 = tpu.vector_load %arg8[%swap3A_1265, %swap3A_1266, %swap3A_1267, %swap3A_1268] {strides = array<i32>} : memref<4x4x4x1024xf32, #tpu.memory_space<vmem>>, vector<1x1x1x16xf32>,
        %swap3A_1270 = vector.shape_cast %swap3A_1269 : vector<1x1x1x16xf32> to vector<16xf32>
        %swap3A_1271 = vector.shape_cast %add3A_1261 : vector<16xf32> to vector<1x1x1x16xf32>
        tpu.vector_store %arg8[%swap3A_1265, %swap3A_1266, %swap3A_1267, %swap3A_1268], %swap3A_1271 {strides = array<i32>} : memref<4x4x4x1024xf32, #tpu.memory_space<vmem>>, vector<1x1x1x16xf32>,
        %get3A_1272 = arith.constant 0 : i32
        %get3A_1273 = arith.constant 2 : i32
        %get3A_1274 = arith.constant 0 : i32
        %get3A_1275 = arith.index_cast %get3A_1272 : i32 to index
        %get3A_1276 = arith.index_cast %get3A_1273 : i32 to index
        %get3A_1277 = arith.index_cast %get3A_1274 : i32 to index
        %get3A_1278 = arith.index_cast %mul3A_1220 : i32 to index
        %get3A_1279 = tpu.vector_load %arg8[%get3A_1275, %get3A_1276, %get3A_1277, %get3A_1278] {strides = array<i32>} : memref<4x4x4x1024xf32, #tpu.memory_space<vmem>>, vector<1x1x1x16xf32>,
        %get3A_1280 = vector.shape_cast %get3A_1279 : vector<1x1x1x16xf32> to vector<16xf32>
        %mul3A_1281 = arith.constant 3.200000e+01 : f32
        %mul3A_1282 = vector.broadcast %mul3A_1281 : f32 to vector<16xf32>
        %mul3A_1283 = arith.mulf %get3A_1280, %mul3A_1282 : vector<16xf32>
        %add3A_1284 = arith.addf %mul3A_1283, %get3A_1226 : vector<16xf32>
        %swap3A_1285 = arith.constant 0 : i32
        %swap3A_1286 = arith.constant 2 : i32
        %swap3A_1287 = arith.constant 0 : i32
        %swap3A_1288 = arith.index_cast %swap3A_1285 : i32 to index
        %swap3A_1289 = arith.index_cast %swap3A_1286 : i32 to index
        %swap3A_1290 = arith.index_cast %swap3A_1287 : i32 to index
        %swap3A_1291 = arith.index_cast %mul3A_1220 : i32 to index
        %swap3A_1292 = tpu.vector_load %arg8[%swap3A_1288, %swap3A_1289, %swap3A_1290, %swap3A_1291] {strides = array<i32>} : memref<4x4x4x1024xf32, #tpu.memory_space<vmem>>, vector<1x1x1x16xf32>,
        %swap3A_1293 = vector.shape_cast %swap3A_1292 : vector<1x1x1x16xf32> to vector<16xf32>
        %swap3A_1294 = vector.shape_cast %add3A_1284 : vector<16xf32> to vector<1x1x1x16xf32>
        tpu.vector_store %arg8[%swap3A_1288, %swap3A_1289, %swap3A_1290, %swap3A_1291], %swap3A_1294 {strides = array<i32>} : memref<4x4x4x1024xf32, #tpu.memory_space<vmem>>, vector<1x1x1x16xf32>,
        %get3A_1295 = arith.constant 0 : i32
        %get3A_1296 = arith.constant 3 : i32
        %get3A_1297 = arith.constant 0 : i32
        %get3A_1298 = arith.index_cast %get3A_1295 : i32 to index
        %get3A_1299 = arith.index_cast %get3A_1296 : i32 to index
        %get3A_1300 = arith.index_cast %get3A_1297 : i32 to index
        %get3A_1301 = arith.index_cast %mul3A_1220 : i32 to index
        %get3A_1302 = tpu.vector_load %arg8[%get3A_1298, %get3A_1299, %get3A_1300, %get3A_1301] {strides = array<i32>} : memref<4x4x4x1024xf32, #tpu.memory_space<vmem>>, vector<1x1x1x16xf32>,
        %get3A_1303 = vector.shape_cast %get3A_1302 : vector<1x1x1x16xf32> to vector<16xf32>
        %mul3A_1304 = arith.constant 3.200000e+01 : f32
        %mul3A_1305 = vector.broadcast %mul3A_1304 : f32 to vector<16xf32>
        %mul3A_1306 = arith.mulf %get3A_1303, %mul3A_1305 : vector<16xf32>
        %add3A_1307 = arith.addf %mul3A_1306, %get3A_1226 : vector<16xf32>
        %swap3A_1308 = arith.constant 0 : i32
        %swap3A_1309 = arith.constant 3 : i32
        %swap3A_1310 = arith.constant 0 : i32
        %swap3A_1311 = arith.index_cast %swap3A_1308 : i32 to index
        %swap3A_1312 = arith.index_cast %swap3A_1309 : i32 to index
        %swap3A_1313 = arith.index_cast %swap3A_1310 : i32 to index
        %swap3A_1314 = arith.index_cast %mul3A_1220 : i32 to index
        %swap3A_1315 = tpu.vector_load %arg8[%swap3A_1311, %swap3A_1312, %swap3A_1313, %swap3A_1314] {strides = array<i32>} : memref<4x4x4x1024xf32, #tpu.memory_space<vmem>>, vector<1x1x1x16xf32>,
        %swap3A_1316 = vector.shape_cast %swap3A_1315 : vector<1x1x1x16xf32> to vector<16xf32>
        %swap3A_1317 = vector.shape_cast %add3A_1307 : vector<16xf32> to vector<1x1x1x16xf32>
        tpu.vector_store %arg8[%swap3A_1311, %swap3A_1312, %swap3A_1313, %swap3A_1314], %swap3A_1317 {strides = array<i32>} : memref<4x4x4x1024xf32, #tpu.memory_space<vmem>>, vector<1x1x1x16xf32>,
        %get3A_1318 = arith.constant 0 : i32
        %get3A_1319 = arith.constant 1 : i32
        %get3A_1320 = arith.index_cast %get3A_1318 : i32 to index
        %get3A_1321 = arith.index_cast %get3A_1319 : i32 to index
        %get3A_1322 = arith.index_cast %mul3A_1220 : i32 to index
        %get3A_1323 = tpu.vector_load %arg7[%get3A_1320, %get3A_1321, %get3A_1322] {strides = array<i32>} : memref<2x4x1024xf32, #tpu.memory_space<vmem>>, vector<1x1x16xf32>,
        %get3A_1324 = vector.shape_cast %get3A_1323 : vector<1x1x16xf32> to vector<16xf32>
        %get3A_1325 = arith.constant 0 : i32
        %get3A_1326 = arith.constant 0 : i32
        %get3A_1327 = arith.constant 1 : i32
        %get3A_1328 = arith.index_cast %get3A_1325 : i32 to index
        %get3A_1329 = arith.index_cast %get3A_1326 : i32 to index
        %get3A_1330 = arith.index_cast %get3A_1327 : i32 to index
        %get3A_1331 = arith.index_cast %mul3A_1220 : i32 to index
        %get3A_1332 = tpu.vector_load %arg8[%get3A_1328, %get3A_1329, %get3A_1330, %get3A_1331] {strides = array<i32>} : memref<4x4x4x1024xf32, #tpu.memory_space<vmem>>, vector<1x1x1x16xf32>,
        %get3A_1333 = vector.shape_cast %get3A_1332 : vector<1x1x1x16xf32> to vector<16xf32>
        %mul3A_1334 = arith.constant 3.200000e+01 : f32
        %mul3A_1335 = vector.broadcast %mul3A_1334 : f32 to vector<16xf32>
        %mul3A_1336 = arith.mulf %get3A_1333, %mul3A_1335 : vector<16xf32>
        %add3A_1337 = arith.addf %mul3A_1336, %get3A_1324 : vector<16xf32>
        %swap3A_1338 = arith.constant 0 : i32
        %swap3A_1339 = arith.constant 0 : i32
        %swap3A_1340 = arith.constant 1 : i32
        %swap3A_1341 = arith.index_cast %swap3A_1338 : i32 to index
        %swap3A_1342 = arith.index_cast %swap3A_1339 : i32 to index
        %swap3A_1343 = arith.index_cast %swap3A_1340 : i32 to index
        %swap3A_1344 = arith.index_cast %mul3A_1220 : i32 to index
        %swap3A_1345 = tpu.vector_load %arg8[%swap3A_1341, %swap3A_1342, %swap3A_1343, %swap3A_1344] {strides = array<i32>} : memref<4x4x4x1024xf32, #tpu.memory_space<vmem>>, vector<1x1x1x16xf32>,
        %swap3A_1346 = vector.shape_cast %swap3A_1345 : vector<1x1x1x16xf32> to vector<16xf32>
        %swap3A_1347 = vector.shape_cast %add3A_1337 : vector<16xf32> to vector<1x1x1x16xf32>
        tpu.vector_store %arg8[%swap3A_1341, %swap3A_1342, %swap3A_1343, %swap3A_1344], %swap3A_1347 {strides = array<i32>} : memref<4x4x4x1024xf32, #tpu.memory_space<vmem>>, vector<1x1x1x16xf32>,
        %get3A_1348 = arith.constant 0 : i32
        %get3A_1349 = arith.constant 1 : i32
        %get3A_1350 = arith.constant 1 : i32
        %get3A_1351 = arith.index_cast %get3A_1348 : i32 to index
        %get3A_1352 = arith.index_cast %get3A_1349 : i32 to index
        %get3A_1353 = arith.index_cast %get3A_1350 : i32 to index
        %get3A_1354 = arith.index_cast %mul3A_1220 : i32 to index
        %get3A_1355 = tpu.vector_load %arg8[%get3A_1351, %get3A_1352, %get3A_1353, %get3A_1354] {strides = array<i32>} : memref<4x4x4x1024xf32, #tpu.memory_space<vmem>>, vector<1x1x1x16xf32>,
        %get3A_1356 = vector.shape_cast %get3A_1355 : vector<1x1x1x16xf32> to vector<16xf32>
        %mul3A_1357 = arith.constant 3.200000e+01 : f32
        %mul3A_1358 = vector.broadcast %mul3A_1357 : f32 to vector<16xf32>
        %mul3A_1359 = arith.mulf %get3A_1356, %mul3A_1358 : vector<16xf32>
        %add3A_1360 = arith.addf %mul3A_1359, %get3A_1324 : vector<16xf32>
        %swap3A_1361 = arith.constant 0 : i32
        %swap3A_1362 = arith.constant 1 : i32
        %swap3A_1363 = arith.constant 1 : i32
        %swap3A_1364 = arith.index_cast %swap3A_1361 : i32 to index
        %swap3A_1365 = arith.index_cast %swap3A_1362 : i32 to index
        %swap3A_1366 = arith.index_cast %swap3A_1363 : i32 to index
        %swap3A_1367 = arith.index_cast %mul3A_1220 : i32 to index
        %swap3A_1368 = tpu.vector_load %arg8[%swap3A_1364, %swap3A_1365, %swap3A_1366, %swap3A_1367] {strides = array<i32>} : memref<4x4x4x1024xf32, #tpu.memory_space<vmem>>, vector<1x1x1x16xf32>,
        %swap3A_1369 = vector.shape_cast %swap3A_1368 : vector<1x1x1x16xf32> to vector<16xf32>
        %swap3A_1370 = vector.shape_cast %add3A_1360 : vector<16xf32> to vector<1x1x1x16xf32>
        tpu.vector_store %arg8[%swap3A_1364, %swap3A_1365, %swap3A_1366, %swap3A_1367], %swap3A_1370 {strides = array<i32>} : memref<4x4x4x1024xf32, #tpu.memory_space<vmem>>, vector<1x1x1x16xf32>,
        %get3A_1371 = arith.constant 0 : i32
        %get3A_1372 = arith.constant 2 : i32
        %get3A_1373 = arith.constant 1 : i32
        %get3A_1374 = arith.index_cast %get3A_1371 : i32 to index
        %get3A_1375 = arith.index_cast %get3A_1372 : i32 to index
        %get3A_1376 = arith.index_cast %get3A_1373 : i32 to index
        %get3A_1377 = arith.index_cast %mul3A_1220 : i32 to index
        %get3A_1378 = tpu.vector_load %arg8[%get3A_1374, %get3A_1375, %get3A_1376, %get3A_1377] {strides = array<i32>} : memref<4x4x4x1024xf32, #tpu.memory_space<vmem>>, vector<1x1x1x16xf32>,
        %get3A_1379 = vector.shape_cast %get3A_1378 : vector<1x1x1x16xf32> to vector<16xf32>
        %mul3A_1380 = arith.constant 3.200000e+01 : f32
        %mul3A_1381 = vector.broadcast %mul3A_1380 : f32 to vector<16xf32>
        %mul3A_1382 = arith.mulf %get3A_1379, %mul3A_1381 : vector<16xf32>
        %add3A_1383 = arith.addf %mul3A_1382, %get3A_1324 : vector<16xf32>
        %swap3A_1384 = arith.constant 0 : i32
        %swap3A_1385 = arith.constant 2 : i32
        %swap3A_1386 = arith.constant 1 : i32
        %swap3A_1387 = arith.index_cast %swap3A_1384 : i32 to index
        %swap3A_1388 = arith.index_cast %swap3A_1385 : i32 to index
        %swap3A_1389 = arith.index_cast %swap3A_1386 : i32 to index
        %swap3A_1390 = arith.index_cast %mul3A_1220 : i32 to index
        %swap3A_1391 = tpu.vector_load %arg8[%swap3A_1387, %swap3A_1388, %swap3A_1389, %swap3A_1390] {strides = array<i32>} : memref<4x4x4x1024xf32, #tpu.memory_space<vmem>>, vector<1x1x1x16xf32>,
        %swap3A_1392 = vector.shape_cast %swap3A_1391 : vector<1x1x1x16xf32> to vector<16xf32>
        %swap3A_1393 = vector.shape_cast %add3A_1383 : vector<16xf32> to vector<1x1x1x16xf32>
        tpu.vector_store %arg8[%swap3A_1387, %swap3A_1388, %swap3A_1389, %swap3A_1390], %swap3A_1393 {strides = array<i32>} : memref<4x4x4x1024xf32, #tpu.memory_space<vmem>>, vector<1x1x1x16xf32>,
        %get3A_1394 = arith.constant 0 : i32
        %get3A_1395 = arith.constant 3 : i32
        %get3A_1396 = arith.constant 1 : i32
        %get3A_1397 = arith.index_cast %get3A_1394 : i32 to index
        %get3A_1398 = arith.index_cast %get3A_1395 : i32 to index
        %get3A_1399 = arith.index_cast %get3A_1396 : i32 to index
        %get3A_1400 = arith.index_cast %mul3A_1220 : i32 to index
        %get3A_1401 = tpu.vector_load %arg8[%get3A_1397, %get3A_1398, %get3A_1399, %get3A_1400] {strides = array<i32>} : memref<4x4x4x1024xf32, #tpu.memory_space<vmem>>, vector<1x1x1x16xf32>,
        %get3A_1402 = vector.shape_cast %get3A_1401 : vector<1x1x1x16xf32> to vector<16xf32>
        %mul3A_1403 = arith.constant 3.200000e+01 : f32
        %mul3A_1404 = vector.broadcast %mul3A_1403 : f32 to vector<16xf32>
        %mul3A_1405 = arith.mulf %get3A_1402, %mul3A_1404 : vector<16xf32>
        %add3A_1406 = arith.addf %mul3A_1405, %get3A_1324 : vector<16xf32>
        %swap3A_1407 = arith.constant 0 : i32
        %swap3A_1408 = arith.constant 3 : i32
        %swap3A_1409 = arith.constant 1 : i32
        %swap3A_1410 = arith.index_cast %swap3A_1407 : i32 to index
        %swap3A_1411 = arith.index_cast %swap3A_1408 : i32 to index
        %swap3A_1412 = arith.index_cast %swap3A_1409 : i32 to index
        %swap3A_1413 = arith.index_cast %mul3A_1220 : i32 to index
        %swap3A_1414 = tpu.vector_load %arg8[%swap3A_1410, %swap3A_1411, %swap3A_1412, %swap3A_1413] {strides = array<i32>} : memref<4x4x4x1024xf32, #tpu.memory_space<vmem>>, vector<1x1x1x16xf32>,
        %swap3A_1415 = vector.shape_cast %swap3A_1414 : vector<1x1x1x16xf32> to vector<16xf32>
        %swap3A_1416 = vector.shape_cast %add3A_1406 : vector<16xf32> to vector<1x1x1x16xf32>
        tpu.vector_store %arg8[%swap3A_1410, %swap3A_1411, %swap3A_1412, %swap3A_1413], %swap3A_1416 {strides = array<i32>} : memref<4x4x4x1024xf32, #tpu.memory_space<vmem>>, vector<1x1x1x16xf32>,
        %get3A_1417 = arith.constant 0 : i32
        %get3A_1418 = arith.constant 2 : i32
        %get3A_1419 = arith.index_cast %get3A_1417 : i32 to index
        %get3A_1420 = arith.index_cast %get3A_1418 : i32 to index
        %get3A_1421 = arith.index_cast %mul3A_1220 : i32 to index
        %get3A_1422 = tpu.vector_load %arg7[%get3A_1419, %get3A_1420, %get3A_1421] {strides = array<i32>} : memref<2x4x1024xf32, #tpu.memory_space<vmem>>, vector<1x1x16xf32>,
        %get3A_1423 = vector.shape_cast %get3A_1422 : vector<1x1x16xf32> to vector<16xf32>
        %get3A_1424 = arith.constant 0 : i32
        %get3A_1425 = arith.constant 0 : i32
        %get3A_1426 = arith.constant 2 : i32
        %get3A_1427 = arith.index_cast %get3A_1424 : i32 to index
        %get3A_1428 = arith.index_cast %get3A_1425 : i32 to index
        %get3A_1429 = arith.index_cast %get3A_1426 : i32 to index
        %get3A_1430 = arith.index_cast %mul3A_1220 : i32 to index
        %get3A_1431 = tpu.vector_load %arg8[%get3A_1427, %get3A_1428, %get3A_1429, %get3A_1430] {strides = array<i32>} : memref<4x4x4x1024xf32, #tpu.memory_space<vmem>>, vector<1x1x1x16xf32>,
        %get3A_1432 = vector.shape_cast %get3A_1431 : vector<1x1x1x16xf32> to vector<16xf32>
        %mul3A_1433 = arith.constant 3.200000e+01 : f32
        %mul3A_1434 = vector.broadcast %mul3A_1433 : f32 to vector<16xf32>
        %mul3A_1435 = arith.mulf %get3A_1432, %mul3A_1434 : vector<16xf32>
        %add3A_1436 = arith.addf %mul3A_1435, %get3A_1423 : vector<16xf32>
        %swap3A_1437 = arith.constant 0 : i32
        %swap3A_1438 = arith.constant 0 : i32
        %swap3A_1439 = arith.constant 2 : i32
        %swap3A_1440 = arith.index_cast %swap3A_1437 : i32 to index
        %swap3A_1441 = arith.index_cast %swap3A_1438 : i32 to index
        %swap3A_1442 = arith.index_cast %swap3A_1439 : i32 to index
        %swap3A_1443 = arith.index_cast %mul3A_1220 : i32 to index
        %swap3A_1444 = tpu.vector_load %arg8[%swap3A_1440, %swap3A_1441, %swap3A_1442, %swap3A_1443] {strides = array<i32>} : memref<4x4x4x1024xf32, #tpu.memory_space<vmem>>, vector<1x1x1x16xf32>,
        %swap3A_1445 = vector.shape_cast %swap3A_1444 : vector<1x1x1x16xf32> to vector<16xf32>
        %swap3A_1446 = vector.shape_cast %add3A_1436 : vector<16xf32> to vector<1x1x1x16xf32>
        tpu.vector_store %arg8[%swap3A_1440, %swap3A_1441, %swap3A_1442, %swap3A_1443], %swap3A_1446 {strides = array<i32>} : memref<4x4x4x1024xf32, #tpu.memory_space<vmem>>, vector<1x1x1x16xf32>,
        %get3A_1447 = arith.constant 0 : i32
        %get3A_1448 = arith.constant 1 : i32
        %get3A_1449 = arith.constant 2 : i32
        %get3A_1450 = arith.index_cast %get3A_1447 : i32 to index
        %get3A_1451 = arith.index_cast %get3A_1448 : i32 to index
        %get3A_1452 = arith.index_cast %get3A_1449 : i32 to index
        %get3A_1453 = arith.index_cast %mul3A_1220 : i32 to index
        %get3A_1454 = tpu.vector_load %arg8[%get3A_1450, %get3A_1451, %get3A_1452, %get3A_1453] {strides = array<i32>} : memref<4x4x4x1024xf32, #tpu.memory_space<vmem>>, vector<1x1x1x16xf32>,
        %get3A_1455 = vector.shape_cast %get3A_1454 : vector<1x1x1x16xf32> to vector<16xf32>
        %mul3A_1456 = arith.constant 3.200000e+01 : f32
        %mul3A_1457 = vector.broadcast %mul3A_1456 : f32 to vector<16xf32>
        %mul3A_1458 = arith.mulf %get3A_1455, %mul3A_1457 : vector<16xf32>
        %add3A_1459 = arith.addf %mul3A_1458, %get3A_1423 : vector<16xf32>
        %swap3A_1460 = arith.constant 0 : i32
        %swap3A_1461 = arith.constant 1 : i32
        %swap3A_1462 = arith.constant 2 : i32
        %swap3A_1463 = arith.index_cast %swap3A_1460 : i32 to index
        %swap3A_1464 = arith.index_cast %swap3A_1461 : i32 to index
        %swap3A_1465 = arith.index_cast %swap3A_1462 : i32 to index
        %swap3A_1466 = arith.index_cast %mul3A_1220 : i32 to index
        %swap3A_1467 = tpu.vector_load %arg8[%swap3A_1463, %swap3A_1464, %swap3A_1465, %swap3A_1466] {strides = array<i32>} : memref<4x4x4x1024xf32, #tpu.memory_space<vmem>>, vector<1x1x1x16xf32>,
        %swap3A_1468 = vector.shape_cast %swap3A_1467 : vector<1x1x1x16xf32> to vector<16xf32>
        %swap3A_1469 = vector.shape_cast %add3A_1459 : vector<16xf32> to vector<1x1x1x16xf32>
        tpu.vector_store %arg8[%swap3A_1463, %swap3A_1464, %swap3A_1465, %swap3A_1466], %swap3A_1469 {strides = array<i32>} : memref<4x4x4x1024xf32, #tpu.memory_space<vmem>>, vector<1x1x1x16xf32>,
        %get3A_1470 = arith.constant 0 : i32
        %get3A_1471 = arith.constant 2 : i32
        %get3A_1472 = arith.constant 2 : i32
        %get3A_1473 = arith.index_cast %get3A_1470 : i32 to index
        %get3A_1474 = arith.index_cast %get3A_1471 : i32 to index
        %get3A_1475 = arith.index_cast %get3A_1472 : i32 to index
        %get3A_1476 = arith.index_cast %mul3A_1220 : i32 to index
        %get3A_1477 = tpu.vector_load %arg8[%get3A_1473, %get3A_1474, %get3A_1475, %get3A_1476] {strides = array<i32>} : memref<4x4x4x1024xf32, #tpu.memory_space<vmem>>, vector<1x1x1x16xf32>,
        %get3A_1478 = vector.shape_cast %get3A_1477 : vector<1x1x1x16xf32> to vector<16xf32>
        %mul3A_1479 = arith.constant 3.200000e+01 : f32
        %mul3A_1480 = vector.broadcast %mul3A_1479 : f32 to vector<16xf32>
        %mul3A_1481 = arith.mulf %get3A_1478, %mul3A_1480 : vector<16xf32>
        %add3A_1482 = arith.addf %mul3A_1481, %get3A_1423 : vector<16xf32>
        %swap3A_1483 = arith.constant 0 : i32
        %swap3A_1484 = arith.constant 2 : i32
        %swap3A_1485 = arith.constant 2 : i32
        %swap3A_1486 = arith.index_cast %swap3A_1483 : i32 to index
        %swap3A_1487 = arith.index_cast %swap3A_1484 : i32 to index
        %swap3A_1488 = arith.index_cast %swap3A_1485 : i32 to index
        %swap3A_1489 = arith.index_cast %mul3A_1220 : i32 to index
        %swap3A_1490 = tpu.vector_load %arg8[%swap3A_1486, %swap3A_1487, %swap3A_1488, %swap3A_1489] {strides = array<i32>} : memref<4x4x4x1024xf32, #tpu.memory_space<vmem>>, vector<1x1x1x16xf32>,
        %swap3A_1491 = vector.shape_cast %swap3A_1490 : vector<1x1x1x16xf32> to vector<16xf32>
        %swap3A_1492 = vector.shape_cast %add3A_1482 : vector<16xf32> to vector<1x1x1x16xf32>
        tpu.vector_store %arg8[%swap3A_1486, %swap3A_1487, %swap3A_1488, %swap3A_1489], %swap3A_1492 {strides = array<i32>} : memref<4x4x4x1024xf32, #tpu.memory_space<vmem>>, vector<1x1x1x16xf32>,
        %get3A_1493 = arith.constant 0 : i32
        %get3A_1494 = arith.constant 3 : i32
        %get3A_1495 = arith.constant 2 : i32
        %get3A_1496 = arith.index_cast %get3A_1493 : i32 to index
        %get3A_1497 = arith.index_cast %get3A_1494 : i32 to index
        %get3A_1498 = arith.index_cast %get3A_1495 : i32 to index
        %get3A_1499 = arith.index_cast %mul3A_1220 : i32 to index
        %get3A_1500 = tpu.vector_load %arg8[%get3A_1496, %get3A_1497, %get3A_1498, %get3A_1499] {strides = array<i32>} : memref<4x4x4x1024xf32, #tpu.memory_space<vmem>>, vector<1x1x1x16xf32>,
        %get3A_1501 = vector.shape_cast %get3A_1500 : vector<1x1x1x16xf32> to vector<16xf32>
        %mul3A_1502 = arith.constant 3.200000e+01 : f32
        %mul3A_1503 = vector.broadcast %mul3A_1502 : f32 to vector<16xf32>
        %mul3A_1504 = arith.mulf %get3A_1501, %mul3A_1503 : vector<16xf32>
        %add3A_1505 = arith.addf %mul3A_1504, %get3A_1423 : vector<16xf32>
        %swap3A_1506 = arith.constant 0 : i32
        %swap3A_1507 = arith.constant 3 : i32
        %swap3A_1508 = arith.constant 2 : i32
        %swap3A_1509 = arith.index_cast %swap3A_1506 : i32 to index
        %swap3A_1510 = arith.index_cast %swap3A_1507 : i32 to index
        %swap3A_1511 = arith.index_cast %swap3A_1508 : i32 to index
        %swap3A_1512 = arith.index_cast %mul3A_1220 : i32 to index
        %swap3A_1513 = tpu.vector_load %arg8[%swap3A_1509, %swap3A_1510, %swap3A_1511, %swap3A_1512] {strides = array<i32>} : memref<4x4x4x1024xf32, #tpu.memory_space<vmem>>, vector<1x1x1x16xf32>,
        %swap3A_1514 = vector.shape_cast %swap3A_1513 : vector<1x1x1x16xf32> to vector<16xf32>
        %swap3A_1515 = vector.shape_cast %add3A_1505 : vector<16xf32> to vector<1x1x1x16xf32>
        tpu.vector_store %arg8[%swap3A_1509, %swap3A_1510, %swap3A_1511, %swap3A_1512], %swap3A_1515 {strides = array<i32>} : memref<4x4x4x1024xf32, #tpu.memory_space<vmem>>, vector<1x1x1x16xf32>,
        %get3A_1516 = arith.constant 0 : i32
        %get3A_1517 = arith.constant 3 : i32
        %get3A_1518 = arith.index_cast %get3A_1516 : i32 to index
        %get3A_1519 = arith.index_cast %get3A_1517 : i32 to index
        %get3A_1520 = arith.index_cast %mul3A_1220 : i32 to index
        %get3A_1521 = tpu.vector_load %arg7[%get3A_1518, %get3A_1519, %get3A_1520] {strides = array<i32>} : memref<2x4x1024xf32, #tpu.memory_space<vmem>>, vector<1x1x16xf32>,
        %get3A_1522 = vector.shape_cast %get3A_1521 : vector<1x1x16xf32> to vector<16xf32>
        %get3A_1523 = arith.constant 0 : i32
        %get3A_1524 = arith.constant 0 : i32
        %get3A_1525 = arith.constant 3 : i32
        %get3A_1526 = arith.index_cast %get3A_1523 : i32 to index
        %get3A_1527 = arith.index_cast %get3A_1524 : i32 to index
        %get3A_1528 = arith.index_cast %get3A_1525 : i32 to index
        %get3A_1529 = arith.index_cast %mul3A_1220 : i32 to index
        %get3A_1530 = tpu.vector_load %arg8[%get3A_1526, %get3A_1527, %get3A_1528, %get3A_1529] {strides = array<i32>} : memref<4x4x4x1024xf32, #tpu.memory_space<vmem>>, vector<1x1x1x16xf32>,
        %get3A_1531 = vector.shape_cast %get3A_1530 : vector<1x1x1x16xf32> to vector<16xf32>
        %mul3A_1532 = arith.constant 3.200000e+01 : f32
        %mul3A_1533 = vector.broadcast %mul3A_1532 : f32 to vector<16xf32>
        %mul3A_1534 = arith.mulf %get3A_1531, %mul3A_1533 : vector<16xf32>
        %add3A_1535 = arith.addf %mul3A_1534, %get3A_1522 : vector<16xf32>
        %swap3A_1536 = arith.constant 0 : i32
        %swap3A_1537 = arith.constant 0 : i32
        %swap3A_1538 = arith.constant 3 : i32
        %swap3A_1539 = arith.index_cast %swap3A_1536 : i32 to index
        %swap3A_1540 = arith.index_cast %swap3A_1537 : i32 to index
        %swap3A_1541 = arith.index_cast %swap3A_1538 : i32 to index
        %swap3A_1542 = arith.index_cast %mul3A_1220 : i32 to index
        %swap3A_1543 = tpu.vector_load %arg8[%swap3A_1539, %swap3A_1540, %swap3A_1541, %swap3A_1542] {strides = array<i32>} : memref<4x4x4x1024xf32, #tpu.memory_space<vmem>>, vector<1x1x1x16xf32>,
        %swap3A_1544 = vector.shape_cast %swap3A_1543 : vector<1x1x1x16xf32> to vector<16xf32>
        %swap3A_1545 = vector.shape_cast %add3A_1535 : vector<16xf32> to vector<1x1x1x16xf32>
        tpu.vector_store %arg8[%swap3A_1539, %swap3A_1540, %swap3A_1541, %swap3A_1542], %swap3A_1545 {strides = array<i32>} : memref<4x4x4x1024xf32, #tpu.memory_space<vmem>>, vector<1x1x1x16xf32>,
        %get3A_1546 = arith.constant 0 : i32
        %get3A_1547 = arith.constant 1 : i32
        %get3A_1548 = arith.constant 3 : i32
        %get3A_1549 = arith.index_cast %get3A_1546 : i32 to index
        %get3A_1550 = arith.index_cast %get3A_1547 : i32 to index
        %get3A_1551 = arith.index_cast %get3A_1548 : i32 to index
        %get3A_1552 = arith.index_cast %mul3A_1220 : i32 to index
        %get3A_1553 = tpu.vector_load %arg8[%get3A_1549, %get3A_1550, %get3A_1551, %get3A_1552] {strides = array<i32>} : memref<4x4x4x1024xf32, #tpu.memory_space<vmem>>, vector<1x1x1x16xf32>,
        %get3A_1554 = vector.shape_cast %get3A_1553 : vector<1x1x1x16xf32> to vector<16xf32>
        %mul3A_1555 = arith.constant 3.200000e+01 : f32
        %mul3A_1556 = vector.broadcast %mul3A_1555 : f32 to vector<16xf32>
        %mul3A_1557 = arith.mulf %get3A_1554, %mul3A_1556 : vector<16xf32>
        %add3A_1558 = arith.addf %mul3A_1557, %get3A_1522 : vector<16xf32>
        %swap3A_1559 = arith.constant 0 : i32
        %swap3A_1560 = arith.constant 1 : i32
        %swap3A_1561 = arith.constant 3 : i32
        %swap3A_1562 = arith.index_cast %swap3A_1559 : i32 to index
        %swap3A_1563 = arith.index_cast %swap3A_1560 : i32 to index
        %swap3A_1564 = arith.index_cast %swap3A_1561 : i32 to index
        %swap3A_1565 = arith.index_cast %mul3A_1220 : i32 to index
        %swap3A_1566 = tpu.vector_load %arg8[%swap3A_1562, %swap3A_1563, %swap3A_1564, %swap3A_1565] {strides = array<i32>} : memref<4x4x4x1024xf32, #tpu.memory_space<vmem>>, vector<1x1x1x16xf32>,
        %swap3A_1567 = vector.shape_cast %swap3A_1566 : vector<1x1x1x16xf32> to vector<16xf32>
        %swap3A_1568 = vector.shape_cast %add3A_1558 : vector<16xf32> to vector<1x1x1x16xf32>
        tpu.vector_store %arg8[%swap3A_1562, %swap3A_1563, %swap3A_1564, %swap3A_1565], %swap3A_1568 {strides = array<i32>} : memref<4x4x4x1024xf32, #tpu.memory_space<vmem>>, vector<1x1x1x16xf32>,
        %get3A_1569 = arith.constant 0 : i32
        %get3A_1570 = arith.constant 2 : i32
        %get3A_1571 = arith.constant 3 : i32
        %get3A_1572 = arith.index_cast %get3A_1569 : i32 to index
        %get3A_1573 = arith.index_cast %get3A_1570 : i32 to index
        %get3A_1574 = arith.index_cast %get3A_1571 : i32 to index
        %get3A_1575 = arith.index_cast %mul3A_1220 : i32 to index
        %get3A_1576 = tpu.vector_load %arg8[%get3A_1572, %get3A_1573, %get3A_1574, %get3A_1575] {strides = array<i32>} : memref<4x4x4x1024xf32, #tpu.memory_space<vmem>>, vector<1x1x1x16xf32>,
        %get3A_1577 = vector.shape_cast %get3A_1576 : vector<1x1x1x16xf32> to vector<16xf32>
        %mul3A_1578 = arith.constant 3.200000e+01 : f32
        %mul3A_1579 = vector.broadcast %mul3A_1578 : f32 to vector<16xf32>
        %mul3A_1580 = arith.mulf %get3A_1577, %mul3A_1579 : vector<16xf32>
        %add3A_1581 = arith.addf %mul3A_1580, %get3A_1522 : vector<16xf32>
        %swap3A_1582 = arith.constant 0 : i32
        %swap3A_1583 = arith.constant 2 : i32
        %swap3A_1584 = arith.constant 3 : i32
        %swap3A_1585 = arith.index_cast %swap3A_1582 : i32 to index
        %swap3A_1586 = arith.index_cast %swap3A_1583 : i32 to index
        %swap3A_1587 = arith.index_cast %swap3A_1584 : i32 to index
        %swap3A_1588 = arith.index_cast %mul3A_1220 : i32 to index
        %swap3A_1589 = tpu.vector_load %arg8[%swap3A_1585, %swap3A_1586, %swap3A_1587, %swap3A_1588] {strides = array<i32>} : memref<4x4x4x1024xf32, #tpu.memory_space<vmem>>, vector<1x1x1x16xf32>,
        %swap3A_1590 = vector.shape_cast %swap3A_1589 : vector<1x1x1x16xf32> to vector<16xf32>
        %swap3A_1591 = vector.shape_cast %add3A_1581 : vector<16xf32> to vector<1x1x1x16xf32>
        tpu.vector_store %arg8[%swap3A_1585, %swap3A_1586, %swap3A_1587, %swap3A_1588], %swap3A_1591 {strides = array<i32>} : memref<4x4x4x1024xf32, #tpu.memory_space<vmem>>, vector<1x1x1x16xf32>,
        %get3A_1592 = arith.constant 0 : i32
        %get3A_1593 = arith.constant 3 : i32
        %get3A_1594 = arith.constant 3 : i32
        %get3A_1595 = arith.index_cast %get3A_1592 : i32 to index
        %get3A_1596 = arith.index_cast %get3A_1593 : i32 to index
        %get3A_1597 = arith.index_cast %get3A_1594 : i32 to index
        %get3A_1598 = arith.index_cast %mul3A_1220 : i32 to index
        %get3A_1599 = tpu.vector_load %arg8[%get3A_1595, %get3A_1596, %get3A_1597, %get3A_1598] {strides = array<i32>} : memref<4x4x4x1024xf32, #tpu.memory_space<vmem>>, vector<1x1x1x16xf32>,
        %get3A_1600 = vector.shape_cast %get3A_1599 : vector<1x1x1x16xf32> to vector<16xf32>
        %mul3A_1601 = arith.constant 3.200000e+01 : f32
        %mul3A_1602 = vector.broadcast %mul3A_1601 : f32 to vector<16xf32>
        %mul3A_1603 = arith.mulf %get3A_1600, %mul3A_1602 : vector<16xf32>
        %add3A_1604 = arith.addf %mul3A_1603, %get3A_1522 : vector<16xf32>
        %swap3A_1605 = arith.constant 0 : i32
        %swap3A_1606 = arith.constant 3 : i32
        %swap3A_1607 = arith.constant 3 : i32
        %swap3A_1608 = arith.index_cast %swap3A_1605 : i32 to index
        %swap3A_1609 = arith.index_cast %swap3A_1606 : i32 to index
        %swap3A_1610 = arith.index_cast %swap3A_1607 : i32 to index
        %swap3A_1611 = arith.index_cast %mul3A_1220 : i32 to index
        %swap3A_1612 = tpu.vector_load %arg8[%swap3A_1608, %swap3A_1609, %swap3A_1610, %swap3A_1611] {strides = array<i32>} : memref<4x4x4x1024xf32, #tpu.memory_space<vmem>>, vector<1x1x1x16xf32>,
        %swap3A_1613 = vector.shape_cast %swap3A_1612 : vector<1x1x1x16xf32> to vector<16xf32>
        %swap3A_1614 = vector.shape_cast %add3A_1604 : vector<16xf32> to vector<1x1x1x16xf32>
        tpu.vector_store %arg8[%swap3A_1608, %swap3A_1609, %swap3A_1610, %swap3A_1611], %swap3A_1614 {strides = array<i32>} : memref<4x4x4x1024xf32, #tpu.memory_space<vmem>>, vector<1x1x1x16xf32>,
        %scan3A_1615 = arith.constant 0 : i32
        scf.yield %scan3A_1615 : i32
      }
      %scan3A_341 = arith.constant 64 : i32
      %add3A_342 = arith.constant 0 : i32
      %add3A_343 = arith.addi %add3A_342, %mul3A_2 : i32
      %mul3A_344 = arith.constant 4 : i32
      %mul3A_345 = arith.muli %add3A_270, %mul3A_344 : i32
      %add3A_346 = arith.addi %add3A_343, %mul3A_345 : i32
      %add3A_347 = arith.constant 4096 : i32
      %add3A_348 = arith.addi %add3A_347, %mul3A_2 : i32
      %mul3A_349 = arith.constant 4 : i32
      %mul3A_350 = arith.muli %add3A_270, %mul3A_349 : i32
      %add3A_351 = arith.addi %add3A_348, %mul3A_350 : i32
      %add3A_352 = arith.constant 8192 : i32
      %add3A_353 = arith.addi %add3A_352, %mul3A_2 : i32
      %mul3A_354 = arith.constant 4 : i32
      %mul3A_355 = arith.muli %add3A_270, %mul3A_354 : i32
      %add3A_356 = arith.addi %add3A_353, %mul3A_355 : i32
      %add3A_357 = arith.constant 12288 : i32
      %add3A_358 = arith.addi %add3A_357, %mul3A_2 : i32
      %mul3A_359 = arith.constant 4 : i32
      %mul3A_360 = arith.muli %add3A_270, %mul3A_359 : i32
      %add3A_361 = arith.addi %add3A_358, %mul3A_360 : i32
      %dma_start3A_362 = arith.constant 0 : i32
      %dma_start3A_363 = arith.constant 0 : i32
      %dma_start3A_364 = arith.constant 0 : i32
      %dma_start3A_365 = arith.constant 0 : i32
      %dma_start3A_366 = tpu.memref_slice %arg8[%dma_start3A_362, %dma_start3A_363, %dma_start3A_364, %dma_start3A_365] : memref<4x4x4x1024xf32, #tpu.memory_space<vmem>> -> memref<1x1x4x1024xf32, #tpu.memory_space<vmem>>
      %dma_start3A_367 = tpu.memref_squeeze %dma_start3A_366 : memref<1x1x4x1024xf32, #tpu.memory_space<vmem>> -> memref<4x1024xf32, #tpu.memory_space<vmem>>
      %dma_start3A_368 = arith.constant 0 : i32
      %dma_start3A_369 = tpu.memref_slice %arg5[%add3A_346, %dma_start3A_368] : memref<16384x1024xf32, #tpu.memory_space<hbm>> -> memref<4x1024xf32, #tpu.memory_space<hbm>>
      %dma_start3A_370 = arith.constant 0 : i32
      %dma_start3A_371 = tpu.memref_slice %arg5[%add3A_346, %dma_start3A_370] : memref<16384x1024xf32, #tpu.memory_space<hbm>> -> memref<4x1024xf32, #tpu.memory_space<hbm>>
      %dma_start3A_372 = arith.constant 0 : i32
      %dma_start3A_373 = arith.constant 0 : i32
      %dma_start3A_374 = tpu.memref_slice %arg8[%dma_start3A_362, %dma_start3A_363, %dma_start3A_372, %dma_start3A_373] : memref<4x4x4x1024xf32, #tpu.memory_space<vmem>> -> memref<1x1x4x1024xf32, #tpu.memory_space<vmem>>
      %dma_start3A_375 = tpu.memref_squeeze %dma_start3A_374 : memref<1x1x4x1024xf32, #tpu.memory_space<vmem>> -> memref<4x1024xf32, #tpu.memory_space<vmem>>
      tpu.enqueue_dma source(%dma_start3A_375 : memref<4x1024xf32, #tpu.memory_space<vmem>>) target(%dma_start3A_371 : memref<4x1024xf32, #tpu.memory_space<hbm>>) target_semaphore(%arg11 : memref<!tpu.dma_semaphore, #tpu.memory_space<semaphore_mem>>)
      %dma_start3A_376 = arith.constant 0 : i32
      %dma_start3A_377 = arith.constant 1 : i32
      %dma_start3A_378 = arith.constant 0 : i32
      %dma_start3A_379 = arith.constant 0 : i32
      %dma_start3A_380 = tpu.memref_slice %arg8[%dma_start3A_376, %dma_start3A_377, %dma_start3A_378, %dma_start3A_379] : memref<4x4x4x1024xf32, #tpu.memory_space<vmem>> -> memref<1x1x4x1024xf32, #tpu.memory_space<vmem>>
      %dma_start3A_381 = tpu.memref_squeeze %dma_start3A_380 : memref<1x1x4x1024xf32, #tpu.memory_space<vmem>> -> memref<4x1024xf32, #tpu.memory_space<vmem>>
      %dma_start3A_382 = arith.constant 0 : i32
      %dma_start3A_383 = tpu.memref_slice %arg5[%add3A_351, %dma_start3A_382] : memref<16384x1024xf32, #tpu.memory_space<hbm>> -> memref<4x1024xf32, #tpu.memory_space<hbm>>
      %dma_start3A_384 = arith.constant 0 : i32
      %dma_start3A_385 = tpu.memref_slice %arg5[%add3A_351, %dma_start3A_384] : memref<16384x1024xf32, #tpu.memory_space<hbm>> -> memref<4x1024xf32, #tpu.memory_space<hbm>>
      %dma_start3A_386 = arith.constant 0 : i32
      %dma_start3A_387 = arith.constant 0 : i32
      %dma_start3A_388 = tpu.memref_slice %arg8[%dma_start3A_376, %dma_start3A_377, %dma_start3A_386, %dma_start3A_387] : memref<4x4x4x1024xf32, #tpu.memory_space<vmem>> -> memref<1x1x4x1024xf32, #tpu.memory_space<vmem>>
      %dma_start3A_389 = tpu.memref_squeeze %dma_start3A_388 : memref<1x1x4x1024xf32, #tpu.memory_space<vmem>> -> memref<4x1024xf32, #tpu.memory_space<vmem>>
      tpu.enqueue_dma source(%dma_start3A_389 : memref<4x1024xf32, #tpu.memory_space<vmem>>) target(%dma_start3A_385 : memref<4x1024xf32, #tpu.memory_space<hbm>>) target_semaphore(%arg11 : memref<!tpu.dma_semaphore, #tpu.memory_space<semaphore_mem>>)
      %dma_start3A_390 = arith.constant 0 : i32
      %dma_start3A_391 = arith.constant 2 : i32
      %dma_start3A_392 = arith.constant 0 : i32
      %dma_start3A_393 = arith.constant 0 : i32
      %dma_start3A_394 = tpu.memref_slice %arg8[%dma_start3A_390, %dma_start3A_391, %dma_start3A_392, %dma_start3A_393] : memref<4x4x4x1024xf32, #tpu.memory_space<vmem>> -> memref<1x1x4x1024xf32, #tpu.memory_space<vmem>>
      %dma_start3A_395 = tpu.memref_squeeze %dma_start3A_394 : memref<1x1x4x1024xf32, #tpu.memory_space<vmem>> -> memref<4x1024xf32, #tpu.memory_space<vmem>>
      %dma_start3A_396 = arith.constant 0 : i32
      %dma_start3A_397 = tpu.memref_slice %arg5[%add3A_356, %dma_start3A_396] : memref<16384x1024xf32, #tpu.memory_space<hbm>> -> memref<4x1024xf32, #tpu.memory_space<hbm>>
      %dma_start3A_398 = arith.constant 0 : i32
      %dma_start3A_399 = tpu.memref_slice %arg5[%add3A_356, %dma_start3A_398] : memref<16384x1024xf32, #tpu.memory_space<hbm>> -> memref<4x1024xf32, #tpu.memory_space<hbm>>
      %dma_start3A_400 = arith.constant 0 : i32
      %dma_start3A_401 = arith.constant 0 : i32
      %dma_start3A_402 = tpu.memref_slice %arg8[%dma_start3A_390, %dma_start3A_391, %dma_start3A_400, %dma_start3A_401] : memref<4x4x4x1024xf32, #tpu.memory_space<vmem>> -> memref<1x1x4x1024xf32, #tpu.memory_space<vmem>>
      %dma_start3A_403 = tpu.memref_squeeze %dma_start3A_402 : memref<1x1x4x1024xf32, #tpu.memory_space<vmem>> -> memref<4x1024xf32, #tpu.memory_space<vmem>>
      tpu.enqueue_dma source(%dma_start3A_403 : memref<4x1024xf32, #tpu.memory_space<vmem>>) target(%dma_start3A_399 : memref<4x1024xf32, #tpu.memory_space<hbm>>) target_semaphore(%arg11 : memref<!tpu.dma_semaphore, #tpu.memory_space<semaphore_mem>>)
      %dma_start3A_404 = arith.constant 0 : i32
      %dma_start3A_405 = arith.constant 3 : i32
      %dma_start3A_406 = arith.constant 0 : i32
      %dma_start3A_407 = arith.constant 0 : i32
      %dma_start3A_408 = tpu.memref_slice %arg8[%dma_start3A_404, %dma_start3A_405, %dma_start3A_406, %dma_start3A_407] : memref<4x4x4x1024xf32, #tpu.memory_space<vmem>> -> memref<1x1x4x1024xf32, #tpu.memory_space<vmem>>
      %dma_start3A_409 = tpu.memref_squeeze %dma_start3A_408 : memref<1x1x4x1024xf32, #tpu.memory_space<vmem>> -> memref<4x1024xf32, #tpu.memory_space<vmem>>
      %dma_start3A_410 = arith.constant 0 : i32
      %dma_start3A_411 = tpu.memref_slice %arg5[%add3A_361, %dma_start3A_410] : memref<16384x1024xf32, #tpu.memory_space<hbm>> -> memref<4x1024xf32, #tpu.memory_space<hbm>>
      %dma_start3A_412 = arith.constant 0 : i32
      %dma_start3A_413 = tpu.memref_slice %arg5[%add3A_361, %dma_start3A_412] : memref<16384x1024xf32, #tpu.memory_space<hbm>> -> memref<4x1024xf32, #tpu.memory_space<hbm>>
      %dma_start3A_414 = arith.constant 0 : i32
      %dma_start3A_415 = arith.constant 0 : i32
      %dma_start3A_416 = tpu.memref_slice %arg8[%dma_start3A_404, %dma_start3A_405, %dma_start3A_414, %dma_start3A_415] : memref<4x4x4x1024xf32, #tpu.memory_space<vmem>> -> memref<1x1x4x1024xf32, #tpu.memory_space<vmem>>
      %dma_start3A_417 = tpu.memref_squeeze %dma_start3A_416 : memref<1x1x4x1024xf32, #tpu.memory_space<vmem>> -> memref<4x1024xf32, #tpu.memory_space<vmem>>
      tpu.enqueue_dma source(%dma_start3A_417 : memref<4x1024xf32, #tpu.memory_space<vmem>>) target(%dma_start3A_413 : memref<4x1024xf32, #tpu.memory_space<hbm>>) target_semaphore(%arg11 : memref<!tpu.dma_semaphore, #tpu.memory_space<semaphore_mem>>)
      %ge3A = arith.constant 1 : i32
      %ge3A_418 = arith.cmpi sge, %scan3A_265, %ge3A : i32
      %convert_element_type3A = arith.extui %ge3A_418 : i1 to i32
      %cond3A = arith.constant 0 : i32
      %cond3A_419 = arith.cmpi ne, %convert_element_type3A, %cond3A : i32
      scf.if %cond3A_419 {
        %sub3A_1217 = arith.constant 1 : i32
        %sub3A_1218 = arith.subi %add3A_270, %sub3A_1217 : i32
        %add3A_1219 = arith.constant 0 : i32
        %add3A_1220 = arith.addi %add3A_1219, %mul3A_2 : i32
        %mul3A_1221 = arith.constant 4 : i32
        %mul3A_1222 = arith.muli %sub3A_1218, %mul3A_1221 : i32
        %add3A_1223 = arith.addi %add3A_1220, %mul3A_1222 : i32
        %add3A_1224 = arith.constant 4096 : i32
        %add3A_1225 = arith.addi %add3A_1224, %mul3A_2 : i32
        %mul3A_1226 = arith.constant 4 : i32
        %mul3A_1227 = arith.muli %sub3A_1218, %mul3A_1226 : i32
        %add3A_1228 = arith.addi %add3A_1225, %mul3A_1227 : i32
        %add3A_1229 = arith.constant 8192 : i32
        %add3A_1230 = arith.addi %add3A_1229, %mul3A_2 : i32
        %mul3A_1231 = arith.constant 4 : i32
        %mul3A_1232 = arith.muli %sub3A_1218, %mul3A_1231 : i32
        %add3A_1233 = arith.addi %add3A_1230, %mul3A_1232 : i32
        %add3A_1234 = arith.constant 12288 : i32
        %add3A_1235 = arith.addi %add3A_1234, %mul3A_2 : i32
        %mul3A_1236 = arith.constant 4 : i32
        %mul3A_1237 = arith.muli %sub3A_1218, %mul3A_1236 : i32
        %add3A_1238 = arith.addi %add3A_1235, %mul3A_1237 : i32
        %dma_wait3A_1239 = arith.constant 3 : i32
        %dma_wait3A_1240 = arith.constant 0 : i32
        %dma_wait3A_1241 = arith.constant 0 : i32
        %dma_wait3A_1242 = arith.constant 0 : i32
        %dma_wait3A_1243 = tpu.memref_slice %arg8[%dma_wait3A_1239, %dma_wait3A_1240, %dma_wait3A_1241, %dma_wait3A_1242] : memref<4x4x4x1024xf32, #tpu.memory_space<vmem>> -> memref<1x1x4x1024xf32, #tpu.memory_space<vmem>>
        %dma_wait3A_1244 = tpu.memref_squeeze %dma_wait3A_1243 : memref<1x1x4x1024xf32, #tpu.memory_space<vmem>> -> memref<4x1024xf32, #tpu.memory_space<vmem>>
        %dma_wait3A_1245 = arith.constant 0 : i32
        %dma_wait3A_1246 = tpu.memref_slice %arg5[%add3A_1223, %dma_wait3A_1245] : memref<16384x1024xf32, #tpu.memory_space<hbm>> -> memref<4x1024xf32, #tpu.memory_space<hbm>>
        %dma_wait3A_1247 = arith.constant 0 : i32
        %dma_wait3A_1248 = tpu.memref_slice %arg5[%add3A_1223, %dma_wait3A_1247] : memref<16384x1024xf32, #tpu.memory_space<hbm>> -> memref<4x1024xf32, #tpu.memory_space<hbm>>
        %dma_wait3A_1249 = arith.constant 0 : i32
        %dma_wait3A_1250 = arith.constant 0 : i32
        %dma_wait3A_1251 = tpu.memref_slice %arg8[%dma_wait3A_1239, %dma_wait3A_1240, %dma_wait3A_1249, %dma_wait3A_1250] : memref<4x4x4x1024xf32, #tpu.memory_space<vmem>> -> memref<1x1x4x1024xf32, #tpu.memory_space<vmem>>
        %dma_wait3A_1252 = tpu.memref_squeeze %dma_wait3A_1251 : memref<1x1x4x1024xf32, #tpu.memory_space<vmem>> -> memref<4x1024xf32, #tpu.memory_space<vmem>>
        tpu.wait_dma2 semaphore(%arg11 : memref<!tpu.dma_semaphore, #tpu.memory_space<semaphore_mem>>) src(%dma_wait3A_1252 : memref<4x1024xf32, #tpu.memory_space<vmem>>) dst(%dma_wait3A_1248 : memref<4x1024xf32, #tpu.memory_space<hbm>>)
        %dma_wait3A_1253 = arith.constant 3 : i32
        %dma_wait3A_1254 = arith.constant 1 : i32
        %dma_wait3A_1255 = arith.constant 0 : i32
        %dma_wait3A_1256 = arith.constant 0 : i32
        %dma_wait3A_1257 = tpu.memref_slice %arg8[%dma_wait3A_1253, %dma_wait3A_1254, %dma_wait3A_1255, %dma_wait3A_1256] : memref<4x4x4x1024xf32, #tpu.memory_space<vmem>> -> memref<1x1x4x1024xf32, #tpu.memory_space<vmem>>
        %dma_wait3A_1258 = tpu.memref_squeeze %dma_wait3A_1257 : memref<1x1x4x1024xf32, #tpu.memory_space<vmem>> -> memref<4x1024xf32, #tpu.memory_space<vmem>>
        %dma_wait3A_1259 = arith.constant 0 : i32
        %dma_wait3A_1260 = tpu.memref_slice %arg5[%add3A_1228, %dma_wait3A_1259] : memref<16384x1024xf32, #tpu.memory_space<hbm>> -> memref<4x1024xf32, #tpu.memory_space<hbm>>
        %dma_wait3A_1261 = arith.constant 0 : i32
        %dma_wait3A_1262 = tpu.memref_slice %arg5[%add3A_1228, %dma_wait3A_1261] : memref<16384x1024xf32, #tpu.memory_space<hbm>> -> memref<4x1024xf32, #tpu.memory_space<hbm>>
        %dma_wait3A_1263 = arith.constant 0 : i32
        %dma_wait3A_1264 = arith.constant 0 : i32
        %dma_wait3A_1265 = tpu.memref_slice %arg8[%dma_wait3A_1253, %dma_wait3A_1254, %dma_wait3A_1263, %dma_wait3A_1264] : memref<4x4x4x1024xf32, #tpu.memory_space<vmem>> -> memref<1x1x4x1024xf32, #tpu.memory_space<vmem>>
        %dma_wait3A_1266 = tpu.memref_squeeze %dma_wait3A_1265 : memref<1x1x4x1024xf32, #tpu.memory_space<vmem>> -> memref<4x1024xf32, #tpu.memory_space<vmem>>
        tpu.wait_dma2 semaphore(%arg11 : memref<!tpu.dma_semaphore, #tpu.memory_space<semaphore_mem>>) src(%dma_wait3A_1266 : memref<4x1024xf32, #tpu.memory_space<vmem>>) dst(%dma_wait3A_1262 : memref<4x1024xf32, #tpu.memory_space<hbm>>)
        %dma_wait3A_1267 = arith.constant 3 : i32
        %dma_wait3A_1268 = arith.constant 2 : i32
        %dma_wait3A_1269 = arith.constant 0 : i32
        %dma_wait3A_1270 = arith.constant 0 : i32
        %dma_wait3A_1271 = tpu.memref_slice %arg8[%dma_wait3A_1267, %dma_wait3A_1268, %dma_wait3A_1269, %dma_wait3A_1270] : memref<4x4x4x1024xf32, #tpu.memory_space<vmem>> -> memref<1x1x4x1024xf32, #tpu.memory_space<vmem>>
        %dma_wait3A_1272 = tpu.memref_squeeze %dma_wait3A_1271 : memref<1x1x4x1024xf32, #tpu.memory_space<vmem>> -> memref<4x1024xf32, #tpu.memory_space<vmem>>
        %dma_wait3A_1273 = arith.constant 0 : i32
        %dma_wait3A_1274 = tpu.memref_slice %arg5[%add3A_1233, %dma_wait3A_1273] : memref<16384x1024xf32, #tpu.memory_space<hbm>> -> memref<4x1024xf32, #tpu.memory_space<hbm>>
        %dma_wait3A_1275 = arith.constant 0 : i32
        %dma_wait3A_1276 = tpu.memref_slice %arg5[%add3A_1233, %dma_wait3A_1275] : memref<16384x1024xf32, #tpu.memory_space<hbm>> -> memref<4x1024xf32, #tpu.memory_space<hbm>>
        %dma_wait3A_1277 = arith.constant 0 : i32
        %dma_wait3A_1278 = arith.constant 0 : i32
        %dma_wait3A_1279 = tpu.memref_slice %arg8[%dma_wait3A_1267, %dma_wait3A_1268, %dma_wait3A_1277, %dma_wait3A_1278] : memref<4x4x4x1024xf32, #tpu.memory_space<vmem>> -> memref<1x1x4x1024xf32, #tpu.memory_space<vmem>>
        %dma_wait3A_1280 = tpu.memref_squeeze %dma_wait3A_1279 : memref<1x1x4x1024xf32, #tpu.memory_space<vmem>> -> memref<4x1024xf32, #tpu.memory_space<vmem>>
        tpu.wait_dma2 semaphore(%arg11 : memref<!tpu.dma_semaphore, #tpu.memory_space<semaphore_mem>>) src(%dma_wait3A_1280 : memref<4x1024xf32, #tpu.memory_space<vmem>>) dst(%dma_wait3A_1276 : memref<4x1024xf32, #tpu.memory_space<hbm>>)
        %dma_wait3A_1281 = arith.constant 3 : i32
        %dma_wait3A_1282 = arith.constant 3 : i32
        %dma_wait3A_1283 = arith.constant 0 : i32
        %dma_wait3A_1284 = arith.constant 0 : i32
        %dma_wait3A_1285 = tpu.memref_slice %arg8[%dma_wait3A_1281, %dma_wait3A_1282, %dma_wait3A_1283, %dma_wait3A_1284] : memref<4x4x4x1024xf32, #tpu.memory_space<vmem>> -> memref<1x1x4x1024xf32, #tpu.memory_space<vmem>>
        %dma_wait3A_1286 = tpu.memref_squeeze %dma_wait3A_1285 : memref<1x1x4x1024xf32, #tpu.memory_space<vmem>> -> memref<4x1024xf32, #tpu.memory_space<vmem>>
        %dma_wait3A_1287 = arith.constant 0 : i32
        %dma_wait3A_1288 = tpu.memref_slice %arg5[%add3A_1238, %dma_wait3A_1287] : memref<16384x1024xf32, #tpu.memory_space<hbm>> -> memref<4x1024xf32, #tpu.memory_space<hbm>>
        %dma_wait3A_1289 = arith.constant 0 : i32
        %dma_wait3A_1290 = tpu.memref_slice %arg5[%add3A_1238, %dma_wait3A_1289] : memref<16384x1024xf32, #tpu.memory_space<hbm>> -> memref<4x1024xf32, #tpu.memory_space<hbm>>
        %dma_wait3A_1291 = arith.constant 0 : i32
        %dma_wait3A_1292 = arith.constant 0 : i32
        %dma_wait3A_1293 = tpu.memref_slice %arg8[%dma_wait3A_1281, %dma_wait3A_1282, %dma_wait3A_1291, %dma_wait3A_1292] : memref<4x4x4x1024xf32, #tpu.memory_space<vmem>> -> memref<1x1x4x1024xf32, #tpu.memory_space<vmem>>
        %dma_wait3A_1294 = tpu.memref_squeeze %dma_wait3A_1293 : memref<1x1x4x1024xf32, #tpu.memory_space<vmem>> -> memref<4x1024xf32, #tpu.memory_space<vmem>>
        tpu.wait_dma2 semaphore(%arg11 : memref<!tpu.dma_semaphore, #tpu.memory_space<semaphore_mem>>) src(%dma_wait3A_1294 : memref<4x1024xf32, #tpu.memory_space<vmem>>) dst(%dma_wait3A_1290 : memref<4x1024xf32, #tpu.memory_space<hbm>>)
      } else {
      }
      %add3A_420 = arith.constant 3 : i32
      %add3A_421 = arith.addi %add3A_270, %add3A_420 : i32
      %dma_start3A_422 = arith.constant 3 : i32
      %dma_start3A_423 = arith.constant 0 : i32
      %dma_start3A_424 = arith.constant 0 : i32
      %dma_start3A_425 = arith.constant 0 : i32
      %dma_start3A_426 = tpu.memref_slice %arg8[%dma_start3A_422, %dma_start3A_423, %dma_start3A_424, %dma_start3A_425] : memref<4x4x4x1024xf32, #tpu.memory_space<vmem>> -> memref<1x1x4x1024xf32, #tpu.memory_space<vmem>>
      %dma_start3A_427 = tpu.memref_squeeze %dma_start3A_426 : memref<1x1x4x1024xf32, #tpu.memory_space<vmem>> -> memref<4x1024xf32, #tpu.memory_space<vmem>>
      %dma_start3A_428 = arith.constant 0 : i32
      %dma_start3A_429 = tpu.memref_slice %arg6[%add3A_421, %dma_start3A_428] : memref<32x16xi32, #tpu.memory_space<vmem>> -> memref<1x4xi32, #tpu.memory_space<vmem>>
      %dma_start3A_430 = tpu.memref_squeeze %dma_start3A_429 : memref<1x4xi32, #tpu.memory_space<vmem>> -> memref<4xi32, #tpu.memory_space<vmem>>
      %dma_start3A_431 = arith.constant 0 : i32
      %dma_start3A_432 = arith.constant 0 : i32
      %dma_start3A_433 = tpu.memref_slice %arg3[%dma_start3A_431, %dma_start3A_432] : memref<100000x1024xf32, #tpu.memory_space<hbm>> -> memref<100000x1024xf32, #tpu.memory_space<hbm>>
      tpu.enqueue_indirect_dma source(%dma_start3A_433 : memref<100000x1024xf32, #tpu.memory_space<hbm>>) target(%dma_start3A_427 : memref<4x1024xf32, #tpu.memory_space<vmem>>) offsets(%dma_start3A_430 : memref<4xi32, #tpu.memory_space<vmem>>) semaphore(%arg9 : memref<!tpu.dma_semaphore, #tpu.memory_space<semaphore_mem>>)
      %dma_start3A_434 = arith.constant 3 : i32
      %dma_start3A_435 = arith.constant 1 : i32
      %dma_start3A_436 = arith.constant 0 : i32
      %dma_start3A_437 = arith.constant 0 : i32
      %dma_start3A_438 = tpu.memref_slice %arg8[%dma_start3A_434, %dma_start3A_435, %dma_start3A_436, %dma_start3A_437] : memref<4x4x4x1024xf32, #tpu.memory_space<vmem>> -> memref<1x1x4x1024xf32, #tpu.memory_space<vmem>>
      %dma_start3A_439 = tpu.memref_squeeze %dma_start3A_438 : memref<1x1x4x1024xf32, #tpu.memory_space<vmem>> -> memref<4x1024xf32, #tpu.memory_space<vmem>>
      %dma_start3A_440 = arith.constant 4 : i32
      %dma_start3A_441 = tpu.memref_slice %arg6[%add3A_421, %dma_start3A_440] : memref<32x16xi32, #tpu.memory_space<vmem>> -> memref<1x4xi32, #tpu.memory_space<vmem>>
      %dma_start3A_442 = tpu.memref_squeeze %dma_start3A_441 : memref<1x4xi32, #tpu.memory_space<vmem>> -> memref<4xi32, #tpu.memory_space<vmem>>
      %dma_start3A_443 = arith.constant 0 : i32
      %dma_start3A_444 = arith.constant 0 : i32
      %dma_start3A_445 = tpu.memref_slice %arg3[%dma_start3A_443, %dma_start3A_444] : memref<100000x1024xf32, #tpu.memory_space<hbm>> -> memref<100000x1024xf32, #tpu.memory_space<hbm>>
      tpu.enqueue_indirect_dma source(%dma_start3A_445 : memref<100000x1024xf32, #tpu.memory_space<hbm>>) target(%dma_start3A_439 : memref<4x1024xf32, #tpu.memory_space<vmem>>) offsets(%dma_start3A_442 : memref<4xi32, #tpu.memory_space<vmem>>) semaphore(%arg9 : memref<!tpu.dma_semaphore, #tpu.memory_space<semaphore_mem>>)
      %dma_start3A_446 = arith.constant 3 : i32
      %dma_start3A_447 = arith.constant 2 : i32
      %dma_start3A_448 = arith.constant 0 : i32
      %dma_start3A_449 = arith.constant 0 : i32
      %dma_start3A_450 = tpu.memref_slice %arg8[%dma_start3A_446, %dma_start3A_447, %dma_start3A_448, %dma_start3A_449] : memref<4x4x4x1024xf32, #tpu.memory_space<vmem>> -> memref<1x1x4x1024xf32, #tpu.memory_space<vmem>>
      %dma_start3A_451 = tpu.memref_squeeze %dma_start3A_450 : memref<1x1x4x1024xf32, #tpu.memory_space<vmem>> -> memref<4x1024xf32, #tpu.memory_space<vmem>>
      %dma_start3A_452 = arith.constant 8 : i32
      %dma_start3A_453 = tpu.memref_slice %arg6[%add3A_421, %dma_start3A_452] : memref<32x16xi32, #tpu.memory_space<vmem>> -> memref<1x4xi32, #tpu.memory_space<vmem>>
      %dma_start3A_454 = tpu.memref_squeeze %dma_start3A_453 : memref<1x4xi32, #tpu.memory_space<vmem>> -> memref<4xi32, #tpu.memory_space<vmem>>
      %dma_start3A_455 = arith.constant 0 : i32
      %dma_start3A_456 = arith.constant 0 : i32
      %dma_start3A_457 = tpu.memref_slice %arg3[%dma_start3A_455, %dma_start3A_456] : memref<100000x1024xf32, #tpu.memory_space<hbm>> -> memref<100000x1024xf32, #tpu.memory_space<hbm>>
      tpu.enqueue_indirect_dma source(%dma_start3A_457 : memref<100000x1024xf32, #tpu.memory_space<hbm>>) target(%dma_start3A_451 : memref<4x1024xf32, #tpu.memory_space<vmem>>) offsets(%dma_start3A_454 : memref<4xi32, #tpu.memory_space<vmem>>) semaphore(%arg9 : memref<!tpu.dma_semaphore, #tpu.memory_space<semaphore_mem>>)
      %dma_start3A_458 = arith.constant 3 : i32
      %dma_start3A_459 = arith.constant 3 : i32
      %dma_start3A_460 = arith.constant 0 : i32
      %dma_start3A_461 = arith.constant 0 : i32
      %dma_start3A_462 = tpu.memref_slice %arg8[%dma_start3A_458, %dma_start3A_459, %dma_start3A_460, %dma_start3A_461] : memref<4x4x4x1024xf32, #tpu.memory_space<vmem>> -> memref<1x1x4x1024xf32, #tpu.memory_space<vmem>>
      %dma_start3A_463 = tpu.memref_squeeze %dma_start3A_462 : memref<1x1x4x1024xf32, #tpu.memory_space<vmem>> -> memref<4x1024xf32, #tpu.memory_space<vmem>>
      %dma_start3A_464 = arith.constant 12 : i32
      %dma_start3A_465 = tpu.memref_slice %arg6[%add3A_421, %dma_start3A_464] : memref<32x16xi32, #tpu.memory_space<vmem>> -> memref<1x4xi32, #tpu.memory_space<vmem>>
      %dma_start3A_466 = tpu.memref_squeeze %dma_start3A_465 : memref<1x4xi32, #tpu.memory_space<vmem>> -> memref<4xi32, #tpu.memory_space<vmem>>
      %dma_start3A_467 = arith.constant 0 : i32
      %dma_start3A_468 = arith.constant 0 : i32
      %dma_start3A_469 = tpu.memref_slice %arg3[%dma_start3A_467, %dma_start3A_468] : memref<100000x1024xf32, #tpu.memory_space<hbm>> -> memref<100000x1024xf32, #tpu.memory_space<hbm>>
      tpu.enqueue_indirect_dma source(%dma_start3A_469 : memref<100000x1024xf32, #tpu.memory_space<hbm>>) target(%dma_start3A_463 : memref<4x1024xf32, #tpu.memory_space<vmem>>) offsets(%dma_start3A_466 : memref<4xi32, #tpu.memory_space<vmem>>) semaphore(%arg9 : memref<!tpu.dma_semaphore, #tpu.memory_space<semaphore_mem>>)
      %add3A_470 = arith.constant 2 : i32
      %add3A_471 = arith.addi %add3A_270, %add3A_470 : i32
      %mul3A_472 = arith.constant 4 : i32
      %mul3A_473 = arith.muli %add3A_471, %mul3A_472 : i32
      %add3A_474 = arith.addi %mul3A_2, %mul3A_473 : i32
      %dma_start3A_475 = arith.constant 0 : i32
      %dma_start3A_476 = arith.constant 0 : i32
      %dma_start3A_477 = arith.constant 0 : i32
      %dma_start3A_478 = tpu.memref_slice %arg7[%dma_start3A_475, %dma_start3A_476, %dma_start3A_477] : memref<2x4x1024xf32, #tpu.memory_space<vmem>> -> memref<1x4x1024xf32, #tpu.memory_space<vmem>>
      %dma_start3A_479 = tpu.memref_squeeze %dma_start3A_478 : memref<1x4x1024xf32, #tpu.memory_space<vmem>> -> memref<4x1024xf32, #tpu.memory_space<vmem>>
      %dma_start3A_480 = arith.constant 0 : i32
      %dma_start3A_481 = tpu.memref_slice %arg4[%add3A_474, %dma_start3A_480] : memref<4096x1024xf32, #tpu.memory_space<hbm>> -> memref<4x1024xf32, #tpu.memory_space<hbm>>
      %dma_start3A_482 = arith.constant 0 : i32
      %dma_start3A_483 = arith.constant 0 : i32
      %dma_start3A_484 = tpu.memref_slice %arg7[%dma_start3A_475, %dma_start3A_482, %dma_start3A_483] : memref<2x4x1024xf32, #tpu.memory_space<vmem>> -> memref<1x4x1024xf32, #tpu.memory_space<vmem>>
      %dma_start3A_485 = tpu.memref_squeeze %dma_start3A_484 : memref<1x4x1024xf32, #tpu.memory_space<vmem>> -> memref<4x1024xf32, #tpu.memory_space<vmem>>
      %dma_start3A_486 = arith.constant 0 : i32
      %dma_start3A_487 = tpu.memref_slice %arg4[%add3A_474, %dma_start3A_486] : memref<4096x1024xf32, #tpu.memory_space<hbm>> -> memref<4x1024xf32, #tpu.memory_space<hbm>>
      tpu.enqueue_dma source(%dma_start3A_487 : memref<4x1024xf32, #tpu.memory_space<hbm>>) target(%dma_start3A_485 : memref<4x1024xf32, #tpu.memory_space<vmem>>) target_semaphore(%arg10 : memref<!tpu.dma_semaphore, #tpu.memory_space<semaphore_mem>>)
      %mul3A_488 = arith.constant 4 : i32
      %mul3A_489 = arith.muli %scan3A_265, %mul3A_488 : i32
      %add3A_490 = arith.constant 1 : i32
      %add3A_491 = arith.addi %mul3A_489, %add3A_490 : i32
      %dma_wait3A_492 = arith.constant 1 : i32
      %dma_wait3A_493 = arith.constant 0 : i32
      %dma_wait3A_494 = arith.constant 0 : i32
      %dma_wait3A_495 = arith.constant 0 : i32
      %dma_wait3A_496 = tpu.memref_slice %arg8[%dma_wait3A_492, %dma_wait3A_493, %dma_wait3A_494, %dma_wait3A_495] : memref<4x4x4x1024xf32, #tpu.memory_space<vmem>> -> memref<1x1x4x1024xf32, #tpu.memory_space<vmem>>
      %dma_wait3A_497 = tpu.memref_squeeze %dma_wait3A_496 : memref<1x1x4x1024xf32, #tpu.memory_space<vmem>> -> memref<4x1024xf32, #tpu.memory_space<vmem>>
      %dma_wait3A_498 = arith.constant 0 : i32
      %dma_wait3A_499 = tpu.memref_slice %arg6[%add3A_491, %dma_wait3A_498] : memref<32x16xi32, #tpu.memory_space<vmem>> -> memref<1x4xi32, #tpu.memory_space<vmem>>
      %dma_wait3A_500 = tpu.memref_squeeze %dma_wait3A_499 : memref<1x4xi32, #tpu.memory_space<vmem>> -> memref<4xi32, #tpu.memory_space<vmem>>
      %dma_wait3A_501 = arith.constant 0 : i32
      %dma_wait3A_502 = arith.constant 0 : i32
      %dma_wait3A_503 = tpu.memref_slice %arg3[%dma_wait3A_501, %dma_wait3A_502] : memref<100000x1024xf32, #tpu.memory_space<hbm>> -> memref<100000x1024xf32, #tpu.memory_space<hbm>>
      tpu.wait_indirect_dma semaphore(%arg9 : memref<!tpu.dma_semaphore, #tpu.memory_space<semaphore_mem>>) src(%dma_wait3A_503 : memref<100000x1024xf32, #tpu.memory_space<hbm>>) dst(%dma_wait3A_497 : memref<4x1024xf32, #tpu.memory_space<vmem>>)
      %dma_wait3A_504 = arith.constant 1 : i32
      %dma_wait3A_505 = arith.constant 1 : i32
      %dma_wait3A_506 = arith.constant 0 : i32
      %dma_wait3A_507 = arith.constant 0 : i32
      %dma_wait3A_508 = tpu.memref_slice %arg8[%dma_wait3A_504, %dma_wait3A_505, %dma_wait3A_506, %dma_wait3A_507] : memref<4x4x4x1024xf32, #tpu.memory_space<vmem>> -> memref<1x1x4x1024xf32, #tpu.memory_space<vmem>>
      %dma_wait3A_509 = tpu.memref_squeeze %dma_wait3A_508 : memref<1x1x4x1024xf32, #tpu.memory_space<vmem>> -> memref<4x1024xf32, #tpu.memory_space<vmem>>
      %dma_wait3A_510 = arith.constant 4 : i32
      %dma_wait3A_511 = tpu.memref_slice %arg6[%add3A_491, %dma_wait3A_510] : memref<32x16xi32, #tpu.memory_space<vmem>> -> memref<1x4xi32, #tpu.memory_space<vmem>>
      %dma_wait3A_512 = tpu.memref_squeeze %dma_wait3A_511 : memref<1x4xi32, #tpu.memory_space<vmem>> -> memref<4xi32, #tpu.memory_space<vmem>>
      %dma_wait3A_513 = arith.constant 0 : i32
      %dma_wait3A_514 = arith.constant 0 : i32
      %dma_wait3A_515 = tpu.memref_slice %arg3[%dma_wait3A_513, %dma_wait3A_514] : memref<100000x1024xf32, #tpu.memory_space<hbm>> -> memref<100000x1024xf32, #tpu.memory_space<hbm>>
      tpu.wait_indirect_dma semaphore(%arg9 : memref<!tpu.dma_semaphore, #tpu.memory_space<semaphore_mem>>) src(%dma_wait3A_515 : memref<100000x1024xf32, #tpu.memory_space<hbm>>) dst(%dma_wait3A_509 : memref<4x1024xf32, #tpu.memory_space<vmem>>)
      %dma_wait3A_516 = arith.constant 1 : i32
      %dma_wait3A_517 = arith.constant 2 : i32
      %dma_wait3A_518 = arith.constant 0 : i32
      %dma_wait3A_519 = arith.constant 0 : i32
      %dma_wait3A_520 = tpu.memref_slice %arg8[%dma_wait3A_516, %dma_wait3A_517, %dma_wait3A_518, %dma_wait3A_519] : memref<4x4x4x1024xf32, #tpu.memory_space<vmem>> -> memref<1x1x4x1024xf32, #tpu.memory_space<vmem>>
      %dma_wait3A_521 = tpu.memref_squeeze %dma_wait3A_520 : memref<1x1x4x1024xf32, #tpu.memory_space<vmem>> -> memref<4x1024xf32, #tpu.memory_space<vmem>>
      %dma_wait3A_522 = arith.constant 8 : i32
      %dma_wait3A_523 = tpu.memref_slice %arg6[%add3A_491, %dma_wait3A_522] : memref<32x16xi32, #tpu.memory_space<vmem>> -> memref<1x4xi32, #tpu.memory_space<vmem>>
      %dma_wait3A_524 = tpu.memref_squeeze %dma_wait3A_523 : memref<1x4xi32, #tpu.memory_space<vmem>> -> memref<4xi32, #tpu.memory_space<vmem>>
      %dma_wait3A_525 = arith.constant 0 : i32
      %dma_wait3A_526 = arith.constant 0 : i32
      %dma_wait3A_527 = tpu.memref_slice %arg3[%dma_wait3A_525, %dma_wait3A_526] : memref<100000x1024xf32, #tpu.memory_space<hbm>> -> memref<100000x1024xf32, #tpu.memory_space<hbm>>
      tpu.wait_indirect_dma semaphore(%arg9 : memref<!tpu.dma_semaphore, #tpu.memory_space<semaphore_mem>>) src(%dma_wait3A_527 : memref<100000x1024xf32, #tpu.memory_space<hbm>>) dst(%dma_wait3A_521 : memref<4x1024xf32, #tpu.memory_space<vmem>>)
      %dma_wait3A_528 = arith.constant 1 : i32
      %dma_wait3A_529 = arith.constant 3 : i32
      %dma_wait3A_530 = arith.constant 0 : i32
      %dma_wait3A_531 = arith.constant 0 : i32
      %dma_wait3A_532 = tpu.memref_slice %arg8[%dma_wait3A_528, %dma_wait3A_529, %dma_wait3A_530, %dma_wait3A_531] : memref<4x4x4x1024xf32, #tpu.memory_space<vmem>> -> memref<1x1x4x1024xf32, #tpu.memory_space<vmem>>
      %dma_wait3A_533 = tpu.memref_squeeze %dma_wait3A_532 : memref<1x1x4x1024xf32, #tpu.memory_space<vmem>> -> memref<4x1024xf32, #tpu.memory_space<vmem>>
      %dma_wait3A_534 = arith.constant 12 : i32
      %dma_wait3A_535 = tpu.memref_slice %arg6[%add3A_491, %dma_wait3A_534] : memref<32x16xi32, #tpu.memory_space<vmem>> -> memref<1x4xi32, #tpu.memory_space<vmem>>
      %dma_wait3A_536 = tpu.memref_squeeze %dma_wait3A_535 : memref<1x4xi32, #tpu.memory_space<vmem>> -> memref<4xi32, #tpu.memory_space<vmem>>
      %dma_wait3A_537 = arith.constant 0 : i32
      %dma_wait3A_538 = arith.constant 0 : i32
      %dma_wait3A_539 = tpu.memref_slice %arg3[%dma_wait3A_537, %dma_wait3A_538] : memref<100000x1024xf32, #tpu.memory_space<hbm>> -> memref<100000x1024xf32, #tpu.memory_space<hbm>>
      tpu.wait_indirect_dma semaphore(%arg9 : memref<!tpu.dma_semaphore, #tpu.memory_space<semaphore_mem>>) src(%dma_wait3A_539 : memref<100000x1024xf32, #tpu.memory_space<hbm>>) dst(%dma_wait3A_533 : memref<4x1024xf32, #tpu.memory_space<vmem>>)
      %mul3A_540 = arith.constant 4 : i32
      %mul3A_541 = arith.muli %add3A_491, %mul3A_540 : i32
      %add3A_542 = arith.addi %mul3A_2, %mul3A_541 : i32
      %dma_wait3A_543 = arith.constant 1 : i32
      %dma_wait3A_544 = arith.constant 0 : i32
      %dma_wait3A_545 = arith.constant 0 : i32
      %dma_wait3A_546 = tpu.memref_slice %arg7[%dma_wait3A_543, %dma_wait3A_544, %dma_wait3A_545] : memref<2x4x1024xf32, #tpu.memory_space<vmem>> -> memref<1x4x1024xf32, #tpu.memory_space<vmem>>
      %dma_wait3A_547 = tpu.memref_squeeze %dma_wait3A_546 : memref<1x4x1024xf32, #tpu.memory_space<vmem>> -> memref<4x1024xf32, #tpu.memory_space<vmem>>
      %dma_wait3A_548 = arith.constant 0 : i32
      %dma_wait3A_549 = tpu.memref_slice %arg4[%add3A_542, %dma_wait3A_548] : memref<4096x1024xf32, #tpu.memory_space<hbm>> -> memref<4x1024xf32, #tpu.memory_space<hbm>>
      %dma_wait3A_550 = arith.constant 0 : i32
      %dma_wait3A_551 = arith.constant 0 : i32
      %dma_wait3A_552 = tpu.memref_slice %arg7[%dma_wait3A_543, %dma_wait3A_550, %dma_wait3A_551] : memref<2x4x1024xf32, #tpu.memory_space<vmem>> -> memref<1x4x1024xf32, #tpu.memory_space<vmem>>
      %dma_wait3A_553 = tpu.memref_squeeze %dma_wait3A_552 : memref<1x4x1024xf32, #tpu.memory_space<vmem>> -> memref<4x1024xf32, #tpu.memory_space<vmem>>
      %dma_wait3A_554 = arith.constant 0 : i32
      %dma_wait3A_555 = tpu.memref_slice %arg4[%add3A_542, %dma_wait3A_554] : memref<4096x1024xf32, #tpu.memory_space<hbm>> -> memref<4x1024xf32, #tpu.memory_space<hbm>>
      tpu.wait_dma2 semaphore(%arg10 : memref<!tpu.dma_semaphore, #tpu.memory_space<semaphore_mem>>) src(%dma_wait3A_555 : memref<4x1024xf32, #tpu.memory_space<hbm>>) dst(%dma_wait3A_553 : memref<4x1024xf32, #tpu.memory_space<vmem>>)
      %scan3A_556 = arith.constant 0 : i32
      %scan3A_557 = arith.constant 0 : i32
      %scan3A_558 = arith.constant 64 : i32
      %scan3A_559 = arith.addi %scan3A_557, %scan3A_558 : i32
      %scan3A_560 = arith.constant 1 : i32
      %scan3A_561 = scf.for %scan3A_1217 = %scan3A_557 to %scan3A_559 step %scan3A_560 iter_args(%scan3A_1218 = %scan3A_556) -> (i32)  : i32 {
        %mul3A_1219 = arith.constant 16 : i32
        %mul3A_1220 = arith.muli %scan3A_1217, %mul3A_1219 : i32
        %get3A = arith.constant 1 : i32
        %get3A_1221 = arith.constant 0 : i32
        %get3A_1222 = arith.index_cast %get3A : i32 to index
        %get3A_1223 = arith.index_cast %get3A_1221 : i32 to index
        %get3A_1224 = arith.index_cast %mul3A_1220 : i32 to index
        %get3A_1225 = tpu.vector_load %arg7[%get3A_1222, %get3A_1223, %get3A_1224] {strides = array<i32>} : memref<2x4x1024xf32, #tpu.memory_space<vmem>>, vector<1x1x16xf32>,
        %get3A_1226 = vector.shape_cast %get3A_1225 : vector<1x1x16xf32> to vector<16xf32>
        %get3A_1227 = arith.constant 1 : i32
        %get3A_1228 = arith.constant 0 : i32
        %get3A_1229 = arith.constant 0 : i32
        %get3A_1230 = arith.index_cast %get3A_1227 : i32 to index
        %get3A_1231 = arith.index_cast %get3A_1228 : i32 to index
        %get3A_1232 = arith.index_cast %get3A_1229 : i32 to index
        %get3A_1233 = arith.index_cast %mul3A_1220 : i32 to index
        %get3A_1234 = tpu.vector_load %arg8[%get3A_1230, %get3A_1231, %get3A_1232, %get3A_1233] {strides = array<i32>} : memref<4x4x4x1024xf32, #tpu.memory_space<vmem>>, vector<1x1x1x16xf32>,
        %get3A_1235 = vector.shape_cast %get3A_1234 : vector<1x1x1x16xf32> to vector<16xf32>
        %mul3A_1236 = arith.constant 3.200000e+01 : f32
        %mul3A_1237 = vector.broadcast %mul3A_1236 : f32 to vector<16xf32>
        %mul3A_1238 = arith.mulf %get3A_1235, %mul3A_1237 : vector<16xf32>
        %add3A_1239 = arith.addf %mul3A_1238, %get3A_1226 : vector<16xf32>
        %swap3A = arith.constant 1 : i32
        %swap3A_1240 = arith.constant 0 : i32
        %swap3A_1241 = arith.constant 0 : i32
        %swap3A_1242 = arith.index_cast %swap3A : i32 to index
        %swap3A_1243 = arith.index_cast %swap3A_1240 : i32 to index
        %swap3A_1244 = arith.index_cast %swap3A_1241 : i32 to index
        %swap3A_1245 = arith.index_cast %mul3A_1220 : i32 to index
        %swap3A_1246 = tpu.vector_load %arg8[%swap3A_1242, %swap3A_1243, %swap3A_1244, %swap3A_1245] {strides = array<i32>} : memref<4x4x4x1024xf32, #tpu.memory_space<vmem>>, vector<1x1x1x16xf32>,
        %swap3A_1247 = vector.shape_cast %swap3A_1246 : vector<1x1x1x16xf32> to vector<16xf32>
        %swap3A_1248 = vector.shape_cast %add3A_1239 : vector<16xf32> to vector<1x1x1x16xf32>
        tpu.vector_store %arg8[%swap3A_1242, %swap3A_1243, %swap3A_1244, %swap3A_1245], %swap3A_1248 {strides = array<i32>} : memref<4x4x4x1024xf32, #tpu.memory_space<vmem>>, vector<1x1x1x16xf32>,
        %get3A_1249 = arith.constant 1 : i32
        %get3A_1250 = arith.constant 1 : i32
        %get3A_1251 = arith.constant 0 : i32
        %get3A_1252 = arith.index_cast %get3A_1249 : i32 to index
        %get3A_1253 = arith.index_cast %get3A_1250 : i32 to index
        %get3A_1254 = arith.index_cast %get3A_1251 : i32 to index
        %get3A_1255 = arith.index_cast %mul3A_1220 : i32 to index
        %get3A_1256 = tpu.vector_load %arg8[%get3A_1252, %get3A_1253, %get3A_1254, %get3A_1255] {strides = array<i32>} : memref<4x4x4x1024xf32, #tpu.memory_space<vmem>>, vector<1x1x1x16xf32>,
        %get3A_1257 = vector.shape_cast %get3A_1256 : vector<1x1x1x16xf32> to vector<16xf32>
        %mul3A_1258 = arith.constant 3.200000e+01 : f32
        %mul3A_1259 = vector.broadcast %mul3A_1258 : f32 to vector<16xf32>
        %mul3A_1260 = arith.mulf %get3A_1257, %mul3A_1259 : vector<16xf32>
        %add3A_1261 = arith.addf %mul3A_1260, %get3A_1226 : vector<16xf32>
        %swap3A_1262 = arith.constant 1 : i32
        %swap3A_1263 = arith.constant 1 : i32
        %swap3A_1264 = arith.constant 0 : i32
        %swap3A_1265 = arith.index_cast %swap3A_1262 : i32 to index
        %swap3A_1266 = arith.index_cast %swap3A_1263 : i32 to index
        %swap3A_1267 = arith.index_cast %swap3A_1264 : i32 to index
        %swap3A_1268 = arith.index_cast %mul3A_1220 : i32 to index
        %swap3A_1269 = tpu.vector_load %arg8[%swap3A_1265, %swap3A_1266, %swap3A_1267, %swap3A_1268] {strides = array<i32>} : memref<4x4x4x1024xf32, #tpu.memory_space<vmem>>, vector<1x1x1x16xf32>,
        %swap3A_1270 = vector.shape_cast %swap3A_1269 : vector<1x1x1x16xf32> to vector<16xf32>
        %swap3A_1271 = vector.shape_cast %add3A_1261 : vector<16xf32> to vector<1x1x1x16xf32>
        tpu.vector_store %arg8[%swap3A_1265, %swap3A_1266, %swap3A_1267, %swap3A_1268], %swap3A_1271 {strides = array<i32>} : memref<4x4x4x1024xf32, #tpu.memory_space<vmem>>, vector<1x1x1x16xf32>,
        %get3A_1272 = arith.constant 1 : i32
        %get3A_1273 = arith.constant 2 : i32
        %get3A_1274 = arith.constant 0 : i32
        %get3A_1275 = arith.index_cast %get3A_1272 : i32 to index
        %get3A_1276 = arith.index_cast %get3A_1273 : i32 to index
        %get3A_1277 = arith.index_cast %get3A_1274 : i32 to index
        %get3A_1278 = arith.index_cast %mul3A_1220 : i32 to index
        %get3A_1279 = tpu.vector_load %arg8[%get3A_1275, %get3A_1276, %get3A_1277, %get3A_1278] {strides = array<i32>} : memref<4x4x4x1024xf32, #tpu.memory_space<vmem>>, vector<1x1x1x16xf32>,
        %get3A_1280 = vector.shape_cast %get3A_1279 : vector<1x1x1x16xf32> to vector<16xf32>
        %mul3A_1281 = arith.constant 3.200000e+01 : f32
        %mul3A_1282 = vector.broadcast %mul3A_1281 : f32 to vector<16xf32>
        %mul3A_1283 = arith.mulf %get3A_1280, %mul3A_1282 : vector<16xf32>
        %add3A_1284 = arith.addf %mul3A_1283, %get3A_1226 : vector<16xf32>
        %swap3A_1285 = arith.constant 1 : i32
        %swap3A_1286 = arith.constant 2 : i32
        %swap3A_1287 = arith.constant 0 : i32
        %swap3A_1288 = arith.index_cast %swap3A_1285 : i32 to index
        %swap3A_1289 = arith.index_cast %swap3A_1286 : i32 to index
        %swap3A_1290 = arith.index_cast %swap3A_1287 : i32 to index
        %swap3A_1291 = arith.index_cast %mul3A_1220 : i32 to index
        %swap3A_1292 = tpu.vector_load %arg8[%swap3A_1288, %swap3A_1289, %swap3A_1290, %swap3A_1291] {strides = array<i32>} : memref<4x4x4x1024xf32, #tpu.memory_space<vmem>>, vector<1x1x1x16xf32>,
        %swap3A_1293 = vector.shape_cast %swap3A_1292 : vector<1x1x1x16xf32> to vector<16xf32>
        %swap3A_1294 = vector.shape_cast %add3A_1284 : vector<16xf32> to vector<1x1x1x16xf32>
        tpu.vector_store %arg8[%swap3A_1288, %swap3A_1289, %swap3A_1290, %swap3A_1291], %swap3A_1294 {strides = array<i32>} : memref<4x4x4x1024xf32, #tpu.memory_space<vmem>>, vector<1x1x1x16xf32>,
        %get3A_1295 = arith.constant 1 : i32
        %get3A_1296 = arith.constant 3 : i32
        %get3A_1297 = arith.constant 0 : i32
        %get3A_1298 = arith.index_cast %get3A_1295 : i32 to index
        %get3A_1299 = arith.index_cast %get3A_1296 : i32 to index
        %get3A_1300 = arith.index_cast %get3A_1297 : i32 to index
        %get3A_1301 = arith.index_cast %mul3A_1220 : i32 to index
        %get3A_1302 = tpu.vector_load %arg8[%get3A_1298, %get3A_1299, %get3A_1300, %get3A_1301] {strides = array<i32>} : memref<4x4x4x1024xf32, #tpu.memory_space<vmem>>, vector<1x1x1x16xf32>,
        %get3A_1303 = vector.shape_cast %get3A_1302 : vector<1x1x1x16xf32> to vector<16xf32>
        %mul3A_1304 = arith.constant 3.200000e+01 : f32
        %mul3A_1305 = vector.broadcast %mul3A_1304 : f32 to vector<16xf32>
        %mul3A_1306 = arith.mulf %get3A_1303, %mul3A_1305 : vector<16xf32>
        %add3A_1307 = arith.addf %mul3A_1306, %get3A_1226 : vector<16xf32>
        %swap3A_1308 = arith.constant 1 : i32
        %swap3A_1309 = arith.constant 3 : i32
        %swap3A_1310 = arith.constant 0 : i32
        %swap3A_1311 = arith.index_cast %swap3A_1308 : i32 to index
        %swap3A_1312 = arith.index_cast %swap3A_1309 : i32 to index
        %swap3A_1313 = arith.index_cast %swap3A_1310 : i32 to index
        %swap3A_1314 = arith.index_cast %mul3A_1220 : i32 to index
        %swap3A_1315 = tpu.vector_load %arg8[%swap3A_1311, %swap3A_1312, %swap3A_1313, %swap3A_1314] {strides = array<i32>} : memref<4x4x4x1024xf32, #tpu.memory_space<vmem>>, vector<1x1x1x16xf32>,
        %swap3A_1316 = vector.shape_cast %swap3A_1315 : vector<1x1x1x16xf32> to vector<16xf32>
        %swap3A_1317 = vector.shape_cast %add3A_1307 : vector<16xf32> to vector<1x1x1x16xf32>
        tpu.vector_store %arg8[%swap3A_1311, %swap3A_1312, %swap3A_1313, %swap3A_1314], %swap3A_1317 {strides = array<i32>} : memref<4x4x4x1024xf32, #tpu.memory_space<vmem>>, vector<1x1x1x16xf32>,
        %get3A_1318 = arith.constant 1 : i32
        %get3A_1319 = arith.constant 1 : i32
        %get3A_1320 = arith.index_cast %get3A_1318 : i32 to index
        %get3A_1321 = arith.index_cast %get3A_1319 : i32 to index
        %get3A_1322 = arith.index_cast %mul3A_1220 : i32 to index
        %get3A_1323 = tpu.vector_load %arg7[%get3A_1320, %get3A_1321, %get3A_1322] {strides = array<i32>} : memref<2x4x1024xf32, #tpu.memory_space<vmem>>, vector<1x1x16xf32>,
        %get3A_1324 = vector.shape_cast %get3A_1323 : vector<1x1x16xf32> to vector<16xf32>
        %get3A_1325 = arith.constant 1 : i32
        %get3A_1326 = arith.constant 0 : i32
        %get3A_1327 = arith.constant 1 : i32
        %get3A_1328 = arith.index_cast %get3A_1325 : i32 to index
        %get3A_1329 = arith.index_cast %get3A_1326 : i32 to index
        %get3A_1330 = arith.index_cast %get3A_1327 : i32 to index
        %get3A_1331 = arith.index_cast %mul3A_1220 : i32 to index
        %get3A_1332 = tpu.vector_load %arg8[%get3A_1328, %get3A_1329, %get3A_1330, %get3A_1331] {strides = array<i32>} : memref<4x4x4x1024xf32, #tpu.memory_space<vmem>>, vector<1x1x1x16xf32>,
        %get3A_1333 = vector.shape_cast %get3A_1332 : vector<1x1x1x16xf32> to vector<16xf32>
        %mul3A_1334 = arith.constant 3.200000e+01 : f32
        %mul3A_1335 = vector.broadcast %mul3A_1334 : f32 to vector<16xf32>
        %mul3A_1336 = arith.mulf %get3A_1333, %mul3A_1335 : vector<16xf32>
        %add3A_1337 = arith.addf %mul3A_1336, %get3A_1324 : vector<16xf32>
        %swap3A_1338 = arith.constant 1 : i32
        %swap3A_1339 = arith.constant 0 : i32
        %swap3A_1340 = arith.constant 1 : i32
        %swap3A_1341 = arith.index_cast %swap3A_1338 : i32 to index
        %swap3A_1342 = arith.index_cast %swap3A_1339 : i32 to index
        %swap3A_1343 = arith.index_cast %swap3A_1340 : i32 to index
        %swap3A_1344 = arith.index_cast %mul3A_1220 : i32 to index
        %swap3A_1345 = tpu.vector_load %arg8[%swap3A_1341, %swap3A_1342, %swap3A_1343, %swap3A_1344] {strides = array<i32>} : memref<4x4x4x1024xf32, #tpu.memory_space<vmem>>, vector<1x1x1x16xf32>,
        %swap3A_1346 = vector.shape_cast %swap3A_1345 : vector<1x1x1x16xf32> to vector<16xf32>
        %swap3A_1347 = vector.shape_cast %add3A_1337 : vector<16xf32> to vector<1x1x1x16xf32>
        tpu.vector_store %arg8[%swap3A_1341, %swap3A_1342, %swap3A_1343, %swap3A_1344], %swap3A_1347 {strides = array<i32>} : memref<4x4x4x1024xf32, #tpu.memory_space<vmem>>, vector<1x1x1x16xf32>,
        %get3A_1348 = arith.constant 1 : i32
        %get3A_1349 = arith.constant 1 : i32
        %get3A_1350 = arith.constant 1 : i32
        %get3A_1351 = arith.index_cast %get3A_1348 : i32 to index
        %get3A_1352 = arith.index_cast %get3A_1349 : i32 to index
        %get3A_1353 = arith.index_cast %get3A_1350 : i32 to index
        %get3A_1354 = arith.index_cast %mul3A_1220 : i32 to index
        %get3A_1355 = tpu.vector_load %arg8[%get3A_1351, %get3A_1352, %get3A_1353, %get3A_1354] {strides = array<i32>} : memref<4x4x4x1024xf32, #tpu.memory_space<vmem>>, vector<1x1x1x16xf32>,
        %get3A_1356 = vector.shape_cast %get3A_1355 : vector<1x1x1x16xf32> to vector<16xf32>
        %mul3A_1357 = arith.constant 3.200000e+01 : f32
        %mul3A_1358 = vector.broadcast %mul3A_1357 : f32 to vector<16xf32>
        %mul3A_1359 = arith.mulf %get3A_1356, %mul3A_1358 : vector<16xf32>
        %add3A_1360 = arith.addf %mul3A_1359, %get3A_1324 : vector<16xf32>
        %swap3A_1361 = arith.constant 1 : i32
        %swap3A_1362 = arith.constant 1 : i32
        %swap3A_1363 = arith.constant 1 : i32
        %swap3A_1364 = arith.index_cast %swap3A_1361 : i32 to index
        %swap3A_1365 = arith.index_cast %swap3A_1362 : i32 to index
        %swap3A_1366 = arith.index_cast %swap3A_1363 : i32 to index
        %swap3A_1367 = arith.index_cast %mul3A_1220 : i32 to index
        %swap3A_1368 = tpu.vector_load %arg8[%swap3A_1364, %swap3A_1365, %swap3A_1366, %swap3A_1367] {strides = array<i32>} : memref<4x4x4x1024xf32, #tpu.memory_space<vmem>>, vector<1x1x1x16xf32>,
        %swap3A_1369 = vector.shape_cast %swap3A_1368 : vector<1x1x1x16xf32> to vector<16xf32>
        %swap3A_1370 = vector.shape_cast %add3A_1360 : vector<16xf32> to vector<1x1x1x16xf32>
        tpu.vector_store %arg8[%swap3A_1364, %swap3A_1365, %swap3A_1366, %swap3A_1367], %swap3A_1370 {strides = array<i32>} : memref<4x4x4x1024xf32, #tpu.memory_space<vmem>>, vector<1x1x1x16xf32>,
        %get3A_1371 = arith.constant 1 : i32
        %get3A_1372 = arith.constant 2 : i32
        %get3A_1373 = arith.constant 1 : i32
        %get3A_1374 = arith.index_cast %get3A_1371 : i32 to index
        %get3A_1375 = arith.index_cast %get3A_1372 : i32 to index
        %get3A_1376 = arith.index_cast %get3A_1373 : i32 to index
        %get3A_1377 = arith.index_cast %mul3A_1220 : i32 to index
        %get3A_1378 = tpu.vector_load %arg8[%get3A_1374, %get3A_1375, %get3A_1376, %get3A_1377] {strides = array<i32>} : memref<4x4x4x1024xf32, #tpu.memory_space<vmem>>, vector<1x1x1x16xf32>,
        %get3A_1379 = vector.shape_cast %get3A_1378 : vector<1x1x1x16xf32> to vector<16xf32>
        %mul3A_1380 = arith.constant 3.200000e+01 : f32
        %mul3A_1381 = vector.broadcast %mul3A_1380 : f32 to vector<16xf32>
        %mul3A_1382 = arith.mulf %get3A_1379, %mul3A_1381 : vector<16xf32>
        %add3A_1383 = arith.addf %mul3A_1382, %get3A_1324 : vector<16xf32>
        %swap3A_1384 = arith.constant 1 : i32
        %swap3A_1385 = arith.constant 2 : i32
        %swap3A_1386 = arith.constant 1 : i32
        %swap3A_1387 = arith.index_cast %swap3A_1384 : i32 to index
        %swap3A_1388 = arith.index_cast %swap3A_1385 : i32 to index
        %swap3A_1389 = arith.index_cast %swap3A_1386 : i32 to index
        %swap3A_1390 = arith.index_cast %mul3A_1220 : i32 to index
        %swap3A_1391 = tpu.vector_load %arg8[%swap3A_1387, %swap3A_1388, %swap3A_1389, %swap3A_1390] {strides = array<i32>} : memref<4x4x4x1024xf32, #tpu.memory_space<vmem>>, vector<1x1x1x16xf32>,
        %swap3A_1392 = vector.shape_cast %swap3A_1391 : vector<1x1x1x16xf32> to vector<16xf32>
        %swap3A_1393 = vector.shape_cast %add3A_1383 : vector<16xf32> to vector<1x1x1x16xf32>
        tpu.vector_store %arg8[%swap3A_1387, %swap3A_1388, %swap3A_1389, %swap3A_1390], %swap3A_1393 {strides = array<i32>} : memref<4x4x4x1024xf32, #tpu.memory_space<vmem>>, vector<1x1x1x16xf32>,
        %get3A_1394 = arith.constant 1 : i32
        %get3A_1395 = arith.constant 3 : i32
        %get3A_1396 = arith.constant 1 : i32
        %get3A_1397 = arith.index_cast %get3A_1394 : i32 to index
        %get3A_1398 = arith.index_cast %get3A_1395 : i32 to index
        %get3A_1399 = arith.index_cast %get3A_1396 : i32 to index
        %get3A_1400 = arith.index_cast %mul3A_1220 : i32 to index
        %get3A_1401 = tpu.vector_load %arg8[%get3A_1397, %get3A_1398, %get3A_1399, %get3A_1400] {strides = array<i32>} : memref<4x4x4x1024xf32, #tpu.memory_space<vmem>>, vector<1x1x1x16xf32>,
        %get3A_1402 = vector.shape_cast %get3A_1401 : vector<1x1x1x16xf32> to vector<16xf32>
        %mul3A_1403 = arith.constant 3.200000e+01 : f32
        %mul3A_1404 = vector.broadcast %mul3A_1403 : f32 to vector<16xf32>
        %mul3A_1405 = arith.mulf %get3A_1402, %mul3A_1404 : vector<16xf32>
        %add3A_1406 = arith.addf %mul3A_1405, %get3A_1324 : vector<16xf32>
        %swap3A_1407 = arith.constant 1 : i32
        %swap3A_1408 = arith.constant 3 : i32
        %swap3A_1409 = arith.constant 1 : i32
        %swap3A_1410 = arith.index_cast %swap3A_1407 : i32 to index
        %swap3A_1411 = arith.index_cast %swap3A_1408 : i32 to index
        %swap3A_1412 = arith.index_cast %swap3A_1409 : i32 to index
        %swap3A_1413 = arith.index_cast %mul3A_1220 : i32 to index
        %swap3A_1414 = tpu.vector_load %arg8[%swap3A_1410, %swap3A_1411, %swap3A_1412, %swap3A_1413] {strides = array<i32>} : memref<4x4x4x1024xf32, #tpu.memory_space<vmem>>, vector<1x1x1x16xf32>,
        %swap3A_1415 = vector.shape_cast %swap3A_1414 : vector<1x1x1x16xf32> to vector<16xf32>
        %swap3A_1416 = vector.shape_cast %add3A_1406 : vector<16xf32> to vector<1x1x1x16xf32>
        tpu.vector_store %arg8[%swap3A_1410, %swap3A_1411, %swap3A_1412, %swap3A_1413], %swap3A_1416 {strides = array<i32>} : memref<4x4x4x1024xf32, #tpu.memory_space<vmem>>, vector<1x1x1x16xf32>,
        %get3A_1417 = arith.constant 1 : i32
        %get3A_1418 = arith.constant 2 : i32
        %get3A_1419 = arith.index_cast %get3A_1417 : i32 to index
        %get3A_1420 = arith.index_cast %get3A_1418 : i32 to index
        %get3A_1421 = arith.index_cast %mul3A_1220 : i32 to index
        %get3A_1422 = tpu.vector_load %arg7[%get3A_1419, %get3A_1420, %get3A_1421] {strides = array<i32>} : memref<2x4x1024xf32, #tpu.memory_space<vmem>>, vector<1x1x16xf32>,
        %get3A_1423 = vector.shape_cast %get3A_1422 : vector<1x1x16xf32> to vector<16xf32>
        %get3A_1424 = arith.constant 1 : i32
        %get3A_1425 = arith.constant 0 : i32
        %get3A_1426 = arith.constant 2 : i32
        %get3A_1427 = arith.index_cast %get3A_1424 : i32 to index
        %get3A_1428 = arith.index_cast %get3A_1425 : i32 to index
        %get3A_1429 = arith.index_cast %get3A_1426 : i32 to index
        %get3A_1430 = arith.index_cast %mul3A_1220 : i32 to index
        %get3A_1431 = tpu.vector_load %arg8[%get3A_1427, %get3A_1428, %get3A_1429, %get3A_1430] {strides = array<i32>} : memref<4x4x4x1024xf32, #tpu.memory_space<vmem>>, vector<1x1x1x16xf32>,
        %get3A_1432 = vector.shape_cast %get3A_1431 : vector<1x1x1x16xf32> to vector<16xf32>
        %mul3A_1433 = arith.constant 3.200000e+01 : f32
        %mul3A_1434 = vector.broadcast %mul3A_1433 : f32 to vector<16xf32>
        %mul3A_1435 = arith.mulf %get3A_1432, %mul3A_1434 : vector<16xf32>
        %add3A_1436 = arith.addf %mul3A_1435, %get3A_1423 : vector<16xf32>
        %swap3A_1437 = arith.constant 1 : i32
        %swap3A_1438 = arith.constant 0 : i32
        %swap3A_1439 = arith.constant 2 : i32
        %swap3A_1440 = arith.index_cast %swap3A_1437 : i32 to index
        %swap3A_1441 = arith.index_cast %swap3A_1438 : i32 to index
        %swap3A_1442 = arith.index_cast %swap3A_1439 : i32 to index
        %swap3A_1443 = arith.index_cast %mul3A_1220 : i32 to index
        %swap3A_1444 = tpu.vector_load %arg8[%swap3A_1440, %swap3A_1441, %swap3A_1442, %swap3A_1443] {strides = array<i32>} : memref<4x4x4x1024xf32, #tpu.memory_space<vmem>>, vector<1x1x1x16xf32>,
        %swap3A_1445 = vector.shape_cast %swap3A_1444 : vector<1x1x1x16xf32> to vector<16xf32>
        %swap3A_1446 = vector.shape_cast %add3A_1436 : vector<16xf32> to vector<1x1x1x16xf32>
        tpu.vector_store %arg8[%swap3A_1440, %swap3A_1441, %swap3A_1442, %swap3A_1443], %swap3A_1446 {strides = array<i32>} : memref<4x4x4x1024xf32, #tpu.memory_space<vmem>>, vector<1x1x1x16xf32>,
        %get3A_1447 = arith.constant 1 : i32
        %get3A_1448 = arith.constant 1 : i32
        %get3A_1449 = arith.constant 2 : i32
        %get3A_1450 = arith.index_cast %get3A_1447 : i32 to index
        %get3A_1451 = arith.index_cast %get3A_1448 : i32 to index
        %get3A_1452 = arith.index_cast %get3A_1449 : i32 to index
        %get3A_1453 = arith.index_cast %mul3A_1220 : i32 to index
        %get3A_1454 = tpu.vector_load %arg8[%get3A_1450, %get3A_1451, %get3A_1452, %get3A_1453] {strides = array<i32>} : memref<4x4x4x1024xf32, #tpu.memory_space<vmem>>, vector<1x1x1x16xf32>,
        %get3A_1455 = vector.shape_cast %get3A_1454 : vector<1x1x1x16xf32> to vector<16xf32>
        %mul3A_1456 = arith.constant 3.200000e+01 : f32
        %mul3A_1457 = vector.broadcast %mul3A_1456 : f32 to vector<16xf32>
        %mul3A_1458 = arith.mulf %get3A_1455, %mul3A_1457 : vector<16xf32>
        %add3A_1459 = arith.addf %mul3A_1458, %get3A_1423 : vector<16xf32>
        %swap3A_1460 = arith.constant 1 : i32
        %swap3A_1461 = arith.constant 1 : i32
        %swap3A_1462 = arith.constant 2 : i32
        %swap3A_1463 = arith.index_cast %swap3A_1460 : i32 to index
        %swap3A_1464 = arith.index_cast %swap3A_1461 : i32 to index
        %swap3A_1465 = arith.index_cast %swap3A_1462 : i32 to index
        %swap3A_1466 = arith.index_cast %mul3A_1220 : i32 to index
        %swap3A_1467 = tpu.vector_load %arg8[%swap3A_1463, %swap3A_1464, %swap3A_1465, %swap3A_1466] {strides = array<i32>} : memref<4x4x4x1024xf32, #tpu.memory_space<vmem>>, vector<1x1x1x16xf32>,
        %swap3A_1468 = vector.shape_cast %swap3A_1467 : vector<1x1x1x16xf32> to vector<16xf32>
        %swap3A_1469 = vector.shape_cast %add3A_1459 : vector<16xf32> to vector<1x1x1x16xf32>
        tpu.vector_store %arg8[%swap3A_1463, %swap3A_1464, %swap3A_1465, %swap3A_1466], %swap3A_1469 {strides = array<i32>} : memref<4x4x4x1024xf32, #tpu.memory_space<vmem>>, vector<1x1x1x16xf32>,
        %get3A_1470 = arith.constant 1 : i32
        %get3A_1471 = arith.constant 2 : i32
        %get3A_1472 = arith.constant 2 : i32
        %get3A_1473 = arith.index_cast %get3A_1470 : i32 to index
        %get3A_1474 = arith.index_cast %get3A_1471 : i32 to index
        %get3A_1475 = arith.index_cast %get3A_1472 : i32 to index
        %get3A_1476 = arith.index_cast %mul3A_1220 : i32 to index
        %get3A_1477 = tpu.vector_load %arg8[%get3A_1473, %get3A_1474, %get3A_1475, %get3A_1476] {strides = array<i32>} : memref<4x4x4x1024xf32, #tpu.memory_space<vmem>>, vector<1x1x1x16xf32>,
        %get3A_1478 = vector.shape_cast %get3A_1477 : vector<1x1x1x16xf32> to vector<16xf32>
        %mul3A_1479 = arith.constant 3.200000e+01 : f32
        %mul3A_1480 = vector.broadcast %mul3A_1479 : f32 to vector<16xf32>
        %mul3A_1481 = arith.mulf %get3A_1478, %mul3A_1480 : vector<16xf32>
        %add3A_1482 = arith.addf %mul3A_1481, %get3A_1423 : vector<16xf32>
        %swap3A_1483 = arith.constant 1 : i32
        %swap3A_1484 = arith.constant 2 : i32
        %swap3A_1485 = arith.constant 2 : i32
        %swap3A_1486 = arith.index_cast %swap3A_1483 : i32 to index
        %swap3A_1487 = arith.index_cast %swap3A_1484 : i32 to index
        %swap3A_1488 = arith.index_cast %swap3A_1485 : i32 to index
        %swap3A_1489 = arith.index_cast %mul3A_1220 : i32 to index
        %swap3A_1490 = tpu.vector_load %arg8[%swap3A_1486, %swap3A_1487, %swap3A_1488, %swap3A_1489] {strides = array<i32>} : memref<4x4x4x1024xf32, #tpu.memory_space<vmem>>, vector<1x1x1x16xf32>,
        %swap3A_1491 = vector.shape_cast %swap3A_1490 : vector<1x1x1x16xf32> to vector<16xf32>
        %swap3A_1492 = vector.shape_cast %add3A_1482 : vector<16xf32> to vector<1x1x1x16xf32>
        tpu.vector_store %arg8[%swap3A_1486, %swap3A_1487, %swap3A_1488, %swap3A_1489], %swap3A_1492 {strides = array<i32>} : memref<4x4x4x1024xf32, #tpu.memory_space<vmem>>, vector<1x1x1x16xf32>,
        %get3A_1493 = arith.constant 1 : i32
        %get3A_1494 = arith.constant 3 : i32
        %get3A_1495 = arith.constant 2 : i32
        %get3A_1496 = arith.index_cast %get3A_1493 : i32 to index
        %get3A_1497 = arith.index_cast %get3A_1494 : i32 to index
        %get3A_1498 = arith.index_cast %get3A_1495 : i32 to index
        %get3A_1499 = arith.index_cast %mul3A_1220 : i32 to index
        %get3A_1500 = tpu.vector_load %arg8[%get3A_1496, %get3A_1497, %get3A_1498, %get3A_1499] {strides = array<i32>} : memref<4x4x4x1024xf32, #tpu.memory_space<vmem>>, vector<1x1x1x16xf32>,
        %get3A_1501 = vector.shape_cast %get3A_1500 : vector<1x1x1x16xf32> to vector<16xf32>
        %mul3A_1502 = arith.constant 3.200000e+01 : f32
        %mul3A_1503 = vector.broadcast %mul3A_1502 : f32 to vector<16xf32>
        %mul3A_1504 = arith.mulf %get3A_1501, %mul3A_1503 : vector<16xf32>
        %add3A_1505 = arith.addf %mul3A_1504, %get3A_1423 : vector<16xf32>
        %swap3A_1506 = arith.constant 1 : i32
        %swap3A_1507 = arith.constant 3 : i32
        %swap3A_1508 = arith.constant 2 : i32
        %swap3A_1509 = arith.index_cast %swap3A_1506 : i32 to index
        %swap3A_1510 = arith.index_cast %swap3A_1507 : i32 to index
        %swap3A_1511 = arith.index_cast %swap3A_1508 : i32 to index
        %swap3A_1512 = arith.index_cast %mul3A_1220 : i32 to index
        %swap3A_1513 = tpu.vector_load %arg8[%swap3A_1509, %swap3A_1510, %swap3A_1511, %swap3A_1512] {strides = array<i32>} : memref<4x4x4x1024xf32, #tpu.memory_space<vmem>>, vector<1x1x1x16xf32>,
        %swap3A_1514 = vector.shape_cast %swap3A_1513 : vector<1x1x1x16xf32> to vector<16xf32>
        %swap3A_1515 = vector.shape_cast %add3A_1505 : vector<16xf32> to vector<1x1x1x16xf32>
        tpu.vector_store %arg8[%swap3A_1509, %swap3A_1510, %swap3A_1511, %swap3A_1512], %swap3A_1515 {strides = array<i32>} : memref<4x4x4x1024xf32, #tpu.memory_space<vmem>>, vector<1x1x1x16xf32>,
        %get3A_1516 = arith.constant 1 : i32
        %get3A_1517 = arith.constant 3 : i32
        %get3A_1518 = arith.index_cast %get3A_1516 : i32 to index
        %get3A_1519 = arith.index_cast %get3A_1517 : i32 to index
        %get3A_1520 = arith.index_cast %mul3A_1220 : i32 to index
        %get3A_1521 = tpu.vector_load %arg7[%get3A_1518, %get3A_1519, %get3A_1520] {strides = array<i32>} : memref<2x4x1024xf32, #tpu.memory_space<vmem>>, vector<1x1x16xf32>,
        %get3A_1522 = vector.shape_cast %get3A_1521 : vector<1x1x16xf32> to vector<16xf32>
        %get3A_1523 = arith.constant 1 : i32
        %get3A_1524 = arith.constant 0 : i32
        %get3A_1525 = arith.constant 3 : i32
        %get3A_1526 = arith.index_cast %get3A_1523 : i32 to index
        %get3A_1527 = arith.index_cast %get3A_1524 : i32 to index
        %get3A_1528 = arith.index_cast %get3A_1525 : i32 to index
        %get3A_1529 = arith.index_cast %mul3A_1220 : i32 to index
        %get3A_1530 = tpu.vector_load %arg8[%get3A_1526, %get3A_1527, %get3A_1528, %get3A_1529] {strides = array<i32>} : memref<4x4x4x1024xf32, #tpu.memory_space<vmem>>, vector<1x1x1x16xf32>,
        %get3A_1531 = vector.shape_cast %get3A_1530 : vector<1x1x1x16xf32> to vector<16xf32>
        %mul3A_1532 = arith.constant 3.200000e+01 : f32
        %mul3A_1533 = vector.broadcast %mul3A_1532 : f32 to vector<16xf32>
        %mul3A_1534 = arith.mulf %get3A_1531, %mul3A_1533 : vector<16xf32>
        %add3A_1535 = arith.addf %mul3A_1534, %get3A_1522 : vector<16xf32>
        %swap3A_1536 = arith.constant 1 : i32
        %swap3A_1537 = arith.constant 0 : i32
        %swap3A_1538 = arith.constant 3 : i32
        %swap3A_1539 = arith.index_cast %swap3A_1536 : i32 to index
        %swap3A_1540 = arith.index_cast %swap3A_1537 : i32 to index
        %swap3A_1541 = arith.index_cast %swap3A_1538 : i32 to index
        %swap3A_1542 = arith.index_cast %mul3A_1220 : i32 to index
        %swap3A_1543 = tpu.vector_load %arg8[%swap3A_1539, %swap3A_1540, %swap3A_1541, %swap3A_1542] {strides = array<i32>} : memref<4x4x4x1024xf32, #tpu.memory_space<vmem>>, vector<1x1x1x16xf32>,
        %swap3A_1544 = vector.shape_cast %swap3A_1543 : vector<1x1x1x16xf32> to vector<16xf32>
        %swap3A_1545 = vector.shape_cast %add3A_1535 : vector<16xf32> to vector<1x1x1x16xf32>
        tpu.vector_store %arg8[%swap3A_1539, %swap3A_1540, %swap3A_1541, %swap3A_1542], %swap3A_1545 {strides = array<i32>} : memref<4x4x4x1024xf32, #tpu.memory_space<vmem>>, vector<1x1x1x16xf32>,
        %get3A_1546 = arith.constant 1 : i32
        %get3A_1547 = arith.constant 1 : i32
        %get3A_1548 = arith.constant 3 : i32
        %get3A_1549 = arith.index_cast %get3A_1546 : i32 to index
        %get3A_1550 = arith.index_cast %get3A_1547 : i32 to index
        %get3A_1551 = arith.index_cast %get3A_1548 : i32 to index
        %get3A_1552 = arith.index_cast %mul3A_1220 : i32 to index
        %get3A_1553 = tpu.vector_load %arg8[%get3A_1549, %get3A_1550, %get3A_1551, %get3A_1552] {strides = array<i32>} : memref<4x4x4x1024xf32, #tpu.memory_space<vmem>>, vector<1x1x1x16xf32>,
        %get3A_1554 = vector.shape_cast %get3A_1553 : vector<1x1x1x16xf32> to vector<16xf32>
        %mul3A_1555 = arith.constant 3.200000e+01 : f32
        %mul3A_1556 = vector.broadcast %mul3A_1555 : f32 to vector<16xf32>
        %mul3A_1557 = arith.mulf %get3A_1554, %mul3A_1556 : vector<16xf32>
        %add3A_1558 = arith.addf %mul3A_1557, %get3A_1522 : vector<16xf32>
        %swap3A_1559 = arith.constant 1 : i32
        %swap3A_1560 = arith.constant 1 : i32
        %swap3A_1561 = arith.constant 3 : i32
        %swap3A_1562 = arith.index_cast %swap3A_1559 : i32 to index
        %swap3A_1563 = arith.index_cast %swap3A_1560 : i32 to index
        %swap3A_1564 = arith.index_cast %swap3A_1561 : i32 to index
        %swap3A_1565 = arith.index_cast %mul3A_1220 : i32 to index
        %swap3A_1566 = tpu.vector_load %arg8[%swap3A_1562, %swap3A_1563, %swap3A_1564, %swap3A_1565] {strides = array<i32>} : memref<4x4x4x1024xf32, #tpu.memory_space<vmem>>, vector<1x1x1x16xf32>,
        %swap3A_1567 = vector.shape_cast %swap3A_1566 : vector<1x1x1x16xf32> to vector<16xf32>
        %swap3A_1568 = vector.shape_cast %add3A_1558 : vector<16xf32> to vector<1x1x1x16xf32>
        tpu.vector_store %arg8[%swap3A_1562, %swap3A_1563, %swap3A_1564, %swap3A_1565], %swap3A_1568 {strides = array<i32>} : memref<4x4x4x1024xf32, #tpu.memory_space<vmem>>, vector<1x1x1x16xf32>,
        %get3A_1569 = arith.constant 1 : i32
        %get3A_1570 = arith.constant 2 : i32
        %get3A_1571 = arith.constant 3 : i32
        %get3A_1572 = arith.index_cast %get3A_1569 : i32 to index
        %get3A_1573 = arith.index_cast %get3A_1570 : i32 to index
        %get3A_1574 = arith.index_cast %get3A_1571 : i32 to index
        %get3A_1575 = arith.index_cast %mul3A_1220 : i32 to index
        %get3A_1576 = tpu.vector_load %arg8[%get3A_1572, %get3A_1573, %get3A_1574, %get3A_1575] {strides = array<i32>} : memref<4x4x4x1024xf32, #tpu.memory_space<vmem>>, vector<1x1x1x16xf32>,
        %get3A_1577 = vector.shape_cast %get3A_1576 : vector<1x1x1x16xf32> to vector<16xf32>
        %mul3A_1578 = arith.constant 3.200000e+01 : f32
        %mul3A_1579 = vector.broadcast %mul3A_1578 : f32 to vector<16xf32>
        %mul3A_1580 = arith.mulf %get3A_1577, %mul3A_1579 : vector<16xf32>
        %add3A_1581 = arith.addf %mul3A_1580, %get3A_1522 : vector<16xf32>
        %swap3A_1582 = arith.constant 1 : i32
        %swap3A_1583 = arith.constant 2 : i32
        %swap3A_1584 = arith.constant 3 : i32
        %swap3A_1585 = arith.index_cast %swap3A_1582 : i32 to index
        %swap3A_1586 = arith.index_cast %swap3A_1583 : i32 to index
        %swap3A_1587 = arith.index_cast %swap3A_1584 : i32 to index
        %swap3A_1588 = arith.index_cast %mul3A_1220 : i32 to index
        %swap3A_1589 = tpu.vector_load %arg8[%swap3A_1585, %swap3A_1586, %swap3A_1587, %swap3A_1588] {strides = array<i32>} : memref<4x4x4x1024xf32, #tpu.memory_space<vmem>>, vector<1x1x1x16xf32>,
        %swap3A_1590 = vector.shape_cast %swap3A_1589 : vector<1x1x1x16xf32> to vector<16xf32>
        %swap3A_1591 = vector.shape_cast %add3A_1581 : vector<16xf32> to vector<1x1x1x16xf32>
        tpu.vector_store %arg8[%swap3A_1585, %swap3A_1586, %swap3A_1587, %swap3A_1588], %swap3A_1591 {strides = array<i32>} : memref<4x4x4x1024xf32, #tpu.memory_space<vmem>>, vector<1x1x1x16xf32>,
        %get3A_1592 = arith.constant 1 : i32
        %get3A_1593 = arith.constant 3 : i32
        %get3A_1594 = arith.constant 3 : i32
        %get3A_1595 = arith.index_cast %get3A_1592 : i32 to index
        %get3A_1596 = arith.index_cast %get3A_1593 : i32 to index
        %get3A_1597 = arith.index_cast %get3A_1594 : i32 to index
        %get3A_1598 = arith.index_cast %mul3A_1220 : i32 to index
        %get3A_1599 = tpu.vector_load %arg8[%get3A_1595, %get3A_1596, %get3A_1597, %get3A_1598] {strides = array<i32>} : memref<4x4x4x1024xf32, #tpu.memory_space<vmem>>, vector<1x1x1x16xf32>,
        %get3A_1600 = vector.shape_cast %get3A_1599 : vector<1x1x1x16xf32> to vector<16xf32>
        %mul3A_1601 = arith.constant 3.200000e+01 : f32
        %mul3A_1602 = vector.broadcast %mul3A_1601 : f32 to vector<16xf32>
        %mul3A_1603 = arith.mulf %get3A_1600, %mul3A_1602 : vector<16xf32>
        %add3A_1604 = arith.addf %mul3A_1603, %get3A_1522 : vector<16xf32>
        %swap3A_1605 = arith.constant 1 : i32
        %swap3A_1606 = arith.constant 3 : i32
        %swap3A_1607 = arith.constant 3 : i32
        %swap3A_1608 = arith.index_cast %swap3A_1605 : i32 to index
        %swap3A_1609 = arith.index_cast %swap3A_1606 : i32 to index
        %swap3A_1610 = arith.index_cast %swap3A_1607 : i32 to index
        %swap3A_1611 = arith.index_cast %mul3A_1220 : i32 to index
        %swap3A_1612 = tpu.vector_load %arg8[%swap3A_1608, %swap3A_1609, %swap3A_1610, %swap3A_1611] {strides = array<i32>} : memref<4x4x4x1024xf32, #tpu.memory_space<vmem>>, vector<1x1x1x16xf32>,
        %swap3A_1613 = vector.shape_cast %swap3A_1612 : vector<1x1x1x16xf32> to vector<16xf32>
        %swap3A_1614 = vector.shape_cast %add3A_1604 : vector<16xf32> to vector<1x1x1x16xf32>
        tpu.vector_store %arg8[%swap3A_1608, %swap3A_1609, %swap3A_1610, %swap3A_1611], %swap3A_1614 {strides = array<i32>} : memref<4x4x4x1024xf32, #tpu.memory_space<vmem>>, vector<1x1x1x16xf32>,
        %scan3A_1615 = arith.constant 0 : i32
        scf.yield %scan3A_1615 : i32
      }
      %scan3A_562 = arith.constant 64 : i32
      %add3A_563 = arith.constant 0 : i32
      %add3A_564 = arith.addi %add3A_563, %mul3A_2 : i32
      %mul3A_565 = arith.constant 4 : i32
      %mul3A_566 = arith.muli %add3A_491, %mul3A_565 : i32
      %add3A_567 = arith.addi %add3A_564, %mul3A_566 : i32
      %add3A_568 = arith.constant 4096 : i32
      %add3A_569 = arith.addi %add3A_568, %mul3A_2 : i32
      %mul3A_570 = arith.constant 4 : i32
      %mul3A_571 = arith.muli %add3A_491, %mul3A_570 : i32
      %add3A_572 = arith.addi %add3A_569, %mul3A_571 : i32
      %add3A_573 = arith.constant 8192 : i32
      %add3A_574 = arith.addi %add3A_573, %mul3A_2 : i32
      %mul3A_575 = arith.constant 4 : i32
      %mul3A_576 = arith.muli %add3A_491, %mul3A_575 : i32
      %add3A_577 = arith.addi %add3A_574, %mul3A_576 : i32
      %add3A_578 = arith.constant 12288 : i32
      %add3A_579 = arith.addi %add3A_578, %mul3A_2 : i32
      %mul3A_580 = arith.constant 4 : i32
      %mul3A_581 = arith.muli %add3A_491, %mul3A_580 : i32
      %add3A_582 = arith.addi %add3A_579, %mul3A_581 : i32
      %dma_start3A_583 = arith.constant 1 : i32
      %dma_start3A_584 = arith.constant 0 : i32
      %dma_start3A_585 = arith.constant 0 : i32
      %dma_start3A_586 = arith.constant 0 : i32
      %dma_start3A_587 = tpu.memref_slice %arg8[%dma_start3A_583, %dma_start3A_584, %dma_start3A_585, %dma_start3A_586] : memref<4x4x4x1024xf32, #tpu.memory_space<vmem>> -> memref<1x1x4x1024xf32, #tpu.memory_space<vmem>>
      %dma_start3A_588 = tpu.memref_squeeze %dma_start3A_587 : memref<1x1x4x1024xf32, #tpu.memory_space<vmem>> -> memref<4x1024xf32, #tpu.memory_space<vmem>>
      %dma_start3A_589 = arith.constant 0 : i32
      %dma_start3A_590 = tpu.memref_slice %arg5[%add3A_567, %dma_start3A_589] : memref<16384x1024xf32, #tpu.memory_space<hbm>> -> memref<4x1024xf32, #tpu.memory_space<hbm>>
      %dma_start3A_591 = arith.constant 0 : i32
      %dma_start3A_592 = tpu.memref_slice %arg5[%add3A_567, %dma_start3A_591] : memref<16384x1024xf32, #tpu.memory_space<hbm>> -> memref<4x1024xf32, #tpu.memory_space<hbm>>
      %dma_start3A_593 = arith.constant 0 : i32
      %dma_start3A_594 = arith.constant 0 : i32
      %dma_start3A_595 = tpu.memref_slice %arg8[%dma_start3A_583, %dma_start3A_584, %dma_start3A_593, %dma_start3A_594] : memref<4x4x4x1024xf32, #tpu.memory_space<vmem>> -> memref<1x1x4x1024xf32, #tpu.memory_space<vmem>>
      %dma_start3A_596 = tpu.memref_squeeze %dma_start3A_595 : memref<1x1x4x1024xf32, #tpu.memory_space<vmem>> -> memref<4x1024xf32, #tpu.memory_space<vmem>>
      tpu.enqueue_dma source(%dma_start3A_596 : memref<4x1024xf32, #tpu.memory_space<vmem>>) target(%dma_start3A_592 : memref<4x1024xf32, #tpu.memory_space<hbm>>) target_semaphore(%arg11 : memref<!tpu.dma_semaphore, #tpu.memory_space<semaphore_mem>>)
      %dma_start3A_597 = arith.constant 1 : i32
      %dma_start3A_598 = arith.constant 1 : i32
      %dma_start3A_599 = arith.constant 0 : i32
      %dma_start3A_600 = arith.constant 0 : i32
      %dma_start3A_601 = tpu.memref_slice %arg8[%dma_start3A_597, %dma_start3A_598, %dma_start3A_599, %dma_start3A_600] : memref<4x4x4x1024xf32, #tpu.memory_space<vmem>> -> memref<1x1x4x1024xf32, #tpu.memory_space<vmem>>
      %dma_start3A_602 = tpu.memref_squeeze %dma_start3A_601 : memref<1x1x4x1024xf32, #tpu.memory_space<vmem>> -> memref<4x1024xf32, #tpu.memory_space<vmem>>
      %dma_start3A_603 = arith.constant 0 : i32
      %dma_start3A_604 = tpu.memref_slice %arg5[%add3A_572, %dma_start3A_603] : memref<16384x1024xf32, #tpu.memory_space<hbm>> -> memref<4x1024xf32, #tpu.memory_space<hbm>>
      %dma_start3A_605 = arith.constant 0 : i32
      %dma_start3A_606 = tpu.memref_slice %arg5[%add3A_572, %dma_start3A_605] : memref<16384x1024xf32, #tpu.memory_space<hbm>> -> memref<4x1024xf32, #tpu.memory_space<hbm>>
      %dma_start3A_607 = arith.constant 0 : i32
      %dma_start3A_608 = arith.constant 0 : i32
      %dma_start3A_609 = tpu.memref_slice %arg8[%dma_start3A_597, %dma_start3A_598, %dma_start3A_607, %dma_start3A_608] : memref<4x4x4x1024xf32, #tpu.memory_space<vmem>> -> memref<1x1x4x1024xf32, #tpu.memory_space<vmem>>
      %dma_start3A_610 = tpu.memref_squeeze %dma_start3A_609 : memref<1x1x4x1024xf32, #tpu.memory_space<vmem>> -> memref<4x1024xf32, #tpu.memory_space<vmem>>
      tpu.enqueue_dma source(%dma_start3A_610 : memref<4x1024xf32, #tpu.memory_space<vmem>>) target(%dma_start3A_606 : memref<4x1024xf32, #tpu.memory_space<hbm>>) target_semaphore(%arg11 : memref<!tpu.dma_semaphore, #tpu.memory_space<semaphore_mem>>)
      %dma_start3A_611 = arith.constant 1 : i32
      %dma_start3A_612 = arith.constant 2 : i32
      %dma_start3A_613 = arith.constant 0 : i32
      %dma_start3A_614 = arith.constant 0 : i32
      %dma_start3A_615 = tpu.memref_slice %arg8[%dma_start3A_611, %dma_start3A_612, %dma_start3A_613, %dma_start3A_614] : memref<4x4x4x1024xf32, #tpu.memory_space<vmem>> -> memref<1x1x4x1024xf32, #tpu.memory_space<vmem>>
      %dma_start3A_616 = tpu.memref_squeeze %dma_start3A_615 : memref<1x1x4x1024xf32, #tpu.memory_space<vmem>> -> memref<4x1024xf32, #tpu.memory_space<vmem>>
      %dma_start3A_617 = arith.constant 0 : i32
      %dma_start3A_618 = tpu.memref_slice %arg5[%add3A_577, %dma_start3A_617] : memref<16384x1024xf32, #tpu.memory_space<hbm>> -> memref<4x1024xf32, #tpu.memory_space<hbm>>
      %dma_start3A_619 = arith.constant 0 : i32
      %dma_start3A_620 = tpu.memref_slice %arg5[%add3A_577, %dma_start3A_619] : memref<16384x1024xf32, #tpu.memory_space<hbm>> -> memref<4x1024xf32, #tpu.memory_space<hbm>>
      %dma_start3A_621 = arith.constant 0 : i32
      %dma_start3A_622 = arith.constant 0 : i32
      %dma_start3A_623 = tpu.memref_slice %arg8[%dma_start3A_611, %dma_start3A_612, %dma_start3A_621, %dma_start3A_622] : memref<4x4x4x1024xf32, #tpu.memory_space<vmem>> -> memref<1x1x4x1024xf32, #tpu.memory_space<vmem>>
      %dma_start3A_624 = tpu.memref_squeeze %dma_start3A_623 : memref<1x1x4x1024xf32, #tpu.memory_space<vmem>> -> memref<4x1024xf32, #tpu.memory_space<vmem>>
      tpu.enqueue_dma source(%dma_start3A_624 : memref<4x1024xf32, #tpu.memory_space<vmem>>) target(%dma_start3A_620 : memref<4x1024xf32, #tpu.memory_space<hbm>>) target_semaphore(%arg11 : memref<!tpu.dma_semaphore, #tpu.memory_space<semaphore_mem>>)
      %dma_start3A_625 = arith.constant 1 : i32
      %dma_start3A_626 = arith.constant 3 : i32
      %dma_start3A_627 = arith.constant 0 : i32
      %dma_start3A_628 = arith.constant 0 : i32
      %dma_start3A_629 = tpu.memref_slice %arg8[%dma_start3A_625, %dma_start3A_626, %dma_start3A_627, %dma_start3A_628] : memref<4x4x4x1024xf32, #tpu.memory_space<vmem>> -> memref<1x1x4x1024xf32, #tpu.memory_space<vmem>>
      %dma_start3A_630 = tpu.memref_squeeze %dma_start3A_629 : memref<1x1x4x1024xf32, #tpu.memory_space<vmem>> -> memref<4x1024xf32, #tpu.memory_space<vmem>>
      %dma_start3A_631 = arith.constant 0 : i32
      %dma_start3A_632 = tpu.memref_slice %arg5[%add3A_582, %dma_start3A_631] : memref<16384x1024xf32, #tpu.memory_space<hbm>> -> memref<4x1024xf32, #tpu.memory_space<hbm>>
      %dma_start3A_633 = arith.constant 0 : i32
      %dma_start3A_634 = tpu.memref_slice %arg5[%add3A_582, %dma_start3A_633] : memref<16384x1024xf32, #tpu.memory_space<hbm>> -> memref<4x1024xf32, #tpu.memory_space<hbm>>
      %dma_start3A_635 = arith.constant 0 : i32
      %dma_start3A_636 = arith.constant 0 : i32
      %dma_start3A_637 = tpu.memref_slice %arg8[%dma_start3A_625, %dma_start3A_626, %dma_start3A_635, %dma_start3A_636] : memref<4x4x4x1024xf32, #tpu.memory_space<vmem>> -> memref<1x1x4x1024xf32, #tpu.memory_space<vmem>>
      %dma_start3A_638 = tpu.memref_squeeze %dma_start3A_637 : memref<1x1x4x1024xf32, #tpu.memory_space<vmem>> -> memref<4x1024xf32, #tpu.memory_space<vmem>>
      tpu.enqueue_dma source(%dma_start3A_638 : memref<4x1024xf32, #tpu.memory_space<vmem>>) target(%dma_start3A_634 : memref<4x1024xf32, #tpu.memory_space<hbm>>) target_semaphore(%arg11 : memref<!tpu.dma_semaphore, #tpu.memory_space<semaphore_mem>>)
      %sub3A = arith.constant 1 : i32
      %sub3A_639 = arith.subi %add3A_491, %sub3A : i32
      %add3A_640 = arith.constant 0 : i32
      %add3A_641 = arith.addi %add3A_640, %mul3A_2 : i32
      %mul3A_642 = arith.constant 4 : i32
      %mul3A_643 = arith.muli %sub3A_639, %mul3A_642 : i32
      %add3A_644 = arith.addi %add3A_641, %mul3A_643 : i32
      %add3A_645 = arith.constant 4096 : i32
      %add3A_646 = arith.addi %add3A_645, %mul3A_2 : i32
      %mul3A_647 = arith.constant 4 : i32
      %mul3A_648 = arith.muli %sub3A_639, %mul3A_647 : i32
      %add3A_649 = arith.addi %add3A_646, %mul3A_648 : i32
      %add3A_650 = arith.constant 8192 : i32
      %add3A_651 = arith.addi %add3A_650, %mul3A_2 : i32
      %mul3A_652 = arith.constant 4 : i32
      %mul3A_653 = arith.muli %sub3A_639, %mul3A_652 : i32
      %add3A_654 = arith.addi %add3A_651, %mul3A_653 : i32
      %add3A_655 = arith.constant 12288 : i32
      %add3A_656 = arith.addi %add3A_655, %mul3A_2 : i32
      %mul3A_657 = arith.constant 4 : i32
      %mul3A_658 = arith.muli %sub3A_639, %mul3A_657 : i32
      %add3A_659 = arith.addi %add3A_656, %mul3A_658 : i32
      %dma_wait3A_660 = arith.constant 0 : i32
      %dma_wait3A_661 = arith.constant 0 : i32
      %dma_wait3A_662 = arith.constant 0 : i32
      %dma_wait3A_663 = arith.constant 0 : i32
      %dma_wait3A_664 = tpu.memref_slice %arg8[%dma_wait3A_660, %dma_wait3A_661, %dma_wait3A_662, %dma_wait3A_663] : memref<4x4x4x1024xf32, #tpu.memory_space<vmem>> -> memref<1x1x4x1024xf32, #tpu.memory_space<vmem>>
      %dma_wait3A_665 = tpu.memref_squeeze %dma_wait3A_664 : memref<1x1x4x1024xf32, #tpu.memory_space<vmem>> -> memref<4x1024xf32, #tpu.memory_space<vmem>>
      %dma_wait3A_666 = arith.constant 0 : i32
      %dma_wait3A_667 = tpu.memref_slice %arg5[%add3A_644, %dma_wait3A_666] : memref<16384x1024xf32, #tpu.memory_space<hbm>> -> memref<4x1024xf32, #tpu.memory_space<hbm>>
      %dma_wait3A_668 = arith.constant 0 : i32
      %dma_wait3A_669 = tpu.memref_slice %arg5[%add3A_644, %dma_wait3A_668] : memref<16384x1024xf32, #tpu.memory_space<hbm>> -> memref<4x1024xf32, #tpu.memory_space<hbm>>
      %dma_wait3A_670 = arith.constant 0 : i32
      %dma_wait3A_671 = arith.constant 0 : i32
      %dma_wait3A_672 = tpu.memref_slice %arg8[%dma_wait3A_660, %dma_wait3A_661, %dma_wait3A_670, %dma_wait3A_671] : memref<4x4x4x1024xf32, #tpu.memory_space<vmem>> -> memref<1x1x4x1024xf32, #tpu.memory_space<vmem>>
      %dma_wait3A_673 = tpu.memref_squeeze %dma_wait3A_672 : memref<1x1x4x1024xf32, #tpu.memory_space<vmem>> -> memref<4x1024xf32, #tpu.memory_space<vmem>>
      tpu.wait_dma2 semaphore(%arg11 : memref<!tpu.dma_semaphore, #tpu.memory_space<semaphore_mem>>) src(%dma_wait3A_673 : memref<4x1024xf32, #tpu.memory_space<vmem>>) dst(%dma_wait3A_669 : memref<4x1024xf32, #tpu.memory_space<hbm>>)
      %dma_wait3A_674 = arith.constant 0 : i32
      %dma_wait3A_675 = arith.constant 1 : i32
      %dma_wait3A_676 = arith.constant 0 : i32
      %dma_wait3A_677 = arith.constant 0 : i32
      %dma_wait3A_678 = tpu.memref_slice %arg8[%dma_wait3A_674, %dma_wait3A_675, %dma_wait3A_676, %dma_wait3A_677] : memref<4x4x4x1024xf32, #tpu.memory_space<vmem>> -> memref<1x1x4x1024xf32, #tpu.memory_space<vmem>>
      %dma_wait3A_679 = tpu.memref_squeeze %dma_wait3A_678 : memref<1x1x4x1024xf32, #tpu.memory_space<vmem>> -> memref<4x1024xf32, #tpu.memory_space<vmem>>
      %dma_wait3A_680 = arith.constant 0 : i32
      %dma_wait3A_681 = tpu.memref_slice %arg5[%add3A_649, %dma_wait3A_680] : memref<16384x1024xf32, #tpu.memory_space<hbm>> -> memref<4x1024xf32, #tpu.memory_space<hbm>>
      %dma_wait3A_682 = arith.constant 0 : i32
      %dma_wait3A_683 = tpu.memref_slice %arg5[%add3A_649, %dma_wait3A_682] : memref<16384x1024xf32, #tpu.memory_space<hbm>> -> memref<4x1024xf32, #tpu.memory_space<hbm>>
      %dma_wait3A_684 = arith.constant 0 : i32
      %dma_wait3A_685 = arith.constant 0 : i32
      %dma_wait3A_686 = tpu.memref_slice %arg8[%dma_wait3A_674, %dma_wait3A_675, %dma_wait3A_684, %dma_wait3A_685] : memref<4x4x4x1024xf32, #tpu.memory_space<vmem>> -> memref<1x1x4x1024xf32, #tpu.memory_space<vmem>>
      %dma_wait3A_687 = tpu.memref_squeeze %dma_wait3A_686 : memref<1x1x4x1024xf32, #tpu.memory_space<vmem>> -> memref<4x1024xf32, #tpu.memory_space<vmem>>
      tpu.wait_dma2 semaphore(%arg11 : memref<!tpu.dma_semaphore, #tpu.memory_space<semaphore_mem>>) src(%dma_wait3A_687 : memref<4x1024xf32, #tpu.memory_space<vmem>>) dst(%dma_wait3A_683 : memref<4x1024xf32, #tpu.memory_space<hbm>>)
      %dma_wait3A_688 = arith.constant 0 : i32
      %dma_wait3A_689 = arith.constant 2 : i32
      %dma_wait3A_690 = arith.constant 0 : i32
      %dma_wait3A_691 = arith.constant 0 : i32
      %dma_wait3A_692 = tpu.memref_slice %arg8[%dma_wait3A_688, %dma_wait3A_689, %dma_wait3A_690, %dma_wait3A_691] : memref<4x4x4x1024xf32, #tpu.memory_space<vmem>> -> memref<1x1x4x1024xf32, #tpu.memory_space<vmem>>
      %dma_wait3A_693 = tpu.memref_squeeze %dma_wait3A_692 : memref<1x1x4x1024xf32, #tpu.memory_space<vmem>> -> memref<4x1024xf32, #tpu.memory_space<vmem>>
      %dma_wait3A_694 = arith.constant 0 : i32
      %dma_wait3A_695 = tpu.memref_slice %arg5[%add3A_654, %dma_wait3A_694] : memref<16384x1024xf32, #tpu.memory_space<hbm>> -> memref<4x1024xf32, #tpu.memory_space<hbm>>
      %dma_wait3A_696 = arith.constant 0 : i32
      %dma_wait3A_697 = tpu.memref_slice %arg5[%add3A_654, %dma_wait3A_696] : memref<16384x1024xf32, #tpu.memory_space<hbm>> -> memref<4x1024xf32, #tpu.memory_space<hbm>>
      %dma_wait3A_698 = arith.constant 0 : i32
      %dma_wait3A_699 = arith.constant 0 : i32
      %dma_wait3A_700 = tpu.memref_slice %arg8[%dma_wait3A_688, %dma_wait3A_689, %dma_wait3A_698, %dma_wait3A_699] : memref<4x4x4x1024xf32, #tpu.memory_space<vmem>> -> memref<1x1x4x1024xf32, #tpu.memory_space<vmem>>
      %dma_wait3A_701 = tpu.memref_squeeze %dma_wait3A_700 : memref<1x1x4x1024xf32, #tpu.memory_space<vmem>> -> memref<4x1024xf32, #tpu.memory_space<vmem>>
      tpu.wait_dma2 semaphore(%arg11 : memref<!tpu.dma_semaphore, #tpu.memory_space<semaphore_mem>>) src(%dma_wait3A_701 : memref<4x1024xf32, #tpu.memory_space<vmem>>) dst(%dma_wait3A_697 : memref<4x1024xf32, #tpu.memory_space<hbm>>)
      %dma_wait3A_702 = arith.constant 0 : i32
      %dma_wait3A_703 = arith.constant 3 : i32
      %dma_wait3A_704 = arith.constant 0 : i32
      %dma_wait3A_705 = arith.constant 0 : i32
      %dma_wait3A_706 = tpu.memref_slice %arg8[%dma_wait3A_702, %dma_wait3A_703, %dma_wait3A_704, %dma_wait3A_705] : memref<4x4x4x1024xf32, #tpu.memory_space<vmem>> -> memref<1x1x4x1024xf32, #tpu.memory_space<vmem>>
      %dma_wait3A_707 = tpu.memref_squeeze %dma_wait3A_706 : memref<1x1x4x1024xf32, #tpu.memory_space<vmem>> -> memref<4x1024xf32, #tpu.memory_space<vmem>>
      %dma_wait3A_708 = arith.constant 0 : i32
      %dma_wait3A_709 = tpu.memref_slice %arg5[%add3A_659, %dma_wait3A_708] : memref<16384x1024xf32, #tpu.memory_space<hbm>> -> memref<4x1024xf32, #tpu.memory_space<hbm>>
      %dma_wait3A_710 = arith.constant 0 : i32
      %dma_wait3A_711 = tpu.memref_slice %arg5[%add3A_659, %dma_wait3A_710] : memref<16384x1024xf32, #tpu.memory_space<hbm>> -> memref<4x1024xf32, #tpu.memory_space<hbm>>
      %dma_wait3A_712 = arith.constant 0 : i32
      %dma_wait3A_713 = arith.constant 0 : i32
      %dma_wait3A_714 = tpu.memref_slice %arg8[%dma_wait3A_702, %dma_wait3A_703, %dma_wait3A_712, %dma_wait3A_713] : memref<4x4x4x1024xf32, #tpu.memory_space<vmem>> -> memref<1x1x4x1024xf32, #tpu.memory_space<vmem>>
      %dma_wait3A_715 = tpu.memref_squeeze %dma_wait3A_714 : memref<1x1x4x1024xf32, #tpu.memory_space<vmem>> -> memref<4x1024xf32, #tpu.memory_space<vmem>>
      tpu.wait_dma2 semaphore(%arg11 : memref<!tpu.dma_semaphore, #tpu.memory_space<semaphore_mem>>) src(%dma_wait3A_715 : memref<4x1024xf32, #tpu.memory_space<vmem>>) dst(%dma_wait3A_711 : memref<4x1024xf32, #tpu.memory_space<hbm>>)
      %lt3A = arith.constant 7 : i32
      %lt3A_716 = arith.cmpi slt, %scan3A_265, %lt3A : i32
      %convert_element_type3A_717 = arith.extui %lt3A_716 : i1 to i32
      %cond3A_718 = arith.constant 0 : i32
      %cond3A_719 = arith.cmpi ne, %convert_element_type3A_717, %cond3A_718 : i32
      scf.if %cond3A_719 {
        %add3A_1217 = arith.constant 3 : i32
        %add3A_1218 = arith.addi %add3A_491, %add3A_1217 : i32
        %dma_start3A_1219 = arith.constant 0 : i32
        %dma_start3A_1220 = arith.constant 0 : i32
        %dma_start3A_1221 = arith.constant 0 : i32
        %dma_start3A_1222 = arith.constant 0 : i32
        %dma_start3A_1223 = tpu.memref_slice %arg8[%dma_start3A_1219, %dma_start3A_1220, %dma_start3A_1221, %dma_start3A_1222] : memref<4x4x4x1024xf32, #tpu.memory_space<vmem>> -> memref<1x1x4x1024xf32, #tpu.memory_space<vmem>>
        %dma_start3A_1224 = tpu.memref_squeeze %dma_start3A_1223 : memref<1x1x4x1024xf32, #tpu.memory_space<vmem>> -> memref<4x1024xf32, #tpu.memory_space<vmem>>
        %dma_start3A_1225 = arith.constant 0 : i32
        %dma_start3A_1226 = tpu.memref_slice %arg6[%add3A_1218, %dma_start3A_1225] : memref<32x16xi32, #tpu.memory_space<vmem>> -> memref<1x4xi32, #tpu.memory_space<vmem>>
        %dma_start3A_1227 = tpu.memref_squeeze %dma_start3A_1226 : memref<1x4xi32, #tpu.memory_space<vmem>> -> memref<4xi32, #tpu.memory_space<vmem>>
        %dma_start3A_1228 = arith.constant 0 : i32
        %dma_start3A_1229 = arith.constant 0 : i32
        %dma_start3A_1230 = tpu.memref_slice %arg3[%dma_start3A_1228, %dma_start3A_1229] : memref<100000x1024xf32, #tpu.memory_space<hbm>> -> memref<100000x1024xf32, #tpu.memory_space<hbm>>
        tpu.enqueue_indirect_dma source(%dma_start3A_1230 : memref<100000x1024xf32, #tpu.memory_space<hbm>>) target(%dma_start3A_1224 : memref<4x1024xf32, #tpu.memory_space<vmem>>) offsets(%dma_start3A_1227 : memref<4xi32, #tpu.memory_space<vmem>>) semaphore(%arg9 : memref<!tpu.dma_semaphore, #tpu.memory_space<semaphore_mem>>)
        %dma_start3A_1231 = arith.constant 0 : i32
        %dma_start3A_1232 = arith.constant 1 : i32
        %dma_start3A_1233 = arith.constant 0 : i32
        %dma_start3A_1234 = arith.constant 0 : i32
        %dma_start3A_1235 = tpu.memref_slice %arg8[%dma_start3A_1231, %dma_start3A_1232, %dma_start3A_1233, %dma_start3A_1234] : memref<4x4x4x1024xf32, #tpu.memory_space<vmem>> -> memref<1x1x4x1024xf32, #tpu.memory_space<vmem>>
        %dma_start3A_1236 = tpu.memref_squeeze %dma_start3A_1235 : memref<1x1x4x1024xf32, #tpu.memory_space<vmem>> -> memref<4x1024xf32, #tpu.memory_space<vmem>>
        %dma_start3A_1237 = arith.constant 4 : i32
        %dma_start3A_1238 = tpu.memref_slice %arg6[%add3A_1218, %dma_start3A_1237] : memref<32x16xi32, #tpu.memory_space<vmem>> -> memref<1x4xi32, #tpu.memory_space<vmem>>
        %dma_start3A_1239 = tpu.memref_squeeze %dma_start3A_1238 : memref<1x4xi32, #tpu.memory_space<vmem>> -> memref<4xi32, #tpu.memory_space<vmem>>
        %dma_start3A_1240 = arith.constant 0 : i32
        %dma_start3A_1241 = arith.constant 0 : i32
        %dma_start3A_1242 = tpu.memref_slice %arg3[%dma_start3A_1240, %dma_start3A_1241] : memref<100000x1024xf32, #tpu.memory_space<hbm>> -> memref<100000x1024xf32, #tpu.memory_space<hbm>>
        tpu.enqueue_indirect_dma source(%dma_start3A_1242 : memref<100000x1024xf32, #tpu.memory_space<hbm>>) target(%dma_start3A_1236 : memref<4x1024xf32, #tpu.memory_space<vmem>>) offsets(%dma_start3A_1239 : memref<4xi32, #tpu.memory_space<vmem>>) semaphore(%arg9 : memref<!tpu.dma_semaphore, #tpu.memory_space<semaphore_mem>>)
        %dma_start3A_1243 = arith.constant 0 : i32
        %dma_start3A_1244 = arith.constant 2 : i32
        %dma_start3A_1245 = arith.constant 0 : i32
        %dma_start3A_1246 = arith.constant 0 : i32
        %dma_start3A_1247 = tpu.memref_slice %arg8[%dma_start3A_1243, %dma_start3A_1244, %dma_start3A_1245, %dma_start3A_1246] : memref<4x4x4x1024xf32, #tpu.memory_space<vmem>> -> memref<1x1x4x1024xf32, #tpu.memory_space<vmem>>
        %dma_start3A_1248 = tpu.memref_squeeze %dma_start3A_1247 : memref<1x1x4x1024xf32, #tpu.memory_space<vmem>> -> memref<4x1024xf32, #tpu.memory_space<vmem>>
        %dma_start3A_1249 = arith.constant 8 : i32
        %dma_start3A_1250 = tpu.memref_slice %arg6[%add3A_1218, %dma_start3A_1249] : memref<32x16xi32, #tpu.memory_space<vmem>> -> memref<1x4xi32, #tpu.memory_space<vmem>>
        %dma_start3A_1251 = tpu.memref_squeeze %dma_start3A_1250 : memref<1x4xi32, #tpu.memory_space<vmem>> -> memref<4xi32, #tpu.memory_space<vmem>>
        %dma_start3A_1252 = arith.constant 0 : i32
        %dma_start3A_1253 = arith.constant 0 : i32
        %dma_start3A_1254 = tpu.memref_slice %arg3[%dma_start3A_1252, %dma_start3A_1253] : memref<100000x1024xf32, #tpu.memory_space<hbm>> -> memref<100000x1024xf32, #tpu.memory_space<hbm>>
        tpu.enqueue_indirect_dma source(%dma_start3A_1254 : memref<100000x1024xf32, #tpu.memory_space<hbm>>) target(%dma_start3A_1248 : memref<4x1024xf32, #tpu.memory_space<vmem>>) offsets(%dma_start3A_1251 : memref<4xi32, #tpu.memory_space<vmem>>) semaphore(%arg9 : memref<!tpu.dma_semaphore, #tpu.memory_space<semaphore_mem>>)
        %dma_start3A_1255 = arith.constant 0 : i32
        %dma_start3A_1256 = arith.constant 3 : i32
        %dma_start3A_1257 = arith.constant 0 : i32
        %dma_start3A_1258 = arith.constant 0 : i32
        %dma_start3A_1259 = tpu.memref_slice %arg8[%dma_start3A_1255, %dma_start3A_1256, %dma_start3A_1257, %dma_start3A_1258] : memref<4x4x4x1024xf32, #tpu.memory_space<vmem>> -> memref<1x1x4x1024xf32, #tpu.memory_space<vmem>>
        %dma_start3A_1260 = tpu.memref_squeeze %dma_start3A_1259 : memref<1x1x4x1024xf32, #tpu.memory_space<vmem>> -> memref<4x1024xf32, #tpu.memory_space<vmem>>
        %dma_start3A_1261 = arith.constant 12 : i32
        %dma_start3A_1262 = tpu.memref_slice %arg6[%add3A_1218, %dma_start3A_1261] : memref<32x16xi32, #tpu.memory_space<vmem>> -> memref<1x4xi32, #tpu.memory_space<vmem>>
        %dma_start3A_1263 = tpu.memref_squeeze %dma_start3A_1262 : memref<1x4xi32, #tpu.memory_space<vmem>> -> memref<4xi32, #tpu.memory_space<vmem>>
        %dma_start3A_1264 = arith.constant 0 : i32
        %dma_start3A_1265 = arith.constant 0 : i32
        %dma_start3A_1266 = tpu.memref_slice %arg3[%dma_start3A_1264, %dma_start3A_1265] : memref<100000x1024xf32, #tpu.memory_space<hbm>> -> memref<100000x1024xf32, #tpu.memory_space<hbm>>
        tpu.enqueue_indirect_dma source(%dma_start3A_1266 : memref<100000x1024xf32, #tpu.memory_space<hbm>>) target(%dma_start3A_1260 : memref<4x1024xf32, #tpu.memory_space<vmem>>) offsets(%dma_start3A_1263 : memref<4xi32, #tpu.memory_space<vmem>>) semaphore(%arg9 : memref<!tpu.dma_semaphore, #tpu.memory_space<semaphore_mem>>)
      } else {
      }
      %add3A_720 = arith.constant 2 : i32
      %add3A_721 = arith.addi %add3A_491, %add3A_720 : i32
      %mul3A_722 = arith.constant 4 : i32
      %mul3A_723 = arith.muli %add3A_721, %mul3A_722 : i32
      %add3A_724 = arith.addi %mul3A_2, %mul3A_723 : i32
      %dma_start3A_725 = arith.constant 1 : i32
      %dma_start3A_726 = arith.constant 0 : i32
      %dma_start3A_727 = arith.constant 0 : i32
      %dma_start3A_728 = tpu.memref_slice %arg7[%dma_start3A_725, %dma_start3A_726, %dma_start3A_727] : memref<2x4x1024xf32, #tpu.memory_space<vmem>> -> memref<1x4x1024xf32, #tpu.memory_space<vmem>>
      %dma_start3A_729 = tpu.memref_squeeze %dma_start3A_728 : memref<1x4x1024xf32, #tpu.memory_space<vmem>> -> memref<4x1024xf32, #tpu.memory_space<vmem>>
      %dma_start3A_730 = arith.constant 0 : i32
      %dma_start3A_731 = tpu.memref_slice %arg4[%add3A_724, %dma_start3A_730] : memref<4096x1024xf32, #tpu.memory_space<hbm>> -> memref<4x1024xf32, #tpu.memory_space<hbm>>
      %dma_start3A_732 = arith.constant 0 : i32
      %dma_start3A_733 = arith.constant 0 : i32
      %dma_start3A_734 = tpu.memref_slice %arg7[%dma_start3A_725, %dma_start3A_732, %dma_start3A_733] : memref<2x4x1024xf32, #tpu.memory_space<vmem>> -> memref<1x4x1024xf32, #tpu.memory_space<vmem>>
      %dma_start3A_735 = tpu.memref_squeeze %dma_start3A_734 : memref<1x4x1024xf32, #tpu.memory_space<vmem>> -> memref<4x1024xf32, #tpu.memory_space<vmem>>
      %dma_start3A_736 = arith.constant 0 : i32
      %dma_start3A_737 = tpu.memref_slice %arg4[%add3A_724, %dma_start3A_736] : memref<4096x1024xf32, #tpu.memory_space<hbm>> -> memref<4x1024xf32, #tpu.memory_space<hbm>>
      tpu.enqueue_dma source(%dma_start3A_737 : memref<4x1024xf32, #tpu.memory_space<hbm>>) target(%dma_start3A_735 : memref<4x1024xf32, #tpu.memory_space<vmem>>) target_semaphore(%arg10 : memref<!tpu.dma_semaphore, #tpu.memory_space<semaphore_mem>>)
      %mul3A_738 = arith.constant 4 : i32
      %mul3A_739 = arith.muli %scan3A_265, %mul3A_738 : i32
      %add3A_740 = arith.constant 2 : i32
      %add3A_741 = arith.addi %mul3A_739, %add3A_740 : i32
      %dma_wait3A_742 = arith.constant 2 : i32
      %dma_wait3A_743 = arith.constant 0 : i32
      %dma_wait3A_744 = arith.constant 0 : i32
      %dma_wait3A_745 = arith.constant 0 : i32
      %dma_wait3A_746 = tpu.memref_slice %arg8[%dma_wait3A_742, %dma_wait3A_743, %dma_wait3A_744, %dma_wait3A_745] : memref<4x4x4x1024xf32, #tpu.memory_space<vmem>> -> memref<1x1x4x1024xf32, #tpu.memory_space<vmem>>
      %dma_wait3A_747 = tpu.memref_squeeze %dma_wait3A_746 : memref<1x1x4x1024xf32, #tpu.memory_space<vmem>> -> memref<4x1024xf32, #tpu.memory_space<vmem>>
      %dma_wait3A_748 = arith.constant 0 : i32
      %dma_wait3A_749 = tpu.memref_slice %arg6[%add3A_741, %dma_wait3A_748] : memref<32x16xi32, #tpu.memory_space<vmem>> -> memref<1x4xi32, #tpu.memory_space<vmem>>
      %dma_wait3A_750 = tpu.memref_squeeze %dma_wait3A_749 : memref<1x4xi32, #tpu.memory_space<vmem>> -> memref<4xi32, #tpu.memory_space<vmem>>
      %dma_wait3A_751 = arith.constant 0 : i32
      %dma_wait3A_752 = arith.constant 0 : i32
      %dma_wait3A_753 = tpu.memref_slice %arg3[%dma_wait3A_751, %dma_wait3A_752] : memref<100000x1024xf32, #tpu.memory_space<hbm>> -> memref<100000x1024xf32, #tpu.memory_space<hbm>>
      tpu.wait_indirect_dma semaphore(%arg9 : memref<!tpu.dma_semaphore, #tpu.memory_space<semaphore_mem>>) src(%dma_wait3A_753 : memref<100000x1024xf32, #tpu.memory_space<hbm>>) dst(%dma_wait3A_747 : memref<4x1024xf32, #tpu.memory_space<vmem>>)
      %dma_wait3A_754 = arith.constant 2 : i32
      %dma_wait3A_755 = arith.constant 1 : i32
      %dma_wait3A_756 = arith.constant 0 : i32
      %dma_wait3A_757 = arith.constant 0 : i32
      %dma_wait3A_758 = tpu.memref_slice %arg8[%dma_wait3A_754, %dma_wait3A_755, %dma_wait3A_756, %dma_wait3A_757] : memref<4x4x4x1024xf32, #tpu.memory_space<vmem>> -> memref<1x1x4x1024xf32, #tpu.memory_space<vmem>>
      %dma_wait3A_759 = tpu.memref_squeeze %dma_wait3A_758 : memref<1x1x4x1024xf32, #tpu.memory_space<vmem>> -> memref<4x1024xf32, #tpu.memory_space<vmem>>
      %dma_wait3A_760 = arith.constant 4 : i32
      %dma_wait3A_761 = tpu.memref_slice %arg6[%add3A_741, %dma_wait3A_760] : memref<32x16xi32, #tpu.memory_space<vmem>> -> memref<1x4xi32, #tpu.memory_space<vmem>>
      %dma_wait3A_762 = tpu.memref_squeeze %dma_wait3A_761 : memref<1x4xi32, #tpu.memory_space<vmem>> -> memref<4xi32, #tpu.memory_space<vmem>>
      %dma_wait3A_763 = arith.constant 0 : i32
      %dma_wait3A_764 = arith.constant 0 : i32
      %dma_wait3A_765 = tpu.memref_slice %arg3[%dma_wait3A_763, %dma_wait3A_764] : memref<100000x1024xf32, #tpu.memory_space<hbm>> -> memref<100000x1024xf32, #tpu.memory_space<hbm>>
      tpu.wait_indirect_dma semaphore(%arg9 : memref<!tpu.dma_semaphore, #tpu.memory_space<semaphore_mem>>) src(%dma_wait3A_765 : memref<100000x1024xf32, #tpu.memory_space<hbm>>) dst(%dma_wait3A_759 : memref<4x1024xf32, #tpu.memory_space<vmem>>)
      %dma_wait3A_766 = arith.constant 2 : i32
      %dma_wait3A_767 = arith.constant 2 : i32
      %dma_wait3A_768 = arith.constant 0 : i32
      %dma_wait3A_769 = arith.constant 0 : i32
      %dma_wait3A_770 = tpu.memref_slice %arg8[%dma_wait3A_766, %dma_wait3A_767, %dma_wait3A_768, %dma_wait3A_769] : memref<4x4x4x1024xf32, #tpu.memory_space<vmem>> -> memref<1x1x4x1024xf32, #tpu.memory_space<vmem>>
      %dma_wait3A_771 = tpu.memref_squeeze %dma_wait3A_770 : memref<1x1x4x1024xf32, #tpu.memory_space<vmem>> -> memref<4x1024xf32, #tpu.memory_space<vmem>>
      %dma_wait3A_772 = arith.constant 8 : i32
      %dma_wait3A_773 = tpu.memref_slice %arg6[%add3A_741, %dma_wait3A_772] : memref<32x16xi32, #tpu.memory_space<vmem>> -> memref<1x4xi32, #tpu.memory_space<vmem>>
      %dma_wait3A_774 = tpu.memref_squeeze %dma_wait3A_773 : memref<1x4xi32, #tpu.memory_space<vmem>> -> memref<4xi32, #tpu.memory_space<vmem>>
      %dma_wait3A_775 = arith.constant 0 : i32
      %dma_wait3A_776 = arith.constant 0 : i32
      %dma_wait3A_777 = tpu.memref_slice %arg3[%dma_wait3A_775, %dma_wait3A_776] : memref<100000x1024xf32, #tpu.memory_space<hbm>> -> memref<100000x1024xf32, #tpu.memory_space<hbm>>
      tpu.wait_indirect_dma semaphore(%arg9 : memref<!tpu.dma_semaphore, #tpu.memory_space<semaphore_mem>>) src(%dma_wait3A_777 : memref<100000x1024xf32, #tpu.memory_space<hbm>>) dst(%dma_wait3A_771 : memref<4x1024xf32, #tpu.memory_space<vmem>>)
      %dma_wait3A_778 = arith.constant 2 : i32
      %dma_wait3A_779 = arith.constant 3 : i32
      %dma_wait3A_780 = arith.constant 0 : i32
      %dma_wait3A_781 = arith.constant 0 : i32
      %dma_wait3A_782 = tpu.memref_slice %arg8[%dma_wait3A_778, %dma_wait3A_779, %dma_wait3A_780, %dma_wait3A_781] : memref<4x4x4x1024xf32, #tpu.memory_space<vmem>> -> memref<1x1x4x1024xf32, #tpu.memory_space<vmem>>
      %dma_wait3A_783 = tpu.memref_squeeze %dma_wait3A_782 : memref<1x1x4x1024xf32, #tpu.memory_space<vmem>> -> memref<4x1024xf32, #tpu.memory_space<vmem>>
      %dma_wait3A_784 = arith.constant 12 : i32
      %dma_wait3A_785 = tpu.memref_slice %arg6[%add3A_741, %dma_wait3A_784] : memref<32x16xi32, #tpu.memory_space<vmem>> -> memref<1x4xi32, #tpu.memory_space<vmem>>
      %dma_wait3A_786 = tpu.memref_squeeze %dma_wait3A_785 : memref<1x4xi32, #tpu.memory_space<vmem>> -> memref<4xi32, #tpu.memory_space<vmem>>
      %dma_wait3A_787 = arith.constant 0 : i32
      %dma_wait3A_788 = arith.constant 0 : i32
      %dma_wait3A_789 = tpu.memref_slice %arg3[%dma_wait3A_787, %dma_wait3A_788] : memref<100000x1024xf32, #tpu.memory_space<hbm>> -> memref<100000x1024xf32, #tpu.memory_space<hbm>>
      tpu.wait_indirect_dma semaphore(%arg9 : memref<!tpu.dma_semaphore, #tpu.memory_space<semaphore_mem>>) src(%dma_wait3A_789 : memref<100000x1024xf32, #tpu.memory_space<hbm>>) dst(%dma_wait3A_783 : memref<4x1024xf32, #tpu.memory_space<vmem>>)
      %mul3A_790 = arith.constant 4 : i32
      %mul3A_791 = arith.muli %add3A_741, %mul3A_790 : i32
      %add3A_792 = arith.addi %mul3A_2, %mul3A_791 : i32
      %dma_wait3A_793 = arith.constant 0 : i32
      %dma_wait3A_794 = arith.constant 0 : i32
      %dma_wait3A_795 = arith.constant 0 : i32
      %dma_wait3A_796 = tpu.memref_slice %arg7[%dma_wait3A_793, %dma_wait3A_794, %dma_wait3A_795] : memref<2x4x1024xf32, #tpu.memory_space<vmem>> -> memref<1x4x1024xf32, #tpu.memory_space<vmem>>
      %dma_wait3A_797 = tpu.memref_squeeze %dma_wait3A_796 : memref<1x4x1024xf32, #tpu.memory_space<vmem>> -> memref<4x1024xf32, #tpu.memory_space<vmem>>
      %dma_wait3A_798 = arith.constant 0 : i32
      %dma_wait3A_799 = tpu.memref_slice %arg4[%add3A_792, %dma_wait3A_798] : memref<4096x1024xf32, #tpu.memory_space<hbm>> -> memref<4x1024xf32, #tpu.memory_space<hbm>>
      %dma_wait3A_800 = arith.constant 0 : i32
      %dma_wait3A_801 = arith.constant 0 : i32
      %dma_wait3A_802 = tpu.memref_slice %arg7[%dma_wait3A_793, %dma_wait3A_800, %dma_wait3A_801] : memref<2x4x1024xf32, #tpu.memory_space<vmem>> -> memref<1x4x1024xf32, #tpu.memory_space<vmem>>
      %dma_wait3A_803 = tpu.memref_squeeze %dma_wait3A_802 : memref<1x4x1024xf32, #tpu.memory_space<vmem>> -> memref<4x1024xf32, #tpu.memory_space<vmem>>
      %dma_wait3A_804 = arith.constant 0 : i32
      %dma_wait3A_805 = tpu.memref_slice %arg4[%add3A_792, %dma_wait3A_804] : memref<4096x1024xf32, #tpu.memory_space<hbm>> -> memref<4x1024xf32, #tpu.memory_space<hbm>>
      tpu.wait_dma2 semaphore(%arg10 : memref<!tpu.dma_semaphore, #tpu.memory_space<semaphore_mem>>) src(%dma_wait3A_805 : memref<4x1024xf32, #tpu.memory_space<hbm>>) dst(%dma_wait3A_803 : memref<4x1024xf32, #tpu.memory_space<vmem>>)
      %scan3A_806 = arith.constant 0 : i32
      %scan3A_807 = arith.constant 0 : i32
      %scan3A_808 = arith.constant 64 : i32
      %scan3A_809 = arith.addi %scan3A_807, %scan3A_808 : i32
      %scan3A_810 = arith.constant 1 : i32
      %scan3A_811 = scf.for %scan3A_1217 = %scan3A_807 to %scan3A_809 step %scan3A_810 iter_args(%scan3A_1218 = %scan3A_806) -> (i32)  : i32 {
        %mul3A_1219 = arith.constant 16 : i32
        %mul3A_1220 = arith.muli %scan3A_1217, %mul3A_1219 : i32
        %get3A = arith.constant 0 : i32
        %get3A_1221 = arith.constant 0 : i32
        %get3A_1222 = arith.index_cast %get3A : i32 to index
        %get3A_1223 = arith.index_cast %get3A_1221 : i32 to index
        %get3A_1224 = arith.index_cast %mul3A_1220 : i32 to index
        %get3A_1225 = tpu.vector_load %arg7[%get3A_1222, %get3A_1223, %get3A_1224] {strides = array<i32>} : memref<2x4x1024xf32, #tpu.memory_space<vmem>>, vector<1x1x16xf32>,
        %get3A_1226 = vector.shape_cast %get3A_1225 : vector<1x1x16xf32> to vector<16xf32>
        %get3A_1227 = arith.constant 2 : i32
        %get3A_1228 = arith.constant 0 : i32
        %get3A_1229 = arith.constant 0 : i32
        %get3A_1230 = arith.index_cast %get3A_1227 : i32 to index
        %get3A_1231 = arith.index_cast %get3A_1228 : i32 to index
        %get3A_1232 = arith.index_cast %get3A_1229 : i32 to index
        %get3A_1233 = arith.index_cast %mul3A_1220 : i32 to index
        %get3A_1234 = tpu.vector_load %arg8[%get3A_1230, %get3A_1231, %get3A_1232, %get3A_1233] {strides = array<i32>} : memref<4x4x4x1024xf32, #tpu.memory_space<vmem>>, vector<1x1x1x16xf32>,
        %get3A_1235 = vector.shape_cast %get3A_1234 : vector<1x1x1x16xf32> to vector<16xf32>
        %mul3A_1236 = arith.constant 3.200000e+01 : f32
        %mul3A_1237 = vector.broadcast %mul3A_1236 : f32 to vector<16xf32>
        %mul3A_1238 = arith.mulf %get3A_1235, %mul3A_1237 : vector<16xf32>
        %add3A_1239 = arith.addf %mul3A_1238, %get3A_1226 : vector<16xf32>
        %swap3A = arith.constant 2 : i32
        %swap3A_1240 = arith.constant 0 : i32
        %swap3A_1241 = arith.constant 0 : i32
        %swap3A_1242 = arith.index_cast %swap3A : i32 to index
        %swap3A_1243 = arith.index_cast %swap3A_1240 : i32 to index
        %swap3A_1244 = arith.index_cast %swap3A_1241 : i32 to index
        %swap3A_1245 = arith.index_cast %mul3A_1220 : i32 to index
        %swap3A_1246 = tpu.vector_load %arg8[%swap3A_1242, %swap3A_1243, %swap3A_1244, %swap3A_1245] {strides = array<i32>} : memref<4x4x4x1024xf32, #tpu.memory_space<vmem>>, vector<1x1x1x16xf32>,
        %swap3A_1247 = vector.shape_cast %swap3A_1246 : vector<1x1x1x16xf32> to vector<16xf32>
        %swap3A_1248 = vector.shape_cast %add3A_1239 : vector<16xf32> to vector<1x1x1x16xf32>
        tpu.vector_store %arg8[%swap3A_1242, %swap3A_1243, %swap3A_1244, %swap3A_1245], %swap3A_1248 {strides = array<i32>} : memref<4x4x4x1024xf32, #tpu.memory_space<vmem>>, vector<1x1x1x16xf32>,
        %get3A_1249 = arith.constant 2 : i32
        %get3A_1250 = arith.constant 1 : i32
        %get3A_1251 = arith.constant 0 : i32
        %get3A_1252 = arith.index_cast %get3A_1249 : i32 to index
        %get3A_1253 = arith.index_cast %get3A_1250 : i32 to index
        %get3A_1254 = arith.index_cast %get3A_1251 : i32 to index
        %get3A_1255 = arith.index_cast %mul3A_1220 : i32 to index
        %get3A_1256 = tpu.vector_load %arg8[%get3A_1252, %get3A_1253, %get3A_1254, %get3A_1255] {strides = array<i32>} : memref<4x4x4x1024xf32, #tpu.memory_space<vmem>>, vector<1x1x1x16xf32>,
        %get3A_1257 = vector.shape_cast %get3A_1256 : vector<1x1x1x16xf32> to vector<16xf32>
        %mul3A_1258 = arith.constant 3.200000e+01 : f32
        %mul3A_1259 = vector.broadcast %mul3A_1258 : f32 to vector<16xf32>
        %mul3A_1260 = arith.mulf %get3A_1257, %mul3A_1259 : vector<16xf32>
        %add3A_1261 = arith.addf %mul3A_1260, %get3A_1226 : vector<16xf32>
        %swap3A_1262 = arith.constant 2 : i32
        %swap3A_1263 = arith.constant 1 : i32
        %swap3A_1264 = arith.constant 0 : i32
        %swap3A_1265 = arith.index_cast %swap3A_1262 : i32 to index
        %swap3A_1266 = arith.index_cast %swap3A_1263 : i32 to index
        %swap3A_1267 = arith.index_cast %swap3A_1264 : i32 to index
        %swap3A_1268 = arith.index_cast %mul3A_1220 : i32 to index
        %swap3A_1269 = tpu.vector_load %arg8[%swap3A_1265, %swap3A_1266, %swap3A_1267, %swap3A_1268] {strides = array<i32>} : memref<4x4x4x1024xf32, #tpu.memory_space<vmem>>, vector<1x1x1x16xf32>,
        %swap3A_1270 = vector.shape_cast %swap3A_1269 : vector<1x1x1x16xf32> to vector<16xf32>
        %swap3A_1271 = vector.shape_cast %add3A_1261 : vector<16xf32> to vector<1x1x1x16xf32>
        tpu.vector_store %arg8[%swap3A_1265, %swap3A_1266, %swap3A_1267, %swap3A_1268], %swap3A_1271 {strides = array<i32>} : memref<4x4x4x1024xf32, #tpu.memory_space<vmem>>, vector<1x1x1x16xf32>,
        %get3A_1272 = arith.constant 2 : i32
        %get3A_1273 = arith.constant 2 : i32
        %get3A_1274 = arith.constant 0 : i32
        %get3A_1275 = arith.index_cast %get3A_1272 : i32 to index
        %get3A_1276 = arith.index_cast %get3A_1273 : i32 to index
        %get3A_1277 = arith.index_cast %get3A_1274 : i32 to index
        %get3A_1278 = arith.index_cast %mul3A_1220 : i32 to index
        %get3A_1279 = tpu.vector_load %arg8[%get3A_1275, %get3A_1276, %get3A_1277, %get3A_1278] {strides = array<i32>} : memref<4x4x4x1024xf32, #tpu.memory_space<vmem>>, vector<1x1x1x16xf32>,
        %get3A_1280 = vector.shape_cast %get3A_1279 : vector<1x1x1x16xf32> to vector<16xf32>
        %mul3A_1281 = arith.constant 3.200000e+01 : f32
        %mul3A_1282 = vector.broadcast %mul3A_1281 : f32 to vector<16xf32>
        %mul3A_1283 = arith.mulf %get3A_1280, %mul3A_1282 : vector<16xf32>
        %add3A_1284 = arith.addf %mul3A_1283, %get3A_1226 : vector<16xf32>
        %swap3A_1285 = arith.constant 2 : i32
        %swap3A_1286 = arith.constant 2 : i32
        %swap3A_1287 = arith.constant 0 : i32
        %swap3A_1288 = arith.index_cast %swap3A_1285 : i32 to index
        %swap3A_1289 = arith.index_cast %swap3A_1286 : i32 to index
        %swap3A_1290 = arith.index_cast %swap3A_1287 : i32 to index
        %swap3A_1291 = arith.index_cast %mul3A_1220 : i32 to index
        %swap3A_1292 = tpu.vector_load %arg8[%swap3A_1288, %swap3A_1289, %swap3A_1290, %swap3A_1291] {strides = array<i32>} : memref<4x4x4x1024xf32, #tpu.memory_space<vmem>>, vector<1x1x1x16xf32>,
        %swap3A_1293 = vector.shape_cast %swap3A_1292 : vector<1x1x1x16xf32> to vector<16xf32>
        %swap3A_1294 = vector.shape_cast %add3A_1284 : vector<16xf32> to vector<1x1x1x16xf32>
        tpu.vector_store %arg8[%swap3A_1288, %swap3A_1289, %swap3A_1290, %swap3A_1291], %swap3A_1294 {strides = array<i32>} : memref<4x4x4x1024xf32, #tpu.memory_space<vmem>>, vector<1x1x1x16xf32>,
        %get3A_1295 = arith.constant 2 : i32
        %get3A_1296 = arith.constant 3 : i32
        %get3A_1297 = arith.constant 0 : i32
        %get3A_1298 = arith.index_cast %get3A_1295 : i32 to index
        %get3A_1299 = arith.index_cast %get3A_1296 : i32 to index
        %get3A_1300 = arith.index_cast %get3A_1297 : i32 to index
        %get3A_1301 = arith.index_cast %mul3A_1220 : i32 to index
        %get3A_1302 = tpu.vector_load %arg8[%get3A_1298, %get3A_1299, %get3A_1300, %get3A_1301] {strides = array<i32>} : memref<4x4x4x1024xf32, #tpu.memory_space<vmem>>, vector<1x1x1x16xf32>,
        %get3A_1303 = vector.shape_cast %get3A_1302 : vector<1x1x1x16xf32> to vector<16xf32>
        %mul3A_1304 = arith.constant 3.200000e+01 : f32
        %mul3A_1305 = vector.broadcast %mul3A_1304 : f32 to vector<16xf32>
        %mul3A_1306 = arith.mulf %get3A_1303, %mul3A_1305 : vector<16xf32>
        %add3A_1307 = arith.addf %mul3A_1306, %get3A_1226 : vector<16xf32>
        %swap3A_1308 = arith.constant 2 : i32
        %swap3A_1309 = arith.constant 3 : i32
        %swap3A_1310 = arith.constant 0 : i32
        %swap3A_1311 = arith.index_cast %swap3A_1308 : i32 to index
        %swap3A_1312 = arith.index_cast %swap3A_1309 : i32 to index
        %swap3A_1313 = arith.index_cast %swap3A_1310 : i32 to index
        %swap3A_1314 = arith.index_cast %mul3A_1220 : i32 to index
        %swap3A_1315 = tpu.vector_load %arg8[%swap3A_1311, %swap3A_1312, %swap3A_1313, %swap3A_1314] {strides = array<i32>} : memref<4x4x4x1024xf32, #tpu.memory_space<vmem>>, vector<1x1x1x16xf32>,
        %swap3A_1316 = vector.shape_cast %swap3A_1315 : vector<1x1x1x16xf32> to vector<16xf32>
        %swap3A_1317 = vector.shape_cast %add3A_1307 : vector<16xf32> to vector<1x1x1x16xf32>
        tpu.vector_store %arg8[%swap3A_1311, %swap3A_1312, %swap3A_1313, %swap3A_1314], %swap3A_1317 {strides = array<i32>} : memref<4x4x4x1024xf32, #tpu.memory_space<vmem>>, vector<1x1x1x16xf32>,
        %get3A_1318 = arith.constant 0 : i32
        %get3A_1319 = arith.constant 1 : i32
        %get3A_1320 = arith.index_cast %get3A_1318 : i32 to index
        %get3A_1321 = arith.index_cast %get3A_1319 : i32 to index
        %get3A_1322 = arith.index_cast %mul3A_1220 : i32 to index
        %get3A_1323 = tpu.vector_load %arg7[%get3A_1320, %get3A_1321, %get3A_1322] {strides = array<i32>} : memref<2x4x1024xf32, #tpu.memory_space<vmem>>, vector<1x1x16xf32>,
        %get3A_1324 = vector.shape_cast %get3A_1323 : vector<1x1x16xf32> to vector<16xf32>
        %get3A_1325 = arith.constant 2 : i32
        %get3A_1326 = arith.constant 0 : i32
        %get3A_1327 = arith.constant 1 : i32
        %get3A_1328 = arith.index_cast %get3A_1325 : i32 to index
        %get3A_1329 = arith.index_cast %get3A_1326 : i32 to index
        %get3A_1330 = arith.index_cast %get3A_1327 : i32 to index
        %get3A_1331 = arith.index_cast %mul3A_1220 : i32 to index
        %get3A_1332 = tpu.vector_load %arg8[%get3A_1328, %get3A_1329, %get3A_1330, %get3A_1331] {strides = array<i32>} : memref<4x4x4x1024xf32, #tpu.memory_space<vmem>>, vector<1x1x1x16xf32>,
        %get3A_1333 = vector.shape_cast %get3A_1332 : vector<1x1x1x16xf32> to vector<16xf32>
        %mul3A_1334 = arith.constant 3.200000e+01 : f32
        %mul3A_1335 = vector.broadcast %mul3A_1334 : f32 to vector<16xf32>
        %mul3A_1336 = arith.mulf %get3A_1333, %mul3A_1335 : vector<16xf32>
        %add3A_1337 = arith.addf %mul3A_1336, %get3A_1324 : vector<16xf32>
        %swap3A_1338 = arith.constant 2 : i32
        %swap3A_1339 = arith.constant 0 : i32
        %swap3A_1340 = arith.constant 1 : i32
        %swap3A_1341 = arith.index_cast %swap3A_1338 : i32 to index
        %swap3A_1342 = arith.index_cast %swap3A_1339 : i32 to index
        %swap3A_1343 = arith.index_cast %swap3A_1340 : i32 to index
        %swap3A_1344 = arith.index_cast %mul3A_1220 : i32 to index
        %swap3A_1345 = tpu.vector_load %arg8[%swap3A_1341, %swap3A_1342, %swap3A_1343, %swap3A_1344] {strides = array<i32>} : memref<4x4x4x1024xf32, #tpu.memory_space<vmem>>, vector<1x1x1x16xf32>,
        %swap3A_1346 = vector.shape_cast %swap3A_1345 : vector<1x1x1x16xf32> to vector<16xf32>
        %swap3A_1347 = vector.shape_cast %add3A_1337 : vector<16xf32> to vector<1x1x1x16xf32>
        tpu.vector_store %arg8[%swap3A_1341, %swap3A_1342, %swap3A_1343, %swap3A_1344], %swap3A_1347 {strides = array<i32>} : memref<4x4x4x1024xf32, #tpu.memory_space<vmem>>, vector<1x1x1x16xf32>,
        %get3A_1348 = arith.constant 2 : i32
        %get3A_1349 = arith.constant 1 : i32
        %get3A_1350 = arith.constant 1 : i32
        %get3A_1351 = arith.index_cast %get3A_1348 : i32 to index
        %get3A_1352 = arith.index_cast %get3A_1349 : i32 to index
        %get3A_1353 = arith.index_cast %get3A_1350 : i32 to index
        %get3A_1354 = arith.index_cast %mul3A_1220 : i32 to index
        %get3A_1355 = tpu.vector_load %arg8[%get3A_1351, %get3A_1352, %get3A_1353, %get3A_1354] {strides = array<i32>} : memref<4x4x4x1024xf32, #tpu.memory_space<vmem>>, vector<1x1x1x16xf32>,
        %get3A_1356 = vector.shape_cast %get3A_1355 : vector<1x1x1x16xf32> to vector<16xf32>
        %mul3A_1357 = arith.constant 3.200000e+01 : f32
        %mul3A_1358 = vector.broadcast %mul3A_1357 : f32 to vector<16xf32>
        %mul3A_1359 = arith.mulf %get3A_1356, %mul3A_1358 : vector<16xf32>
        %add3A_1360 = arith.addf %mul3A_1359, %get3A_1324 : vector<16xf32>
        %swap3A_1361 = arith.constant 2 : i32
        %swap3A_1362 = arith.constant 1 : i32
        %swap3A_1363 = arith.constant 1 : i32
        %swap3A_1364 = arith.index_cast %swap3A_1361 : i32 to index
        %swap3A_1365 = arith.index_cast %swap3A_1362 : i32 to index
        %swap3A_1366 = arith.index_cast %swap3A_1363 : i32 to index
        %swap3A_1367 = arith.index_cast %mul3A_1220 : i32 to index
        %swap3A_1368 = tpu.vector_load %arg8[%swap3A_1364, %swap3A_1365, %swap3A_1366, %swap3A_1367] {strides = array<i32>} : memref<4x4x4x1024xf32, #tpu.memory_space<vmem>>, vector<1x1x1x16xf32>,
        %swap3A_1369 = vector.shape_cast %swap3A_1368 : vector<1x1x1x16xf32> to vector<16xf32>
        %swap3A_1370 = vector.shape_cast %add3A_1360 : vector<16xf32> to vector<1x1x1x16xf32>
        tpu.vector_store %arg8[%swap3A_1364, %swap3A_1365, %swap3A_1366, %swap3A_1367], %swap3A_1370 {strides = array<i32>} : memref<4x4x4x1024xf32, #tpu.memory_space<vmem>>, vector<1x1x1x16xf32>,
        %get3A_1371 = arith.constant 2 : i32
        %get3A_1372 = arith.constant 2 : i32
        %get3A_1373 = arith.constant 1 : i32
        %get3A_1374 = arith.index_cast %get3A_1371 : i32 to index
        %get3A_1375 = arith.index_cast %get3A_1372 : i32 to index
        %get3A_1376 = arith.index_cast %get3A_1373 : i32 to index
        %get3A_1377 = arith.index_cast %mul3A_1220 : i32 to index
        %get3A_1378 = tpu.vector_load %arg8[%get3A_1374, %get3A_1375, %get3A_1376, %get3A_1377] {strides = array<i32>} : memref<4x4x4x1024xf32, #tpu.memory_space<vmem>>, vector<1x1x1x16xf32>,
        %get3A_1379 = vector.shape_cast %get3A_1378 : vector<1x1x1x16xf32> to vector<16xf32>
        %mul3A_1380 = arith.constant 3.200000e+01 : f32
        %mul3A_1381 = vector.broadcast %mul3A_1380 : f32 to vector<16xf32>
        %mul3A_1382 = arith.mulf %get3A_1379, %mul3A_1381 : vector<16xf32>
        %add3A_1383 = arith.addf %mul3A_1382, %get3A_1324 : vector<16xf32>
        %swap3A_1384 = arith.constant 2 : i32
        %swap3A_1385 = arith.constant 2 : i32
        %swap3A_1386 = arith.constant 1 : i32
        %swap3A_1387 = arith.index_cast %swap3A_1384 : i32 to index
        %swap3A_1388 = arith.index_cast %swap3A_1385 : i32 to index
        %swap3A_1389 = arith.index_cast %swap3A_1386 : i32 to index
        %swap3A_1390 = arith.index_cast %mul3A_1220 : i32 to index
        %swap3A_1391 = tpu.vector_load %arg8[%swap3A_1387, %swap3A_1388, %swap3A_1389, %swap3A_1390] {strides = array<i32>} : memref<4x4x4x1024xf32, #tpu.memory_space<vmem>>, vector<1x1x1x16xf32>,
        %swap3A_1392 = vector.shape_cast %swap3A_1391 : vector<1x1x1x16xf32> to vector<16xf32>
        %swap3A_1393 = vector.shape_cast %add3A_1383 : vector<16xf32> to vector<1x1x1x16xf32>
        tpu.vector_store %arg8[%swap3A_1387, %swap3A_1388, %swap3A_1389, %swap3A_1390], %swap3A_1393 {strides = array<i32>} : memref<4x4x4x1024xf32, #tpu.memory_space<vmem>>, vector<1x1x1x16xf32>,
        %get3A_1394 = arith.constant 2 : i32
        %get3A_1395 = arith.constant 3 : i32
        %get3A_1396 = arith.constant 1 : i32
        %get3A_1397 = arith.index_cast %get3A_1394 : i32 to index
        %get3A_1398 = arith.index_cast %get3A_1395 : i32 to index
        %get3A_1399 = arith.index_cast %get3A_1396 : i32 to index
        %get3A_1400 = arith.index_cast %mul3A_1220 : i32 to index
        %get3A_1401 = tpu.vector_load %arg8[%get3A_1397, %get3A_1398, %get3A_1399, %get3A_1400] {strides = array<i32>} : memref<4x4x4x1024xf32, #tpu.memory_space<vmem>>, vector<1x1x1x16xf32>,
        %get3A_1402 = vector.shape_cast %get3A_1401 : vector<1x1x1x16xf32> to vector<16xf32>
        %mul3A_1403 = arith.constant 3.200000e+01 : f32
        %mul3A_1404 = vector.broadcast %mul3A_1403 : f32 to vector<16xf32>
        %mul3A_1405 = arith.mulf %get3A_1402, %mul3A_1404 : vector<16xf32>
        %add3A_1406 = arith.addf %mul3A_1405, %get3A_1324 : vector<16xf32>
        %swap3A_1407 = arith.constant 2 : i32
        %swap3A_1408 = arith.constant 3 : i32
        %swap3A_1409 = arith.constant 1 : i32
        %swap3A_1410 = arith.index_cast %swap3A_1407 : i32 to index
        %swap3A_1411 = arith.index_cast %swap3A_1408 : i32 to index
        %swap3A_1412 = arith.index_cast %swap3A_1409 : i32 to index
        %swap3A_1413 = arith.index_cast %mul3A_1220 : i32 to index
        %swap3A_1414 = tpu.vector_load %arg8[%swap3A_1410, %swap3A_1411, %swap3A_1412, %swap3A_1413] {strides = array<i32>} : memref<4x4x4x1024xf32, #tpu.memory_space<vmem>>, vector<1x1x1x16xf32>,
        %swap3A_1415 = vector.shape_cast %swap3A_1414 : vector<1x1x1x16xf32> to vector<16xf32>
        %swap3A_1416 = vector.shape_cast %add3A_1406 : vector<16xf32> to vector<1x1x1x16xf32>
        tpu.vector_store %arg8[%swap3A_1410, %swap3A_1411, %swap3A_1412, %swap3A_1413], %swap3A_1416 {strides = array<i32>} : memref<4x4x4x1024xf32, #tpu.memory_space<vmem>>, vector<1x1x1x16xf32>,
        %get3A_1417 = arith.constant 0 : i32
        %get3A_1418 = arith.constant 2 : i32
        %get3A_1419 = arith.index_cast %get3A_1417 : i32 to index
        %get3A_1420 = arith.index_cast %get3A_1418 : i32 to index
        %get3A_1421 = arith.index_cast %mul3A_1220 : i32 to index
        %get3A_1422 = tpu.vector_load %arg7[%get3A_1419, %get3A_1420, %get3A_1421] {strides = array<i32>} : memref<2x4x1024xf32, #tpu.memory_space<vmem>>, vector<1x1x16xf32>,
        %get3A_1423 = vector.shape_cast %get3A_1422 : vector<1x1x16xf32> to vector<16xf32>
        %get3A_1424 = arith.constant 2 : i32
        %get3A_1425 = arith.constant 0 : i32
        %get3A_1426 = arith.constant 2 : i32
        %get3A_1427 = arith.index_cast %get3A_1424 : i32 to index
        %get3A_1428 = arith.index_cast %get3A_1425 : i32 to index
        %get3A_1429 = arith.index_cast %get3A_1426 : i32 to index
        %get3A_1430 = arith.index_cast %mul3A_1220 : i32 to index
        %get3A_1431 = tpu.vector_load %arg8[%get3A_1427, %get3A_1428, %get3A_1429, %get3A_1430] {strides = array<i32>} : memref<4x4x4x1024xf32, #tpu.memory_space<vmem>>, vector<1x1x1x16xf32>,
        %get3A_1432 = vector.shape_cast %get3A_1431 : vector<1x1x1x16xf32> to vector<16xf32>
        %mul3A_1433 = arith.constant 3.200000e+01 : f32
        %mul3A_1434 = vector.broadcast %mul3A_1433 : f32 to vector<16xf32>
        %mul3A_1435 = arith.mulf %get3A_1432, %mul3A_1434 : vector<16xf32>
        %add3A_1436 = arith.addf %mul3A_1435, %get3A_1423 : vector<16xf32>
        %swap3A_1437 = arith.constant 2 : i32
        %swap3A_1438 = arith.constant 0 : i32
        %swap3A_1439 = arith.constant 2 : i32
        %swap3A_1440 = arith.index_cast %swap3A_1437 : i32 to index
        %swap3A_1441 = arith.index_cast %swap3A_1438 : i32 to index
        %swap3A_1442 = arith.index_cast %swap3A_1439 : i32 to index
        %swap3A_1443 = arith.index_cast %mul3A_1220 : i32 to index
        %swap3A_1444 = tpu.vector_load %arg8[%swap3A_1440, %swap3A_1441, %swap3A_1442, %swap3A_1443] {strides = array<i32>} : memref<4x4x4x1024xf32, #tpu.memory_space<vmem>>, vector<1x1x1x16xf32>,
        %swap3A_1445 = vector.shape_cast %swap3A_1444 : vector<1x1x1x16xf32> to vector<16xf32>
        %swap3A_1446 = vector.shape_cast %add3A_1436 : vector<16xf32> to vector<1x1x1x16xf32>
        tpu.vector_store %arg8[%swap3A_1440, %swap3A_1441, %swap3A_1442, %swap3A_1443], %swap3A_1446 {strides = array<i32>} : memref<4x4x4x1024xf32, #tpu.memory_space<vmem>>, vector<1x1x1x16xf32>,
        %get3A_1447 = arith.constant 2 : i32
        %get3A_1448 = arith.constant 1 : i32
        %get3A_1449 = arith.constant 2 : i32
        %get3A_1450 = arith.index_cast %get3A_1447 : i32 to index
        %get3A_1451 = arith.index_cast %get3A_1448 : i32 to index
        %get3A_1452 = arith.index_cast %get3A_1449 : i32 to index
        %get3A_1453 = arith.index_cast %mul3A_1220 : i32 to index
        %get3A_1454 = tpu.vector_load %arg8[%get3A_1450, %get3A_1451, %get3A_1452, %get3A_1453] {strides = array<i32>} : memref<4x4x4x1024xf32, #tpu.memory_space<vmem>>, vector<1x1x1x16xf32>,
        %get3A_1455 = vector.shape_cast %get3A_1454 : vector<1x1x1x16xf32> to vector<16xf32>
        %mul3A_1456 = arith.constant 3.200000e+01 : f32
        %mul3A_1457 = vector.broadcast %mul3A_1456 : f32 to vector<16xf32>
        %mul3A_1458 = arith.mulf %get3A_1455, %mul3A_1457 : vector<16xf32>
        %add3A_1459 = arith.addf %mul3A_1458, %get3A_1423 : vector<16xf32>
        %swap3A_1460 = arith.constant 2 : i32
        %swap3A_1461 = arith.constant 1 : i32
        %swap3A_1462 = arith.constant 2 : i32
        %swap3A_1463 = arith.index_cast %swap3A_1460 : i32 to index
        %swap3A_1464 = arith.index_cast %swap3A_1461 : i32 to index
        %swap3A_1465 = arith.index_cast %swap3A_1462 : i32 to index
        %swap3A_1466 = arith.index_cast %mul3A_1220 : i32 to index
        %swap3A_1467 = tpu.vector_load %arg8[%swap3A_1463, %swap3A_1464, %swap3A_1465, %swap3A_1466] {strides = array<i32>} : memref<4x4x4x1024xf32, #tpu.memory_space<vmem>>, vector<1x1x1x16xf32>,
        %swap3A_1468 = vector.shape_cast %swap3A_1467 : vector<1x1x1x16xf32> to vector<16xf32>
        %swap3A_1469 = vector.shape_cast %add3A_1459 : vector<16xf32> to vector<1x1x1x16xf32>
        tpu.vector_store %arg8[%swap3A_1463, %swap3A_1464, %swap3A_1465, %swap3A_1466], %swap3A_1469 {strides = array<i32>} : memref<4x4x4x1024xf32, #tpu.memory_space<vmem>>, vector<1x1x1x16xf32>,
        %get3A_1470 = arith.constant 2 : i32
        %get3A_1471 = arith.constant 2 : i32
        %get3A_1472 = arith.constant 2 : i32
        %get3A_1473 = arith.index_cast %get3A_1470 : i32 to index
        %get3A_1474 = arith.index_cast %get3A_1471 : i32 to index
        %get3A_1475 = arith.index_cast %get3A_1472 : i32 to index
        %get3A_1476 = arith.index_cast %mul3A_1220 : i32 to index
        %get3A_1477 = tpu.vector_load %arg8[%get3A_1473, %get3A_1474, %get3A_1475, %get3A_1476] {strides = array<i32>} : memref<4x4x4x1024xf32, #tpu.memory_space<vmem>>, vector<1x1x1x16xf32>,
        %get3A_1478 = vector.shape_cast %get3A_1477 : vector<1x1x1x16xf32> to vector<16xf32>
        %mul3A_1479 = arith.constant 3.200000e+01 : f32
        %mul3A_1480 = vector.broadcast %mul3A_1479 : f32 to vector<16xf32>
        %mul3A_1481 = arith.mulf %get3A_1478, %mul3A_1480 : vector<16xf32>
        %add3A_1482 = arith.addf %mul3A_1481, %get3A_1423 : vector<16xf32>
        %swap3A_1483 = arith.constant 2 : i32
        %swap3A_1484 = arith.constant 2 : i32
        %swap3A_1485 = arith.constant 2 : i32
        %swap3A_1486 = arith.index_cast %swap3A_1483 : i32 to index
        %swap3A_1487 = arith.index_cast %swap3A_1484 : i32 to index
        %swap3A_1488 = arith.index_cast %swap3A_1485 : i32 to index
        %swap3A_1489 = arith.index_cast %mul3A_1220 : i32 to index
        %swap3A_1490 = tpu.vector_load %arg8[%swap3A_1486, %swap3A_1487, %swap3A_1488, %swap3A_1489] {strides = array<i32>} : memref<4x4x4x1024xf32, #tpu.memory_space<vmem>>, vector<1x1x1x16xf32>,
        %swap3A_1491 = vector.shape_cast %swap3A_1490 : vector<1x1x1x16xf32> to vector<16xf32>
        %swap3A_1492 = vector.shape_cast %add3A_1482 : vector<16xf32> to vector<1x1x1x16xf32>
        tpu.vector_store %arg8[%swap3A_1486, %swap3A_1487, %swap3A_1488, %swap3A_1489], %swap3A_1492 {strides = array<i32>} : memref<4x4x4x1024xf32, #tpu.memory_space<vmem>>, vector<1x1x1x16xf32>,
        %get3A_1493 = arith.constant 2 : i32
        %get3A_1494 = arith.constant 3 : i32
        %get3A_1495 = arith.constant 2 : i32
        %get3A_1496 = arith.index_cast %get3A_1493 : i32 to index
        %get3A_1497 = arith.index_cast %get3A_1494 : i32 to index
        %get3A_1498 = arith.index_cast %get3A_1495 : i32 to index
        %get3A_1499 = arith.index_cast %mul3A_1220 : i32 to index
        %get3A_1500 = tpu.vector_load %arg8[%get3A_1496, %get3A_1497, %get3A_1498, %get3A_1499] {strides = array<i32>} : memref<4x4x4x1024xf32, #tpu.memory_space<vmem>>, vector<1x1x1x16xf32>,
        %get3A_1501 = vector.shape_cast %get3A_1500 : vector<1x1x1x16xf32> to vector<16xf32>
        %mul3A_1502 = arith.constant 3.200000e+01 : f32
        %mul3A_1503 = vector.broadcast %mul3A_1502 : f32 to vector<16xf32>
        %mul3A_1504 = arith.mulf %get3A_1501, %mul3A_1503 : vector<16xf32>
        %add3A_1505 = arith.addf %mul3A_1504, %get3A_1423 : vector<16xf32>
        %swap3A_1506 = arith.constant 2 : i32
        %swap3A_1507 = arith.constant 3 : i32
        %swap3A_1508 = arith.constant 2 : i32
        %swap3A_1509 = arith.index_cast %swap3A_1506 : i32 to index
        %swap3A_1510 = arith.index_cast %swap3A_1507 : i32 to index
        %swap3A_1511 = arith.index_cast %swap3A_1508 : i32 to index
        %swap3A_1512 = arith.index_cast %mul3A_1220 : i32 to index
        %swap3A_1513 = tpu.vector_load %arg8[%swap3A_1509, %swap3A_1510, %swap3A_1511, %swap3A_1512] {strides = array<i32>} : memref<4x4x4x1024xf32, #tpu.memory_space<vmem>>, vector<1x1x1x16xf32>,
        %swap3A_1514 = vector.shape_cast %swap3A_1513 : vector<1x1x1x16xf32> to vector<16xf32>
        %swap3A_1515 = vector.shape_cast %add3A_1505 : vector<16xf32> to vector<1x1x1x16xf32>
        tpu.vector_store %arg8[%swap3A_1509, %swap3A_1510, %swap3A_1511, %swap3A_1512], %swap3A_1515 {strides = array<i32>} : memref<4x4x4x1024xf32, #tpu.memory_space<vmem>>, vector<1x1x1x16xf32>,
        %get3A_1516 = arith.constant 0 : i32
        %get3A_1517 = arith.constant 3 : i32
        %get3A_1518 = arith.index_cast %get3A_1516 : i32 to index
        %get3A_1519 = arith.index_cast %get3A_1517 : i32 to index
        %get3A_1520 = arith.index_cast %mul3A_1220 : i32 to index
        %get3A_1521 = tpu.vector_load %arg7[%get3A_1518, %get3A_1519, %get3A_1520] {strides = array<i32>} : memref<2x4x1024xf32, #tpu.memory_space<vmem>>, vector<1x1x16xf32>,
        %get3A_1522 = vector.shape_cast %get3A_1521 : vector<1x1x16xf32> to vector<16xf32>
        %get3A_1523 = arith.constant 2 : i32
        %get3A_1524 = arith.constant 0 : i32
        %get3A_1525 = arith.constant 3 : i32
        %get3A_1526 = arith.index_cast %get3A_1523 : i32 to index
        %get3A_1527 = arith.index_cast %get3A_1524 : i32 to index
        %get3A_1528 = arith.index_cast %get3A_1525 : i32 to index
        %get3A_1529 = arith.index_cast %mul3A_1220 : i32 to index
        %get3A_1530 = tpu.vector_load %arg8[%get3A_1526, %get3A_1527, %get3A_1528, %get3A_1529] {strides = array<i32>} : memref<4x4x4x1024xf32, #tpu.memory_space<vmem>>, vector<1x1x1x16xf32>,
        %get3A_1531 = vector.shape_cast %get3A_1530 : vector<1x1x1x16xf32> to vector<16xf32>
        %mul3A_1532 = arith.constant 3.200000e+01 : f32
        %mul3A_1533 = vector.broadcast %mul3A_1532 : f32 to vector<16xf32>
        %mul3A_1534 = arith.mulf %get3A_1531, %mul3A_1533 : vector<16xf32>
        %add3A_1535 = arith.addf %mul3A_1534, %get3A_1522 : vector<16xf32>
        %swap3A_1536 = arith.constant 2 : i32
        %swap3A_1537 = arith.constant 0 : i32
        %swap3A_1538 = arith.constant 3 : i32
        %swap3A_1539 = arith.index_cast %swap3A_1536 : i32 to index
        %swap3A_1540 = arith.index_cast %swap3A_1537 : i32 to index
        %swap3A_1541 = arith.index_cast %swap3A_1538 : i32 to index
        %swap3A_1542 = arith.index_cast %mul3A_1220 : i32 to index
        %swap3A_1543 = tpu.vector_load %arg8[%swap3A_1539, %swap3A_1540, %swap3A_1541, %swap3A_1542] {strides = array<i32>} : memref<4x4x4x1024xf32, #tpu.memory_space<vmem>>, vector<1x1x1x16xf32>,
        %swap3A_1544 = vector.shape_cast %swap3A_1543 : vector<1x1x1x16xf32> to vector<16xf32>
        %swap3A_1545 = vector.shape_cast %add3A_1535 : vector<16xf32> to vector<1x1x1x16xf32>
        tpu.vector_store %arg8[%swap3A_1539, %swap3A_1540, %swap3A_1541, %swap3A_1542], %swap3A_1545 {strides = array<i32>} : memref<4x4x4x1024xf32, #tpu.memory_space<vmem>>, vector<1x1x1x16xf32>,
        %get3A_1546 = arith.constant 2 : i32
        %get3A_1547 = arith.constant 1 : i32
        %get3A_1548 = arith.constant 3 : i32
        %get3A_1549 = arith.index_cast %get3A_1546 : i32 to index
        %get3A_1550 = arith.index_cast %get3A_1547 : i32 to index
        %get3A_1551 = arith.index_cast %get3A_1548 : i32 to index
        %get3A_1552 = arith.index_cast %mul3A_1220 : i32 to index
        %get3A_1553 = tpu.vector_load %arg8[%get3A_1549, %get3A_1550, %get3A_1551, %get3A_1552] {strides = array<i32>} : memref<4x4x4x1024xf32, #tpu.memory_space<vmem>>, vector<1x1x1x16xf32>,
        %get3A_1554 = vector.shape_cast %get3A_1553 : vector<1x1x1x16xf32> to vector<16xf32>
        %mul3A_1555 = arith.constant 3.200000e+01 : f32
        %mul3A_1556 = vector.broadcast %mul3A_1555 : f32 to vector<16xf32>
        %mul3A_1557 = arith.mulf %get3A_1554, %mul3A_1556 : vector<16xf32>
        %add3A_1558 = arith.addf %mul3A_1557, %get3A_1522 : vector<16xf32>
        %swap3A_1559 = arith.constant 2 : i32
        %swap3A_1560 = arith.constant 1 : i32
        %swap3A_1561 = arith.constant 3 : i32
        %swap3A_1562 = arith.index_cast %swap3A_1559 : i32 to index
        %swap3A_1563 = arith.index_cast %swap3A_1560 : i32 to index
        %swap3A_1564 = arith.index_cast %swap3A_1561 : i32 to index
        %swap3A_1565 = arith.index_cast %mul3A_1220 : i32 to index
        %swap3A_1566 = tpu.vector_load %arg8[%swap3A_1562, %swap3A_1563, %swap3A_1564, %swap3A_1565] {strides = array<i32>} : memref<4x4x4x1024xf32, #tpu.memory_space<vmem>>, vector<1x1x1x16xf32>,
        %swap3A_1567 = vector.shape_cast %swap3A_1566 : vector<1x1x1x16xf32> to vector<16xf32>
        %swap3A_1568 = vector.shape_cast %add3A_1558 : vector<16xf32> to vector<1x1x1x16xf32>
        tpu.vector_store %arg8[%swap3A_1562, %swap3A_1563, %swap3A_1564, %swap3A_1565], %swap3A_1568 {strides = array<i32>} : memref<4x4x4x1024xf32, #tpu.memory_space<vmem>>, vector<1x1x1x16xf32>,
        %get3A_1569 = arith.constant 2 : i32
        %get3A_1570 = arith.constant 2 : i32
        %get3A_1571 = arith.constant 3 : i32
        %get3A_1572 = arith.index_cast %get3A_1569 : i32 to index
        %get3A_1573 = arith.index_cast %get3A_1570 : i32 to index
        %get3A_1574 = arith.index_cast %get3A_1571 : i32 to index
        %get3A_1575 = arith.index_cast %mul3A_1220 : i32 to index
        %get3A_1576 = tpu.vector_load %arg8[%get3A_1572, %get3A_1573, %get3A_1574, %get3A_1575] {strides = array<i32>} : memref<4x4x4x1024xf32, #tpu.memory_space<vmem>>, vector<1x1x1x16xf32>,
        %get3A_1577 = vector.shape_cast %get3A_1576 : vector<1x1x1x16xf32> to vector<16xf32>
        %mul3A_1578 = arith.constant 3.200000e+01 : f32
        %mul3A_1579 = vector.broadcast %mul3A_1578 : f32 to vector<16xf32>
        %mul3A_1580 = arith.mulf %get3A_1577, %mul3A_1579 : vector<16xf32>
        %add3A_1581 = arith.addf %mul3A_1580, %get3A_1522 : vector<16xf32>
        %swap3A_1582 = arith.constant 2 : i32
        %swap3A_1583 = arith.constant 2 : i32
        %swap3A_1584 = arith.constant 3 : i32
        %swap3A_1585 = arith.index_cast %swap3A_1582 : i32 to index
        %swap3A_1586 = arith.index_cast %swap3A_1583 : i32 to index
        %swap3A_1587 = arith.index_cast %swap3A_1584 : i32 to index
        %swap3A_1588 = arith.index_cast %mul3A_1220 : i32 to index
        %swap3A_1589 = tpu.vector_load %arg8[%swap3A_1585, %swap3A_1586, %swap3A_1587, %swap3A_1588] {strides = array<i32>} : memref<4x4x4x1024xf32, #tpu.memory_space<vmem>>, vector<1x1x1x16xf32>,
        %swap3A_1590 = vector.shape_cast %swap3A_1589 : vector<1x1x1x16xf32> to vector<16xf32>
        %swap3A_1591 = vector.shape_cast %add3A_1581 : vector<16xf32> to vector<1x1x1x16xf32>
        tpu.vector_store %arg8[%swap3A_1585, %swap3A_1586, %swap3A_1587, %swap3A_1588], %swap3A_1591 {strides = array<i32>} : memref<4x4x4x1024xf32, #tpu.memory_space<vmem>>, vector<1x1x1x16xf32>,
        %get3A_1592 = arith.constant 2 : i32
        %get3A_1593 = arith.constant 3 : i32
        %get3A_1594 = arith.constant 3 : i32
        %get3A_1595 = arith.index_cast %get3A_1592 : i32 to index
        %get3A_1596 = arith.index_cast %get3A_1593 : i32 to index
        %get3A_1597 = arith.index_cast %get3A_1594 : i32 to index
        %get3A_1598 = arith.index_cast %mul3A_1220 : i32 to index
        %get3A_1599 = tpu.vector_load %arg8[%get3A_1595, %get3A_1596, %get3A_1597, %get3A_1598] {strides = array<i32>} : memref<4x4x4x1024xf32, #tpu.memory_space<vmem>>, vector<1x1x1x16xf32>,
        %get3A_1600 = vector.shape_cast %get3A_1599 : vector<1x1x1x16xf32> to vector<16xf32>
        %mul3A_1601 = arith.constant 3.200000e+01 : f32
        %mul3A_1602 = vector.broadcast %mul3A_1601 : f32 to vector<16xf32>
        %mul3A_1603 = arith.mulf %get3A_1600, %mul3A_1602 : vector<16xf32>
        %add3A_1604 = arith.addf %mul3A_1603, %get3A_1522 : vector<16xf32>
        %swap3A_1605 = arith.constant 2 : i32
        %swap3A_1606 = arith.constant 3 : i32
        %swap3A_1607 = arith.constant 3 : i32
        %swap3A_1608 = arith.index_cast %swap3A_1605 : i32 to index
        %swap3A_1609 = arith.index_cast %swap3A_1606 : i32 to index
        %swap3A_1610 = arith.index_cast %swap3A_1607 : i32 to index
        %swap3A_1611 = arith.index_cast %mul3A_1220 : i32 to index
        %swap3A_1612 = tpu.vector_load %arg8[%swap3A_1608, %swap3A_1609, %swap3A_1610, %swap3A_1611] {strides = array<i32>} : memref<4x4x4x1024xf32, #tpu.memory_space<vmem>>, vector<1x1x1x16xf32>,
        %swap3A_1613 = vector.shape_cast %swap3A_1612 : vector<1x1x1x16xf32> to vector<16xf32>
        %swap3A_1614 = vector.shape_cast %add3A_1604 : vector<16xf32> to vector<1x1x1x16xf32>
        tpu.vector_store %arg8[%swap3A_1608, %swap3A_1609, %swap3A_1610, %swap3A_1611], %swap3A_1614 {strides = array<i32>} : memref<4x4x4x1024xf32, #tpu.memory_space<vmem>>, vector<1x1x1x16xf32>,
        %scan3A_1615 = arith.constant 0 : i32
        scf.yield %scan3A_1615 : i32
      }
      %scan3A_812 = arith.constant 64 : i32
      %add3A_813 = arith.constant 0 : i32
      %add3A_814 = arith.addi %add3A_813, %mul3A_2 : i32
      %mul3A_815 = arith.constant 4 : i32
      %mul3A_816 = arith.muli %add3A_741, %mul3A_815 : i32
      %add3A_817 = arith.addi %add3A_814, %mul3A_816 : i32
      %add3A_818 = arith.constant 4096 : i32
      %add3A_819 = arith.addi %add3A_818, %mul3A_2 : i32
      %mul3A_820 = arith.constant 4 : i32
      %mul3A_821 = arith.muli %add3A_741, %mul3A_820 : i32
      %add3A_822 = arith.addi %add3A_819, %mul3A_821 : i32
      %add3A_823 = arith.constant 8192 : i32
      %add3A_824 = arith.addi %add3A_823, %mul3A_2 : i32
      %mul3A_825 = arith.constant 4 : i32
      %mul3A_826 = arith.muli %add3A_741, %mul3A_825 : i32
      %add3A_827 = arith.addi %add3A_824, %mul3A_826 : i32
      %add3A_828 = arith.constant 12288 : i32
      %add3A_829 = arith.addi %add3A_828, %mul3A_2 : i32
      %mul3A_830 = arith.constant 4 : i32
      %mul3A_831 = arith.muli %add3A_741, %mul3A_830 : i32
      %add3A_832 = arith.addi %add3A_829, %mul3A_831 : i32
      %dma_start3A_833 = arith.constant 2 : i32
      %dma_start3A_834 = arith.constant 0 : i32
      %dma_start3A_835 = arith.constant 0 : i32
      %dma_start3A_836 = arith.constant 0 : i32
      %dma_start3A_837 = tpu.memref_slice %arg8[%dma_start3A_833, %dma_start3A_834, %dma_start3A_835, %dma_start3A_836] : memref<4x4x4x1024xf32, #tpu.memory_space<vmem>> -> memref<1x1x4x1024xf32, #tpu.memory_space<vmem>>
      %dma_start3A_838 = tpu.memref_squeeze %dma_start3A_837 : memref<1x1x4x1024xf32, #tpu.memory_space<vmem>> -> memref<4x1024xf32, #tpu.memory_space<vmem>>
      %dma_start3A_839 = arith.constant 0 : i32
      %dma_start3A_840 = tpu.memref_slice %arg5[%add3A_817, %dma_start3A_839] : memref<16384x1024xf32, #tpu.memory_space<hbm>> -> memref<4x1024xf32, #tpu.memory_space<hbm>>
      %dma_start3A_841 = arith.constant 0 : i32
      %dma_start3A_842 = tpu.memref_slice %arg5[%add3A_817, %dma_start3A_841] : memref<16384x1024xf32, #tpu.memory_space<hbm>> -> memref<4x1024xf32, #tpu.memory_space<hbm>>
      %dma_start3A_843 = arith.constant 0 : i32
      %dma_start3A_844 = arith.constant 0 : i32
      %dma_start3A_845 = tpu.memref_slice %arg8[%dma_start3A_833, %dma_start3A_834, %dma_start3A_843, %dma_start3A_844] : memref<4x4x4x1024xf32, #tpu.memory_space<vmem>> -> memref<1x1x4x1024xf32, #tpu.memory_space<vmem>>
      %dma_start3A_846 = tpu.memref_squeeze %dma_start3A_845 : memref<1x1x4x1024xf32, #tpu.memory_space<vmem>> -> memref<4x1024xf32, #tpu.memory_space<vmem>>
      tpu.enqueue_dma source(%dma_start3A_846 : memref<4x1024xf32, #tpu.memory_space<vmem>>) target(%dma_start3A_842 : memref<4x1024xf32, #tpu.memory_space<hbm>>) target_semaphore(%arg11 : memref<!tpu.dma_semaphore, #tpu.memory_space<semaphore_mem>>)
      %dma_start3A_847 = arith.constant 2 : i32
      %dma_start3A_848 = arith.constant 1 : i32
      %dma_start3A_849 = arith.constant 0 : i32
      %dma_start3A_850 = arith.constant 0 : i32
      %dma_start3A_851 = tpu.memref_slice %arg8[%dma_start3A_847, %dma_start3A_848, %dma_start3A_849, %dma_start3A_850] : memref<4x4x4x1024xf32, #tpu.memory_space<vmem>> -> memref<1x1x4x1024xf32, #tpu.memory_space<vmem>>
      %dma_start3A_852 = tpu.memref_squeeze %dma_start3A_851 : memref<1x1x4x1024xf32, #tpu.memory_space<vmem>> -> memref<4x1024xf32, #tpu.memory_space<vmem>>
      %dma_start3A_853 = arith.constant 0 : i32
      %dma_start3A_854 = tpu.memref_slice %arg5[%add3A_822, %dma_start3A_853] : memref<16384x1024xf32, #tpu.memory_space<hbm>> -> memref<4x1024xf32, #tpu.memory_space<hbm>>
      %dma_start3A_855 = arith.constant 0 : i32
      %dma_start3A_856 = tpu.memref_slice %arg5[%add3A_822, %dma_start3A_855] : memref<16384x1024xf32, #tpu.memory_space<hbm>> -> memref<4x1024xf32, #tpu.memory_space<hbm>>
      %dma_start3A_857 = arith.constant 0 : i32
      %dma_start3A_858 = arith.constant 0 : i32
      %dma_start3A_859 = tpu.memref_slice %arg8[%dma_start3A_847, %dma_start3A_848, %dma_start3A_857, %dma_start3A_858] : memref<4x4x4x1024xf32, #tpu.memory_space<vmem>> -> memref<1x1x4x1024xf32, #tpu.memory_space<vmem>>
      %dma_start3A_860 = tpu.memref_squeeze %dma_start3A_859 : memref<1x1x4x1024xf32, #tpu.memory_space<vmem>> -> memref<4x1024xf32, #tpu.memory_space<vmem>>
      tpu.enqueue_dma source(%dma_start3A_860 : memref<4x1024xf32, #tpu.memory_space<vmem>>) target(%dma_start3A_856 : memref<4x1024xf32, #tpu.memory_space<hbm>>) target_semaphore(%arg11 : memref<!tpu.dma_semaphore, #tpu.memory_space<semaphore_mem>>)
      %dma_start3A_861 = arith.constant 2 : i32
      %dma_start3A_862 = arith.constant 2 : i32
      %dma_start3A_863 = arith.constant 0 : i32
      %dma_start3A_864 = arith.constant 0 : i32
      %dma_start3A_865 = tpu.memref_slice %arg8[%dma_start3A_861, %dma_start3A_862, %dma_start3A_863, %dma_start3A_864] : memref<4x4x4x1024xf32, #tpu.memory_space<vmem>> -> memref<1x1x4x1024xf32, #tpu.memory_space<vmem>>
      %dma_start3A_866 = tpu.memref_squeeze %dma_start3A_865 : memref<1x1x4x1024xf32, #tpu.memory_space<vmem>> -> memref<4x1024xf32, #tpu.memory_space<vmem>>
      %dma_start3A_867 = arith.constant 0 : i32
      %dma_start3A_868 = tpu.memref_slice %arg5[%add3A_827, %dma_start3A_867] : memref<16384x1024xf32, #tpu.memory_space<hbm>> -> memref<4x1024xf32, #tpu.memory_space<hbm>>
      %dma_start3A_869 = arith.constant 0 : i32
      %dma_start3A_870 = tpu.memref_slice %arg5[%add3A_827, %dma_start3A_869] : memref<16384x1024xf32, #tpu.memory_space<hbm>> -> memref<4x1024xf32, #tpu.memory_space<hbm>>
      %dma_start3A_871 = arith.constant 0 : i32
      %dma_start3A_872 = arith.constant 0 : i32
      %dma_start3A_873 = tpu.memref_slice %arg8[%dma_start3A_861, %dma_start3A_862, %dma_start3A_871, %dma_start3A_872] : memref<4x4x4x1024xf32, #tpu.memory_space<vmem>> -> memref<1x1x4x1024xf32, #tpu.memory_space<vmem>>
      %dma_start3A_874 = tpu.memref_squeeze %dma_start3A_873 : memref<1x1x4x1024xf32, #tpu.memory_space<vmem>> -> memref<4x1024xf32, #tpu.memory_space<vmem>>
      tpu.enqueue_dma source(%dma_start3A_874 : memref<4x1024xf32, #tpu.memory_space<vmem>>) target(%dma_start3A_870 : memref<4x1024xf32, #tpu.memory_space<hbm>>) target_semaphore(%arg11 : memref<!tpu.dma_semaphore, #tpu.memory_space<semaphore_mem>>)
      %dma_start3A_875 = arith.constant 2 : i32
      %dma_start3A_876 = arith.constant 3 : i32
      %dma_start3A_877 = arith.constant 0 : i32
      %dma_start3A_878 = arith.constant 0 : i32
      %dma_start3A_879 = tpu.memref_slice %arg8[%dma_start3A_875, %dma_start3A_876, %dma_start3A_877, %dma_start3A_878] : memref<4x4x4x1024xf32, #tpu.memory_space<vmem>> -> memref<1x1x4x1024xf32, #tpu.memory_space<vmem>>
      %dma_start3A_880 = tpu.memref_squeeze %dma_start3A_879 : memref<1x1x4x1024xf32, #tpu.memory_space<vmem>> -> memref<4x1024xf32, #tpu.memory_space<vmem>>
      %dma_start3A_881 = arith.constant 0 : i32
      %dma_start3A_882 = tpu.memref_slice %arg5[%add3A_832, %dma_start3A_881] : memref<16384x1024xf32, #tpu.memory_space<hbm>> -> memref<4x1024xf32, #tpu.memory_space<hbm>>
      %dma_start3A_883 = arith.constant 0 : i32
      %dma_start3A_884 = tpu.memref_slice %arg5[%add3A_832, %dma_start3A_883] : memref<16384x1024xf32, #tpu.memory_space<hbm>> -> memref<4x1024xf32, #tpu.memory_space<hbm>>
      %dma_start3A_885 = arith.constant 0 : i32
      %dma_start3A_886 = arith.constant 0 : i32
      %dma_start3A_887 = tpu.memref_slice %arg8[%dma_start3A_875, %dma_start3A_876, %dma_start3A_885, %dma_start3A_886] : memref<4x4x4x1024xf32, #tpu.memory_space<vmem>> -> memref<1x1x4x1024xf32, #tpu.memory_space<vmem>>
      %dma_start3A_888 = tpu.memref_squeeze %dma_start3A_887 : memref<1x1x4x1024xf32, #tpu.memory_space<vmem>> -> memref<4x1024xf32, #tpu.memory_space<vmem>>
      tpu.enqueue_dma source(%dma_start3A_888 : memref<4x1024xf32, #tpu.memory_space<vmem>>) target(%dma_start3A_884 : memref<4x1024xf32, #tpu.memory_space<hbm>>) target_semaphore(%arg11 : memref<!tpu.dma_semaphore, #tpu.memory_space<semaphore_mem>>)
      %sub3A_889 = arith.constant 1 : i32
      %sub3A_890 = arith.subi %add3A_741, %sub3A_889 : i32
      %add3A_891 = arith.constant 0 : i32
      %add3A_892 = arith.addi %add3A_891, %mul3A_2 : i32
      %mul3A_893 = arith.constant 4 : i32
      %mul3A_894 = arith.muli %sub3A_890, %mul3A_893 : i32
      %add3A_895 = arith.addi %add3A_892, %mul3A_894 : i32
      %add3A_896 = arith.constant 4096 : i32
      %add3A_897 = arith.addi %add3A_896, %mul3A_2 : i32
      %mul3A_898 = arith.constant 4 : i32
      %mul3A_899 = arith.muli %sub3A_890, %mul3A_898 : i32
      %add3A_900 = arith.addi %add3A_897, %mul3A_899 : i32
      %add3A_901 = arith.constant 8192 : i32
      %add3A_902 = arith.addi %add3A_901, %mul3A_2 : i32
      %mul3A_903 = arith.constant 4 : i32
      %mul3A_904 = arith.muli %sub3A_890, %mul3A_903 : i32
      %add3A_905 = arith.addi %add3A_902, %mul3A_904 : i32
      %add3A_906 = arith.constant 12288 : i32
      %add3A_907 = arith.addi %add3A_906, %mul3A_2 : i32
      %mul3A_908 = arith.constant 4 : i32
      %mul3A_909 = arith.muli %sub3A_890, %mul3A_908 : i32
      %add3A_910 = arith.addi %add3A_907, %mul3A_909 : i32
      %dma_wait3A_911 = arith.constant 1 : i32
      %dma_wait3A_912 = arith.constant 0 : i32
      %dma_wait3A_913 = arith.constant 0 : i32
      %dma_wait3A_914 = arith.constant 0 : i32
      %dma_wait3A_915 = tpu.memref_slice %arg8[%dma_wait3A_911, %dma_wait3A_912, %dma_wait3A_913, %dma_wait3A_914] : memref<4x4x4x1024xf32, #tpu.memory_space<vmem>> -> memref<1x1x4x1024xf32, #tpu.memory_space<vmem>>
      %dma_wait3A_916 = tpu.memref_squeeze %dma_wait3A_915 : memref<1x1x4x1024xf32, #tpu.memory_space<vmem>> -> memref<4x1024xf32, #tpu.memory_space<vmem>>
      %dma_wait3A_917 = arith.constant 0 : i32
      %dma_wait3A_918 = tpu.memref_slice %arg5[%add3A_895, %dma_wait3A_917] : memref<16384x1024xf32, #tpu.memory_space<hbm>> -> memref<4x1024xf32, #tpu.memory_space<hbm>>
      %dma_wait3A_919 = arith.constant 0 : i32
      %dma_wait3A_920 = tpu.memref_slice %arg5[%add3A_895, %dma_wait3A_919] : memref<16384x1024xf32, #tpu.memory_space<hbm>> -> memref<4x1024xf32, #tpu.memory_space<hbm>>
      %dma_wait3A_921 = arith.constant 0 : i32
      %dma_wait3A_922 = arith.constant 0 : i32
      %dma_wait3A_923 = tpu.memref_slice %arg8[%dma_wait3A_911, %dma_wait3A_912, %dma_wait3A_921, %dma_wait3A_922] : memref<4x4x4x1024xf32, #tpu.memory_space<vmem>> -> memref<1x1x4x1024xf32, #tpu.memory_space<vmem>>
      %dma_wait3A_924 = tpu.memref_squeeze %dma_wait3A_923 : memref<1x1x4x1024xf32, #tpu.memory_space<vmem>> -> memref<4x1024xf32, #tpu.memory_space<vmem>>
      tpu.wait_dma2 semaphore(%arg11 : memref<!tpu.dma_semaphore, #tpu.memory_space<semaphore_mem>>) src(%dma_wait3A_924 : memref<4x1024xf32, #tpu.memory_space<vmem>>) dst(%dma_wait3A_920 : memref<4x1024xf32, #tpu.memory_space<hbm>>)
      %dma_wait3A_925 = arith.constant 1 : i32
      %dma_wait3A_926 = arith.constant 1 : i32
      %dma_wait3A_927 = arith.constant 0 : i32
      %dma_wait3A_928 = arith.constant 0 : i32
      %dma_wait3A_929 = tpu.memref_slice %arg8[%dma_wait3A_925, %dma_wait3A_926, %dma_wait3A_927, %dma_wait3A_928] : memref<4x4x4x1024xf32, #tpu.memory_space<vmem>> -> memref<1x1x4x1024xf32, #tpu.memory_space<vmem>>
      %dma_wait3A_930 = tpu.memref_squeeze %dma_wait3A_929 : memref<1x1x4x1024xf32, #tpu.memory_space<vmem>> -> memref<4x1024xf32, #tpu.memory_space<vmem>>
      %dma_wait3A_931 = arith.constant 0 : i32
      %dma_wait3A_932 = tpu.memref_slice %arg5[%add3A_900, %dma_wait3A_931] : memref<16384x1024xf32, #tpu.memory_space<hbm>> -> memref<4x1024xf32, #tpu.memory_space<hbm>>
      %dma_wait3A_933 = arith.constant 0 : i32
      %dma_wait3A_934 = tpu.memref_slice %arg5[%add3A_900, %dma_wait3A_933] : memref<16384x1024xf32, #tpu.memory_space<hbm>> -> memref<4x1024xf32, #tpu.memory_space<hbm>>
      %dma_wait3A_935 = arith.constant 0 : i32
      %dma_wait3A_936 = arith.constant 0 : i32
      %dma_wait3A_937 = tpu.memref_slice %arg8[%dma_wait3A_925, %dma_wait3A_926, %dma_wait3A_935, %dma_wait3A_936] : memref<4x4x4x1024xf32, #tpu.memory_space<vmem>> -> memref<1x1x4x1024xf32, #tpu.memory_space<vmem>>
      %dma_wait3A_938 = tpu.memref_squeeze %dma_wait3A_937 : memref<1x1x4x1024xf32, #tpu.memory_space<vmem>> -> memref<4x1024xf32, #tpu.memory_space<vmem>>
      tpu.wait_dma2 semaphore(%arg11 : memref<!tpu.dma_semaphore, #tpu.memory_space<semaphore_mem>>) src(%dma_wait3A_938 : memref<4x1024xf32, #tpu.memory_space<vmem>>) dst(%dma_wait3A_934 : memref<4x1024xf32, #tpu.memory_space<hbm>>)
      %dma_wait3A_939 = arith.constant 1 : i32
      %dma_wait3A_940 = arith.constant 2 : i32
      %dma_wait3A_941 = arith.constant 0 : i32
      %dma_wait3A_942 = arith.constant 0 : i32
      %dma_wait3A_943 = tpu.memref_slice %arg8[%dma_wait3A_939, %dma_wait3A_940, %dma_wait3A_941, %dma_wait3A_942] : memref<4x4x4x1024xf32, #tpu.memory_space<vmem>> -> memref<1x1x4x1024xf32, #tpu.memory_space<vmem>>
      %dma_wait3A_944 = tpu.memref_squeeze %dma_wait3A_943 : memref<1x1x4x1024xf32, #tpu.memory_space<vmem>> -> memref<4x1024xf32, #tpu.memory_space<vmem>>
      %dma_wait3A_945 = arith.constant 0 : i32
      %dma_wait3A_946 = tpu.memref_slice %arg5[%add3A_905, %dma_wait3A_945] : memref<16384x1024xf32, #tpu.memory_space<hbm>> -> memref<4x1024xf32, #tpu.memory_space<hbm>>
      %dma_wait3A_947 = arith.constant 0 : i32
      %dma_wait3A_948 = tpu.memref_slice %arg5[%add3A_905, %dma_wait3A_947] : memref<16384x1024xf32, #tpu.memory_space<hbm>> -> memref<4x1024xf32, #tpu.memory_space<hbm>>
      %dma_wait3A_949 = arith.constant 0 : i32
      %dma_wait3A_950 = arith.constant 0 : i32
      %dma_wait3A_951 = tpu.memref_slice %arg8[%dma_wait3A_939, %dma_wait3A_940, %dma_wait3A_949, %dma_wait3A_950] : memref<4x4x4x1024xf32, #tpu.memory_space<vmem>> -> memref<1x1x4x1024xf32, #tpu.memory_space<vmem>>
      %dma_wait3A_952 = tpu.memref_squeeze %dma_wait3A_951 : memref<1x1x4x1024xf32, #tpu.memory_space<vmem>> -> memref<4x1024xf32, #tpu.memory_space<vmem>>
      tpu.wait_dma2 semaphore(%arg11 : memref<!tpu.dma_semaphore, #tpu.memory_space<semaphore_mem>>) src(%dma_wait3A_952 : memref<4x1024xf32, #tpu.memory_space<vmem>>) dst(%dma_wait3A_948 : memref<4x1024xf32, #tpu.memory_space<hbm>>)
      %dma_wait3A_953 = arith.constant 1 : i32
      %dma_wait3A_954 = arith.constant 3 : i32
      %dma_wait3A_955 = arith.constant 0 : i32
      %dma_wait3A_956 = arith.constant 0 : i32
      %dma_wait3A_957 = tpu.memref_slice %arg8[%dma_wait3A_953, %dma_wait3A_954, %dma_wait3A_955, %dma_wait3A_956] : memref<4x4x4x1024xf32, #tpu.memory_space<vmem>> -> memref<1x1x4x1024xf32, #tpu.memory_space<vmem>>
      %dma_wait3A_958 = tpu.memref_squeeze %dma_wait3A_957 : memref<1x1x4x1024xf32, #tpu.memory_space<vmem>> -> memref<4x1024xf32, #tpu.memory_space<vmem>>
      %dma_wait3A_959 = arith.constant 0 : i32
      %dma_wait3A_960 = tpu.memref_slice %arg5[%add3A_910, %dma_wait3A_959] : memref<16384x1024xf32, #tpu.memory_space<hbm>> -> memref<4x1024xf32, #tpu.memory_space<hbm>>
      %dma_wait3A_961 = arith.constant 0 : i32
      %dma_wait3A_962 = tpu.memref_slice %arg5[%add3A_910, %dma_wait3A_961] : memref<16384x1024xf32, #tpu.memory_space<hbm>> -> memref<4x1024xf32, #tpu.memory_space<hbm>>
      %dma_wait3A_963 = arith.constant 0 : i32
      %dma_wait3A_964 = arith.constant 0 : i32
      %dma_wait3A_965 = tpu.memref_slice %arg8[%dma_wait3A_953, %dma_wait3A_954, %dma_wait3A_963, %dma_wait3A_964] : memref<4x4x4x1024xf32, #tpu.memory_space<vmem>> -> memref<1x1x4x1024xf32, #tpu.memory_space<vmem>>
      %dma_wait3A_966 = tpu.memref_squeeze %dma_wait3A_965 : memref<1x1x4x1024xf32, #tpu.memory_space<vmem>> -> memref<4x1024xf32, #tpu.memory_space<vmem>>
      tpu.wait_dma2 semaphore(%arg11 : memref<!tpu.dma_semaphore, #tpu.memory_space<semaphore_mem>>) src(%dma_wait3A_966 : memref<4x1024xf32, #tpu.memory_space<vmem>>) dst(%dma_wait3A_962 : memref<4x1024xf32, #tpu.memory_space<hbm>>)
      %lt3A_967 = arith.constant 7 : i32
      %lt3A_968 = arith.cmpi slt, %scan3A_265, %lt3A_967 : i32
      %convert_element_type3A_969 = arith.extui %lt3A_968 : i1 to i32
      %cond3A_970 = arith.constant 0 : i32
      %cond3A_971 = arith.cmpi ne, %convert_element_type3A_969, %cond3A_970 : i32
      scf.if %cond3A_971 {
        %add3A_1217 = arith.constant 3 : i32
        %add3A_1218 = arith.addi %add3A_741, %add3A_1217 : i32
        %dma_start3A_1219 = arith.constant 1 : i32
        %dma_start3A_1220 = arith.constant 0 : i32
        %dma_start3A_1221 = arith.constant 0 : i32
        %dma_start3A_1222 = arith.constant 0 : i32
        %dma_start3A_1223 = tpu.memref_slice %arg8[%dma_start3A_1219, %dma_start3A_1220, %dma_start3A_1221, %dma_start3A_1222] : memref<4x4x4x1024xf32, #tpu.memory_space<vmem>> -> memref<1x1x4x1024xf32, #tpu.memory_space<vmem>>
        %dma_start3A_1224 = tpu.memref_squeeze %dma_start3A_1223 : memref<1x1x4x1024xf32, #tpu.memory_space<vmem>> -> memref<4x1024xf32, #tpu.memory_space<vmem>>
        %dma_start3A_1225 = arith.constant 0 : i32
        %dma_start3A_1226 = tpu.memref_slice %arg6[%add3A_1218, %dma_start3A_1225] : memref<32x16xi32, #tpu.memory_space<vmem>> -> memref<1x4xi32, #tpu.memory_space<vmem>>
        %dma_start3A_1227 = tpu.memref_squeeze %dma_start3A_1226 : memref<1x4xi32, #tpu.memory_space<vmem>> -> memref<4xi32, #tpu.memory_space<vmem>>
        %dma_start3A_1228 = arith.constant 0 : i32
        %dma_start3A_1229 = arith.constant 0 : i32
        %dma_start3A_1230 = tpu.memref_slice %arg3[%dma_start3A_1228, %dma_start3A_1229] : memref<100000x1024xf32, #tpu.memory_space<hbm>> -> memref<100000x1024xf32, #tpu.memory_space<hbm>>
        tpu.enqueue_indirect_dma source(%dma_start3A_1230 : memref<100000x1024xf32, #tpu.memory_space<hbm>>) target(%dma_start3A_1224 : memref<4x1024xf32, #tpu.memory_space<vmem>>) offsets(%dma_start3A_1227 : memref<4xi32, #tpu.memory_space<vmem>>) semaphore(%arg9 : memref<!tpu.dma_semaphore, #tpu.memory_space<semaphore_mem>>)
        %dma_start3A_1231 = arith.constant 1 : i32
        %dma_start3A_1232 = arith.constant 1 : i32
        %dma_start3A_1233 = arith.constant 0 : i32
        %dma_start3A_1234 = arith.constant 0 : i32
        %dma_start3A_1235 = tpu.memref_slice %arg8[%dma_start3A_1231, %dma_start3A_1232, %dma_start3A_1233, %dma_start3A_1234] : memref<4x4x4x1024xf32, #tpu.memory_space<vmem>> -> memref<1x1x4x1024xf32, #tpu.memory_space<vmem>>
        %dma_start3A_1236 = tpu.memref_squeeze %dma_start3A_1235 : memref<1x1x4x1024xf32, #tpu.memory_space<vmem>> -> memref<4x1024xf32, #tpu.memory_space<vmem>>
        %dma_start3A_1237 = arith.constant 4 : i32
        %dma_start3A_1238 = tpu.memref_slice %arg6[%add3A_1218, %dma_start3A_1237] : memref<32x16xi32, #tpu.memory_space<vmem>> -> memref<1x4xi32, #tpu.memory_space<vmem>>
        %dma_start3A_1239 = tpu.memref_squeeze %dma_start3A_1238 : memref<1x4xi32, #tpu.memory_space<vmem>> -> memref<4xi32, #tpu.memory_space<vmem>>
        %dma_start3A_1240 = arith.constant 0 : i32
        %dma_start3A_1241 = arith.constant 0 : i32
        %dma_start3A_1242 = tpu.memref_slice %arg3[%dma_start3A_1240, %dma_start3A_1241] : memref<100000x1024xf32, #tpu.memory_space<hbm>> -> memref<100000x1024xf32, #tpu.memory_space<hbm>>
        tpu.enqueue_indirect_dma source(%dma_start3A_1242 : memref<100000x1024xf32, #tpu.memory_space<hbm>>) target(%dma_start3A_1236 : memref<4x1024xf32, #tpu.memory_space<vmem>>) offsets(%dma_start3A_1239 : memref<4xi32, #tpu.memory_space<vmem>>) semaphore(%arg9 : memref<!tpu.dma_semaphore, #tpu.memory_space<semaphore_mem>>)
        %dma_start3A_1243 = arith.constant 1 : i32
        %dma_start3A_1244 = arith.constant 2 : i32
        %dma_start3A_1245 = arith.constant 0 : i32
        %dma_start3A_1246 = arith.constant 0 : i32
        %dma_start3A_1247 = tpu.memref_slice %arg8[%dma_start3A_1243, %dma_start3A_1244, %dma_start3A_1245, %dma_start3A_1246] : memref<4x4x4x1024xf32, #tpu.memory_space<vmem>> -> memref<1x1x4x1024xf32, #tpu.memory_space<vmem>>
        %dma_start3A_1248 = tpu.memref_squeeze %dma_start3A_1247 : memref<1x1x4x1024xf32, #tpu.memory_space<vmem>> -> memref<4x1024xf32, #tpu.memory_space<vmem>>
        %dma_start3A_1249 = arith.constant 8 : i32
        %dma_start3A_1250 = tpu.memref_slice %arg6[%add3A_1218, %dma_start3A_1249] : memref<32x16xi32, #tpu.memory_space<vmem>> -> memref<1x4xi32, #tpu.memory_space<vmem>>
        %dma_start3A_1251 = tpu.memref_squeeze %dma_start3A_1250 : memref<1x4xi32, #tpu.memory_space<vmem>> -> memref<4xi32, #tpu.memory_space<vmem>>
        %dma_start3A_1252 = arith.constant 0 : i32
        %dma_start3A_1253 = arith.constant 0 : i32
        %dma_start3A_1254 = tpu.memref_slice %arg3[%dma_start3A_1252, %dma_start3A_1253] : memref<100000x1024xf32, #tpu.memory_space<hbm>> -> memref<100000x1024xf32, #tpu.memory_space<hbm>>
        tpu.enqueue_indirect_dma source(%dma_start3A_1254 : memref<100000x1024xf32, #tpu.memory_space<hbm>>) target(%dma_start3A_1248 : memref<4x1024xf32, #tpu.memory_space<vmem>>) offsets(%dma_start3A_1251 : memref<4xi32, #tpu.memory_space<vmem>>) semaphore(%arg9 : memref<!tpu.dma_semaphore, #tpu.memory_space<semaphore_mem>>)
        %dma_start3A_1255 = arith.constant 1 : i32
        %dma_start3A_1256 = arith.constant 3 : i32
        %dma_start3A_1257 = arith.constant 0 : i32
        %dma_start3A_1258 = arith.constant 0 : i32
        %dma_start3A_1259 = tpu.memref_slice %arg8[%dma_start3A_1255, %dma_start3A_1256, %dma_start3A_1257, %dma_start3A_1258] : memref<4x4x4x1024xf32, #tpu.memory_space<vmem>> -> memref<1x1x4x1024xf32, #tpu.memory_space<vmem>>
        %dma_start3A_1260 = tpu.memref_squeeze %dma_start3A_1259 : memref<1x1x4x1024xf32, #tpu.memory_space<vmem>> -> memref<4x1024xf32, #tpu.memory_space<vmem>>
        %dma_start3A_1261 = arith.constant 12 : i32
        %dma_start3A_1262 = tpu.memref_slice %arg6[%add3A_1218, %dma_start3A_1261] : memref<32x16xi32, #tpu.memory_space<vmem>> -> memref<1x4xi32, #tpu.memory_space<vmem>>
        %dma_start3A_1263 = tpu.memref_squeeze %dma_start3A_1262 : memref<1x4xi32, #tpu.memory_space<vmem>> -> memref<4xi32, #tpu.memory_space<vmem>>
        %dma_start3A_1264 = arith.constant 0 : i32
        %dma_start3A_1265 = arith.constant 0 : i32
        %dma_start3A_1266 = tpu.memref_slice %arg3[%dma_start3A_1264, %dma_start3A_1265] : memref<100000x1024xf32, #tpu.memory_space<hbm>> -> memref<100000x1024xf32, #tpu.memory_space<hbm>>
        tpu.enqueue_indirect_dma source(%dma_start3A_1266 : memref<100000x1024xf32, #tpu.memory_space<hbm>>) target(%dma_start3A_1260 : memref<4x1024xf32, #tpu.memory_space<vmem>>) offsets(%dma_start3A_1263 : memref<4xi32, #tpu.memory_space<vmem>>) semaphore(%arg9 : memref<!tpu.dma_semaphore, #tpu.memory_space<semaphore_mem>>)
      } else {
      }
      %lt3A_972 = arith.constant 7 : i32
      %lt3A_973 = arith.cmpi slt, %scan3A_265, %lt3A_972 : i32
      %convert_element_type3A_974 = arith.extui %lt3A_973 : i1 to i32
      %cond3A_975 = arith.constant 0 : i32
      %cond3A_976 = arith.cmpi ne, %convert_element_type3A_974, %cond3A_975 : i32
      scf.if %cond3A_976 {
        %add3A_1217 = arith.constant 2 : i32
        %add3A_1218 = arith.addi %add3A_741, %add3A_1217 : i32
        %mul3A_1219 = arith.constant 4 : i32
        %mul3A_1220 = arith.muli %add3A_1218, %mul3A_1219 : i32
        %add3A_1221 = arith.addi %mul3A_2, %mul3A_1220 : i32
        %dma_start3A_1222 = arith.constant 0 : i32
        %dma_start3A_1223 = arith.constant 0 : i32
        %dma_start3A_1224 = arith.constant 0 : i32
        %dma_start3A_1225 = tpu.memref_slice %arg7[%dma_start3A_1222, %dma_start3A_1223, %dma_start3A_1224] : memref<2x4x1024xf32, #tpu.memory_space<vmem>> -> memref<1x4x1024xf32, #tpu.memory_space<vmem>>
        %dma_start3A_1226 = tpu.memref_squeeze %dma_start3A_1225 : memref<1x4x1024xf32, #tpu.memory_space<vmem>> -> memref<4x1024xf32, #tpu.memory_space<vmem>>
        %dma_start3A_1227 = arith.constant 0 : i32
        %dma_start3A_1228 = tpu.memref_slice %arg4[%add3A_1221, %dma_start3A_1227] : memref<4096x1024xf32, #tpu.memory_space<hbm>> -> memref<4x1024xf32, #tpu.memory_space<hbm>>
        %dma_start3A_1229 = arith.constant 0 : i32
        %dma_start3A_1230 = arith.constant 0 : i32
        %dma_start3A_1231 = tpu.memref_slice %arg7[%dma_start3A_1222, %dma_start3A_1229, %dma_start3A_1230] : memref<2x4x1024xf32, #tpu.memory_space<vmem>> -> memref<1x4x1024xf32, #tpu.memory_space<vmem>>
        %dma_start3A_1232 = tpu.memref_squeeze %dma_start3A_1231 : memref<1x4x1024xf32, #tpu.memory_space<vmem>> -> memref<4x1024xf32, #tpu.memory_space<vmem>>
        %dma_start3A_1233 = arith.constant 0 : i32
        %dma_start3A_1234 = tpu.memref_slice %arg4[%add3A_1221, %dma_start3A_1233] : memref<4096x1024xf32, #tpu.memory_space<hbm>> -> memref<4x1024xf32, #tpu.memory_space<hbm>>
        tpu.enqueue_dma source(%dma_start3A_1234 : memref<4x1024xf32, #tpu.memory_space<hbm>>) target(%dma_start3A_1232 : memref<4x1024xf32, #tpu.memory_space<vmem>>) target_semaphore(%arg10 : memref<!tpu.dma_semaphore, #tpu.memory_space<semaphore_mem>>)
      } else {
      }
      %mul3A_977 = arith.constant 4 : i32
      %mul3A_978 = arith.muli %scan3A_265, %mul3A_977 : i32
      %add3A_979 = arith.constant 3 : i32
      %add3A_980 = arith.addi %mul3A_978, %add3A_979 : i32
      %dma_wait3A_981 = arith.constant 3 : i32
      %dma_wait3A_982 = arith.constant 0 : i32
      %dma_wait3A_983 = arith.constant 0 : i32
      %dma_wait3A_984 = arith.constant 0 : i32
      %dma_wait3A_985 = tpu.memref_slice %arg8[%dma_wait3A_981, %dma_wait3A_982, %dma_wait3A_983, %dma_wait3A_984] : memref<4x4x4x1024xf32, #tpu.memory_space<vmem>> -> memref<1x1x4x1024xf32, #tpu.memory_space<vmem>>
      %dma_wait3A_986 = tpu.memref_squeeze %dma_wait3A_985 : memref<1x1x4x1024xf32, #tpu.memory_space<vmem>> -> memref<4x1024xf32, #tpu.memory_space<vmem>>
      %dma_wait3A_987 = arith.constant 0 : i32
      %dma_wait3A_988 = tpu.memref_slice %arg6[%add3A_980, %dma_wait3A_987] : memref<32x16xi32, #tpu.memory_space<vmem>> -> memref<1x4xi32, #tpu.memory_space<vmem>>
      %dma_wait3A_989 = tpu.memref_squeeze %dma_wait3A_988 : memref<1x4xi32, #tpu.memory_space<vmem>> -> memref<4xi32, #tpu.memory_space<vmem>>
      %dma_wait3A_990 = arith.constant 0 : i32
      %dma_wait3A_991 = arith.constant 0 : i32
      %dma_wait3A_992 = tpu.memref_slice %arg3[%dma_wait3A_990, %dma_wait3A_991] : memref<100000x1024xf32, #tpu.memory_space<hbm>> -> memref<100000x1024xf32, #tpu.memory_space<hbm>>
      tpu.wait_indirect_dma semaphore(%arg9 : memref<!tpu.dma_semaphore, #tpu.memory_space<semaphore_mem>>) src(%dma_wait3A_992 : memref<100000x1024xf32, #tpu.memory_space<hbm>>) dst(%dma_wait3A_986 : memref<4x1024xf32, #tpu.memory_space<vmem>>)
      %dma_wait3A_993 = arith.constant 3 : i32
      %dma_wait3A_994 = arith.constant 1 : i32
      %dma_wait3A_995 = arith.constant 0 : i32
      %dma_wait3A_996 = arith.constant 0 : i32
      %dma_wait3A_997 = tpu.memref_slice %arg8[%dma_wait3A_993, %dma_wait3A_994, %dma_wait3A_995, %dma_wait3A_996] : memref<4x4x4x1024xf32, #tpu.memory_space<vmem>> -> memref<1x1x4x1024xf32, #tpu.memory_space<vmem>>
      %dma_wait3A_998 = tpu.memref_squeeze %dma_wait3A_997 : memref<1x1x4x1024xf32, #tpu.memory_space<vmem>> -> memref<4x1024xf32, #tpu.memory_space<vmem>>
      %dma_wait3A_999 = arith.constant 4 : i32
      %dma_wait3A_1000 = tpu.memref_slice %arg6[%add3A_980, %dma_wait3A_999] : memref<32x16xi32, #tpu.memory_space<vmem>> -> memref<1x4xi32, #tpu.memory_space<vmem>>
      %dma_wait3A_1001 = tpu.memref_squeeze %dma_wait3A_1000 : memref<1x4xi32, #tpu.memory_space<vmem>> -> memref<4xi32, #tpu.memory_space<vmem>>
      %dma_wait3A_1002 = arith.constant 0 : i32
      %dma_wait3A_1003 = arith.constant 0 : i32
      %dma_wait3A_1004 = tpu.memref_slice %arg3[%dma_wait3A_1002, %dma_wait3A_1003] : memref<100000x1024xf32, #tpu.memory_space<hbm>> -> memref<100000x1024xf32, #tpu.memory_space<hbm>>
      tpu.wait_indirect_dma semaphore(%arg9 : memref<!tpu.dma_semaphore, #tpu.memory_space<semaphore_mem>>) src(%dma_wait3A_1004 : memref<100000x1024xf32, #tpu.memory_space<hbm>>) dst(%dma_wait3A_998 : memref<4x1024xf32, #tpu.memory_space<vmem>>)
      %dma_wait3A_1005 = arith.constant 3 : i32
      %dma_wait3A_1006 = arith.constant 2 : i32
      %dma_wait3A_1007 = arith.constant 0 : i32
      %dma_wait3A_1008 = arith.constant 0 : i32
      %dma_wait3A_1009 = tpu.memref_slice %arg8[%dma_wait3A_1005, %dma_wait3A_1006, %dma_wait3A_1007, %dma_wait3A_1008] : memref<4x4x4x1024xf32, #tpu.memory_space<vmem>> -> memref<1x1x4x1024xf32, #tpu.memory_space<vmem>>
      %dma_wait3A_1010 = tpu.memref_squeeze %dma_wait3A_1009 : memref<1x1x4x1024xf32, #tpu.memory_space<vmem>> -> memref<4x1024xf32, #tpu.memory_space<vmem>>
      %dma_wait3A_1011 = arith.constant 8 : i32
      %dma_wait3A_1012 = tpu.memref_slice %arg6[%add3A_980, %dma_wait3A_1011] : memref<32x16xi32, #tpu.memory_space<vmem>> -> memref<1x4xi32, #tpu.memory_space<vmem>>
      %dma_wait3A_1013 = tpu.memref_squeeze %dma_wait3A_1012 : memref<1x4xi32, #tpu.memory_space<vmem>> -> memref<4xi32, #tpu.memory_space<vmem>>
      %dma_wait3A_1014 = arith.constant 0 : i32
      %dma_wait3A_1015 = arith.constant 0 : i32
      %dma_wait3A_1016 = tpu.memref_slice %arg3[%dma_wait3A_1014, %dma_wait3A_1015] : memref<100000x1024xf32, #tpu.memory_space<hbm>> -> memref<100000x1024xf32, #tpu.memory_space<hbm>>
      tpu.wait_indirect_dma semaphore(%arg9 : memref<!tpu.dma_semaphore, #tpu.memory_space<semaphore_mem>>) src(%dma_wait3A_1016 : memref<100000x1024xf32, #tpu.memory_space<hbm>>) dst(%dma_wait3A_1010 : memref<4x1024xf32, #tpu.memory_space<vmem>>)
      %dma_wait3A_1017 = arith.constant 3 : i32
      %dma_wait3A_1018 = arith.constant 3 : i32
      %dma_wait3A_1019 = arith.constant 0 : i32
      %dma_wait3A_1020 = arith.constant 0 : i32
      %dma_wait3A_1021 = tpu.memref_slice %arg8[%dma_wait3A_1017, %dma_wait3A_1018, %dma_wait3A_1019, %dma_wait3A_1020] : memref<4x4x4x1024xf32, #tpu.memory_space<vmem>> -> memref<1x1x4x1024xf32, #tpu.memory_space<vmem>>
      %dma_wait3A_1022 = tpu.memref_squeeze %dma_wait3A_1021 : memref<1x1x4x1024xf32, #tpu.memory_space<vmem>> -> memref<4x1024xf32, #tpu.memory_space<vmem>>
      %dma_wait3A_1023 = arith.constant 12 : i32
      %dma_wait3A_1024 = tpu.memref_slice %arg6[%add3A_980, %dma_wait3A_1023] : memref<32x16xi32, #tpu.memory_space<vmem>> -> memref<1x4xi32, #tpu.memory_space<vmem>>
      %dma_wait3A_1025 = tpu.memref_squeeze %dma_wait3A_1024 : memref<1x4xi32, #tpu.memory_space<vmem>> -> memref<4xi32, #tpu.memory_space<vmem>>
      %dma_wait3A_1026 = arith.constant 0 : i32
      %dma_wait3A_1027 = arith.constant 0 : i32
      %dma_wait3A_1028 = tpu.memref_slice %arg3[%dma_wait3A_1026, %dma_wait3A_1027] : memref<100000x1024xf32, #tpu.memory_space<hbm>> -> memref<100000x1024xf32, #tpu.memory_space<hbm>>
      tpu.wait_indirect_dma semaphore(%arg9 : memref<!tpu.dma_semaphore, #tpu.memory_space<semaphore_mem>>) src(%dma_wait3A_1028 : memref<100000x1024xf32, #tpu.memory_space<hbm>>) dst(%dma_wait3A_1022 : memref<4x1024xf32, #tpu.memory_space<vmem>>)
      %mul3A_1029 = arith.constant 4 : i32
      %mul3A_1030 = arith.muli %add3A_980, %mul3A_1029 : i32
      %add3A_1031 = arith.addi %mul3A_2, %mul3A_1030 : i32
      %dma_wait3A_1032 = arith.constant 1 : i32
      %dma_wait3A_1033 = arith.constant 0 : i32
      %dma_wait3A_1034 = arith.constant 0 : i32
      %dma_wait3A_1035 = tpu.memref_slice %arg7[%dma_wait3A_1032, %dma_wait3A_1033, %dma_wait3A_1034] : memref<2x4x1024xf32, #tpu.memory_space<vmem>> -> memref<1x4x1024xf32, #tpu.memory_space<vmem>>
      %dma_wait3A_1036 = tpu.memref_squeeze %dma_wait3A_1035 : memref<1x4x1024xf32, #tpu.memory_space<vmem>> -> memref<4x1024xf32, #tpu.memory_space<vmem>>
      %dma_wait3A_1037 = arith.constant 0 : i32
      %dma_wait3A_1038 = tpu.memref_slice %arg4[%add3A_1031, %dma_wait3A_1037] : memref<4096x1024xf32, #tpu.memory_space<hbm>> -> memref<4x1024xf32, #tpu.memory_space<hbm>>
      %dma_wait3A_1039 = arith.constant 0 : i32
      %dma_wait3A_1040 = arith.constant 0 : i32
      %dma_wait3A_1041 = tpu.memref_slice %arg7[%dma_wait3A_1032, %dma_wait3A_1039, %dma_wait3A_1040] : memref<2x4x1024xf32, #tpu.memory_space<vmem>> -> memref<1x4x1024xf32, #tpu.memory_space<vmem>>
      %dma_wait3A_1042 = tpu.memref_squeeze %dma_wait3A_1041 : memref<1x4x1024xf32, #tpu.memory_space<vmem>> -> memref<4x1024xf32, #tpu.memory_space<vmem>>
      %dma_wait3A_1043 = arith.constant 0 : i32
      %dma_wait3A_1044 = tpu.memref_slice %arg4[%add3A_1031, %dma_wait3A_1043] : memref<4096x1024xf32, #tpu.memory_space<hbm>> -> memref<4x1024xf32, #tpu.memory_space<hbm>>
      tpu.wait_dma2 semaphore(%arg10 : memref<!tpu.dma_semaphore, #tpu.memory_space<semaphore_mem>>) src(%dma_wait3A_1044 : memref<4x1024xf32, #tpu.memory_space<hbm>>) dst(%dma_wait3A_1042 : memref<4x1024xf32, #tpu.memory_space<vmem>>)
      %scan3A_1045 = arith.constant 0 : i32
      %scan3A_1046 = arith.constant 0 : i32
      %scan3A_1047 = arith.constant 64 : i32
      %scan3A_1048 = arith.addi %scan3A_1046, %scan3A_1047 : i32
      %scan3A_1049 = arith.constant 1 : i32
      %scan3A_1050 = scf.for %scan3A_1217 = %scan3A_1046 to %scan3A_1048 step %scan3A_1049 iter_args(%scan3A_1218 = %scan3A_1045) -> (i32)  : i32 {
        %mul3A_1219 = arith.constant 16 : i32
        %mul3A_1220 = arith.muli %scan3A_1217, %mul3A_1219 : i32
        %get3A = arith.constant 1 : i32
        %get3A_1221 = arith.constant 0 : i32
        %get3A_1222 = arith.index_cast %get3A : i32 to index
        %get3A_1223 = arith.index_cast %get3A_1221 : i32 to index
        %get3A_1224 = arith.index_cast %mul3A_1220 : i32 to index
        %get3A_1225 = tpu.vector_load %arg7[%get3A_1222, %get3A_1223, %get3A_1224] {strides = array<i32>} : memref<2x4x1024xf32, #tpu.memory_space<vmem>>, vector<1x1x16xf32>,
        %get3A_1226 = vector.shape_cast %get3A_1225 : vector<1x1x16xf32> to vector<16xf32>
        %get3A_1227 = arith.constant 3 : i32
        %get3A_1228 = arith.constant 0 : i32
        %get3A_1229 = arith.constant 0 : i32
        %get3A_1230 = arith.index_cast %get3A_1227 : i32 to index
        %get3A_1231 = arith.index_cast %get3A_1228 : i32 to index
        %get3A_1232 = arith.index_cast %get3A_1229 : i32 to index
        %get3A_1233 = arith.index_cast %mul3A_1220 : i32 to index
        %get3A_1234 = tpu.vector_load %arg8[%get3A_1230, %get3A_1231, %get3A_1232, %get3A_1233] {strides = array<i32>} : memref<4x4x4x1024xf32, #tpu.memory_space<vmem>>, vector<1x1x1x16xf32>,
        %get3A_1235 = vector.shape_cast %get3A_1234 : vector<1x1x1x16xf32> to vector<16xf32>
        %mul3A_1236 = arith.constant 3.200000e+01 : f32
        %mul3A_1237 = vector.broadcast %mul3A_1236 : f32 to vector<16xf32>
        %mul3A_1238 = arith.mulf %get3A_1235, %mul3A_1237 : vector<16xf32>
        %add3A_1239 = arith.addf %mul3A_1238, %get3A_1226 : vector<16xf32>
        %swap3A = arith.constant 3 : i32
        %swap3A_1240 = arith.constant 0 : i32
        %swap3A_1241 = arith.constant 0 : i32
        %swap3A_1242 = arith.index_cast %swap3A : i32 to index
        %swap3A_1243 = arith.index_cast %swap3A_1240 : i32 to index
        %swap3A_1244 = arith.index_cast %swap3A_1241 : i32 to index
        %swap3A_1245 = arith.index_cast %mul3A_1220 : i32 to index
        %swap3A_1246 = tpu.vector_load %arg8[%swap3A_1242, %swap3A_1243, %swap3A_1244, %swap3A_1245] {strides = array<i32>} : memref<4x4x4x1024xf32, #tpu.memory_space<vmem>>, vector<1x1x1x16xf32>,
        %swap3A_1247 = vector.shape_cast %swap3A_1246 : vector<1x1x1x16xf32> to vector<16xf32>
        %swap3A_1248 = vector.shape_cast %add3A_1239 : vector<16xf32> to vector<1x1x1x16xf32>
        tpu.vector_store %arg8[%swap3A_1242, %swap3A_1243, %swap3A_1244, %swap3A_1245], %swap3A_1248 {strides = array<i32>} : memref<4x4x4x1024xf32, #tpu.memory_space<vmem>>, vector<1x1x1x16xf32>,
        %get3A_1249 = arith.constant 3 : i32
        %get3A_1250 = arith.constant 1 : i32
        %get3A_1251 = arith.constant 0 : i32
        %get3A_1252 = arith.index_cast %get3A_1249 : i32 to index
        %get3A_1253 = arith.index_cast %get3A_1250 : i32 to index
        %get3A_1254 = arith.index_cast %get3A_1251 : i32 to index
        %get3A_1255 = arith.index_cast %mul3A_1220 : i32 to index
        %get3A_1256 = tpu.vector_load %arg8[%get3A_1252, %get3A_1253, %get3A_1254, %get3A_1255] {strides = array<i32>} : memref<4x4x4x1024xf32, #tpu.memory_space<vmem>>, vector<1x1x1x16xf32>,
        %get3A_1257 = vector.shape_cast %get3A_1256 : vector<1x1x1x16xf32> to vector<16xf32>
        %mul3A_1258 = arith.constant 3.200000e+01 : f32
        %mul3A_1259 = vector.broadcast %mul3A_1258 : f32 to vector<16xf32>
        %mul3A_1260 = arith.mulf %get3A_1257, %mul3A_1259 : vector<16xf32>
        %add3A_1261 = arith.addf %mul3A_1260, %get3A_1226 : vector<16xf32>
        %swap3A_1262 = arith.constant 3 : i32
        %swap3A_1263 = arith.constant 1 : i32
        %swap3A_1264 = arith.constant 0 : i32
        %swap3A_1265 = arith.index_cast %swap3A_1262 : i32 to index
        %swap3A_1266 = arith.index_cast %swap3A_1263 : i32 to index
        %swap3A_1267 = arith.index_cast %swap3A_1264 : i32 to index
        %swap3A_1268 = arith.index_cast %mul3A_1220 : i32 to index
        %swap3A_1269 = tpu.vector_load %arg8[%swap3A_1265, %swap3A_1266, %swap3A_1267, %swap3A_1268] {strides = array<i32>} : memref<4x4x4x1024xf32, #tpu.memory_space<vmem>>, vector<1x1x1x16xf32>,
        %swap3A_1270 = vector.shape_cast %swap3A_1269 : vector<1x1x1x16xf32> to vector<16xf32>
        %swap3A_1271 = vector.shape_cast %add3A_1261 : vector<16xf32> to vector<1x1x1x16xf32>
        tpu.vector_store %arg8[%swap3A_1265, %swap3A_1266, %swap3A_1267, %swap3A_1268], %swap3A_1271 {strides = array<i32>} : memref<4x4x4x1024xf32, #tpu.memory_space<vmem>>, vector<1x1x1x16xf32>,
        %get3A_1272 = arith.constant 3 : i32
        %get3A_1273 = arith.constant 2 : i32
        %get3A_1274 = arith.constant 0 : i32
        %get3A_1275 = arith.index_cast %get3A_1272 : i32 to index
        %get3A_1276 = arith.index_cast %get3A_1273 : i32 to index
        %get3A_1277 = arith.index_cast %get3A_1274 : i32 to index
        %get3A_1278 = arith.index_cast %mul3A_1220 : i32 to index
        %get3A_1279 = tpu.vector_load %arg8[%get3A_1275, %get3A_1276, %get3A_1277, %get3A_1278] {strides = array<i32>} : memref<4x4x4x1024xf32, #tpu.memory_space<vmem>>, vector<1x1x1x16xf32>,
        %get3A_1280 = vector.shape_cast %get3A_1279 : vector<1x1x1x16xf32> to vector<16xf32>
        %mul3A_1281 = arith.constant 3.200000e+01 : f32
        %mul3A_1282 = vector.broadcast %mul3A_1281 : f32 to vector<16xf32>
        %mul3A_1283 = arith.mulf %get3A_1280, %mul3A_1282 : vector<16xf32>
        %add3A_1284 = arith.addf %mul3A_1283, %get3A_1226 : vector<16xf32>
        %swap3A_1285 = arith.constant 3 : i32
        %swap3A_1286 = arith.constant 2 : i32
        %swap3A_1287 = arith.constant 0 : i32
        %swap3A_1288 = arith.index_cast %swap3A_1285 : i32 to index
        %swap3A_1289 = arith.index_cast %swap3A_1286 : i32 to index
        %swap3A_1290 = arith.index_cast %swap3A_1287 : i32 to index
        %swap3A_1291 = arith.index_cast %mul3A_1220 : i32 to index
        %swap3A_1292 = tpu.vector_load %arg8[%swap3A_1288, %swap3A_1289, %swap3A_1290, %swap3A_1291] {strides = array<i32>} : memref<4x4x4x1024xf32, #tpu.memory_space<vmem>>, vector<1x1x1x16xf32>,
        %swap3A_1293 = vector.shape_cast %swap3A_1292 : vector<1x1x1x16xf32> to vector<16xf32>
        %swap3A_1294 = vector.shape_cast %add3A_1284 : vector<16xf32> to vector<1x1x1x16xf32>
        tpu.vector_store %arg8[%swap3A_1288, %swap3A_1289, %swap3A_1290, %swap3A_1291], %swap3A_1294 {strides = array<i32>} : memref<4x4x4x1024xf32, #tpu.memory_space<vmem>>, vector<1x1x1x16xf32>,
        %get3A_1295 = arith.constant 3 : i32
        %get3A_1296 = arith.constant 3 : i32
        %get3A_1297 = arith.constant 0 : i32
        %get3A_1298 = arith.index_cast %get3A_1295 : i32 to index
        %get3A_1299 = arith.index_cast %get3A_1296 : i32 to index
        %get3A_1300 = arith.index_cast %get3A_1297 : i32 to index
        %get3A_1301 = arith.index_cast %mul3A_1220 : i32 to index
        %get3A_1302 = tpu.vector_load %arg8[%get3A_1298, %get3A_1299, %get3A_1300, %get3A_1301] {strides = array<i32>} : memref<4x4x4x1024xf32, #tpu.memory_space<vmem>>, vector<1x1x1x16xf32>,
        %get3A_1303 = vector.shape_cast %get3A_1302 : vector<1x1x1x16xf32> to vector<16xf32>
        %mul3A_1304 = arith.constant 3.200000e+01 : f32
        %mul3A_1305 = vector.broadcast %mul3A_1304 : f32 to vector<16xf32>
        %mul3A_1306 = arith.mulf %get3A_1303, %mul3A_1305 : vector<16xf32>
        %add3A_1307 = arith.addf %mul3A_1306, %get3A_1226 : vector<16xf32>
        %swap3A_1308 = arith.constant 3 : i32
        %swap3A_1309 = arith.constant 3 : i32
        %swap3A_1310 = arith.constant 0 : i32
        %swap3A_1311 = arith.index_cast %swap3A_1308 : i32 to index
        %swap3A_1312 = arith.index_cast %swap3A_1309 : i32 to index
        %swap3A_1313 = arith.index_cast %swap3A_1310 : i32 to index
        %swap3A_1314 = arith.index_cast %mul3A_1220 : i32 to index
        %swap3A_1315 = tpu.vector_load %arg8[%swap3A_1311, %swap3A_1312, %swap3A_1313, %swap3A_1314] {strides = array<i32>} : memref<4x4x4x1024xf32, #tpu.memory_space<vmem>>, vector<1x1x1x16xf32>,
        %swap3A_1316 = vector.shape_cast %swap3A_1315 : vector<1x1x1x16xf32> to vector<16xf32>
        %swap3A_1317 = vector.shape_cast %add3A_1307 : vector<16xf32> to vector<1x1x1x16xf32>
        tpu.vector_store %arg8[%swap3A_1311, %swap3A_1312, %swap3A_1313, %swap3A_1314], %swap3A_1317 {strides = array<i32>} : memref<4x4x4x1024xf32, #tpu.memory_space<vmem>>, vector<1x1x1x16xf32>,
        %get3A_1318 = arith.constant 1 : i32
        %get3A_1319 = arith.constant 1 : i32
        %get3A_1320 = arith.index_cast %get3A_1318 : i32 to index
        %get3A_1321 = arith.index_cast %get3A_1319 : i32 to index
        %get3A_1322 = arith.index_cast %mul3A_1220 : i32 to index
        %get3A_1323 = tpu.vector_load %arg7[%get3A_1320, %get3A_1321, %get3A_1322] {strides = array<i32>} : memref<2x4x1024xf32, #tpu.memory_space<vmem>>, vector<1x1x16xf32>,
        %get3A_1324 = vector.shape_cast %get3A_1323 : vector<1x1x16xf32> to vector<16xf32>
        %get3A_1325 = arith.constant 3 : i32
        %get3A_1326 = arith.constant 0 : i32
        %get3A_1327 = arith.constant 1 : i32
        %get3A_1328 = arith.index_cast %get3A_1325 : i32 to index
        %get3A_1329 = arith.index_cast %get3A_1326 : i32 to index
        %get3A_1330 = arith.index_cast %get3A_1327 : i32 to index
        %get3A_1331 = arith.index_cast %mul3A_1220 : i32 to index
        %get3A_1332 = tpu.vector_load %arg8[%get3A_1328, %get3A_1329, %get3A_1330, %get3A_1331] {strides = array<i32>} : memref<4x4x4x1024xf32, #tpu.memory_space<vmem>>, vector<1x1x1x16xf32>,
        %get3A_1333 = vector.shape_cast %get3A_1332 : vector<1x1x1x16xf32> to vector<16xf32>
        %mul3A_1334 = arith.constant 3.200000e+01 : f32
        %mul3A_1335 = vector.broadcast %mul3A_1334 : f32 to vector<16xf32>
        %mul3A_1336 = arith.mulf %get3A_1333, %mul3A_1335 : vector<16xf32>
        %add3A_1337 = arith.addf %mul3A_1336, %get3A_1324 : vector<16xf32>
        %swap3A_1338 = arith.constant 3 : i32
        %swap3A_1339 = arith.constant 0 : i32
        %swap3A_1340 = arith.constant 1 : i32
        %swap3A_1341 = arith.index_cast %swap3A_1338 : i32 to index
        %swap3A_1342 = arith.index_cast %swap3A_1339 : i32 to index
        %swap3A_1343 = arith.index_cast %swap3A_1340 : i32 to index
        %swap3A_1344 = arith.index_cast %mul3A_1220 : i32 to index
        %swap3A_1345 = tpu.vector_load %arg8[%swap3A_1341, %swap3A_1342, %swap3A_1343, %swap3A_1344] {strides = array<i32>} : memref<4x4x4x1024xf32, #tpu.memory_space<vmem>>, vector<1x1x1x16xf32>,
        %swap3A_1346 = vector.shape_cast %swap3A_1345 : vector<1x1x1x16xf32> to vector<16xf32>
        %swap3A_1347 = vector.shape_cast %add3A_1337 : vector<16xf32> to vector<1x1x1x16xf32>
        tpu.vector_store %arg8[%swap3A_1341, %swap3A_1342, %swap3A_1343, %swap3A_1344], %swap3A_1347 {strides = array<i32>} : memref<4x4x4x1024xf32, #tpu.memory_space<vmem>>, vector<1x1x1x16xf32>,
        %get3A_1348 = arith.constant 3 : i32
        %get3A_1349 = arith.constant 1 : i32
        %get3A_1350 = arith.constant 1 : i32
        %get3A_1351 = arith.index_cast %get3A_1348 : i32 to index
        %get3A_1352 = arith.index_cast %get3A_1349 : i32 to index
        %get3A_1353 = arith.index_cast %get3A_1350 : i32 to index
        %get3A_1354 = arith.index_cast %mul3A_1220 : i32 to index
        %get3A_1355 = tpu.vector_load %arg8[%get3A_1351, %get3A_1352, %get3A_1353, %get3A_1354] {strides = array<i32>} : memref<4x4x4x1024xf32, #tpu.memory_space<vmem>>, vector<1x1x1x16xf32>,
        %get3A_1356 = vector.shape_cast %get3A_1355 : vector<1x1x1x16xf32> to vector<16xf32>
        %mul3A_1357 = arith.constant 3.200000e+01 : f32
        %mul3A_1358 = vector.broadcast %mul3A_1357 : f32 to vector<16xf32>
        %mul3A_1359 = arith.mulf %get3A_1356, %mul3A_1358 : vector<16xf32>
        %add3A_1360 = arith.addf %mul3A_1359, %get3A_1324 : vector<16xf32>
        %swap3A_1361 = arith.constant 3 : i32
        %swap3A_1362 = arith.constant 1 : i32
        %swap3A_1363 = arith.constant 1 : i32
        %swap3A_1364 = arith.index_cast %swap3A_1361 : i32 to index
        %swap3A_1365 = arith.index_cast %swap3A_1362 : i32 to index
        %swap3A_1366 = arith.index_cast %swap3A_1363 : i32 to index
        %swap3A_1367 = arith.index_cast %mul3A_1220 : i32 to index
        %swap3A_1368 = tpu.vector_load %arg8[%swap3A_1364, %swap3A_1365, %swap3A_1366, %swap3A_1367] {strides = array<i32>} : memref<4x4x4x1024xf32, #tpu.memory_space<vmem>>, vector<1x1x1x16xf32>,
        %swap3A_1369 = vector.shape_cast %swap3A_1368 : vector<1x1x1x16xf32> to vector<16xf32>
        %swap3A_1370 = vector.shape_cast %add3A_1360 : vector<16xf32> to vector<1x1x1x16xf32>
        tpu.vector_store %arg8[%swap3A_1364, %swap3A_1365, %swap3A_1366, %swap3A_1367], %swap3A_1370 {strides = array<i32>} : memref<4x4x4x1024xf32, #tpu.memory_space<vmem>>, vector<1x1x1x16xf32>,
        %get3A_1371 = arith.constant 3 : i32
        %get3A_1372 = arith.constant 2 : i32
        %get3A_1373 = arith.constant 1 : i32
        %get3A_1374 = arith.index_cast %get3A_1371 : i32 to index
        %get3A_1375 = arith.index_cast %get3A_1372 : i32 to index
        %get3A_1376 = arith.index_cast %get3A_1373 : i32 to index
        %get3A_1377 = arith.index_cast %mul3A_1220 : i32 to index
        %get3A_1378 = tpu.vector_load %arg8[%get3A_1374, %get3A_1375, %get3A_1376, %get3A_1377] {strides = array<i32>} : memref<4x4x4x1024xf32, #tpu.memory_space<vmem>>, vector<1x1x1x16xf32>,
        %get3A_1379 = vector.shape_cast %get3A_1378 : vector<1x1x1x16xf32> to vector<16xf32>
        %mul3A_1380 = arith.constant 3.200000e+01 : f32
        %mul3A_1381 = vector.broadcast %mul3A_1380 : f32 to vector<16xf32>
        %mul3A_1382 = arith.mulf %get3A_1379, %mul3A_1381 : vector<16xf32>
        %add3A_1383 = arith.addf %mul3A_1382, %get3A_1324 : vector<16xf32>
        %swap3A_1384 = arith.constant 3 : i32
        %swap3A_1385 = arith.constant 2 : i32
        %swap3A_1386 = arith.constant 1 : i32
        %swap3A_1387 = arith.index_cast %swap3A_1384 : i32 to index
        %swap3A_1388 = arith.index_cast %swap3A_1385 : i32 to index
        %swap3A_1389 = arith.index_cast %swap3A_1386 : i32 to index
        %swap3A_1390 = arith.index_cast %mul3A_1220 : i32 to index
        %swap3A_1391 = tpu.vector_load %arg8[%swap3A_1387, %swap3A_1388, %swap3A_1389, %swap3A_1390] {strides = array<i32>} : memref<4x4x4x1024xf32, #tpu.memory_space<vmem>>, vector<1x1x1x16xf32>,
        %swap3A_1392 = vector.shape_cast %swap3A_1391 : vector<1x1x1x16xf32> to vector<16xf32>
        %swap3A_1393 = vector.shape_cast %add3A_1383 : vector<16xf32> to vector<1x1x1x16xf32>
        tpu.vector_store %arg8[%swap3A_1387, %swap3A_1388, %swap3A_1389, %swap3A_1390], %swap3A_1393 {strides = array<i32>} : memref<4x4x4x1024xf32, #tpu.memory_space<vmem>>, vector<1x1x1x16xf32>,
        %get3A_1394 = arith.constant 3 : i32
        %get3A_1395 = arith.constant 3 : i32
        %get3A_1396 = arith.constant 1 : i32
        %get3A_1397 = arith.index_cast %get3A_1394 : i32 to index
        %get3A_1398 = arith.index_cast %get3A_1395 : i32 to index
        %get3A_1399 = arith.index_cast %get3A_1396 : i32 to index
        %get3A_1400 = arith.index_cast %mul3A_1220 : i32 to index
        %get3A_1401 = tpu.vector_load %arg8[%get3A_1397, %get3A_1398, %get3A_1399, %get3A_1400] {strides = array<i32>} : memref<4x4x4x1024xf32, #tpu.memory_space<vmem>>, vector<1x1x1x16xf32>,
        %get3A_1402 = vector.shape_cast %get3A_1401 : vector<1x1x1x16xf32> to vector<16xf32>
        %mul3A_1403 = arith.constant 3.200000e+01 : f32
        %mul3A_1404 = vector.broadcast %mul3A_1403 : f32 to vector<16xf32>
        %mul3A_1405 = arith.mulf %get3A_1402, %mul3A_1404 : vector<16xf32>
        %add3A_1406 = arith.addf %mul3A_1405, %get3A_1324 : vector<16xf32>
        %swap3A_1407 = arith.constant 3 : i32
        %swap3A_1408 = arith.constant 3 : i32
        %swap3A_1409 = arith.constant 1 : i32
        %swap3A_1410 = arith.index_cast %swap3A_1407 : i32 to index
        %swap3A_1411 = arith.index_cast %swap3A_1408 : i32 to index
        %swap3A_1412 = arith.index_cast %swap3A_1409 : i32 to index
        %swap3A_1413 = arith.index_cast %mul3A_1220 : i32 to index
        %swap3A_1414 = tpu.vector_load %arg8[%swap3A_1410, %swap3A_1411, %swap3A_1412, %swap3A_1413] {strides = array<i32>} : memref<4x4x4x1024xf32, #tpu.memory_space<vmem>>, vector<1x1x1x16xf32>,
        %swap3A_1415 = vector.shape_cast %swap3A_1414 : vector<1x1x1x16xf32> to vector<16xf32>
        %swap3A_1416 = vector.shape_cast %add3A_1406 : vector<16xf32> to vector<1x1x1x16xf32>
        tpu.vector_store %arg8[%swap3A_1410, %swap3A_1411, %swap3A_1412, %swap3A_1413], %swap3A_1416 {strides = array<i32>} : memref<4x4x4x1024xf32, #tpu.memory_space<vmem>>, vector<1x1x1x16xf32>,
        %get3A_1417 = arith.constant 1 : i32
        %get3A_1418 = arith.constant 2 : i32
        %get3A_1419 = arith.index_cast %get3A_1417 : i32 to index
        %get3A_1420 = arith.index_cast %get3A_1418 : i32 to index
        %get3A_1421 = arith.index_cast %mul3A_1220 : i32 to index
        %get3A_1422 = tpu.vector_load %arg7[%get3A_1419, %get3A_1420, %get3A_1421] {strides = array<i32>} : memref<2x4x1024xf32, #tpu.memory_space<vmem>>, vector<1x1x16xf32>,
        %get3A_1423 = vector.shape_cast %get3A_1422 : vector<1x1x16xf32> to vector<16xf32>
        %get3A_1424 = arith.constant 3 : i32
        %get3A_1425 = arith.constant 0 : i32
        %get3A_1426 = arith.constant 2 : i32
        %get3A_1427 = arith.index_cast %get3A_1424 : i32 to index
        %get3A_1428 = arith.index_cast %get3A_1425 : i32 to index
        %get3A_1429 = arith.index_cast %get3A_1426 : i32 to index
        %get3A_1430 = arith.index_cast %mul3A_1220 : i32 to index
        %get3A_1431 = tpu.vector_load %arg8[%get3A_1427, %get3A_1428, %get3A_1429, %get3A_1430] {strides = array<i32>} : memref<4x4x4x1024xf32, #tpu.memory_space<vmem>>, vector<1x1x1x16xf32>,
        %get3A_1432 = vector.shape_cast %get3A_1431 : vector<1x1x1x16xf32> to vector<16xf32>
        %mul3A_1433 = arith.constant 3.200000e+01 : f32
        %mul3A_1434 = vector.broadcast %mul3A_1433 : f32 to vector<16xf32>
        %mul3A_1435 = arith.mulf %get3A_1432, %mul3A_1434 : vector<16xf32>
        %add3A_1436 = arith.addf %mul3A_1435, %get3A_1423 : vector<16xf32>
        %swap3A_1437 = arith.constant 3 : i32
        %swap3A_1438 = arith.constant 0 : i32
        %swap3A_1439 = arith.constant 2 : i32
        %swap3A_1440 = arith.index_cast %swap3A_1437 : i32 to index
        %swap3A_1441 = arith.index_cast %swap3A_1438 : i32 to index
        %swap3A_1442 = arith.index_cast %swap3A_1439 : i32 to index
        %swap3A_1443 = arith.index_cast %mul3A_1220 : i32 to index
        %swap3A_1444 = tpu.vector_load %arg8[%swap3A_1440, %swap3A_1441, %swap3A_1442, %swap3A_1443] {strides = array<i32>} : memref<4x4x4x1024xf32, #tpu.memory_space<vmem>>, vector<1x1x1x16xf32>,
        %swap3A_1445 = vector.shape_cast %swap3A_1444 : vector<1x1x1x16xf32> to vector<16xf32>
        %swap3A_1446 = vector.shape_cast %add3A_1436 : vector<16xf32> to vector<1x1x1x16xf32>
        tpu.vector_store %arg8[%swap3A_1440, %swap3A_1441, %swap3A_1442, %swap3A_1443], %swap3A_1446 {strides = array<i32>} : memref<4x4x4x1024xf32, #tpu.memory_space<vmem>>, vector<1x1x1x16xf32>,
        %get3A_1447 = arith.constant 3 : i32
        %get3A_1448 = arith.constant 1 : i32
        %get3A_1449 = arith.constant 2 : i32
        %get3A_1450 = arith.index_cast %get3A_1447 : i32 to index
        %get3A_1451 = arith.index_cast %get3A_1448 : i32 to index
        %get3A_1452 = arith.index_cast %get3A_1449 : i32 to index
        %get3A_1453 = arith.index_cast %mul3A_1220 : i32 to index
        %get3A_1454 = tpu.vector_load %arg8[%get3A_1450, %get3A_1451, %get3A_1452, %get3A_1453] {strides = array<i32>} : memref<4x4x4x1024xf32, #tpu.memory_space<vmem>>, vector<1x1x1x16xf32>,
        %get3A_1455 = vector.shape_cast %get3A_1454 : vector<1x1x1x16xf32> to vector<16xf32>
        %mul3A_1456 = arith.constant 3.200000e+01 : f32
        %mul3A_1457 = vector.broadcast %mul3A_1456 : f32 to vector<16xf32>
        %mul3A_1458 = arith.mulf %get3A_1455, %mul3A_1457 : vector<16xf32>
        %add3A_1459 = arith.addf %mul3A_1458, %get3A_1423 : vector<16xf32>
        %swap3A_1460 = arith.constant 3 : i32
        %swap3A_1461 = arith.constant 1 : i32
        %swap3A_1462 = arith.constant 2 : i32
        %swap3A_1463 = arith.index_cast %swap3A_1460 : i32 to index
        %swap3A_1464 = arith.index_cast %swap3A_1461 : i32 to index
        %swap3A_1465 = arith.index_cast %swap3A_1462 : i32 to index
        %swap3A_1466 = arith.index_cast %mul3A_1220 : i32 to index
        %swap3A_1467 = tpu.vector_load %arg8[%swap3A_1463, %swap3A_1464, %swap3A_1465, %swap3A_1466] {strides = array<i32>} : memref<4x4x4x1024xf32, #tpu.memory_space<vmem>>, vector<1x1x1x16xf32>,
        %swap3A_1468 = vector.shape_cast %swap3A_1467 : vector<1x1x1x16xf32> to vector<16xf32>
        %swap3A_1469 = vector.shape_cast %add3A_1459 : vector<16xf32> to vector<1x1x1x16xf32>
        tpu.vector_store %arg8[%swap3A_1463, %swap3A_1464, %swap3A_1465, %swap3A_1466], %swap3A_1469 {strides = array<i32>} : memref<4x4x4x1024xf32, #tpu.memory_space<vmem>>, vector<1x1x1x16xf32>,
        %get3A_1470 = arith.constant 3 : i32
        %get3A_1471 = arith.constant 2 : i32
        %get3A_1472 = arith.constant 2 : i32
        %get3A_1473 = arith.index_cast %get3A_1470 : i32 to index
        %get3A_1474 = arith.index_cast %get3A_1471 : i32 to index
        %get3A_1475 = arith.index_cast %get3A_1472 : i32 to index
        %get3A_1476 = arith.index_cast %mul3A_1220 : i32 to index
        %get3A_1477 = tpu.vector_load %arg8[%get3A_1473, %get3A_1474, %get3A_1475, %get3A_1476] {strides = array<i32>} : memref<4x4x4x1024xf32, #tpu.memory_space<vmem>>, vector<1x1x1x16xf32>,
        %get3A_1478 = vector.shape_cast %get3A_1477 : vector<1x1x1x16xf32> to vector<16xf32>
        %mul3A_1479 = arith.constant 3.200000e+01 : f32
        %mul3A_1480 = vector.broadcast %mul3A_1479 : f32 to vector<16xf32>
        %mul3A_1481 = arith.mulf %get3A_1478, %mul3A_1480 : vector<16xf32>
        %add3A_1482 = arith.addf %mul3A_1481, %get3A_1423 : vector<16xf32>
        %swap3A_1483 = arith.constant 3 : i32
        %swap3A_1484 = arith.constant 2 : i32
        %swap3A_1485 = arith.constant 2 : i32
        %swap3A_1486 = arith.index_cast %swap3A_1483 : i32 to index
        %swap3A_1487 = arith.index_cast %swap3A_1484 : i32 to index
        %swap3A_1488 = arith.index_cast %swap3A_1485 : i32 to index
        %swap3A_1489 = arith.index_cast %mul3A_1220 : i32 to index
        %swap3A_1490 = tpu.vector_load %arg8[%swap3A_1486, %swap3A_1487, %swap3A_1488, %swap3A_1489] {strides = array<i32>} : memref<4x4x4x1024xf32, #tpu.memory_space<vmem>>, vector<1x1x1x16xf32>,
        %swap3A_1491 = vector.shape_cast %swap3A_1490 : vector<1x1x1x16xf32> to vector<16xf32>
        %swap3A_1492 = vector.shape_cast %add3A_1482 : vector<16xf32> to vector<1x1x1x16xf32>
        tpu.vector_store %arg8[%swap3A_1486, %swap3A_1487, %swap3A_1488, %swap3A_1489], %swap3A_1492 {strides = array<i32>} : memref<4x4x4x1024xf32, #tpu.memory_space<vmem>>, vector<1x1x1x16xf32>,
        %get3A_1493 = arith.constant 3 : i32
        %get3A_1494 = arith.constant 3 : i32
        %get3A_1495 = arith.constant 2 : i32
        %get3A_1496 = arith.index_cast %get3A_1493 : i32 to index
        %get3A_1497 = arith.index_cast %get3A_1494 : i32 to index
        %get3A_1498 = arith.index_cast %get3A_1495 : i32 to index
        %get3A_1499 = arith.index_cast %mul3A_1220 : i32 to index
        %get3A_1500 = tpu.vector_load %arg8[%get3A_1496, %get3A_1497, %get3A_1498, %get3A_1499] {strides = array<i32>} : memref<4x4x4x1024xf32, #tpu.memory_space<vmem>>, vector<1x1x1x16xf32>,
        %get3A_1501 = vector.shape_cast %get3A_1500 : vector<1x1x1x16xf32> to vector<16xf32>
        %mul3A_1502 = arith.constant 3.200000e+01 : f32
        %mul3A_1503 = vector.broadcast %mul3A_1502 : f32 to vector<16xf32>
        %mul3A_1504 = arith.mulf %get3A_1501, %mul3A_1503 : vector<16xf32>
        %add3A_1505 = arith.addf %mul3A_1504, %get3A_1423 : vector<16xf32>
        %swap3A_1506 = arith.constant 3 : i32
        %swap3A_1507 = arith.constant 3 : i32
        %swap3A_1508 = arith.constant 2 : i32
        %swap3A_1509 = arith.index_cast %swap3A_1506 : i32 to index
        %swap3A_1510 = arith.index_cast %swap3A_1507 : i32 to index
        %swap3A_1511 = arith.index_cast %swap3A_1508 : i32 to index
        %swap3A_1512 = arith.index_cast %mul3A_1220 : i32 to index
        %swap3A_1513 = tpu.vector_load %arg8[%swap3A_1509, %swap3A_1510, %swap3A_1511, %swap3A_1512] {strides = array<i32>} : memref<4x4x4x1024xf32, #tpu.memory_space<vmem>>, vector<1x1x1x16xf32>,
        %swap3A_1514 = vector.shape_cast %swap3A_1513 : vector<1x1x1x16xf32> to vector<16xf32>
        %swap3A_1515 = vector.shape_cast %add3A_1505 : vector<16xf32> to vector<1x1x1x16xf32>
        tpu.vector_store %arg8[%swap3A_1509, %swap3A_1510, %swap3A_1511, %swap3A_1512], %swap3A_1515 {strides = array<i32>} : memref<4x4x4x1024xf32, #tpu.memory_space<vmem>>, vector<1x1x1x16xf32>,
        %get3A_1516 = arith.constant 1 : i32
        %get3A_1517 = arith.constant 3 : i32
        %get3A_1518 = arith.index_cast %get3A_1516 : i32 to index
        %get3A_1519 = arith.index_cast %get3A_1517 : i32 to index
        %get3A_1520 = arith.index_cast %mul3A_1220 : i32 to index
        %get3A_1521 = tpu.vector_load %arg7[%get3A_1518, %get3A_1519, %get3A_1520] {strides = array<i32>} : memref<2x4x1024xf32, #tpu.memory_space<vmem>>, vector<1x1x16xf32>,
        %get3A_1522 = vector.shape_cast %get3A_1521 : vector<1x1x16xf32> to vector<16xf32>
        %get3A_1523 = arith.constant 3 : i32
        %get3A_1524 = arith.constant 0 : i32
        %get3A_1525 = arith.constant 3 : i32
        %get3A_1526 = arith.index_cast %get3A_1523 : i32 to index
        %get3A_1527 = arith.index_cast %get3A_1524 : i32 to index
        %get3A_1528 = arith.index_cast %get3A_1525 : i32 to index
        %get3A_1529 = arith.index_cast %mul3A_1220 : i32 to index
        %get3A_1530 = tpu.vector_load %arg8[%get3A_1526, %get3A_1527, %get3A_1528, %get3A_1529] {strides = array<i32>} : memref<4x4x4x1024xf32, #tpu.memory_space<vmem>>, vector<1x1x1x16xf32>,
        %get3A_1531 = vector.shape_cast %get3A_1530 : vector<1x1x1x16xf32> to vector<16xf32>
        %mul3A_1532 = arith.constant 3.200000e+01 : f32
        %mul3A_1533 = vector.broadcast %mul3A_1532 : f32 to vector<16xf32>
        %mul3A_1534 = arith.mulf %get3A_1531, %mul3A_1533 : vector<16xf32>
        %add3A_1535 = arith.addf %mul3A_1534, %get3A_1522 : vector<16xf32>
        %swap3A_1536 = arith.constant 3 : i32
        %swap3A_1537 = arith.constant 0 : i32
        %swap3A_1538 = arith.constant 3 : i32
        %swap3A_1539 = arith.index_cast %swap3A_1536 : i32 to index
        %swap3A_1540 = arith.index_cast %swap3A_1537 : i32 to index
        %swap3A_1541 = arith.index_cast %swap3A_1538 : i32 to index
        %swap3A_1542 = arith.index_cast %mul3A_1220 : i32 to index
        %swap3A_1543 = tpu.vector_load %arg8[%swap3A_1539, %swap3A_1540, %swap3A_1541, %swap3A_1542] {strides = array<i32>} : memref<4x4x4x1024xf32, #tpu.memory_space<vmem>>, vector<1x1x1x16xf32>,
        %swap3A_1544 = vector.shape_cast %swap3A_1543 : vector<1x1x1x16xf32> to vector<16xf32>
        %swap3A_1545 = vector.shape_cast %add3A_1535 : vector<16xf32> to vector<1x1x1x16xf32>
        tpu.vector_store %arg8[%swap3A_1539, %swap3A_1540, %swap3A_1541, %swap3A_1542], %swap3A_1545 {strides = array<i32>} : memref<4x4x4x1024xf32, #tpu.memory_space<vmem>>, vector<1x1x1x16xf32>,
        %get3A_1546 = arith.constant 3 : i32
        %get3A_1547 = arith.constant 1 : i32
        %get3A_1548 = arith.constant 3 : i32
        %get3A_1549 = arith.index_cast %get3A_1546 : i32 to index
        %get3A_1550 = arith.index_cast %get3A_1547 : i32 to index
        %get3A_1551 = arith.index_cast %get3A_1548 : i32 to index
        %get3A_1552 = arith.index_cast %mul3A_1220 : i32 to index
        %get3A_1553 = tpu.vector_load %arg8[%get3A_1549, %get3A_1550, %get3A_1551, %get3A_1552] {strides = array<i32>} : memref<4x4x4x1024xf32, #tpu.memory_space<vmem>>, vector<1x1x1x16xf32>,
        %get3A_1554 = vector.shape_cast %get3A_1553 : vector<1x1x1x16xf32> to vector<16xf32>
        %mul3A_1555 = arith.constant 3.200000e+01 : f32
        %mul3A_1556 = vector.broadcast %mul3A_1555 : f32 to vector<16xf32>
        %mul3A_1557 = arith.mulf %get3A_1554, %mul3A_1556 : vector<16xf32>
        %add3A_1558 = arith.addf %mul3A_1557, %get3A_1522 : vector<16xf32>
        %swap3A_1559 = arith.constant 3 : i32
        %swap3A_1560 = arith.constant 1 : i32
        %swap3A_1561 = arith.constant 3 : i32
        %swap3A_1562 = arith.index_cast %swap3A_1559 : i32 to index
        %swap3A_1563 = arith.index_cast %swap3A_1560 : i32 to index
        %swap3A_1564 = arith.index_cast %swap3A_1561 : i32 to index
        %swap3A_1565 = arith.index_cast %mul3A_1220 : i32 to index
        %swap3A_1566 = tpu.vector_load %arg8[%swap3A_1562, %swap3A_1563, %swap3A_1564, %swap3A_1565] {strides = array<i32>} : memref<4x4x4x1024xf32, #tpu.memory_space<vmem>>, vector<1x1x1x16xf32>,
        %swap3A_1567 = vector.shape_cast %swap3A_1566 : vector<1x1x1x16xf32> to vector<16xf32>
        %swap3A_1568 = vector.shape_cast %add3A_1558 : vector<16xf32> to vector<1x1x1x16xf32>
        tpu.vector_store %arg8[%swap3A_1562, %swap3A_1563, %swap3A_1564, %swap3A_1565], %swap3A_1568 {strides = array<i32>} : memref<4x4x4x1024xf32, #tpu.memory_space<vmem>>, vector<1x1x1x16xf32>,
        %get3A_1569 = arith.constant 3 : i32
        %get3A_1570 = arith.constant 2 : i32
        %get3A_1571 = arith.constant 3 : i32
        %get3A_1572 = arith.index_cast %get3A_1569 : i32 to index
        %get3A_1573 = arith.index_cast %get3A_1570 : i32 to index
        %get3A_1574 = arith.index_cast %get3A_1571 : i32 to index
        %get3A_1575 = arith.index_cast %mul3A_1220 : i32 to index
        %get3A_1576 = tpu.vector_load %arg8[%get3A_1572, %get3A_1573, %get3A_1574, %get3A_1575] {strides = array<i32>} : memref<4x4x4x1024xf32, #tpu.memory_space<vmem>>, vector<1x1x1x16xf32>,
        %get3A_1577 = vector.shape_cast %get3A_1576 : vector<1x1x1x16xf32> to vector<16xf32>
        %mul3A_1578 = arith.constant 3.200000e+01 : f32
        %mul3A_1579 = vector.broadcast %mul3A_1578 : f32 to vector<16xf32>
        %mul3A_1580 = arith.mulf %get3A_1577, %mul3A_1579 : vector<16xf32>
        %add3A_1581 = arith.addf %mul3A_1580, %get3A_1522 : vector<16xf32>
        %swap3A_1582 = arith.constant 3 : i32
        %swap3A_1583 = arith.constant 2 : i32
        %swap3A_1584 = arith.constant 3 : i32
        %swap3A_1585 = arith.index_cast %swap3A_1582 : i32 to index
        %swap3A_1586 = arith.index_cast %swap3A_1583 : i32 to index
        %swap3A_1587 = arith.index_cast %swap3A_1584 : i32 to index
        %swap3A_1588 = arith.index_cast %mul3A_1220 : i32 to index
        %swap3A_1589 = tpu.vector_load %arg8[%swap3A_1585, %swap3A_1586, %swap3A_1587, %swap3A_1588] {strides = array<i32>} : memref<4x4x4x1024xf32, #tpu.memory_space<vmem>>, vector<1x1x1x16xf32>,
        %swap3A_1590 = vector.shape_cast %swap3A_1589 : vector<1x1x1x16xf32> to vector<16xf32>
        %swap3A_1591 = vector.shape_cast %add3A_1581 : vector<16xf32> to vector<1x1x1x16xf32>
        tpu.vector_store %arg8[%swap3A_1585, %swap3A_1586, %swap3A_1587, %swap3A_1588], %swap3A_1591 {strides = array<i32>} : memref<4x4x4x1024xf32, #tpu.memory_space<vmem>>, vector<1x1x1x16xf32>,
        %get3A_1592 = arith.constant 3 : i32
        %get3A_1593 = arith.constant 3 : i32
        %get3A_1594 = arith.constant 3 : i32
        %get3A_1595 = arith.index_cast %get3A_1592 : i32 to index
        %get3A_1596 = arith.index_cast %get3A_1593 : i32 to index
        %get3A_1597 = arith.index_cast %get3A_1594 : i32 to index
        %get3A_1598 = arith.index_cast %mul3A_1220 : i32 to index
        %get3A_1599 = tpu.vector_load %arg8[%get3A_1595, %get3A_1596, %get3A_1597, %get3A_1598] {strides = array<i32>} : memref<4x4x4x1024xf32, #tpu.memory_space<vmem>>, vector<1x1x1x16xf32>,
        %get3A_1600 = vector.shape_cast %get3A_1599 : vector<1x1x1x16xf32> to vector<16xf32>
        %mul3A_1601 = arith.constant 3.200000e+01 : f32
        %mul3A_1602 = vector.broadcast %mul3A_1601 : f32 to vector<16xf32>
        %mul3A_1603 = arith.mulf %get3A_1600, %mul3A_1602 : vector<16xf32>
        %add3A_1604 = arith.addf %mul3A_1603, %get3A_1522 : vector<16xf32>
        %swap3A_1605 = arith.constant 3 : i32
        %swap3A_1606 = arith.constant 3 : i32
        %swap3A_1607 = arith.constant 3 : i32
        %swap3A_1608 = arith.index_cast %swap3A_1605 : i32 to index
        %swap3A_1609 = arith.index_cast %swap3A_1606 : i32 to index
        %swap3A_1610 = arith.index_cast %swap3A_1607 : i32 to index
        %swap3A_1611 = arith.index_cast %mul3A_1220 : i32 to index
        %swap3A_1612 = tpu.vector_load %arg8[%swap3A_1608, %swap3A_1609, %swap3A_1610, %swap3A_1611] {strides = array<i32>} : memref<4x4x4x1024xf32, #tpu.memory_space<vmem>>, vector<1x1x1x16xf32>,
        %swap3A_1613 = vector.shape_cast %swap3A_1612 : vector<1x1x1x16xf32> to vector<16xf32>
        %swap3A_1614 = vector.shape_cast %add3A_1604 : vector<16xf32> to vector<1x1x1x16xf32>
        tpu.vector_store %arg8[%swap3A_1608, %swap3A_1609, %swap3A_1610, %swap3A_1611], %swap3A_1614 {strides = array<i32>} : memref<4x4x4x1024xf32, #tpu.memory_space<vmem>>, vector<1x1x1x16xf32>,
        %scan3A_1615 = arith.constant 0 : i32
        scf.yield %scan3A_1615 : i32
      }
      %scan3A_1051 = arith.constant 64 : i32
      %add3A_1052 = arith.constant 0 : i32
      %add3A_1053 = arith.addi %add3A_1052, %mul3A_2 : i32
      %mul3A_1054 = arith.constant 4 : i32
      %mul3A_1055 = arith.muli %add3A_980, %mul3A_1054 : i32
      %add3A_1056 = arith.addi %add3A_1053, %mul3A_1055 : i32
      %add3A_1057 = arith.constant 4096 : i32
      %add3A_1058 = arith.addi %add3A_1057, %mul3A_2 : i32
      %mul3A_1059 = arith.constant 4 : i32
      %mul3A_1060 = arith.muli %add3A_980, %mul3A_1059 : i32
      %add3A_1061 = arith.addi %add3A_1058, %mul3A_1060 : i32
      %add3A_1062 = arith.constant 8192 : i32
      %add3A_1063 = arith.addi %add3A_1062, %mul3A_2 : i32
      %mul3A_1064 = arith.constant 4 : i32
      %mul3A_1065 = arith.muli %add3A_980, %mul3A_1064 : i32
      %add3A_1066 = arith.addi %add3A_1063, %mul3A_1065 : i32
      %add3A_1067 = arith.constant 12288 : i32
      %add3A_1068 = arith.addi %add3A_1067, %mul3A_2 : i32
      %mul3A_1069 = arith.constant 4 : i32
      %mul3A_1070 = arith.muli %add3A_980, %mul3A_1069 : i32
      %add3A_1071 = arith.addi %add3A_1068, %mul3A_1070 : i32
      %dma_start3A_1072 = arith.constant 3 : i32
      %dma_start3A_1073 = arith.constant 0 : i32
      %dma_start3A_1074 = arith.constant 0 : i32
      %dma_start3A_1075 = arith.constant 0 : i32
      %dma_start3A_1076 = tpu.memref_slice %arg8[%dma_start3A_1072, %dma_start3A_1073, %dma_start3A_1074, %dma_start3A_1075] : memref<4x4x4x1024xf32, #tpu.memory_space<vmem>> -> memref<1x1x4x1024xf32, #tpu.memory_space<vmem>>
      %dma_start3A_1077 = tpu.memref_squeeze %dma_start3A_1076 : memref<1x1x4x1024xf32, #tpu.memory_space<vmem>> -> memref<4x1024xf32, #tpu.memory_space<vmem>>
      %dma_start3A_1078 = arith.constant 0 : i32
      %dma_start3A_1079 = tpu.memref_slice %arg5[%add3A_1056, %dma_start3A_1078] : memref<16384x1024xf32, #tpu.memory_space<hbm>> -> memref<4x1024xf32, #tpu.memory_space<hbm>>
      %dma_start3A_1080 = arith.constant 0 : i32
      %dma_start3A_1081 = tpu.memref_slice %arg5[%add3A_1056, %dma_start3A_1080] : memref<16384x1024xf32, #tpu.memory_space<hbm>> -> memref<4x1024xf32, #tpu.memory_space<hbm>>
      %dma_start3A_1082 = arith.constant 0 : i32
      %dma_start3A_1083 = arith.constant 0 : i32
      %dma_start3A_1084 = tpu.memref_slice %arg8[%dma_start3A_1072, %dma_start3A_1073, %dma_start3A_1082, %dma_start3A_1083] : memref<4x4x4x1024xf32, #tpu.memory_space<vmem>> -> memref<1x1x4x1024xf32, #tpu.memory_space<vmem>>
      %dma_start3A_1085 = tpu.memref_squeeze %dma_start3A_1084 : memref<1x1x4x1024xf32, #tpu.memory_space<vmem>> -> memref<4x1024xf32, #tpu.memory_space<vmem>>
      tpu.enqueue_dma source(%dma_start3A_1085 : memref<4x1024xf32, #tpu.memory_space<vmem>>) target(%dma_start3A_1081 : memref<4x1024xf32, #tpu.memory_space<hbm>>) target_semaphore(%arg11 : memref<!tpu.dma_semaphore, #tpu.memory_space<semaphore_mem>>)
      %dma_start3A_1086 = arith.constant 3 : i32
      %dma_start3A_1087 = arith.constant 1 : i32
      %dma_start3A_1088 = arith.constant 0 : i32
      %dma_start3A_1089 = arith.constant 0 : i32
      %dma_start3A_1090 = tpu.memref_slice %arg8[%dma_start3A_1086, %dma_start3A_1087, %dma_start3A_1088, %dma_start3A_1089] : memref<4x4x4x1024xf32, #tpu.memory_space<vmem>> -> memref<1x1x4x1024xf32, #tpu.memory_space<vmem>>
      %dma_start3A_1091 = tpu.memref_squeeze %dma_start3A_1090 : memref<1x1x4x1024xf32, #tpu.memory_space<vmem>> -> memref<4x1024xf32, #tpu.memory_space<vmem>>
      %dma_start3A_1092 = arith.constant 0 : i32
      %dma_start3A_1093 = tpu.memref_slice %arg5[%add3A_1061, %dma_start3A_1092] : memref<16384x1024xf32, #tpu.memory_space<hbm>> -> memref<4x1024xf32, #tpu.memory_space<hbm>>
      %dma_start3A_1094 = arith.constant 0 : i32
      %dma_start3A_1095 = tpu.memref_slice %arg5[%add3A_1061, %dma_start3A_1094] : memref<16384x1024xf32, #tpu.memory_space<hbm>> -> memref<4x1024xf32, #tpu.memory_space<hbm>>
      %dma_start3A_1096 = arith.constant 0 : i32
      %dma_start3A_1097 = arith.constant 0 : i32
      %dma_start3A_1098 = tpu.memref_slice %arg8[%dma_start3A_1086, %dma_start3A_1087, %dma_start3A_1096, %dma_start3A_1097] : memref<4x4x4x1024xf32, #tpu.memory_space<vmem>> -> memref<1x1x4x1024xf32, #tpu.memory_space<vmem>>
      %dma_start3A_1099 = tpu.memref_squeeze %dma_start3A_1098 : memref<1x1x4x1024xf32, #tpu.memory_space<vmem>> -> memref<4x1024xf32, #tpu.memory_space<vmem>>
      tpu.enqueue_dma source(%dma_start3A_1099 : memref<4x1024xf32, #tpu.memory_space<vmem>>) target(%dma_start3A_1095 : memref<4x1024xf32, #tpu.memory_space<hbm>>) target_semaphore(%arg11 : memref<!tpu.dma_semaphore, #tpu.memory_space<semaphore_mem>>)
      %dma_start3A_1100 = arith.constant 3 : i32
      %dma_start3A_1101 = arith.constant 2 : i32
      %dma_start3A_1102 = arith.constant 0 : i32
      %dma_start3A_1103 = arith.constant 0 : i32
      %dma_start3A_1104 = tpu.memref_slice %arg8[%dma_start3A_1100, %dma_start3A_1101, %dma_start3A_1102, %dma_start3A_1103] : memref<4x4x4x1024xf32, #tpu.memory_space<vmem>> -> memref<1x1x4x1024xf32, #tpu.memory_space<vmem>>
      %dma_start3A_1105 = tpu.memref_squeeze %dma_start3A_1104 : memref<1x1x4x1024xf32, #tpu.memory_space<vmem>> -> memref<4x1024xf32, #tpu.memory_space<vmem>>
      %dma_start3A_1106 = arith.constant 0 : i32
      %dma_start3A_1107 = tpu.memref_slice %arg5[%add3A_1066, %dma_start3A_1106] : memref<16384x1024xf32, #tpu.memory_space<hbm>> -> memref<4x1024xf32, #tpu.memory_space<hbm>>
      %dma_start3A_1108 = arith.constant 0 : i32
      %dma_start3A_1109 = tpu.memref_slice %arg5[%add3A_1066, %dma_start3A_1108] : memref<16384x1024xf32, #tpu.memory_space<hbm>> -> memref<4x1024xf32, #tpu.memory_space<hbm>>
      %dma_start3A_1110 = arith.constant 0 : i32
      %dma_start3A_1111 = arith.constant 0 : i32
      %dma_start3A_1112 = tpu.memref_slice %arg8[%dma_start3A_1100, %dma_start3A_1101, %dma_start3A_1110, %dma_start3A_1111] : memref<4x4x4x1024xf32, #tpu.memory_space<vmem>> -> memref<1x1x4x1024xf32, #tpu.memory_space<vmem>>
      %dma_start3A_1113 = tpu.memref_squeeze %dma_start3A_1112 : memref<1x1x4x1024xf32, #tpu.memory_space<vmem>> -> memref<4x1024xf32, #tpu.memory_space<vmem>>
      tpu.enqueue_dma source(%dma_start3A_1113 : memref<4x1024xf32, #tpu.memory_space<vmem>>) target(%dma_start3A_1109 : memref<4x1024xf32, #tpu.memory_space<hbm>>) target_semaphore(%arg11 : memref<!tpu.dma_semaphore, #tpu.memory_space<semaphore_mem>>)
      %dma_start3A_1114 = arith.constant 3 : i32
      %dma_start3A_1115 = arith.constant 3 : i32
      %dma_start3A_1116 = arith.constant 0 : i32
      %dma_start3A_1117 = arith.constant 0 : i32
      %dma_start3A_1118 = tpu.memref_slice %arg8[%dma_start3A_1114, %dma_start3A_1115, %dma_start3A_1116, %dma_start3A_1117] : memref<4x4x4x1024xf32, #tpu.memory_space<vmem>> -> memref<1x1x4x1024xf32, #tpu.memory_space<vmem>>
      %dma_start3A_1119 = tpu.memref_squeeze %dma_start3A_1118 : memref<1x1x4x1024xf32, #tpu.memory_space<vmem>> -> memref<4x1024xf32, #tpu.memory_space<vmem>>
      %dma_start3A_1120 = arith.constant 0 : i32
      %dma_start3A_1121 = tpu.memref_slice %arg5[%add3A_1071, %dma_start3A_1120] : memref<16384x1024xf32, #tpu.memory_space<hbm>> -> memref<4x1024xf32, #tpu.memory_space<hbm>>
      %dma_start3A_1122 = arith.constant 0 : i32
      %dma_start3A_1123 = tpu.memref_slice %arg5[%add3A_1071, %dma_start3A_1122] : memref<16384x1024xf32, #tpu.memory_space<hbm>> -> memref<4x1024xf32, #tpu.memory_space<hbm>>
      %dma_start3A_1124 = arith.constant 0 : i32
      %dma_start3A_1125 = arith.constant 0 : i32
      %dma_start3A_1126 = tpu.memref_slice %arg8[%dma_start3A_1114, %dma_start3A_1115, %dma_start3A_1124, %dma_start3A_1125] : memref<4x4x4x1024xf32, #tpu.memory_space<vmem>> -> memref<1x1x4x1024xf32, #tpu.memory_space<vmem>>
      %dma_start3A_1127 = tpu.memref_squeeze %dma_start3A_1126 : memref<1x1x4x1024xf32, #tpu.memory_space<vmem>> -> memref<4x1024xf32, #tpu.memory_space<vmem>>
      tpu.enqueue_dma source(%dma_start3A_1127 : memref<4x1024xf32, #tpu.memory_space<vmem>>) target(%dma_start3A_1123 : memref<4x1024xf32, #tpu.memory_space<hbm>>) target_semaphore(%arg11 : memref<!tpu.dma_semaphore, #tpu.memory_space<semaphore_mem>>)
      %sub3A_1128 = arith.constant 1 : i32
      %sub3A_1129 = arith.subi %add3A_980, %sub3A_1128 : i32
      %add3A_1130 = arith.constant 0 : i32
      %add3A_1131 = arith.addi %add3A_1130, %mul3A_2 : i32
      %mul3A_1132 = arith.constant 4 : i32
      %mul3A_1133 = arith.muli %sub3A_1129, %mul3A_1132 : i32
      %add3A_1134 = arith.addi %add3A_1131, %mul3A_1133 : i32
      %add3A_1135 = arith.constant 4096 : i32
      %add3A_1136 = arith.addi %add3A_1135, %mul3A_2 : i32
      %mul3A_1137 = arith.constant 4 : i32
      %mul3A_1138 = arith.muli %sub3A_1129, %mul3A_1137 : i32
      %add3A_1139 = arith.addi %add3A_1136, %mul3A_1138 : i32
      %add3A_1140 = arith.constant 8192 : i32
      %add3A_1141 = arith.addi %add3A_1140, %mul3A_2 : i32
      %mul3A_1142 = arith.constant 4 : i32
      %mul3A_1143 = arith.muli %sub3A_1129, %mul3A_1142 : i32
      %add3A_1144 = arith.addi %add3A_1141, %mul3A_1143 : i32
      %add3A_1145 = arith.constant 12288 : i32
      %add3A_1146 = arith.addi %add3A_1145, %mul3A_2 : i32
      %mul3A_1147 = arith.constant 4 : i32
      %mul3A_1148 = arith.muli %sub3A_1129, %mul3A_1147 : i32
      %add3A_1149 = arith.addi %add3A_1146, %mul3A_1148 : i32
      %dma_wait3A_1150 = arith.constant 2 : i32
      %dma_wait3A_1151 = arith.constant 0 : i32
      %dma_wait3A_1152 = arith.constant 0 : i32
      %dma_wait3A_1153 = arith.constant 0 : i32
      %dma_wait3A_1154 = tpu.memref_slice %arg8[%dma_wait3A_1150, %dma_wait3A_1151, %dma_wait3A_1152, %dma_wait3A_1153] : memref<4x4x4x1024xf32, #tpu.memory_space<vmem>> -> memref<1x1x4x1024xf32, #tpu.memory_space<vmem>>
      %dma_wait3A_1155 = tpu.memref_squeeze %dma_wait3A_1154 : memref<1x1x4x1024xf32, #tpu.memory_space<vmem>> -> memref<4x1024xf32, #tpu.memory_space<vmem>>
      %dma_wait3A_1156 = arith.constant 0 : i32
      %dma_wait3A_1157 = tpu.memref_slice %arg5[%add3A_1134, %dma_wait3A_1156] : memref<16384x1024xf32, #tpu.memory_space<hbm>> -> memref<4x1024xf32, #tpu.memory_space<hbm>>
      %dma_wait3A_1158 = arith.constant 0 : i32
      %dma_wait3A_1159 = tpu.memref_slice %arg5[%add3A_1134, %dma_wait3A_1158] : memref<16384x1024xf32, #tpu.memory_space<hbm>> -> memref<4x1024xf32, #tpu.memory_space<hbm>>
      %dma_wait3A_1160 = arith.constant 0 : i32
      %dma_wait3A_1161 = arith.constant 0 : i32
      %dma_wait3A_1162 = tpu.memref_slice %arg8[%dma_wait3A_1150, %dma_wait3A_1151, %dma_wait3A_1160, %dma_wait3A_1161] : memref<4x4x4x1024xf32, #tpu.memory_space<vmem>> -> memref<1x1x4x1024xf32, #tpu.memory_space<vmem>>
      %dma_wait3A_1163 = tpu.memref_squeeze %dma_wait3A_1162 : memref<1x1x4x1024xf32, #tpu.memory_space<vmem>> -> memref<4x1024xf32, #tpu.memory_space<vmem>>
      tpu.wait_dma2 semaphore(%arg11 : memref<!tpu.dma_semaphore, #tpu.memory_space<semaphore_mem>>) src(%dma_wait3A_1163 : memref<4x1024xf32, #tpu.memory_space<vmem>>) dst(%dma_wait3A_1159 : memref<4x1024xf32, #tpu.memory_space<hbm>>)
      %dma_wait3A_1164 = arith.constant 2 : i32
      %dma_wait3A_1165 = arith.constant 1 : i32
      %dma_wait3A_1166 = arith.constant 0 : i32
      %dma_wait3A_1167 = arith.constant 0 : i32
      %dma_wait3A_1168 = tpu.memref_slice %arg8[%dma_wait3A_1164, %dma_wait3A_1165, %dma_wait3A_1166, %dma_wait3A_1167] : memref<4x4x4x1024xf32, #tpu.memory_space<vmem>> -> memref<1x1x4x1024xf32, #tpu.memory_space<vmem>>
      %dma_wait3A_1169 = tpu.memref_squeeze %dma_wait3A_1168 : memref<1x1x4x1024xf32, #tpu.memory_space<vmem>> -> memref<4x1024xf32, #tpu.memory_space<vmem>>
      %dma_wait3A_1170 = arith.constant 0 : i32
      %dma_wait3A_1171 = tpu.memref_slice %arg5[%add3A_1139, %dma_wait3A_1170] : memref<16384x1024xf32, #tpu.memory_space<hbm>> -> memref<4x1024xf32, #tpu.memory_space<hbm>>
      %dma_wait3A_1172 = arith.constant 0 : i32
      %dma_wait3A_1173 = tpu.memref_slice %arg5[%add3A_1139, %dma_wait3A_1172] : memref<16384x1024xf32, #tpu.memory_space<hbm>> -> memref<4x1024xf32, #tpu.memory_space<hbm>>
      %dma_wait3A_1174 = arith.constant 0 : i32
      %dma_wait3A_1175 = arith.constant 0 : i32
      %dma_wait3A_1176 = tpu.memref_slice %arg8[%dma_wait3A_1164, %dma_wait3A_1165, %dma_wait3A_1174, %dma_wait3A_1175] : memref<4x4x4x1024xf32, #tpu.memory_space<vmem>> -> memref<1x1x4x1024xf32, #tpu.memory_space<vmem>>
      %dma_wait3A_1177 = tpu.memref_squeeze %dma_wait3A_1176 : memref<1x1x4x1024xf32, #tpu.memory_space<vmem>> -> memref<4x1024xf32, #tpu.memory_space<vmem>>
      tpu.wait_dma2 semaphore(%arg11 : memref<!tpu.dma_semaphore, #tpu.memory_space<semaphore_mem>>) src(%dma_wait3A_1177 : memref<4x1024xf32, #tpu.memory_space<vmem>>) dst(%dma_wait3A_1173 : memref<4x1024xf32, #tpu.memory_space<hbm>>)
      %dma_wait3A_1178 = arith.constant 2 : i32
      %dma_wait3A_1179 = arith.constant 2 : i32
      %dma_wait3A_1180 = arith.constant 0 : i32
      %dma_wait3A_1181 = arith.constant 0 : i32
      %dma_wait3A_1182 = tpu.memref_slice %arg8[%dma_wait3A_1178, %dma_wait3A_1179, %dma_wait3A_1180, %dma_wait3A_1181] : memref<4x4x4x1024xf32, #tpu.memory_space<vmem>> -> memref<1x1x4x1024xf32, #tpu.memory_space<vmem>>
      %dma_wait3A_1183 = tpu.memref_squeeze %dma_wait3A_1182 : memref<1x1x4x1024xf32, #tpu.memory_space<vmem>> -> memref<4x1024xf32, #tpu.memory_space<vmem>>
      %dma_wait3A_1184 = arith.constant 0 : i32
      %dma_wait3A_1185 = tpu.memref_slice %arg5[%add3A_1144, %dma_wait3A_1184] : memref<16384x1024xf32, #tpu.memory_space<hbm>> -> memref<4x1024xf32, #tpu.memory_space<hbm>>
      %dma_wait3A_1186 = arith.constant 0 : i32
      %dma_wait3A_1187 = tpu.memref_slice %arg5[%add3A_1144, %dma_wait3A_1186] : memref<16384x1024xf32, #tpu.memory_space<hbm>> -> memref<4x1024xf32, #tpu.memory_space<hbm>>
      %dma_wait3A_1188 = arith.constant 0 : i32
      %dma_wait3A_1189 = arith.constant 0 : i32
      %dma_wait3A_1190 = tpu.memref_slice %arg8[%dma_wait3A_1178, %dma_wait3A_1179, %dma_wait3A_1188, %dma_wait3A_1189] : memref<4x4x4x1024xf32, #tpu.memory_space<vmem>> -> memref<1x1x4x1024xf32, #tpu.memory_space<vmem>>
      %dma_wait3A_1191 = tpu.memref_squeeze %dma_wait3A_1190 : memref<1x1x4x1024xf32, #tpu.memory_space<vmem>> -> memref<4x1024xf32, #tpu.memory_space<vmem>>
      tpu.wait_dma2 semaphore(%arg11 : memref<!tpu.dma_semaphore, #tpu.memory_space<semaphore_mem>>) src(%dma_wait3A_1191 : memref<4x1024xf32, #tpu.memory_space<vmem>>) dst(%dma_wait3A_1187 : memref<4x1024xf32, #tpu.memory_space<hbm>>)
      %dma_wait3A_1192 = arith.constant 2 : i32
      %dma_wait3A_1193 = arith.constant 3 : i32
      %dma_wait3A_1194 = arith.constant 0 : i32
      %dma_wait3A_1195 = arith.constant 0 : i32
      %dma_wait3A_1196 = tpu.memref_slice %arg8[%dma_wait3A_1192, %dma_wait3A_1193, %dma_wait3A_1194, %dma_wait3A_1195] : memref<4x4x4x1024xf32, #tpu.memory_space<vmem>> -> memref<1x1x4x1024xf32, #tpu.memory_space<vmem>>
      %dma_wait3A_1197 = tpu.memref_squeeze %dma_wait3A_1196 : memref<1x1x4x1024xf32, #tpu.memory_space<vmem>> -> memref<4x1024xf32, #tpu.memory_space<vmem>>
      %dma_wait3A_1198 = arith.constant 0 : i32
      %dma_wait3A_1199 = tpu.memref_slice %arg5[%add3A_1149, %dma_wait3A_1198] : memref<16384x1024xf32, #tpu.memory_space<hbm>> -> memref<4x1024xf32, #tpu.memory_space<hbm>>
      %dma_wait3A_1200 = arith.constant 0 : i32
      %dma_wait3A_1201 = tpu.memref_slice %arg5[%add3A_1149, %dma_wait3A_1200] : memref<16384x1024xf32, #tpu.memory_space<hbm>> -> memref<4x1024xf32, #tpu.memory_space<hbm>>
      %dma_wait3A_1202 = arith.constant 0 : i32
      %dma_wait3A_1203 = arith.constant 0 : i32
      %dma_wait3A_1204 = tpu.memref_slice %arg8[%dma_wait3A_1192, %dma_wait3A_1193, %dma_wait3A_1202, %dma_wait3A_1203] : memref<4x4x4x1024xf32, #tpu.memory_space<vmem>> -> memref<1x1x4x1024xf32, #tpu.memory_space<vmem>>
      %dma_wait3A_1205 = tpu.memref_squeeze %dma_wait3A_1204 : memref<1x1x4x1024xf32, #tpu.memory_space<vmem>> -> memref<4x1024xf32, #tpu.memory_space<vmem>>
      tpu.wait_dma2 semaphore(%arg11 : memref<!tpu.dma_semaphore, #tpu.memory_space<semaphore_mem>>) src(%dma_wait3A_1205 : memref<4x1024xf32, #tpu.memory_space<vmem>>) dst(%dma_wait3A_1201 : memref<4x1024xf32, #tpu.memory_space<hbm>>)
      %lt3A_1206 = arith.constant 7 : i32
      %lt3A_1207 = arith.cmpi slt, %scan3A_265, %lt3A_1206 : i32
      %convert_element_type3A_1208 = arith.extui %lt3A_1207 : i1 to i32
      %cond3A_1209 = arith.constant 0 : i32
      %cond3A_1210 = arith.cmpi ne, %convert_element_type3A_1208, %cond3A_1209 : i32
      scf.if %cond3A_1210 {
        %add3A_1217 = arith.constant 3 : i32
        %add3A_1218 = arith.addi %add3A_980, %add3A_1217 : i32
        %dma_start3A_1219 = arith.constant 2 : i32
        %dma_start3A_1220 = arith.constant 0 : i32
        %dma_start3A_1221 = arith.constant 0 : i32
        %dma_start3A_1222 = arith.constant 0 : i32
        %dma_start3A_1223 = tpu.memref_slice %arg8[%dma_start3A_1219, %dma_start3A_1220, %dma_start3A_1221, %dma_start3A_1222] : memref<4x4x4x1024xf32, #tpu.memory_space<vmem>> -> memref<1x1x4x1024xf32, #tpu.memory_space<vmem>>
        %dma_start3A_1224 = tpu.memref_squeeze %dma_start3A_1223 : memref<1x1x4x1024xf32, #tpu.memory_space<vmem>> -> memref<4x1024xf32, #tpu.memory_space<vmem>>
        %dma_start3A_1225 = arith.constant 0 : i32
        %dma_start3A_1226 = tpu.memref_slice %arg6[%add3A_1218, %dma_start3A_1225] : memref<32x16xi32, #tpu.memory_space<vmem>> -> memref<1x4xi32, #tpu.memory_space<vmem>>
        %dma_start3A_1227 = tpu.memref_squeeze %dma_start3A_1226 : memref<1x4xi32, #tpu.memory_space<vmem>> -> memref<4xi32, #tpu.memory_space<vmem>>
        %dma_start3A_1228 = arith.constant 0 : i32
        %dma_start3A_1229 = arith.constant 0 : i32
        %dma_start3A_1230 = tpu.memref_slice %arg3[%dma_start3A_1228, %dma_start3A_1229] : memref<100000x1024xf32, #tpu.memory_space<hbm>> -> memref<100000x1024xf32, #tpu.memory_space<hbm>>
        tpu.enqueue_indirect_dma source(%dma_start3A_1230 : memref<100000x1024xf32, #tpu.memory_space<hbm>>) target(%dma_start3A_1224 : memref<4x1024xf32, #tpu.memory_space<vmem>>) offsets(%dma_start3A_1227 : memref<4xi32, #tpu.memory_space<vmem>>) semaphore(%arg9 : memref<!tpu.dma_semaphore, #tpu.memory_space<semaphore_mem>>)
        %dma_start3A_1231 = arith.constant 2 : i32
        %dma_start3A_1232 = arith.constant 1 : i32
        %dma_start3A_1233 = arith.constant 0 : i32
        %dma_start3A_1234 = arith.constant 0 : i32
        %dma_start3A_1235 = tpu.memref_slice %arg8[%dma_start3A_1231, %dma_start3A_1232, %dma_start3A_1233, %dma_start3A_1234] : memref<4x4x4x1024xf32, #tpu.memory_space<vmem>> -> memref<1x1x4x1024xf32, #tpu.memory_space<vmem>>
        %dma_start3A_1236 = tpu.memref_squeeze %dma_start3A_1235 : memref<1x1x4x1024xf32, #tpu.memory_space<vmem>> -> memref<4x1024xf32, #tpu.memory_space<vmem>>
        %dma_start3A_1237 = arith.constant 4 : i32
        %dma_start3A_1238 = tpu.memref_slice %arg6[%add3A_1218, %dma_start3A_1237] : memref<32x16xi32, #tpu.memory_space<vmem>> -> memref<1x4xi32, #tpu.memory_space<vmem>>
        %dma_start3A_1239 = tpu.memref_squeeze %dma_start3A_1238 : memref<1x4xi32, #tpu.memory_space<vmem>> -> memref<4xi32, #tpu.memory_space<vmem>>
        %dma_start3A_1240 = arith.constant 0 : i32
        %dma_start3A_1241 = arith.constant 0 : i32
        %dma_start3A_1242 = tpu.memref_slice %arg3[%dma_start3A_1240, %dma_start3A_1241] : memref<100000x1024xf32, #tpu.memory_space<hbm>> -> memref<100000x1024xf32, #tpu.memory_space<hbm>>
        tpu.enqueue_indirect_dma source(%dma_start3A_1242 : memref<100000x1024xf32, #tpu.memory_space<hbm>>) target(%dma_start3A_1236 : memref<4x1024xf32, #tpu.memory_space<vmem>>) offsets(%dma_start3A_1239 : memref<4xi32, #tpu.memory_space<vmem>>) semaphore(%arg9 : memref<!tpu.dma_semaphore, #tpu.memory_space<semaphore_mem>>)
        %dma_start3A_1243 = arith.constant 2 : i32
        %dma_start3A_1244 = arith.constant 2 : i32
        %dma_start3A_1245 = arith.constant 0 : i32
        %dma_start3A_1246 = arith.constant 0 : i32
        %dma_start3A_1247 = tpu.memref_slice %arg8[%dma_start3A_1243, %dma_start3A_1244, %dma_start3A_1245, %dma_start3A_1246] : memref<4x4x4x1024xf32, #tpu.memory_space<vmem>> -> memref<1x1x4x1024xf32, #tpu.memory_space<vmem>>
        %dma_start3A_1248 = tpu.memref_squeeze %dma_start3A_1247 : memref<1x1x4x1024xf32, #tpu.memory_space<vmem>> -> memref<4x1024xf32, #tpu.memory_space<vmem>>
        %dma_start3A_1249 = arith.constant 8 : i32
        %dma_start3A_1250 = tpu.memref_slice %arg6[%add3A_1218, %dma_start3A_1249] : memref<32x16xi32, #tpu.memory_space<vmem>> -> memref<1x4xi32, #tpu.memory_space<vmem>>
        %dma_start3A_1251 = tpu.memref_squeeze %dma_start3A_1250 : memref<1x4xi32, #tpu.memory_space<vmem>> -> memref<4xi32, #tpu.memory_space<vmem>>
        %dma_start3A_1252 = arith.constant 0 : i32
        %dma_start3A_1253 = arith.constant 0 : i32
        %dma_start3A_1254 = tpu.memref_slice %arg3[%dma_start3A_1252, %dma_start3A_1253] : memref<100000x1024xf32, #tpu.memory_space<hbm>> -> memref<100000x1024xf32, #tpu.memory_space<hbm>>
        tpu.enqueue_indirect_dma source(%dma_start3A_1254 : memref<100000x1024xf32, #tpu.memory_space<hbm>>) target(%dma_start3A_1248 : memref<4x1024xf32, #tpu.memory_space<vmem>>) offsets(%dma_start3A_1251 : memref<4xi32, #tpu.memory_space<vmem>>) semaphore(%arg9 : memref<!tpu.dma_semaphore, #tpu.memory_space<semaphore_mem>>)
        %dma_start3A_1255 = arith.constant 2 : i32
        %dma_start3A_1256 = arith.constant 3 : i32
        %dma_start3A_1257 = arith.constant 0 : i32
        %dma_start3A_1258 = arith.constant 0 : i32
        %dma_start3A_1259 = tpu.memref_slice %arg8[%dma_start3A_1255, %dma_start3A_1256, %dma_start3A_1257, %dma_start3A_1258] : memref<4x4x4x1024xf32, #tpu.memory_space<vmem>> -> memref<1x1x4x1024xf32, #tpu.memory_space<vmem>>
        %dma_start3A_1260 = tpu.memref_squeeze %dma_start3A_1259 : memref<1x1x4x1024xf32, #tpu.memory_space<vmem>> -> memref<4x1024xf32, #tpu.memory_space<vmem>>
        %dma_start3A_1261 = arith.constant 12 : i32
        %dma_start3A_1262 = tpu.memref_slice %arg6[%add3A_1218, %dma_start3A_1261] : memref<32x16xi32, #tpu.memory_space<vmem>> -> memref<1x4xi32, #tpu.memory_space<vmem>>
        %dma_start3A_1263 = tpu.memref_squeeze %dma_start3A_1262 : memref<1x4xi32, #tpu.memory_space<vmem>> -> memref<4xi32, #tpu.memory_space<vmem>>
        %dma_start3A_1264 = arith.constant 0 : i32
        %dma_start3A_1265 = arith.constant 0 : i32
        %dma_start3A_1266 = tpu.memref_slice %arg3[%dma_start3A_1264, %dma_start3A_1265] : memref<100000x1024xf32, #tpu.memory_space<hbm>> -> memref<100000x1024xf32, #tpu.memory_space<hbm>>
        tpu.enqueue_indirect_dma source(%dma_start3A_1266 : memref<100000x1024xf32, #tpu.memory_space<hbm>>) target(%dma_start3A_1260 : memref<4x1024xf32, #tpu.memory_space<vmem>>) offsets(%dma_start3A_1263 : memref<4xi32, #tpu.memory_space<vmem>>) semaphore(%arg9 : memref<!tpu.dma_semaphore, #tpu.memory_space<semaphore_mem>>)
      } else {
      }
      %lt3A_1211 = arith.constant 7 : i32
      %lt3A_1212 = arith.cmpi slt, %scan3A_265, %lt3A_1211 : i32
      %convert_element_type3A_1213 = arith.extui %lt3A_1212 : i1 to i32
      %cond3A_1214 = arith.constant 0 : i32
      %cond3A_1215 = arith.cmpi ne, %convert_element_type3A_1213, %cond3A_1214 : i32
      scf.if %cond3A_1215 {
        %add3A_1217 = arith.constant 2 : i32
        %add3A_1218 = arith.addi %add3A_980, %add3A_1217 : i32
        %mul3A_1219 = arith.constant 4 : i32
        %mul3A_1220 = arith.muli %add3A_1218, %mul3A_1219 : i32
        %add3A_1221 = arith.addi %mul3A_2, %mul3A_1220 : i32
        %dma_start3A_1222 = arith.constant 1 : i32
        %dma_start3A_1223 = arith.constant 0 : i32
        %dma_start3A_1224 = arith.constant 0 : i32
        %dma_start3A_1225 = tpu.memref_slice %arg7[%dma_start3A_1222, %dma_start3A_1223, %dma_start3A_1224] : memref<2x4x1024xf32, #tpu.memory_space<vmem>> -> memref<1x4x1024xf32, #tpu.memory_space<vmem>>
        %dma_start3A_1226 = tpu.memref_squeeze %dma_start3A_1225 : memref<1x4x1024xf32, #tpu.memory_space<vmem>> -> memref<4x1024xf32, #tpu.memory_space<vmem>>
        %dma_start3A_1227 = arith.constant 0 : i32
        %dma_start3A_1228 = tpu.memref_slice %arg4[%add3A_1221, %dma_start3A_1227] : memref<4096x1024xf32, #tpu.memory_space<hbm>> -> memref<4x1024xf32, #tpu.memory_space<hbm>>
        %dma_start3A_1229 = arith.constant 0 : i32
        %dma_start3A_1230 = arith.constant 0 : i32
        %dma_start3A_1231 = tpu.memref_slice %arg7[%dma_start3A_1222, %dma_start3A_1229, %dma_start3A_1230] : memref<2x4x1024xf32, #tpu.memory_space<vmem>> -> memref<1x4x1024xf32, #tpu.memory_space<vmem>>
        %dma_start3A_1232 = tpu.memref_squeeze %dma_start3A_1231 : memref<1x4x1024xf32, #tpu.memory_space<vmem>> -> memref<4x1024xf32, #tpu.memory_space<vmem>>
        %dma_start3A_1233 = arith.constant 0 : i32
        %dma_start3A_1234 = tpu.memref_slice %arg4[%add3A_1221, %dma_start3A_1233] : memref<4096x1024xf32, #tpu.memory_space<hbm>> -> memref<4x1024xf32, #tpu.memory_space<hbm>>
        tpu.enqueue_dma source(%dma_start3A_1234 : memref<4x1024xf32, #tpu.memory_space<hbm>>) target(%dma_start3A_1232 : memref<4x1024xf32, #tpu.memory_space<vmem>>) target_semaphore(%arg10 : memref<!tpu.dma_semaphore, #tpu.memory_space<semaphore_mem>>)
      } else {
      }
      %scan3A_1216 = arith.constant 0 : i32
      scf.yield %scan3A_1216 : i32
    }
    %scan3A_193 = arith.constant 8 : i32
    %add3A_194 = arith.constant 0 : i32
    %add3A_195 = arith.addi %add3A_194, %mul3A_2 : i32
    %add3A_196 = arith.constant 124 : i32
    %add3A_197 = arith.addi %add3A_195, %add3A_196 : i32
    %add3A_198 = arith.constant 4096 : i32
    %add3A_199 = arith.addi %add3A_198, %mul3A_2 : i32
    %add3A_200 = arith.constant 124 : i32
    %add3A_201 = arith.addi %add3A_199, %add3A_200 : i32
    %add3A_202 = arith.constant 8192 : i32
    %add3A_203 = arith.addi %add3A_202, %mul3A_2 : i32
    %add3A_204 = arith.constant 124 : i32
    %add3A_205 = arith.addi %add3A_203, %add3A_204 : i32
    %add3A_206 = arith.constant 12288 : i32
    %add3A_207 = arith.addi %add3A_206, %mul3A_2 : i32
    %add3A_208 = arith.constant 124 : i32
    %add3A_209 = arith.addi %add3A_207, %add3A_208 : i32
    %dma_wait3A = arith.constant 3 : i32
    %dma_wait3A_210 = arith.constant 0 : i32
    %dma_wait3A_211 = arith.constant 0 : i32
    %dma_wait3A_212 = arith.constant 0 : i32
    %dma_wait3A_213 = tpu.memref_slice %arg8[%dma_wait3A, %dma_wait3A_210, %dma_wait3A_211, %dma_wait3A_212] : memref<4x4x4x1024xf32, #tpu.memory_space<vmem>> -> memref<1x1x4x1024xf32, #tpu.memory_space<vmem>>
    %dma_wait3A_214 = tpu.memref_squeeze %dma_wait3A_213 : memref<1x1x4x1024xf32, #tpu.memory_space<vmem>> -> memref<4x1024xf32, #tpu.memory_space<vmem>>
    %dma_wait3A_215 = arith.constant 0 : i32
    %dma_wait3A_216 = tpu.memref_slice %arg5[%add3A_197, %dma_wait3A_215] : memref<16384x1024xf32, #tpu.memory_space<hbm>> -> memref<4x1024xf32, #tpu.memory_space<hbm>>
    %dma_wait3A_217 = arith.constant 0 : i32
    %dma_wait3A_218 = tpu.memref_slice %arg5[%add3A_197, %dma_wait3A_217] : memref<16384x1024xf32, #tpu.memory_space<hbm>> -> memref<4x1024xf32, #tpu.memory_space<hbm>>
    %dma_wait3A_219 = arith.constant 0 : i32
    %dma_wait3A_220 = arith.constant 0 : i32
    %dma_wait3A_221 = tpu.memref_slice %arg8[%dma_wait3A, %dma_wait3A_210, %dma_wait3A_219, %dma_wait3A_220] : memref<4x4x4x1024xf32, #tpu.memory_space<vmem>> -> memref<1x1x4x1024xf32, #tpu.memory_space<vmem>>
    %dma_wait3A_222 = tpu.memref_squeeze %dma_wait3A_221 : memref<1x1x4x1024xf32, #tpu.memory_space<vmem>> -> memref<4x1024xf32, #tpu.memory_space<vmem>>
    tpu.wait_dma2 semaphore(%arg11 : memref<!tpu.dma_semaphore, #tpu.memory_space<semaphore_mem>>) src(%dma_wait3A_222 : memref<4x1024xf32, #tpu.memory_space<vmem>>) dst(%dma_wait3A_218 : memref<4x1024xf32, #tpu.memory_space<hbm>>)
    %dma_wait3A_223 = arith.constant 3 : i32
    %dma_wait3A_224 = arith.constant 1 : i32
    %dma_wait3A_225 = arith.constant 0 : i32
    %dma_wait3A_226 = arith.constant 0 : i32
    %dma_wait3A_227 = tpu.memref_slice %arg8[%dma_wait3A_223, %dma_wait3A_224, %dma_wait3A_225, %dma_wait3A_226] : memref<4x4x4x1024xf32, #tpu.memory_space<vmem>> -> memref<1x1x4x1024xf32, #tpu.memory_space<vmem>>
    %dma_wait3A_228 = tpu.memref_squeeze %dma_wait3A_227 : memref<1x1x4x1024xf32, #tpu.memory_space<vmem>> -> memref<4x1024xf32, #tpu.memory_space<vmem>>
    %dma_wait3A_229 = arith.constant 0 : i32
    %dma_wait3A_230 = tpu.memref_slice %arg5[%add3A_201, %dma_wait3A_229] : memref<16384x1024xf32, #tpu.memory_space<hbm>> -> memref<4x1024xf32, #tpu.memory_space<hbm>>
    %dma_wait3A_231 = arith.constant 0 : i32
    %dma_wait3A_232 = tpu.memref_slice %arg5[%add3A_201, %dma_wait3A_231] : memref<16384x1024xf32, #tpu.memory_space<hbm>> -> memref<4x1024xf32, #tpu.memory_space<hbm>>
    %dma_wait3A_233 = arith.constant 0 : i32
    %dma_wait3A_234 = arith.constant 0 : i32
    %dma_wait3A_235 = tpu.memref_slice %arg8[%dma_wait3A_223, %dma_wait3A_224, %dma_wait3A_233, %dma_wait3A_234] : memref<4x4x4x1024xf32, #tpu.memory_space<vmem>> -> memref<1x1x4x1024xf32, #tpu.memory_space<vmem>>
    %dma_wait3A_236 = tpu.memref_squeeze %dma_wait3A_235 : memref<1x1x4x1024xf32, #tpu.memory_space<vmem>> -> memref<4x1024xf32, #tpu.memory_space<vmem>>
    tpu.wait_dma2 semaphore(%arg11 : memref<!tpu.dma_semaphore, #tpu.memory_space<semaphore_mem>>) src(%dma_wait3A_236 : memref<4x1024xf32, #tpu.memory_space<vmem>>) dst(%dma_wait3A_232 : memref<4x1024xf32, #tpu.memory_space<hbm>>)
    %dma_wait3A_237 = arith.constant 3 : i32
    %dma_wait3A_238 = arith.constant 2 : i32
    %dma_wait3A_239 = arith.constant 0 : i32
    %dma_wait3A_240 = arith.constant 0 : i32
    %dma_wait3A_241 = tpu.memref_slice %arg8[%dma_wait3A_237, %dma_wait3A_238, %dma_wait3A_239, %dma_wait3A_240] : memref<4x4x4x1024xf32, #tpu.memory_space<vmem>> -> memref<1x1x4x1024xf32, #tpu.memory_space<vmem>>
    %dma_wait3A_242 = tpu.memref_squeeze %dma_wait3A_241 : memref<1x1x4x1024xf32, #tpu.memory_space<vmem>> -> memref<4x1024xf32, #tpu.memory_space<vmem>>
    %dma_wait3A_243 = arith.constant 0 : i32
    %dma_wait3A_244 = tpu.memref_slice %arg5[%add3A_205, %dma_wait3A_243] : memref<16384x1024xf32, #tpu.memory_space<hbm>> -> memref<4x1024xf32, #tpu.memory_space<hbm>>
    %dma_wait3A_245 = arith.constant 0 : i32
    %dma_wait3A_246 = tpu.memref_slice %arg5[%add3A_205, %dma_wait3A_245] : memref<16384x1024xf32, #tpu.memory_space<hbm>> -> memref<4x1024xf32, #tpu.memory_space<hbm>>
    %dma_wait3A_247 = arith.constant 0 : i32
    %dma_wait3A_248 = arith.constant 0 : i32
    %dma_wait3A_249 = tpu.memref_slice %arg8[%dma_wait3A_237, %dma_wait3A_238, %dma_wait3A_247, %dma_wait3A_248] : memref<4x4x4x1024xf32, #tpu.memory_space<vmem>> -> memref<1x1x4x1024xf32, #tpu.memory_space<vmem>>
    %dma_wait3A_250 = tpu.memref_squeeze %dma_wait3A_249 : memref<1x1x4x1024xf32, #tpu.memory_space<vmem>> -> memref<4x1024xf32, #tpu.memory_space<vmem>>
    tpu.wait_dma2 semaphore(%arg11 : memref<!tpu.dma_semaphore, #tpu.memory_space<semaphore_mem>>) src(%dma_wait3A_250 : memref<4x1024xf32, #tpu.memory_space<vmem>>) dst(%dma_wait3A_246 : memref<4x1024xf32, #tpu.memory_space<hbm>>)
    %dma_wait3A_251 = arith.constant 3 : i32
    %dma_wait3A_252 = arith.constant 3 : i32
    %dma_wait3A_253 = arith.constant 0 : i32
    %dma_wait3A_254 = arith.constant 0 : i32
    %dma_wait3A_255 = tpu.memref_slice %arg8[%dma_wait3A_251, %dma_wait3A_252, %dma_wait3A_253, %dma_wait3A_254] : memref<4x4x4x1024xf32, #tpu.memory_space<vmem>> -> memref<1x1x4x1024xf32, #tpu.memory_space<vmem>>
    %dma_wait3A_256 = tpu.memref_squeeze %dma_wait3A_255 : memref<1x1x4x1024xf32, #tpu.memory_space<vmem>> -> memref<4x1024xf32, #tpu.memory_space<vmem>>
    %dma_wait3A_257 = arith.constant 0 : i32
    %dma_wait3A_258 = tpu.memref_slice %arg5[%add3A_209, %dma_wait3A_257] : memref<16384x1024xf32, #tpu.memory_space<hbm>> -> memref<4x1024xf32, #tpu.memory_space<hbm>>
    %dma_wait3A_259 = arith.constant 0 : i32
    %dma_wait3A_260 = tpu.memref_slice %arg5[%add3A_209, %dma_wait3A_259] : memref<16384x1024xf32, #tpu.memory_space<hbm>> -> memref<4x1024xf32, #tpu.memory_space<hbm>>
    %dma_wait3A_261 = arith.constant 0 : i32
    %dma_wait3A_262 = arith.constant 0 : i32
    %dma_wait3A_263 = tpu.memref_slice %arg8[%dma_wait3A_251, %dma_wait3A_252, %dma_wait3A_261, %dma_wait3A_262] : memref<4x4x4x1024xf32, #tpu.memory_space<vmem>> -> memref<1x1x4x1024xf32, #tpu.memory_space<vmem>>
    %dma_wait3A_264 = tpu.memref_squeeze %dma_wait3A_263 : memref<1x1x4x1024xf32, #tpu.memory_space<vmem>> -> memref<4x1024xf32, #tpu.memory_space<vmem>>
    tpu.wait_dma2 semaphore(%arg11 : memref<!tpu.dma_semaphore, #tpu.memory_space<semaphore_mem>>) src(%dma_wait3A_264 : memref<4x1024xf32, #tpu.memory_space<vmem>>) dst(%dma_wait3A_260 : memref<4x1024xf32, #tpu.memory_space<hbm>>)
    return
  }
}

</mosaic_0001>

<sc_bundles>
// kernel: kernel.3.cloned.1.call-start
scs
__scs_entry_jumppad:
0x0: {  	(pc) =	sbr.rel $0x88, $3  }
0x1: {  	(tag) =	ssettag $0x0;
	lr =	simm.s32 $0x1  }
0x2: {  	[smem:$0x3F9F] =	sst lr;
	_ =	strace $0xD0000000  }
0x3: {  	_ = 	snop  }
0x4: {  	_ = 	snop  }
0x5: {  	_ = 	snop  }
0x6: {  	_ = 	snop  }
0x7: {  	_ = 	snop  }
__scs_overlays_trampoline_lowered:
0x8: {  	[smem:$0x3FAE] =	sst s0  }
0x9: {  	[smem:$0x3FAF] =	sst s1  }
0xa: {  	[smem:$0x3FB0] =	sst s2  }
0xb: {  	[smem:$0x3FB1] =	sst s3  }
0xc: {  	[smem:$0x3FB2] =	sst s4  }
0xd: {  	[smem:$0x3FB3] =	sst s5  }
0xe: {  	[smem:$0x3FB4] =	sst s6  }
0xf: {  	[smem:$0x3FB5] =	sst s7  }
0x10: {  	[smem:$0x3FB6] =	sst s8  }
0x11: {  	[smem:$0x3FB7] =	sst s9;
	s0 =	simm.s32 @!p0 $0x0  }
0x12: {  	s1 =	sld [smem:$0x3F9D];
	s0 =	simm.s32 @p0 $0x1  }
0x13: {  	[smem:$0x3FB8] =	sst s0;
	s0 =	simm.s32 @!p1 $0x0  }
0x14: {  	s2 =	sld [smem:$0x3F9C];
	s0 =	simm.s32 @p1 $0x1  }
0x15: {  	[smem:$0x3FB9] =	sst s0;
	s0 =	simm.s32 @!p2 $0x0  }
0x16: {  	s3 =	sld [smem:$0x3FDB];
	s0 =	simm.s32 @p2 $0x1  }
0x17: {  	s4 =	simm.s32 $0x1BF5;
	[smem:$0x3FBB] =	sst s0  }
0x18: {  	s0 =	sld [smem:$0x3F9E];
	_ =	swait.ge [sflag:s4], $0x0  }
0x19: {  	s7 =	sld [smem:$0x3F9F]  }
0x1a: {  	s8 =	sadd.s32 $0xFFFFE003, lr  }
0x1b: {  	s9 =	sadd.s32 $0xFFFFFEF7, lr;
	s5 =	simm.s32 $0xFFFFFFFF;
	p2 =	slt.u32 s8, $0xFFFFF086  }
0x1c: {  	p1 =	slt.u32 s9, $0xF7A;
	s5 =	simm.s32 @!p2 $0x0  }
0x1d: {  	s5 =	simm.s32 @p1 $0x1;
	p0 =	seq.s32 s7, s2  }
0x1e: {  	s7 =	smul.u32 @!p0 $0xF7A, s2;
	p2 =	seq.s32 @!p0 s5, $0x0  }
0x1f: {  	s9 =	smul.u32 $0xF7A, s1;
	s8 =	simm.s32 @!p0 $0x1BF5;
	p2 =	por !p2, p0  }
0x20: {  	[sflag:s8] =	ssyncset.s32 @!p0 $0xFFFFF086;
	s6 =	sadd.s32 @!p0 s3, s7;
	s7 =	simm.s32 @!p0 $0x108  }
0x21: {  	s3 =	sadd.s32 s3, s9;
	s6 =	sadd.s32 @!p0 $0x88, s6;
	s7 =	simm.s32 @p2 $0x1082  }
0x22: {  	[simem:s7], [sflag:s8] =	dma.local @!p0 [hbm:s6], $0xF7A  }
0x23: {  	s9 =	sor.u32 $0xD0000000, s2;
	s6 =	simm.s32 $0x108;
	_ =	swait.ge @!p0 [sflag:s8], $0x0  }
0x24: {  	s3 =	sadd.s32 $0x88, s3;
	s6 =	simm.s32 @!p1 $0x1082;
	[sflag:s4] =	ssyncset.s32 $0xFFFFF086  }
0x25: {  	[simem:s6], [sflag:s4] =	dma.local [hbm:s3], $0xF7A  }
0x26: {  	[smem:$0x3F9F] =	sst s1;
	(tag) =	ssettag s2;
	_ =	strace s9  }
0x27: {  	s1 =	sld [smem:$0x3FAF]  }
0x28: {  	s2 =	sld [smem:$0x3FB0]  }
0x29: {  	s4 =	sld [smem:$0x3FB2]  }
0x2a: {  	p0 =	seq.s32 s5, $0x0;
	s5 =	sld [smem:$0x3FB3]  }
0x2b: {  	s6 =	sld [smem:$0x3FB4]  }
0x2c: {  	s7 =	sld [smem:$0x3FB5]  }
0x2d: {  	s3 =	simm.s32 $0x108;
	s8 =	sld [smem:$0x3FB6]  }
0x2e: {  	s3 =	simm.s32 @!p0 $0x1082;
	s9 =	sld [smem:$0x3FB7]  }
0x2f: {  	lr =	sadd.s32 s0, s3;
	s0 =	sld [smem:$0x3FAE]  }
0x30: {  	s3 =	sld [smem:$0x3FB1]  }
0x31: {  	[smem:$0x3FBA] =	sst s10  }
0x32: {  	s10 =	sld [smem:$0x3FB8];
	_ =	sdelay $0x3  }
0x33: {  	p0 =	seq.s32 s10, $0x1;
	s10 =	sld [smem:$0x3FBA];
	_ =	sdelay $0x3  }
0x34: {  	[smem:$0x3FBA] =	sst s10  }
0x35: {  	s10 =	sld [smem:$0x3FB9];
	_ =	sdelay $0x3  }
0x36: {  	p1 =	seq.s32 s10, $0x1;
	s10 =	sld [smem:$0x3FBA];
	_ =	sdelay $0x3  }
0x37: {  	[smem:$0x3FBA] =	sst s10  }
0x38: {  	s10 =	sld [smem:$0x3FBB]  }
0x39: {  	_ = 	snop;
	(pc) =	sbr.ind lr, $3  }
0x3a: {  	_ = 	snop  }
0x3b: {  	_ = 	snop  }
0x3c: {  	p2 =	seq.s32 s10, $0x1;
	s10 =	sld [smem:$0x3FBA]  }
0x3d: {  	_ =	shalt  }
0x3e: {  	_ =	shalt  }
0x3f: {  	_ =	shalt  }
0x40: {  	_ =	shalt  }
0x41: {  	_ =	shalt  }
0x42: {  	_ =	shalt  }
0x43: {  	_ =	shalt  }
0x44: {  	_ =	shalt  }
0x45: {  	_ =	shalt  }
0x46: {  	_ =	shalt  }
0x47: {  	_ =	shalt  }
0x48: {  	_ =	shalt  }
0x49: {  	_ =	shalt  }
0x4a: {  	_ =	shalt  }
0x4b: {  	_ =	shalt  }
0x4c: {  	_ =	shalt  }
0x4d: {  	_ =	shalt  }
0x4e: {  	_ =	shalt  }
0x4f: {  	_ =	shalt  }
0x50: {  	_ =	shalt  }
0x51: {  	_ =	shalt  }
0x52: {  	_ =	shalt  }
0x53: {  	_ =	shalt  }
0x54: {  	_ =	shalt  }
0x55: {  	_ =	shalt  }
0x56: {  	_ =	shalt  }
0x57: {  	_ =	shalt  }
0x58: {  	_ =	shalt  }
0x59: {  	_ =	shalt  }
0x5a: {  	_ =	shalt  }
0x5b: {  	_ =	shalt  }
0x5c: {  	_ =	shalt  }
0x5d: {  	_ =	shalt  }
0x5e: {  	_ =	shalt  }
0x5f: {  	_ =	shalt  }
0x60: {  	_ =	shalt  }
0x61: {  	_ =	shalt  }
0x62: {  	_ =	shalt  }
0x63: {  	_ =	shalt  }
0x64: {  	_ =	shalt  }
0x65: {  	_ =	shalt  }
0x66: {  	_ =	shalt  }
0x67: {  	_ =	shalt  }
0x68: {  	_ =	shalt  }
0x69: {  	_ =	shalt  }
0x6a: {  	_ =	shalt  }
0x6b: {  	_ =	shalt  }
0x6c: {  	_ =	shalt  }
0x6d: {  	_ =	shalt  }
0x6e: {  	_ =	shalt  }
0x6f: {  	_ =	shalt  }
0x70: {  	_ =	shalt  }
0x71: {  	_ =	shalt  }
0x72: {  	_ =	shalt  }
0x73: {  	_ =	shalt  }
0x74: {  	_ =	shalt  }
0x75: {  	_ =	shalt  }
0x76: {  	_ =	shalt  }
0x77: {  	_ =	shalt  }
0x78: {  	_ =	shalt  }
0x79: {  	_ =	shalt  }
0x7a: {  	_ =	shalt  }
0x7b: {  	_ =	shalt  }
0x7c: {  	_ =	shalt  }
0x7d: {  	_ =	shalt  }
0x7e: {  	_ =	shalt  }
0x7f: {  	_ =	shalt  }
0x80: {  	_ =	shalt  }
0x81: {  	_ =	shalt  }
0x82: {  	_ =	shalt  }
0x83: {  	_ =	shalt  }
0x84: {  	_ =	shalt  }
0x85: {  	_ =	shalt  }
0x86: {  	_ =	shalt  }
0x87: {  	_ =	shalt  }
.Lfunc_end0:
.L_simem_size_0:
called_computation_lowered:
.L_overlay_start_0:
0x88: {  	s2 =	sld [smem:$0x3FD9]  }
0x89: {  	s3 =	sld [smem:$0x3FFE];
	_ =	sdelay $0x1  }
0x8a: {  	s1 =	srdreg.scid  }
0x8b: {  	s0 =	sand.u32 $0x1, s1  }
0x8c: {  	s17 =	sshll.u32 s0, $0xA;
	s2 =	sadd.s32 s3, s2  }
0x8d: {  	s2 =	sadd.s32 s2, s17  }
0x8e: {  	[smem:$0x3FC6] =	sst s2  }
0x8f: {  	_ = 	snop  }
0x90: {  	s2 =	sld [smem:$0x3FC8]  }
0x91: {  	s18 =	sld [smem:$0x3FD0];
	(tm) =	ssettm $0x1  }
0x92: {  	s4 =	sld [smem:$0x3FFB];
	_ =	sdelay $0x3  }
0x93: {  	_ =	strace s4  }
0x94: {  	s4 =	sld [smem:$0x3FFC];
	_ =	sdelay $0x3  }
0x95: {  	_ =	strace s4  }
0x96: {  	s4 =	sld [smem:$0x3FFD];
	_ =	sdelay $0x3  }
0x97: {  	_ =	strace s4  }
0x98: {  	_ =	strace $0x8FFFFFFF  }
0x99: {  	s19 =	sld [smem:$0x3FDB];
	_ =	sdelay $0x1  }
0x9a: {  	s5 =	simm.s32 $_scs_section_size  }
0x9b: {  	s6 =	simm.s32 $_size__tile_overlayer_lowered;
	s7 =	simm.s32 $_tile_overlayer_lowered  }
0x9c: {  	s22 =	simm.s32 $0x1BFF;
	s21 =	sshll.u32 s7, $0x1;
	s4 =	sadd.s32 s5, s19  }
0x9d: {  	s8 =	simm.s32 $0x0;
	s20 =	sshll.u32 s6, $0x1;
	s6 =	sadd.s32 s21, s4  }
0x9e: {  	[timem:s8], [sflag:s22] =	dma.local [hbm:s6], s20  }
0x9f: {  	_ =	swait.ge [sflag:s22], s20  }
0xa0: {  	s5 =	ssub.s32 $0x0, s20;
	[sflag:s22] =	ssyncset.done $0x0  }
0xa1: {  	[sflag:s22] =	ssyncadd.s32 s5;
	_ =	sdelay $0x1  }
0xa2: {  	s23 =	simm.s32 $0x1B8B  }
0xa3: {  	_ =	swait.ge [sflag:s23], $0x1  }
0xa4: {  	[sflag:s23] =	ssyncset.done $0x0  }
0xa5: {  	s25 =	simm.s32 $0x1B8E;
	s24 =	sld [smem:$0x3FFE];
	[sflag:s23] =	ssyncadd.s32 $0xFFFFFFFF  }
0xa6: {  	s26 =	simm.s32 $execute0_lowered;
	[smem:$0x3FD2] =	sst s25  }
0xa7: {  	s6 =	sshll.u32 s26, $0x1;
	_ =	strace $0x80000046;
	[dreg:$0x1] =	wrdreg $0xFFFFFFFF  }
0xa8: {  	s28 =	simm.s32 $_size_execute0_lowered;
	s4 =	sadd.s32 s4, s6;
	[dreg:$0x0] =	wrdreg $0x0  }
0xa9: {  	s6 =	sshll.u32 s28, $0x1;
	[dreg:$0x2] =	wrdreg s4  }
0xaa: {  	[dreg:$0x3] =	wrdreg s6  }
0xab: {  	[dreg:$0x4] =	wrdreg $0xC0  }
0xac: {  	_ =	task [dreg:s8], $0x5FFFF  }
0xad: {  	[dreg:$0x1] =	wrdreg $0xFFFFFFFF  }
0xae: {  	[dreg:$0x0] =	wrdreg $0x60  }
0xaf: {  	[dreg:$0x2] =	wrdreg s24  }
0xb0: {  	[dreg:$0x3] =	wrdreg s2  }
0xb1: {  	[dreg:$0x4] =	wrdreg s18  }
0xb2: {  	[dreg:$0x5] =	wrdreg $0x9  }
0xb3: {  	_ =	task.clear_ibuf [dreg:s8], $0x6FFFF;
	_ =	strace $0x90000046  }
0xb4: {  	s29 =	simm.s32 $0x9;
	_ =	strace $0x80000048  }
0xb5: {  	_ =	swait.ge [sflag:s29], $0x1  }
0xb6: {  	[sflag:s29] =	ssyncadd.s32 $0xFFFFFFFF  }
0xb7: {  	_ =	strace $0x90000048  }
0xb8: {  	_ =	sfence  }
0xb9: {  	s30 =	sld [smem:$0x0];
	_ =	sdelay $0x2  }
0xba: {  	s31 =	sshll.u32 s1, $0xD;
	s1 =	sshrl.u32 s1, $0x2  }
0xbb: {  	s3 =	sand.u32 $0x4000, s31;
	s1 =	sadd.s32 s1, s30  }
0xbc: {  	s0 =	sor.u32 s3, s0;
	s1 =	sshll.u32 s1, $0x11  }
0xbd: {  	s0 =	sor.u32 s1, s0  }
0xbe: {  	s0 =	sadd.s32 $0x8F2B, s0  }
0xbf: {  	[sflag:s0] =	ssyncadd.remote.s32 $0x1  }
0xc0: {  	_ =	sfence.sel $0xFFFF  }
0xc1: {  	[dreg:$0x0] =	wrdreg $0xFFFFFFFF;
	(pc) =	sbr.abs _section_cstart, $3  }
0xc2: {  	[dreg:$0x1] =	wrdreg $0xFFFFFFFF  }
0xc3: {  	_ =	task.clear_ibuf [dreg:s8], $0x2FFFF;
	_ =	strace $0x9FFFFFFF  }
0xc4: {  	(tm) =	ssettm $0x7FFFFFFF  }
0xc5: {  	_ =	shalt  }
tec
execute0_lowered:
.L_overlay_start_1:
0x0: {  	(tag) =	ssettag $0x1  }
0x1: {  	s0 =	rddreg [dreg:$0x0]  }
0x2: {  	s2 =	rddreg [dreg:$0x1]  }
0x3: {  	s3 =	rddreg [dreg:$0x2]  }
0x4: {  	s1 =	srdreg.scid;
	s5 =	stileid.u32;
	s4 =	simm.s32 $0x0  }
0x5: {  	s21 =	simm.s32 $0xB000;
	s26 =	simm.s32 $0xC000;
	s20 =	simm.s32 $0xD000  }
0x6: {  	s29 =	simm.s32 $0xE000;
	s11 =	simm.s32 $0x200;
	s17 =	simm.s32 $0x400  }
0x7: {  	s31 =	simm.s32 $0x1;
	s22 =	simm.s32 $0x2;
	s19 =	simm.s32 $0xF000  }
0x8: {  	s23 =	simm.s32 $0x12000;
	s1 =	sand.u32 $0x1, s1;
	s5 =	sshll.u32 s5, $0x1  }
0x9: {  	s25 =	simm.s32 $0x3;
	[smem:$0x7FF] =	sst s4;
	s7 =	sor.u32 s1, s5  }
0xa: {  	s15 =	sadd.s32 $0x40, s3;
	s1 =	ssub.s32 $0x2, s1;
	s5 =	sshll.u32 s7, $0x9  }
0xb: {  	_ =	strace $0x80000047;
	s6 =	sshrl.u32 s1, $0x1;
	s8 =	sadd.s32 s5, s0  }
0xc: {  	s5 =	sadd.s32 $0x4400, s0;
	s1 =	ssub.s32 s1, s6;
	s6 =	sshll.u32 s7, $0x7  }
0xd: {  	s7 =	sshll.u32 s7, $0xE;
	s0 =	sadd.s32 $0x4440, s0;
	s8 =	sadd.s32 $0x400, s8  }
.Ltmp0:
0xe: {  	s9 =	sadd.s32 s5, s7;
	[dreg:$0x6] =	wrdreg s0;
	(pc) =	sbr.rel .LBB2_1-.Ltmp0, $4  }
0xf: {  	s0 =	sadd.s32 s7, s0;
	s12 =	sor.u32 $0x1000, s6;
	[dreg:$0x4] =	wrdreg s8  }
0x10: {  	v0 =	vlaneseq.u32;
	s13 =	sor.u32 $0x2000, s6;
	s14 =	sor.u32 $0x3000, s6;
	[dreg:$0x5] =	wrdreg s9  }
0x11: {  	v1 =	vshrl.u32 v0, $0x2;
	s16 =	sor.u32 $0x10, s6;
	s30 =	smax.u32 s1, $0x1;
	[dreg:$0x7] =	wrdreg s0  }
0x12: {  	vm0 =	vmmov $0xffff;
	v0 =	vand.u32 $0x3, v0;
	v1 =	vmul.u32 $0x8, v1;
	s1 =	simm.s32 $0x0;
	s8 =	sadd.s32 $0x200, s2;
	[dreg:$0x8] =	wrdreg s30  }
.LBB2_12:
0x13: {  	_ =	swait.ge [sflag:s25], $0x1000  }
0x14: {  	[sflag:s25] =	ssyncset.done $0x0  }
0x15: {  	[sflag:s25] =	ssyncadd.s32 $0xFFFFF000  }
0x16: {  	_ =	swait.ge [sflag:s25], $0x1000  }
0x17: {  	[sflag:s25] =	ssyncset.done $0x0  }
0x18: {  	[sflag:s25] =	ssyncadd.s32 $0xFFFFF000  }
0x19: {  	_ =	swait.ge [sflag:s25], $0x1000  }
0x1a: {  	[sflag:s25] =	ssyncset.done $0x0  }
0x1b: {  	[sflag:s25] =	ssyncadd.s32 $0xFFFFF000  }
0x1c: {  	_ =	swait.ge [sflag:s25], $0x1000  }
0x1d: {  	s1 =	rddreg [dreg:$0x9]  }
0x1e: {  	s0 =	rddreg [dreg:$0x8];
	s1 =	sadd.s32 $0x1, s1  }
0x1f: {  	p0 =	sne.s32 s1, s0  }
.Ltmp1:
0x20: {  	_ = 	snop;
	(pc) =	sbr.rel @!p0 .LBB2_13-.Ltmp1, $3  }
0x21: {  	_ =	sdelay $0x1  }
0x22: {  	[sflag:s25] =	ssyncset.done $0x0  }
0x23: {  	[sflag:s25] =	ssyncadd.s32 $0xFFFFF000  }
.LBB2_1:
0x24: {  	[dreg:$0x9] =	wrdreg s1  }
0x25: {  	s0 =	rddreg [dreg:$0x4];
	s1 =	simm.s32 $0x4  }
0x26: {  	[tilespmem:s4], [sflag:$0x4] =	stream.linear.gather [hbm4b:s0+s4], $0x1000, $0x38;
	[tilespmem:$0x13000] =	vst v63  }
0x27: {  	_ =	swait.ge [sflag:s1], $0x1000  }
0x28: {  	[sflag:s1] =	ssyncset.done $0x0  }
0x29: {  	[sflag:s1] =	ssyncadd.s32 $0xFFFFF000  }
0x2a: {  	v2 =	vld.msk [tilespmem:$0x0], $0xf;
	_ =	sdelay $0x4  }
0x2b: {  	v3 =	vshll.u32 v2, $0x3  }
0x2c: {  	v2 =	vand.u32 $0x7, v2;
	v3 =	vand.u32 $0xFFFFFFC0, v3  }
0x2d: {  	v2 =	vor.u32 v2, v3  }
0x2e: {  	v2 =	vperm.xlane v2, v0;
	_ =	sdelay $0x1  }
0x2f: {  	v2 =	vadd.s32 v1, v2;
	_ =	sdelay $0x3  }
0x30: {  	s7 =	simm.s32 $0x3000  }
0x31: {  	[tilespmem:s7], [sflag:$0x1] =	stream.indirect_vreg.gather [hbm4b:s2+s4], $0x80, v2, vm0, $0xb8;
	[tilespmem:$0x13000] =	vst v63  }
0x32: {  	s9 =	simm.s32 $0x3800  }
0x33: {  	[tilespmem:s9], [sflag:$0x1] =	stream.indirect_vreg.gather [hbm4b:s8+s4], $0x80, v2, vm0, $0xb8;
	[tilespmem:$0x13000] =	vst v63  }
0x34: {  	v2 =	vld.msk [tilespmem:$0x4], $0xf;
	_ =	sdelay $0x4  }
0x35: {  	v3 =	vshll.u32 v2, $0x3  }
0x36: {  	v2 =	vand.u32 $0x7, v2;
	v3 =	vand.u32 $0xFFFFFFC0, v3  }
0x37: {  	v2 =	vor.u32 v2, v3  }
0x38: {  	v2 =	vperm.xlane v2, v0;
	_ =	sdelay $0x1  }
0x39: {  	v2 =	vadd.s32 v1, v2;
	_ =	sdelay $0x3  }
0x3a: {  	s10 =	simm.s32 $0x4000  }
0x3b: {  	[tilespmem:s10], [sflag:$0x1] =	stream.indirect_vreg.gather [hbm4b:s2+s4], $0x80, v2, vm0, $0xb8;
	[tilespmem:$0x13000] =	vst v63  }
0x3c: {  	s18 =	simm.s32 $0x4800  }
0x3d: {  	[tilespmem:s18], [sflag:$0x1] =	stream.indirect_vreg.gather [hbm4b:s8+s4], $0x80, v2, vm0, $0xb8;
	[tilespmem:$0x13000] =	vst v63  }
0x3e: {  	v2 =	vld.msk [tilespmem:$0x8], $0xf;
	_ =	sdelay $0x4  }
0x3f: {  	v3 =	vshll.u32 v2, $0x3  }
0x40: {  	v2 =	vand.u32 $0x7, v2;
	v3 =	vand.u32 $0xFFFFFFC0, v3  }
0x41: {  	v2 =	vor.u32 v2, v3  }
0x42: {  	v2 =	vperm.xlane v2, v0;
	_ =	sdelay $0x1  }
0x43: {  	v2 =	vadd.s32 v1, v2;
	_ =	sdelay $0x3  }
0x44: {  	s24 =	simm.s32 $0x5000  }
0x45: {  	[tilespmem:s24], [sflag:$0x1] =	stream.indirect_vreg.gather [hbm4b:s2+s4], $0x80, v2, vm0, $0xb8;
	[tilespmem:$0x13000] =	vst v63  }
0x46: {  	s30 =	simm.s32 $0x5800  }
0x47: {  	[tilespmem:s30], [sflag:$0x1] =	stream.indirect_vreg.gather [hbm4b:s8+s4], $0x80, v2, vm0, $0xb8;
	[tilespmem:$0x13000] =	vst v63  }
0x48: {  	v2 =	vld.msk [tilespmem:$0xC], $0xf;
	_ =	sdelay $0x4  }
0x49: {  	v3 =	vshll.u32 v2, $0x3  }
0x4a: {  	v2 =	vand.u32 $0x7, v2;
	v3 =	vand.u32 $0xFFFFFFC0, v3  }
0x4b: {  	v2 =	vor.u32 v2, v3  }
0x4c: {  	v2 =	vperm.xlane v2, v0;
	_ =	sdelay $0x1  }
0x4d: {  	v2 =	vadd.s32 v1, v2;
	_ =	sdelay $0x3  }
0x4e: {  	s1 =	simm.s32 $0x6000  }
0x4f: {  	[tilespmem:s1], [sflag:$0x1] =	stream.indirect_vreg.gather [hbm4b:s2+s4], $0x80, v2, vm0, $0xb8;
	[tilespmem:$0x13000] =	vst v63  }
0x50: {  	s7 =	simm.s32 $0x6800  }
0x51: {  	[tilespmem:s7], [sflag:$0x1] =	stream.indirect_vreg.gather [hbm4b:s8+s4], $0x80, v2, vm0, $0xb8;
	[tilespmem:$0x13000] =	vst v63  }
0x52: {  	v2 =	vld.msk [tilespmem:$0x80], $0xf;
	_ =	sdelay $0x4  }
0x53: {  	v3 =	vshll.u32 v2, $0x3  }
0x54: {  	v2 =	vand.u32 $0x7, v2;
	v3 =	vand.u32 $0xFFFFFFC0, v3  }
0x55: {  	v2 =	vor.u32 v2, v3  }
0x56: {  	v2 =	vperm.xlane v2, v0;
	_ =	sdelay $0x1  }
0x57: {  	v2 =	vadd.s32 v1, v2;
	_ =	sdelay $0x3  }
0x58: {  	s9 =	simm.s32 $0x7000  }
0x59: {  	[tilespmem:s9], [sflag:$0x1] =	stream.indirect_vreg.gather [hbm4b:s2+s4], $0x80, v2, vm0, $0xb8;
	[tilespmem:$0x13000] =	vst v63  }
0x5a: {  	s10 =	simm.s32 $0x7800  }
0x5b: {  	[tilespmem:s10], [sflag:$0x1] =	stream.indirect_vreg.gather [hbm4b:s8+s4], $0x80, v2, vm0, $0xb8;
	[tilespmem:$0x13000] =	vst v63  }
0x5c: {  	v2 =	vld.msk [tilespmem:$0x84], $0xf;
	_ =	sdelay $0x4  }
0x5d: {  	v3 =	vshll.u32 v2, $0x3  }
0x5e: {  	v2 =	vand.u32 $0x7, v2;
	v3 =	vand.u32 $0xFFFFFFC0, v3  }
0x5f: {  	v2 =	vor.u32 v2, v3  }
0x60: {  	v2 =	vperm.xlane v2, v0;
	_ =	sdelay $0x1  }
0x61: {  	v2 =	vadd.s32 v1, v2;
	_ =	sdelay $0x3  }
0x62: {  	s18 =	simm.s32 $0x8000  }
0x63: {  	[tilespmem:s18], [sflag:$0x1] =	stream.indirect_vreg.gather [hbm4b:s2+s4], $0x80, v2, vm0, $0xb8;
	[tilespmem:$0x13000] =	vst v63  }
0x64: {  	s24 =	simm.s32 $0x8800  }
0x65: {  	[tilespmem:s24], [sflag:$0x1] =	stream.indirect_vreg.gather [hbm4b:s8+s4], $0x80, v2, vm0, $0xb8;
	[tilespmem:$0x13000] =	vst v63  }
0x66: {  	v2 =	vld.msk [tilespmem:$0x88], $0xf;
	_ =	sdelay $0x4  }
0x67: {  	v3 =	vshll.u32 v2, $0x3  }
0x68: {  	v2 =	vand.u32 $0x7, v2;
	v3 =	vand.u32 $0xFFFFFFC0, v3  }
0x69: {  	v2 =	vor.u32 v2, v3  }
0x6a: {  	v2 =	vperm.xlane v2, v0;
	_ =	sdelay $0x1  }
0x6b: {  	v2 =	vadd.s32 v1, v2;
	_ =	sdelay $0x3  }
0x6c: {  	s30 =	simm.s32 $0x9000  }
0x6d: {  	[tilespmem:s30], [sflag:$0x1] =	stream.indirect_vreg.gather [hbm4b:s2+s4], $0x80, v2, vm0, $0xb8;
	[tilespmem:$0x13000] =	vst v63  }
0x6e: {  	s1 =	simm.s32 $0x9800  }
0x6f: {  	[tilespmem:s1], [sflag:$0x1] =	stream.indirect_vreg.gather [hbm4b:s8+s4], $0x80, v2, vm0, $0xb8;
	[tilespmem:$0x13000] =	vst v63  }
0x70: {  	v2 =	vld.msk [tilespmem:$0x8C], $0xf;
	_ =	sdelay $0x4  }
0x71: {  	v3 =	vshll.u32 v2, $0x3  }
0x72: {  	v2 =	vand.u32 $0x7, v2;
	v3 =	vand.u32 $0xFFFFFFC0, v3  }
0x73: {  	v2 =	vor.u32 v2, v3  }
0x74: {  	v2 =	vperm.xlane v2, v0;
	_ =	sdelay $0x1  }
0x75: {  	v2 =	vadd.s32 v1, v2;
	_ =	sdelay $0x3  }
0x76: {  	s7 =	simm.s32 $0xA000  }
0x77: {  	[tilespmem:s7], [sflag:$0x1] =	stream.indirect_vreg.gather [hbm4b:s2+s4], $0x80, v2, vm0, $0xb8;
	[tilespmem:$0x13000] =	vst v63  }
0x78: {  	s9 =	simm.s32 $0xA800  }
0x79: {  	[tilespmem:s9], [sflag:$0x1] =	stream.indirect_vreg.gather [hbm4b:s8+s4], $0x80, v2, vm0, $0xb8;
	[tilespmem:$0x13000] =	vst v63  }
0x7a: {  	v2 =	vld.msk [tilespmem:$0x100], $0xf;
	_ =	sdelay $0x4  }
0x7b: {  	v3 =	vshll.u32 v2, $0x3  }
0x7c: {  	v2 =	vand.u32 $0x7, v2;
	v3 =	vand.u32 $0xFFFFFFC0, v3  }
0x7d: {  	v2 =	vor.u32 v2, v3  }
0x7e: {  	v2 =	vperm.xlane v2, v0;
	_ =	sdelay $0x1  }
0x7f: {  	v2 =	vadd.s32 v1, v2;
	_ =	sdelay $0x4  }
0x80: {  	[tilespmem:s21], [sflag:$0x1] =	stream.indirect_vreg.gather [hbm4b:s2+s4], $0x80, v2, vm0, $0xb8;
	[tilespmem:$0x13000] =	vst v63  }
0x81: {  	s10 =	simm.s32 $0xB800  }
0x82: {  	[tilespmem:s10], [sflag:$0x1] =	stream.indirect_vreg.gather [hbm4b:s8+s4], $0x80, v2, vm0, $0xb8;
	[tilespmem:$0x13000] =	vst v63  }
0x83: {  	v2 =	vld.msk [tilespmem:$0x104], $0xf;
	_ =	sdelay $0x4  }
0x84: {  	v3 =	vshll.u32 v2, $0x3  }
0x85: {  	v2 =	vand.u32 $0x7, v2;
	v3 =	vand.u32 $0xFFFFFFC0, v3  }
0x86: {  	v2 =	vor.u32 v2, v3  }
0x87: {  	v2 =	vperm.xlane v2, v0;
	_ =	sdelay $0x1  }
0x88: {  	v2 =	vadd.s32 v1, v2;
	_ =	sdelay $0x4  }
0x89: {  	[tilespmem:s26], [sflag:$0x1] =	stream.indirect_vreg.gather [hbm4b:s2+s4], $0x80, v2, vm0, $0xb8;
	[tilespmem:$0x13000] =	vst v63  }
0x8a: {  	s18 =	simm.s32 $0xC800  }
0x8b: {  	[tilespmem:s18], [sflag:$0x1] =	stream.indirect_vreg.gather [hbm4b:s8+s4], $0x80, v2, vm0, $0xb8;
	[tilespmem:$0x13000] =	vst v63  }
0x8c: {  	v2 =	vld.msk [tilespmem:$0x108], $0xf;
	_ =	sdelay $0x4  }
0x8d: {  	v3 =	vshll.u32 v2, $0x3  }
0x8e: {  	v2 =	vand.u32 $0x7, v2;
	v3 =	vand.u32 $0xFFFFFFC0, v3  }
0x8f: {  	v2 =	vor.u32 v2, v3  }
0x90: {  	v2 =	vperm.xlane v2, v0;
	_ =	sdelay $0x1  }
0x91: {  	v2 =	vadd.s32 v1, v2;
	_ =	sdelay $0x4  }
0x92: {  	[tilespmem:s20], [sflag:$0x1] =	stream.indirect_vreg.gather [hbm4b:s2+s4], $0x80, v2, vm0, $0xb8;
	[tilespmem:$0x13000] =	vst v63  }
0x93: {  	s20 =	simm.s32 $0xD800  }
0x94: {  	[tilespmem:s20], [sflag:$0x1] =	stream.indirect_vreg.gather [hbm4b:s8+s4], $0x80, v2, vm0, $0xb8;
	[tilespmem:$0x13000] =	vst v63  }
0x95: {  	v2 =	vld.msk [tilespmem:$0x10C], $0xf;
	_ =	sdelay $0x4  }
0x96: {  	v3 =	vshll.u32 v2, $0x3  }
0x97: {  	v2 =	vand.u32 $0x7, v2;
	v3 =	vand.u32 $0xFFFFFFC0, v3  }
0x98: {  	v2 =	vor.u32 v2, v3  }
0x99: {  	v2 =	vperm.xlane v2, v0;
	_ =	sdelay $0x1  }
0x9a: {  	v2 =	vadd.s32 v1, v2;
	_ =	sdelay $0x4  }
0x9b: {  	[tilespmem:s29], [sflag:$0x1] =	stream.indirect_vreg.gather [hbm4b:s2+s4], $0x80, v2, vm0, $0xb8;
	[tilespmem:$0x13000] =	vst v63  }
0x9c: {  	s21 =	simm.s32 $0xE800  }
0x9d: {  	[tilespmem:s21], [sflag:$0x1] =	stream.indirect_vreg.gather [hbm4b:s8+s4], $0x80, v2, vm0, $0xb8;
	[tilespmem:$0x13000] =	vst v63  }
0x9e: {  	s24 =	rddreg [dreg:$0x5];
	s26 =	simm.s32 $0x1000  }
0x9f: {  	[tilespmem:s26], [sflag:$0x2] =	stream.strided.gather [hbm4b:s24+s11], $0x1000, s17, s11, $0x38;
	[tilespmem:$0x13000] =	vst v63  }
0xa0: {  	s28 =	simm.s32 $0x0;
	s30 =	simm.s32 $0x2000;
	s29 =	rddreg [dreg:$0x7]  }
0xa1: {  	[tilespmem:s30], [sflag:$0x2] =	stream.strided.gather [hbm4b:s29+s11], $0x1000, s17, s11, $0x38;
	[tilespmem:$0x13000] =	vst v63  }
.LBB2_2:
0xa2: {  	_ =	swait.ge [sflag:s31], $0x1000  }
0xa3: {  	[sflag:s31] =	ssyncset.done $0x0  }
0xa4: {  	[sflag:s31] =	ssyncadd.s32 $0xFFFFF000  }
0xa5: {  	_ =	swait.ge [sflag:s31], $0x1000  }
0xa6: {  	[sflag:s31] =	ssyncset.done $0x0  }
0xa7: {  	[sflag:s31] =	ssyncadd.s32 $0xFFFFF000  }
0xa8: {  	_ =	swait.ge [sflag:s31], $0x1000  }
0xa9: {  	[sflag:s31] =	ssyncset.done $0x0  }
0xaa: {  	[sflag:s31] =	ssyncadd.s32 $0xFFFFF000  }
0xab: {  	_ =	swait.ge [sflag:s31], $0x1000  }
0xac: {  	[sflag:s31] =	ssyncset.done $0x0  }
0xad: {  	[sflag:s31] =	ssyncadd.s32 $0xFFFFF000  }
0xae: {  	s0 =	simm.s32 $0x0;
	_ =	swait.ge [sflag:s22], $0x1000  }
0xaf: {  	s1 =	sand.u32 $0x70, s0;
	s0 =	sand.u32 $0xE00, s0;
	[sflag:s22] =	ssyncset.done $0x0  }
0xb0: {  	s0 =	sor.u32 s1, s0;
	[sflag:s22] =	ssyncadd.s32 $0xFFFFF000  }
0xb1: {  	v7 =	vld [tilespmem:s0+$0x1000]  }
0xb2: {  	v4 =	vld [tilespmem:s0+$0x1080]  }
0xb3: {  	v3 =	vld [tilespmem:s0+$0x1100]  }
0xb4: {  	v5 =	vld [tilespmem:s0+$0x3000]  }
0xb5: {  	v6 =	vld [tilespmem:s0+$0x4000]  }
0xb6: {  	v8 =	vld [tilespmem:s0+$0x5000]  }
0xb7: {  	v2 =	vld [tilespmem:s0+$0x1180]  }
0xb8: {  	v9 =	vld [tilespmem:s0+$0x6000]  }
0xb9: {  	v10 =	vld [tilespmem:s0+$0x3080];
	v5 =	vmul.f32 $3.200000000e+01, v5  }
0xba: {  	v11 =	vld [tilespmem:s0+$0x4080];
	v6 =	vmul.f32 $3.200000000e+01, v6  }
0xbb: {  	v12 =	vld [tilespmem:s0+$0x5080];
	v8 =	vmul.f32 $3.200000000e+01, v8;
	v5 =	vadd.f32 v5, v7  }
0xbc: {  	v13 =	vld [tilespmem:s0+$0x6080];
	v6 =	vadd.f32 v6, v7  }
0xbd: {  	v14 =	vld [tilespmem:s0+$0x3100];
	v9 =	vmul.f32 $3.200000000e+01, v9;
	v8 =	vadd.f32 v8, v7;
	[tilespmem:s0+$0x3000] =	vst v5  }
0xbe: {  	v10 =	vmul.f32 $3.200000000e+01, v10;
	v5 =	vld [tilespmem:s0+$0x4100];
	[tilespmem:s0+$0x4000] =	vst v6  }
0xbf: {  	v9 =	vadd.f32 v9, v7;
	v6 =	vld [tilespmem:s0+$0x5100];
	[tilespmem:s0+$0x5000] =	vst v8;
	v8 =	vmul.f32 $3.200000000e+01, v11  }
0xc0: {  	v10 =	vadd.f32 v10, v4;
	v7 =	vld [tilespmem:s0+$0x6100];
	v11 =	vmul.f32 $3.200000000e+01, v12  }
0xc1: {  	v13 =	vmul.f32 $3.200000000e+01, v13;
	[tilespmem:s0+$0x6000] =	vst v9;
	v12 =	vadd.f32 v8, v4;
	v8 =	vld [tilespmem:s0+$0x3180]  }
0xc2: {  	s7 =	simm.s32 $0x10;
	s1 =	simm.s32 $0x40;
	[tilespmem:s0+$0x3080] =	vst v10;
	v9 =	vld [tilespmem:s0+$0x4180];
	v10 =	vadd.f32 v11, v4;
	v11 =	vmul.f32 $3.200000000e+01, v14  }
.LBB2_3:
0xc3: {  	s9 =	sand.u32 $0x70, s7;
	s10 =	sand.u32 $0xE00, s1;
	p0 =	sne.s32 s7, $0x3F0;
	[tilespmem:s0+$0x4080] =	vst v12;
	v4 =	vadd.f32 v13, v4;
	v5 =	vmul.f32 $3.200000000e+01, v5;
	v12 =	vld [tilespmem:s0+$0x5180]  }
0xc4: {  	s9 =	sor.u32 s9, s10;
	[tilespmem:s0+$0x5080] =	vst v10;
	v10 =	vadd.f32 v11, v3;
	v6 =	vmul.f32 $3.200000000e+01, v6;
	v11 =	vld [tilespmem:s0+$0x6180]  }
0xc5: {  	v13 =	vld [tilespmem:s9+$0x1000];
	[tilespmem:s0+$0x6080] =	vst v4;
	v5 =	vadd.f32 v5, v3;
	v7 =	vmul.f32 $3.200000000e+01, v7  }
0xc6: {  	v4 =	vld [tilespmem:s9+$0x1080];
	[tilespmem:s0+$0x3100] =	vst v10;
	v6 =	vadd.f32 v6, v3;
	v8 =	vmul.f32 $3.200000000e+01, v8  }
0xc7: {  	[tilespmem:s0+$0x4100] =	vst v5;
	v5 =	vadd.f32 v7, v3;
	v3 =	vld [tilespmem:s9+$0x1100];
	v7 =	vmul.f32 $3.200000000e+01, v9  }
0xc8: {  	v9 =	vld [tilespmem:s9+$0x1180];
	[tilespmem:s0+$0x5100] =	vst v6;
	v6 =	vadd.f32 v8, v2;
	v8 =	vmul.f32 $3.200000000e+01, v12  }
0xc9: {  	v10 =	vld [tilespmem:s9+$0x3000];
	[tilespmem:s0+$0x6100] =	vst v5;
	v5 =	vadd.f32 v7, v2;
	v7 =	vmul.f32 $3.200000000e+01, v11  }
0xca: {  	v11 =	vld [tilespmem:s9+$0x4000];
	[tilespmem:s0+$0x3180] =	vst v6;
	v6 =	vadd.f32 v8, v2  }
0xcb: {  	v8 =	vld [tilespmem:s9+$0x5000];
	[tilespmem:s0+$0x4180] =	vst v5;
	v7 =	vadd.f32 v7, v2  }
0xcc: {  	v5 =	vld [tilespmem:s9+$0x6000];
	[tilespmem:s0+$0x5180] =	vst v6  }
0xcd: {  	v6 =	vld [tilespmem:s9+$0x3080];
	[tilespmem:s0+$0x6180] =	vst v7;
	v2 =	vmov v9;
	s0 =	smov.u32 s9  }
0xce: {  	v7 =	vmul.f32 $3.200000000e+01, v10;
	v9 =	vld [tilespmem:s0+$0x4080]  }
0xcf: {  	v10 =	vmul.f32 $3.200000000e+01, v11;
	v11 =	vld [tilespmem:s0+$0x5080]  }
0xd0: {  	v7 =	vadd.f32 v7, v13;
	v8 =	vmul.f32 $3.200000000e+01, v8;
	v14 =	vld [tilespmem:s0+$0x6080]  }
0xd1: {  	v10 =	vadd.f32 v10, v13;
	v12 =	vmul.f32 $3.200000000e+01, v5;
	v15 =	vld [tilespmem:s0+$0x3100]  }
.Ltmp2:
0xd2: {  	[tilespmem:s0+$0x3000] =	vst v7;
	v7 =	vadd.f32 v8, v13;
	v8 =	vmul.f32 $3.200000000e+01, v6;
	v5 =	vld [tilespmem:s0+$0x4100];
	(pc) =	sbr.rel @p0 .LBB2_3-.Ltmp2, $4  }
0xd3: {  	[tilespmem:s0+$0x4000] =	vst v10;
	v10 =	vadd.f32 v12, v13;
	v9 =	vmul.f32 $3.200000000e+01, v9;
	v6 =	vld [tilespmem:s0+$0x5100]  }
0xd4: {  	[tilespmem:s0+$0x5000] =	vst v7;
	v16 =	vadd.f32 v8, v4;
	v11 =	vmul.f32 $3.200000000e+01, v11;
	v7 =	vld [tilespmem:s0+$0x6100]  }
0xd5: {  	[tilespmem:s0+$0x6000] =	vst v10;
	v12 =	vadd.f32 v9, v4;
	v13 =	vmul.f32 $3.200000000e+01, v14;
	v8 =	vld [tilespmem:s0+$0x3180]  }
0xd6: {  	s1 =	sadd.s32 $0x40, s1;
	s7 =	sadd.s32 $0x10, s7;
	[tilespmem:s0+$0x3080] =	vst v16;
	v10 =	vadd.f32 v11, v4;
	v11 =	vmul.f32 $3.200000000e+01, v15;
	v9 =	vld [tilespmem:s0+$0x4180]  }
0xd7: {  	[tilespmem:s0+$0x4080] =	vst v12;
	v12 =	vld [tilespmem:s0+$0x5180];
	v4 =	vadd.f32 v13, v4;
	v5 =	vmul.f32 $3.200000000e+01, v5  }
0xd8: {  	[tilespmem:s0+$0x5080] =	vst v10;
	v10 =	vadd.f32 v11, v3;
	v6 =	vmul.f32 $3.200000000e+01, v6;
	v11 =	vld [tilespmem:s0+$0x6180]  }
0xd9: {  	[tilespmem:s0+$0x6080] =	vst v4;
	v4 =	vadd.f32 v5, v3;
	v5 =	vmul.f32 $3.200000000e+01, v7  }
0xda: {  	[tilespmem:s0+$0x3100] =	vst v10;
	v6 =	vadd.f32 v6, v3;
	v7 =	vmul.f32 $3.200000000e+01, v8  }
0xdb: {  	[tilespmem:s0+$0x4100] =	vst v4;
	v3 =	vadd.f32 v5, v3;
	v4 =	vmul.f32 $3.200000000e+01, v9  }
0xdc: {  	[tilespmem:s0+$0x5100] =	vst v6;
	v5 =	vadd.f32 v7, v2;
	v6 =	vmul.f32 $3.200000000e+01, v12  }
0xdd: {  	[tilespmem:s0+$0x6100] =	vst v3;
	v3 =	vadd.f32 v4, v2;
	v4 =	vmul.f32 $3.200000000e+01, v11  }
0xde: {  	s30 =	sshll.u32 s28, $0x4;
	[tilespmem:s0+$0x3180] =	vst v5;
	v5 =	vadd.f32 v6, v2  }
0xdf: {  	s7 =	simm.s32 $0x3000;
	s21 =	simm.s32 $0x4000;
	s1 =	sadd.s32 s6, s30;
	[tilespmem:s0+$0x4180] =	vst v3;
	v2 =	vadd.f32 v4, v2  }
0xe0: {  	p0 =	seq.s32 s28, $0x0;
	s9 =	sadd.s32 s12, s30;
	s18 =	sshll.u32 s1, $0x7;
	[tilespmem:s0+$0x5180] =	vst v5  }
0xe1: {  	s10 =	sadd.s32 s13, s30;
	s1 =	sadd.s32 s3, s18;
	[tilespmem:s0+$0x6180] =	vst v2;
	s0 =	sshll.u32 s9, $0x7  }
0xe2: {  	[hbm4b:s1+s11] =	stream.strided.scatter [tilespmem:s7], [sflag:$0x3], $0x1000, s17, s11, $0x38;
	[tilespmem:$0x13000] =	vst v63  }
0xe3: {  	s26 =	sadd.s32 s14, s30;
	s24 =	sand.u32 $0x1FFFF800, s0;
	s0 =	sshll.u32 s10, $0x7  }
0xe4: {  	s20 =	sadd.s32 s3, s24;
	s29 =	sand.u32 $0x1FFFF800, s0;
	s0 =	sshll.u32 s26, $0x7  }
0xe5: {  	[hbm4b:s20+s11] =	stream.strided.scatter [tilespmem:s21], [sflag:$0x3], $0x1000, s17, s11, $0x38;
	[tilespmem:$0x13000] =	vst v63  }
0xe6: {  	s9 =	simm.s32 $0x5000;
	s7 =	sadd.s32 s3, s29;
	s1 =	sand.u32 $0x1FFFF800, s0  }
0xe7: {  	[hbm4b:s7+s11] =	stream.strided.scatter [tilespmem:s9], [sflag:$0x3], $0x1000, s17, s11, $0x38;
	[tilespmem:$0x13000] =	vst v63  }
0xe8: {  	s10 =	simm.s32 $0x6000;
	s0 =	sadd.s32 s3, s1;
	s7 =	simm.s32 @!p0 $0x3  }
0xe9: {  	[hbm4b:s0+s11] =	stream.strided.scatter [tilespmem:s10], [sflag:$0x3], $0x1000, s17, s11, $0x38;
	[tilespmem:$0x13000] =	vst v63  }
0xea: {  	_ =	swait.ge @!p0 [sflag:s7], $0x1000  }
0xeb: {  	[sflag:s7] =	ssyncset.done @!p0 $0x0  }
0xec: {  	[sflag:s7] =	ssyncadd.s32 @!p0 $0xFFFFF000  }
0xed: {  	_ =	swait.ge @!p0 [sflag:s7], $0x1000  }
0xee: {  	[sflag:s7] =	ssyncset.done @!p0 $0x0  }
0xef: {  	[sflag:s7] =	ssyncadd.s32 @!p0 $0xFFFFF000  }
0xf0: {  	_ =	swait.ge @!p0 [sflag:s7], $0x1000  }
0xf1: {  	[sflag:s7] =	ssyncset.done @!p0 $0x0  }
0xf2: {  	s20 =	sshll.u32 s28, $0x2;
	[sflag:s7] =	ssyncadd.s32 @!p0 $0xFFFFF000  }
0xf3: {  	s0 =	sor.u32 $0x3, s20;
	_ =	swait.ge @!p0 [sflag:s7], $0x1000  }
0xf4: {  	s9 =	sshll.u32 s0, $0x7;
	[sflag:s7] =	ssyncset.done @!p0 $0x0  }
0xf5: {  	[sflag:s7] =	ssyncadd.s32 @!p0 $0xFFFFF000;
	s7 =	sand.u32 $0x3FFFFF80, s9  }
0xf6: {  	v2 =	vld.msk [tilespmem:s7+$0x0], $0xf;
	_ =	sdelay $0x4  }
0xf7: {  	v3 =	vshll.u32 v2, $0x3  }
0xf8: {  	v2 =	vand.u32 $0x7, v2;
	v3 =	vand.u32 $0xFFFFFFC0, v3  }
0xf9: {  	v2 =	vor.u32 v2, v3  }
0xfa: {  	v2 =	vperm.xlane v2, v0;
	_ =	sdelay $0x1  }
0xfb: {  	v2 =	vadd.s32 v1, v2;
	_ =	sdelay $0x3  }
0xfc: {  	s9 =	simm.s32 $0x0  }
0xfd: {  	[tilespmem:s19], [sflag:$0x1] =	stream.indirect_vreg.gather [hbm4b:s2+s9], $0x80, v2, vm0, $0xb8;
	[tilespmem:$0x13000] =	vst v63  }
0xfe: {  	s10 =	simm.s32 $0xF800;
	s21 =	sor.u32 $0x4, s7  }
0xff: {  	[tilespmem:s10], [sflag:$0x1] =	stream.indirect_vreg.gather [hbm4b:s8+s9], $0x80, v2, vm0, $0xb8;
	[tilespmem:$0x13000] =	vst v63  }
0x100: {  	v2 =	vld.msk [tilespmem:s21+$0x0], $0xf;
	_ =	sdelay $0x4  }
0x101: {  	v3 =	vshll.u32 v2, $0x3  }
0x102: {  	v2 =	vand.u32 $0x7, v2;
	v3 =	vand.u32 $0xFFFFFFC0, v3  }
0x103: {  	v2 =	vor.u32 v2, v3  }
0x104: {  	v2 =	vperm.xlane v2, v0;
	_ =	sdelay $0x1  }
0x105: {  	v2 =	vadd.s32 v1, v2;
	_ =	sdelay $0x3  }
0x106: {  	s26 =	simm.s32 $0x10000  }
0x107: {  	[tilespmem:s26], [sflag:$0x1] =	stream.indirect_vreg.gather [hbm4b:s2+s9], $0x80, v2, vm0, $0xb8;
	[tilespmem:$0x13000] =	vst v63  }
0x108: {  	s20 =	sor.u32 $0x8, s7;
	s19 =	simm.s32 $0x10800  }
0x109: {  	[tilespmem:s19], [sflag:$0x1] =	stream.indirect_vreg.gather [hbm4b:s8+s9], $0x80, v2, vm0, $0xb8;
	[tilespmem:$0x13000] =	vst v63  }
0x10a: {  	v2 =	vld.msk [tilespmem:s20+$0x0], $0xf;
	_ =	sdelay $0x4  }
0x10b: {  	v3 =	vshll.u32 v2, $0x3  }
0x10c: {  	v2 =	vand.u32 $0x7, v2;
	v3 =	vand.u32 $0xFFFFFFC0, v3  }
0x10d: {  	v2 =	vor.u32 v2, v3  }
0x10e: {  	v2 =	vperm.xlane v2, v0;
	_ =	sdelay $0x1  }
0x10f: {  	v2 =	vadd.s32 v1, v2;
	_ =	sdelay $0x3  }
0x110: {  	s21 =	simm.s32 $0x11000  }
0x111: {  	[tilespmem:s21], [sflag:$0x1] =	stream.indirect_vreg.gather [hbm4b:s2+s9], $0x80, v2, vm0, $0xb8;
	[tilespmem:$0x13000] =	vst v63  }
0x112: {  	s7 =	sor.u32 $0xC, s7;
	s26 =	simm.s32 $0x11800  }
0x113: {  	[tilespmem:s26], [sflag:$0x1] =	stream.indirect_vreg.gather [hbm4b:s8+s9], $0x80, v2, vm0, $0xb8;
	[tilespmem:$0x13000] =	vst v63  }
0x114: {  	v2 =	vld.msk [tilespmem:s7+$0x0], $0xf;
	_ =	sdelay $0x4  }
0x115: {  	v3 =	vshll.u32 v2, $0x3  }
0x116: {  	v2 =	vand.u32 $0x7, v2;
	v3 =	vand.u32 $0xFFFFFFC0, v3  }
0x117: {  	v2 =	vor.u32 v2, v3  }
0x118: {  	v2 =	vperm.xlane v2, v0;
	_ =	sdelay $0x1  }
0x119: {  	v2 =	vadd.s32 v1, v2;
	_ =	sdelay $0x2  }
0x11a: {  	s20 =	sor.u32 $0x8, s30  }
0x11b: {  	s19 =	sadd.s32 s6, s20  }
0x11c: {  	[tilespmem:s23], [sflag:$0x1] =	stream.indirect_vreg.gather [hbm4b:s2+s9], $0x80, v2, vm0, $0xb8;
	[tilespmem:$0x13000] =	vst v63  }
0x11d: {  	s10 =	simm.s32 $0x12800;
	s7 =	sshll.u32 s19, $0x7  }
0x11e: {  	[tilespmem:s10], [sflag:$0x1] =	stream.indirect_vreg.gather [hbm4b:s8+s9], $0x80, v2, vm0, $0xb8;
	[tilespmem:$0x13000] =	vst v63  }
0x11f: {  	s10 =	sand.u32 $0x1FFFFC00, s7  }
0x120: {  	s21 =	simm.s32 $0x1000;
	s7 =	sadd.s32 s5, s10  }
0x121: {  	[tilespmem:s21], [sflag:$0x2] =	stream.strided.gather [hbm4b:s7+s11], $0x1000, s17, s11, $0x38;
	[tilespmem:$0x13000] =	vst v63  }
0x122: {  	_ =	swait.ge [sflag:s31], $0x1000  }
0x123: {  	[sflag:s31] =	ssyncset.done $0x0  }
0x124: {  	[sflag:s31] =	ssyncadd.s32 $0xFFFFF000  }
0x125: {  	_ =	swait.ge [sflag:s31], $0x1000  }
0x126: {  	[sflag:s31] =	ssyncset.done $0x0  }
0x127: {  	[sflag:s31] =	ssyncadd.s32 $0xFFFFF000  }
0x128: {  	_ =	swait.ge [sflag:s31], $0x1000  }
0x129: {  	[sflag:s31] =	ssyncset.done $0x0  }
0x12a: {  	[sflag:s31] =	ssyncadd.s32 $0xFFFFF000  }
0x12b: {  	_ =	swait.ge [sflag:s31], $0x1000  }
0x12c: {  	[sflag:s31] =	ssyncset.done $0x0  }
0x12d: {  	[sflag:s31] =	ssyncadd.s32 $0xFFFFF000  }
0x12e: {  	_ =	swait.ge [sflag:s22], $0x1000  }
0x12f: {  	s26 =	sand.u32 $0x70, s9;
	s9 =	sand.u32 $0xE00, s9;
	[sflag:s22] =	ssyncset.done $0x0  }
0x130: {  	s7 =	sor.u32 s26, s9;
	[sflag:s22] =	ssyncadd.s32 $0xFFFFF000  }
0x131: {  	v5 =	vld [tilespmem:s7+$0x2000]  }
0x132: {  	v4 =	vld [tilespmem:s7+$0x2080]  }
0x133: {  	v3 =	vld [tilespmem:s7+$0x2100]  }
0x134: {  	v2 =	vld [tilespmem:s7+$0x2180]  }
0x135: {  	v6 =	vld [tilespmem:s7+$0x7000]  }
0x136: {  	v7 =	vld [tilespmem:s7+$0x8000]  }
0x137: {  	v9 =	vld [tilespmem:s7+$0xA000]  }
0x138: {  	v8 =	vld [tilespmem:s7+$0x9000]  }
0x139: {  	v10 =	vld [tilespmem:s7+$0x7080]  }
0x13a: {  	v11 =	vld [tilespmem:s7+$0x8080];
	v6 =	vmul.f32 $3.200000000e+01, v6  }
0x13b: {  	v12 =	vld [tilespmem:s7+$0x9080];
	v7 =	vmul.f32 $3.200000000e+01, v7  }
0x13c: {  	v13 =	vld [tilespmem:s7+$0xA080];
	v9 =	vmul.f32 $3.200000000e+01, v9;
	v6 =	vadd.f32 v6, v5  }
0x13d: {  	v14 =	vld [tilespmem:s7+$0x7100];
	v8 =	vmul.f32 $3.200000000e+01, v8;
	v7 =	vadd.f32 v7, v5  }
0x13e: {  	v10 =	vmul.f32 $3.200000000e+01, v10;
	v9 =	vadd.f32 v9, v5;
	[tilespmem:s7+$0x7000] =	vst v6;
	v6 =	vld [tilespmem:s7+$0x8100]  }
0x13f: {  	v11 =	vmul.f32 $3.200000000e+01, v11;
	v8 =	vadd.f32 v8, v5;
	[tilespmem:s7+$0x8000] =	vst v7;
	v7 =	vld [tilespmem:s7+$0x9100]  }
0x140: {  	v5 =	vld [tilespmem:s7+$0xA100];
	v10 =	vadd.f32 v10, v4;
	[tilespmem:s7+$0xA000] =	vst v9;
	v9 =	vmul.f32 $3.200000000e+01, v12  }
0x141: {  	v13 =	vmul.f32 $3.200000000e+01, v13;
	[tilespmem:s7+$0x9000] =	vst v8;
	v8 =	vld [tilespmem:s7+$0x7180];
	v12 =	vadd.f32 v11, v4  }
0x142: {  	s26 =	simm.s32 $0x40;
	s9 =	simm.s32 $0x10;
	[tilespmem:s7+$0x7080] =	vst v10;
	v11 =	vmul.f32 $3.200000000e+01, v14;
	v10 =	vadd.f32 v9, v4;
	v9 =	vld [tilespmem:s7+$0x8180]  }
.LBB2_5:
0x143: {  	s19 =	sand.u32 $0x70, s9;
	s21 =	sand.u32 $0xE00, s26;
	p0 =	sne.s32 s9, $0x3F0;
	[tilespmem:s7+$0x8080] =	vst v12;
	v4 =	vadd.f32 v13, v4;
	v6 =	vmul.f32 $3.200000000e+01, v6;
	v12 =	vld [tilespmem:s7+$0x9180]  }
0x144: {  	s19 =	sor.u32 s19, s21;
	[tilespmem:s7+$0x9080] =	vst v10;
	v10 =	vadd.f32 v11, v3;
	v7 =	vmul.f32 $3.200000000e+01, v7;
	v11 =	vld [tilespmem:s7+$0xA180]  }
0x145: {  	v13 =	vld [tilespmem:s19+$0x2000];
	[tilespmem:s7+$0xA080] =	vst v4;
	v6 =	vadd.f32 v6, v3;
	v5 =	vmul.f32 $3.200000000e+01, v5  }
0x146: {  	v4 =	vld [tilespmem:s19+$0x2080];
	[tilespmem:s7+$0x7100] =	vst v10;
	v7 =	vadd.f32 v7, v3;
	v8 =	vmul.f32 $3.200000000e+01, v8  }
0x147: {  	[tilespmem:s7+$0x8100] =	vst v6;
	v5 =	vadd.f32 v5, v3;
	v3 =	vld [tilespmem:s19+$0x2100];
	v6 =	vmul.f32 $3.200000000e+01, v9  }
0x148: {  	v9 =	vld [tilespmem:s19+$0x2180];
	[tilespmem:s7+$0x9100] =	vst v7;
	v7 =	vadd.f32 v8, v2;
	v8 =	vmul.f32 $3.200000000e+01, v12  }
0x149: {  	v10 =	vld [tilespmem:s19+$0x7000];
	[tilespmem:s7+$0xA100] =	vst v5;
	v5 =	vadd.f32 v6, v2;
	v6 =	vmul.f32 $3.200000000e+01, v11  }
0x14a: {  	v11 =	vld [tilespmem:s19+$0x8000];
	[tilespmem:s7+$0x7180] =	vst v7;
	v7 =	vadd.f32 v8, v2  }
0x14b: {  	v8 =	vld [tilespmem:s19+$0x9000];
	[tilespmem:s7+$0x8180] =	vst v5;
	v12 =	vadd.f32 v6, v2  }
0x14c: {  	v5 =	vld [tilespmem:s19+$0xA000];
	[tilespmem:s7+$0x9180] =	vst v7  }
0x14d: {  	v6 =	vld [tilespmem:s19+$0x7080];
	[tilespmem:s7+$0xA180] =	vst v12;
	v2 =	vmov v9;
	s7 =	smov.u32 s19  }
0x14e: {  	v7 =	vmul.f32 $3.200000000e+01, v10;
	v9 =	vld [tilespmem:s7+$0x8080]  }
0x14f: {  	v10 =	vmul.f32 $3.200000000e+01, v11;
	v11 =	vld [tilespmem:s7+$0x9080]  }
0x150: {  	v7 =	vadd.f32 v7, v13;
	v8 =	vmul.f32 $3.200000000e+01, v8;
	v14 =	vld [tilespmem:s7+$0xA080]  }
0x151: {  	v10 =	vadd.f32 v10, v13;
	v5 =	vmul.f32 $3.200000000e+01, v5;
	v15 =	vld [tilespmem:s7+$0x7100]  }
.Ltmp3:
0x152: {  	[tilespmem:s7+$0x7000] =	vst v7;
	v8 =	vadd.f32 v8, v13;
	v12 =	vmul.f32 $3.200000000e+01, v6;
	v6 =	vld [tilespmem:s7+$0x8100];
	(pc) =	sbr.rel @p0 .LBB2_5-.Ltmp3, $4  }
0x153: {  	[tilespmem:s7+$0x8000] =	vst v10;
	v10 =	vadd.f32 v5, v13;
	v9 =	vmul.f32 $3.200000000e+01, v9;
	v7 =	vld [tilespmem:s7+$0x9100]  }
0x154: {  	[tilespmem:s7+$0x9000] =	vst v8;
	v16 =	vadd.f32 v12, v4;
	v11 =	vmul.f32 $3.200000000e+01, v11;
	v5 =	vld [tilespmem:s7+$0xA100]  }
0x155: {  	[tilespmem:s7+$0xA000] =	vst v10;
	v12 =	vadd.f32 v9, v4;
	v13 =	vmul.f32 $3.200000000e+01, v14;
	v8 =	vld [tilespmem:s7+$0x7180]  }
0x156: {  	s26 =	sadd.s32 $0x40, s26;
	s9 =	sadd.s32 $0x10, s9;
	[tilespmem:s7+$0x7080] =	vst v16;
	v10 =	vadd.f32 v11, v4;
	v11 =	vmul.f32 $3.200000000e+01, v15;
	v9 =	vld [tilespmem:s7+$0x8180]  }
0x157: {  	[tilespmem:s7+$0x8080] =	vst v12;
	v12 =	vld [tilespmem:s7+$0x9180];
	v4 =	vadd.f32 v13, v4;
	v6 =	vmul.f32 $3.200000000e+01, v6  }
0x158: {  	[tilespmem:s7+$0x9080] =	vst v10;
	v10 =	vadd.f32 v11, v3;
	v7 =	vmul.f32 $3.200000000e+01, v7;
	v11 =	vld [tilespmem:s7+$0xA180]  }
0x159: {  	[tilespmem:s7+$0xA080] =	vst v4;
	v4 =	vadd.f32 v6, v3;
	v5 =	vmul.f32 $3.200000000e+01, v5  }
0x15a: {  	[tilespmem:s7+$0x7100] =	vst v10;
	v6 =	vadd.f32 v7, v3;
	v7 =	vmul.f32 $3.200000000e+01, v8  }
0x15b: {  	[tilespmem:s7+$0x8100] =	vst v4;
	v3 =	vadd.f32 v5, v3;
	v4 =	vmul.f32 $3.200000000e+01, v9  }
0x15c: {  	[tilespmem:s7+$0x9100] =	vst v6;
	v5 =	vadd.f32 v7, v2;
	v6 =	vmul.f32 $3.200000000e+01, v12  }
0x15d: {  	[tilespmem:s7+$0xA100] =	vst v3;
	v3 =	vadd.f32 v4, v2;
	v4 =	vmul.f32 $3.200000000e+01, v11  }
0x15e: {  	[tilespmem:s7+$0x7180] =	vst v5;
	v5 =	vadd.f32 v6, v2  }
0x15f: {  	[tilespmem:s7+$0x8180] =	vst v3;
	v2 =	vadd.f32 v4, v2  }
0x160: {  	[tilespmem:s7+$0x9180] =	vst v5  }
0x161: {  	s19 =	sadd.s32 s18, s15;
	s9 =	simm.s32 $0x7000;
	[tilespmem:s7+$0xA180] =	vst v2  }
0x162: {  	[hbm4b:s19+s11] =	stream.strided.scatter [tilespmem:s9], [sflag:$0x3], $0x1000, s17, s11, $0x38;
	[tilespmem:$0x13000] =	vst v63  }
0x163: {  	s21 =	sadd.s32 s24, s15;
	s24 =	simm.s32 $0x8000  }
0x164: {  	[hbm4b:s21+s11] =	stream.strided.scatter [tilespmem:s24], [sflag:$0x3], $0x1000, s17, s11, $0x38;
	[tilespmem:$0x13000] =	vst v63  }
0x165: {  	s26 =	sadd.s32 s29, s15;
	s29 =	simm.s32 $0x9000  }
0x166: {  	[hbm4b:s26+s11] =	stream.strided.scatter [tilespmem:s29], [sflag:$0x3], $0x1000, s17, s11, $0x38;
	[tilespmem:$0x13000] =	vst v63  }
0x167: {  	s1 =	sadd.s32 s1, s15;
	s18 =	simm.s32 $0xA000  }
0x168: {  	[hbm4b:s1+s11] =	stream.strided.scatter [tilespmem:s18], [sflag:$0x3], $0x1000, s17, s11, $0x38;
	[tilespmem:$0x13000] =	vst v63  }
0x169: {  	_ =	swait.ge [sflag:s25], $0x1000  }
0x16a: {  	[sflag:s25] =	ssyncset.done $0x0  }
0x16b: {  	[sflag:s25] =	ssyncadd.s32 $0xFFFFF000  }
0x16c: {  	_ =	swait.ge [sflag:s25], $0x1000  }
0x16d: {  	[sflag:s25] =	ssyncset.done $0x0  }
0x16e: {  	[sflag:s25] =	ssyncadd.s32 $0xFFFFF000  }
0x16f: {  	_ =	swait.ge [sflag:s25], $0x1000  }
0x170: {  	[sflag:s25] =	ssyncset.done $0x0  }
0x171: {  	[sflag:s25] =	ssyncadd.s32 $0xFFFFF000  }
0x172: {  	p0 =	seq.s32 s28, $0x7;
	_ =	swait.ge [sflag:s25], $0x1000  }
0x173: {  	s1 =	sshll.u32 @!p0 s28, $0x9;
	[sflag:s25] =	ssyncset.done $0x0  }
0x174: {  	s24 =	sand.u32 @!p0 $0x3FFFFE00, s1;
	[sflag:s25] =	ssyncadd.s32 $0xFFFFF000  }
0x175: {  	v2 =	vld.msk @!p0 [tilespmem:s24+$0x200], $0xf;
	_ =	sdelay $0x4  }
0x176: {  	v3 =	vshll.u32 @!p0 v2, $0x3  }
0x177: {  	v4 =	vlaneseq.u32 @!p0;
	v2 =	vand.u32 @!p0 $0x7, v2;
	v3 =	vand.u32 @!p0 $0xFFFFFFC0, v3  }
0x178: {  	v2 =	vor.u32 @!p0 v2, v3;
	v3 =	vand.u32 @!p0 $0x3, v4;
	v4 =	vshrl.u32 @!p0 v4, $0x2  }
0x179: {  	v2 =	vperm.xlane @!p0 v2, v3;
	v4 =	vmul.u32 @!p0 $0x8, v4;
	_ =	sdelay $0x1  }
0x17a: {  	v2 =	vadd.s32 @!p0 v4, v2;
	_ =	sdelay $0x3  }
0x17b: {  	vm1 =	vmmov @!p0 $0xffff;
	s7 =	simm.s32 @!p0 $0x3000;
	s1 =	simm.s32 @!p0 $0x0  }
0x17c: {  	[tilespmem:s7], [sflag:$0x1] =	stream.indirect_vreg.gather @!p0 [hbm4b:s2+s1], $0x80, v2, vm1, $0xb8;
	[tilespmem:$0x13000] =	vst v63  }
0x17d: {  	s7 =	simm.s32 @!p0 $0x3800  }
0x17e: {  	[tilespmem:s7], [sflag:$0x1] =	stream.indirect_vreg.gather @!p0 [hbm4b:s8+s1], $0x80, v2, vm1, $0xb8;
	[tilespmem:$0x13000] =	vst v63  }
0x17f: {  	v2 =	vld.msk @!p0 [tilespmem:s24+$0x204], $0xf;
	_ =	sdelay $0x4  }
0x180: {  	v5 =	vshll.u32 @!p0 v2, $0x3  }
0x181: {  	v2 =	vand.u32 @!p0 $0x7, v2;
	v5 =	vand.u32 @!p0 $0xFFFFFFC0, v5  }
0x182: {  	v2 =	vor.u32 @!p0 v2, v5  }
0x183: {  	v2 =	vperm.xlane @!p0 v2, v3;
	_ =	sdelay $0x1  }
0x184: {  	v2 =	vadd.s32 @!p0 v4, v2;
	_ =	sdelay $0x3  }
0x185: {  	s7 =	simm.s32 @!p0 $0x4000  }
0x186: {  	[tilespmem:s7], [sflag:$0x1] =	stream.indirect_vreg.gather @!p0 [hbm4b:s2+s1], $0x80, v2, vm1, $0xb8;
	[tilespmem:$0x13000] =	vst v63  }
0x187: {  	s7 =	simm.s32 @!p0 $0x4800  }
0x188: {  	[tilespmem:s7], [sflag:$0x1] =	stream.indirect_vreg.gather @!p0 [hbm4b:s8+s1], $0x80, v2, vm1, $0xb8;
	[tilespmem:$0x13000] =	vst v63  }
0x189: {  	v2 =	vld.msk @!p0 [tilespmem:s24+$0x208], $0xf;
	_ =	sdelay $0x4  }
0x18a: {  	v5 =	vshll.u32 @!p0 v2, $0x3  }
0x18b: {  	v2 =	vand.u32 @!p0 $0x7, v2;
	v5 =	vand.u32 @!p0 $0xFFFFFFC0, v5  }
0x18c: {  	v2 =	vor.u32 @!p0 v2, v5  }
0x18d: {  	v2 =	vperm.xlane @!p0 v2, v3;
	_ =	sdelay $0x1  }
0x18e: {  	v2 =	vadd.s32 @!p0 v4, v2;
	_ =	sdelay $0x3  }
0x18f: {  	s7 =	simm.s32 @!p0 $0x5000  }
0x190: {  	[tilespmem:s7], [sflag:$0x1] =	stream.indirect_vreg.gather @!p0 [hbm4b:s2+s1], $0x80, v2, vm1, $0xb8;
	[tilespmem:$0x13000] =	vst v63  }
0x191: {  	s7 =	simm.s32 @!p0 $0x5800  }
0x192: {  	[tilespmem:s7], [sflag:$0x1] =	stream.indirect_vreg.gather @!p0 [hbm4b:s8+s1], $0x80, v2, vm1, $0xb8;
	[tilespmem:$0x13000] =	vst v63  }
0x193: {  	v2 =	vld.msk @!p0 [tilespmem:s24+$0x20C], $0xf;
	_ =	sdelay $0x4  }
0x194: {  	v5 =	vshll.u32 @!p0 v2, $0x3  }
0x195: {  	v2 =	vand.u32 @!p0 $0x7, v2;
	v5 =	vand.u32 @!p0 $0xFFFFFFC0, v5  }
0x196: {  	v2 =	vor.u32 @!p0 v2, v5  }
0x197: {  	v2 =	vperm.xlane @!p0 v2, v3;
	_ =	sdelay $0x1  }
0x198: {  	v2 =	vadd.s32 @!p0 v4, v2;
	_ =	sdelay $0x3  }
0x199: {  	s0 =	sshll.u32 s0, $0x2;
	s7 =	simm.s32 @!p0 $0x6000  }
0x19a: {  	[tilespmem:s7], [sflag:$0x1] =	stream.indirect_vreg.gather @!p0 [hbm4b:s2+s1], $0x80, v2, vm1, $0xb8;
	[tilespmem:$0x13000] =	vst v63  }
0x19b: {  	s19 =	sadd.s32 s6, s0;
	s7 =	simm.s32 @!p0 $0x6800  }
0x19c: {  	[tilespmem:s7], [sflag:$0x1] =	stream.indirect_vreg.gather @!p0 [hbm4b:s8+s1], $0x80, v2, vm1, $0xb8;
	[tilespmem:$0x13000] =	vst v63  }
0x19d: {  	s1 =	sshll.u32 s19, $0x7  }
0x19e: {  	s1 =	sand.u32 $0x1FFFFC00, s1  }
0x19f: {  	s18 =	sor.u32 $0x40, s1  }
0x1a0: {  	s21 =	simm.s32 $0x2000;
	s1 =	sadd.s32 s5, s18  }
0x1a1: {  	[tilespmem:s21], [sflag:$0x2] =	stream.strided.gather [hbm4b:s1+s11], $0x1000, s17, s11, $0x38;
	[tilespmem:$0x13000] =	vst v63  }
0x1a2: {  	_ =	swait.ge [sflag:s31], $0x1000  }
0x1a3: {  	[sflag:s31] =	ssyncset.done $0x0  }
0x1a4: {  	[sflag:s31] =	ssyncadd.s32 $0xFFFFF000  }
0x1a5: {  	_ =	swait.ge [sflag:s31], $0x1000  }
0x1a6: {  	[sflag:s31] =	ssyncset.done $0x0  }
0x1a7: {  	[sflag:s31] =	ssyncadd.s32 $0xFFFFF000  }
0x1a8: {  	_ =	swait.ge [sflag:s31], $0x1000  }
0x1a9: {  	[sflag:s31] =	ssyncset.done $0x0  }
0x1aa: {  	[sflag:s31] =	ssyncadd.s32 $0xFFFFF000  }
0x1ab: {  	_ =	swait.ge [sflag:s31], $0x1000  }
0x1ac: {  	[sflag:s31] =	ssyncset.done $0x0  }
0x1ad: {  	[sflag:s31] =	ssyncadd.s32 $0xFFFFF000  }
0x1ae: {  	s26 =	simm.s32 $0x0;
	_ =	swait.ge [sflag:s22], $0x1000  }
0x1af: {  	s29 =	sand.u32 $0x70, s26;
	s1 =	sand.u32 $0xE00, s26;
	[sflag:s22] =	ssyncset.done $0x0  }
0x1b0: {  	s1 =	sor.u32 s29, s1;
	[sflag:s22] =	ssyncadd.s32 $0xFFFFF000  }
0x1b1: {  	v5 =	vld [tilespmem:s1+$0x1000]  }
0x1b2: {  	v4 =	vld [tilespmem:s1+$0x1080]  }
0x1b3: {  	v3 =	vld [tilespmem:s1+$0x1100]  }
0x1b4: {  	v2 =	vld [tilespmem:s1+$0x1180]  }
0x1b5: {  	v6 =	vld [tilespmem:s1+$0xB000]  }
0x1b6: {  	v7 =	vld [tilespmem:s1+$0xC000]  }
0x1b7: {  	v9 =	vld [tilespmem:s1+$0xE000]  }
0x1b8: {  	v8 =	vld [tilespmem:s1+$0xD000]  }
0x1b9: {  	v10 =	vld [tilespmem:s1+$0xB080]  }
0x1ba: {  	v11 =	vld [tilespmem:s1+$0xC080];
	v6 =	vmul.f32 $3.200000000e+01, v6  }
0x1bb: {  	v12 =	vld [tilespmem:s1+$0xD080];
	v7 =	vmul.f32 $3.200000000e+01, v7  }
0x1bc: {  	v13 =	vld [tilespmem:s1+$0xE080];
	v9 =	vmul.f32 $3.200000000e+01, v9;
	v6 =	vadd.f32 v6, v5  }
0x1bd: {  	v14 =	vld [tilespmem:s1+$0xB100];
	v8 =	vmul.f32 $3.200000000e+01, v8;
	v7 =	vadd.f32 v7, v5  }
0x1be: {  	v10 =	vmul.f32 $3.200000000e+01, v10;
	v9 =	vadd.f32 v9, v5;
	[tilespmem:s1+$0xB000] =	vst v6;
	v6 =	vld [tilespmem:s1+$0xC100]  }
0x1bf: {  	v11 =	vmul.f32 $3.200000000e+01, v11;
	v8 =	vadd.f32 v8, v5;
	[tilespmem:s1+$0xC000] =	vst v7;
	v7 =	vld [tilespmem:s1+$0xD100]  }
0x1c0: {  	v5 =	vld [tilespmem:s1+$0xE100];
	v10 =	vadd.f32 v10, v4;
	[tilespmem:s1+$0xE000] =	vst v9;
	v9 =	vmul.f32 $3.200000000e+01, v12  }
0x1c1: {  	v13 =	vmul.f32 $3.200000000e+01, v13;
	[tilespmem:s1+$0xD000] =	vst v8;
	v8 =	vld [tilespmem:s1+$0xB180];
	v12 =	vadd.f32 v11, v4  }
0x1c2: {  	s9 =	simm.s32 $0x10;
	s7 =	simm.s32 $0x40;
	[tilespmem:s1+$0xB080] =	vst v10;
	v11 =	vmul.f32 $3.200000000e+01, v14;
	v10 =	vadd.f32 v9, v4;
	v9 =	vld [tilespmem:s1+$0xC180]  }
.LBB2_7:
0x1c3: {  	s19 =	sand.u32 $0x70, s9;
	s21 =	sand.u32 $0xE00, s7;
	p1 =	sne.s32 s9, $0x3F0;
	[tilespmem:s1+$0xC080] =	vst v12;
	v4 =	vadd.f32 v13, v4;
	v6 =	vmul.f32 $3.200000000e+01, v6;
	v12 =	vld [tilespmem:s1+$0xD180]  }
0x1c4: {  	s19 =	sor.u32 s19, s21;
	[tilespmem:s1+$0xD080] =	vst v10;
	v10 =	vadd.f32 v11, v3;
	v7 =	vmul.f32 $3.200000000e+01, v7;
	v11 =	vld [tilespmem:s1+$0xE180]  }
0x1c5: {  	v13 =	vld [tilespmem:s19+$0x1000];
	[tilespmem:s1+$0xE080] =	vst v4;
	v6 =	vadd.f32 v6, v3;
	v5 =	vmul.f32 $3.200000000e+01, v5  }
0x1c6: {  	v4 =	vld [tilespmem:s19+$0x1080];
	[tilespmem:s1+$0xB100] =	vst v10;
	v7 =	vadd.f32 v7, v3;
	v8 =	vmul.f32 $3.200000000e+01, v8  }
0x1c7: {  	[tilespmem:s1+$0xC100] =	vst v6;
	v5 =	vadd.f32 v5, v3;
	v3 =	vld [tilespmem:s19+$0x1100];
	v6 =	vmul.f32 $3.200000000e+01, v9  }
0x1c8: {  	v9 =	vld [tilespmem:s19+$0x1180];
	[tilespmem:s1+$0xD100] =	vst v7;
	v7 =	vadd.f32 v8, v2;
	v8 =	vmul.f32 $3.200000000e+01, v12  }
0x1c9: {  	v10 =	vld [tilespmem:s19+$0xB000];
	[tilespmem:s1+$0xE100] =	vst v5;
	v5 =	vadd.f32 v6, v2;
	v6 =	vmul.f32 $3.200000000e+01, v11  }
0x1ca: {  	v11 =	vld [tilespmem:s19+$0xC000];
	[tilespmem:s1+$0xB180] =	vst v7;
	v7 =	vadd.f32 v8, v2  }
0x1cb: {  	v8 =	vld [tilespmem:s19+$0xD000];
	[tilespmem:s1+$0xC180] =	vst v5;
	v12 =	vadd.f32 v6, v2  }
0x1cc: {  	v5 =	vld [tilespmem:s19+$0xE000];
	[tilespmem:s1+$0xD180] =	vst v7  }
0x1cd: {  	v6 =	vld [tilespmem:s19+$0xB080];
	[tilespmem:s1+$0xE180] =	vst v12;
	v2 =	vmov v9;
	s1 =	smov.u32 s19  }
0x1ce: {  	v7 =	vmul.f32 $3.200000000e+01, v10;
	v9 =	vld [tilespmem:s1+$0xC080]  }
0x1cf: {  	v10 =	vmul.f32 $3.200000000e+01, v11;
	v11 =	vld [tilespmem:s1+$0xD080]  }
0x1d0: {  	v7 =	vadd.f32 v7, v13;
	v8 =	vmul.f32 $3.200000000e+01, v8;
	v14 =	vld [tilespmem:s1+$0xE080]  }
0x1d1: {  	v10 =	vadd.f32 v10, v13;
	v5 =	vmul.f32 $3.200000000e+01, v5;
	v15 =	vld [tilespmem:s1+$0xB100]  }
.Ltmp4:
0x1d2: {  	[tilespmem:s1+$0xB000] =	vst v7;
	v8 =	vadd.f32 v8, v13;
	v12 =	vmul.f32 $3.200000000e+01, v6;
	v6 =	vld [tilespmem:s1+$0xC100];
	(pc) =	sbr.rel @p1 .LBB2_7-.Ltmp4, $4  }
0x1d3: {  	[tilespmem:s1+$0xC000] =	vst v10;
	v10 =	vadd.f32 v5, v13;
	v9 =	vmul.f32 $3.200000000e+01, v9;
	v7 =	vld [tilespmem:s1+$0xD100]  }
0x1d4: {  	[tilespmem:s1+$0xD000] =	vst v8;
	v16 =	vadd.f32 v12, v4;
	v11 =	vmul.f32 $3.200000000e+01, v11;
	v5 =	vld [tilespmem:s1+$0xE100]  }
0x1d5: {  	[tilespmem:s1+$0xE000] =	vst v10;
	v12 =	vadd.f32 v9, v4;
	v13 =	vmul.f32 $3.200000000e+01, v14;
	v8 =	vld [tilespmem:s1+$0xB180]  }
0x1d6: {  	s7 =	sadd.s32 $0x40, s7;
	s9 =	sadd.s32 $0x10, s9;
	[tilespmem:s1+$0xB080] =	vst v16;
	v10 =	vadd.f32 v11, v4;
	v11 =	vmul.f32 $3.200000000e+01, v15;
	v9 =	vld [tilespmem:s1+$0xC180]  }
0x1d7: {  	[tilespmem:s1+$0xC080] =	vst v12;
	v12 =	vld [tilespmem:s1+$0xD180];
	v4 =	vadd.f32 v13, v4;
	v6 =	vmul.f32 $3.200000000e+01, v6  }
0x1d8: {  	[tilespmem:s1+$0xD080] =	vst v10;
	v10 =	vadd.f32 v11, v3;
	v7 =	vmul.f32 $3.200000000e+01, v7;
	v11 =	vld [tilespmem:s1+$0xE180]  }
0x1d9: {  	[tilespmem:s1+$0xE080] =	vst v4;
	v4 =	vadd.f32 v6, v3;
	v5 =	vmul.f32 $3.200000000e+01, v5  }
0x1da: {  	[tilespmem:s1+$0xB100] =	vst v10;
	v6 =	vadd.f32 v7, v3;
	v7 =	vmul.f32 $3.200000000e+01, v8  }
0x1db: {  	[tilespmem:s1+$0xC100] =	vst v4;
	v3 =	vadd.f32 v5, v3;
	v4 =	vmul.f32 $3.200000000e+01, v9  }
0x1dc: {  	[tilespmem:s1+$0xD100] =	vst v6;
	v5 =	vadd.f32 v7, v2;
	v6 =	vmul.f32 $3.200000000e+01, v12  }
0x1dd: {  	[tilespmem:s1+$0xE100] =	vst v3;
	v3 =	vadd.f32 v4, v2;
	v4 =	vmul.f32 $3.200000000e+01, v11  }
0x1de: {  	[tilespmem:s1+$0xB180] =	vst v5;
	v5 =	vadd.f32 v6, v2  }
0x1df: {  	[tilespmem:s1+$0xC180] =	vst v3;
	v2 =	vadd.f32 v4, v2  }
0x1e0: {  	s9 =	sadd.s32 s12, s20;
	[tilespmem:s1+$0xD180] =	vst v5  }
0x1e1: {  	s7 =	sadd.s32 s3, s10;
	s21 =	simm.s32 $0xB000;
	[tilespmem:s1+$0xE180] =	vst v2;
	s1 =	sshll.u32 s9, $0x7  }
0x1e2: {  	[hbm4b:s7+s11] =	stream.strided.scatter [tilespmem:s21], [sflag:$0x3], $0x1000, s17, s11, $0x38;
	[tilespmem:$0x13000] =	vst v63  }
0x1e3: {  	s19 =	sadd.s32 s13, s20;
	s1 =	sand.u32 $0x1FFFFC00, s1  }
0x1e4: {  	s26 =	simm.s32 $0xC000;
	s7 =	sshll.u32 s19, $0x7;
	s1 =	sadd.s32 s3, s1  }
0x1e5: {  	[hbm4b:s1+s11] =	stream.strided.scatter [tilespmem:s26], [sflag:$0x3], $0x1000, s17, s11, $0x38;
	[tilespmem:$0x13000] =	vst v63  }
0x1e6: {  	s9 =	sadd.s32 s14, s20;
	s1 =	sand.u32 $0x1FFFFC00, s7  }
0x1e7: {  	s20 =	simm.s32 $0xD000;
	s10 =	sshll.u32 s9, $0x7;
	s1 =	sadd.s32 s3, s1  }
0x1e8: {  	[hbm4b:s1+s11] =	stream.strided.scatter [tilespmem:s20], [sflag:$0x3], $0x1000, s17, s11, $0x38;
	[tilespmem:$0x13000] =	vst v63  }
0x1e9: {  	s1 =	sand.u32 $0x1FFFFC00, s10  }
0x1ea: {  	s29 =	simm.s32 $0xE000;
	s1 =	sadd.s32 s3, s1  }
0x1eb: {  	[hbm4b:s1+s11] =	stream.strided.scatter [tilespmem:s29], [sflag:$0x3], $0x1000, s17, s11, $0x38;
	[tilespmem:$0x13000] =	vst v63  }
0x1ec: {  	_ =	swait.ge [sflag:s25], $0x1000  }
0x1ed: {  	[sflag:s25] =	ssyncset.done $0x0  }
0x1ee: {  	[sflag:s25] =	ssyncadd.s32 $0xFFFFF000  }
0x1ef: {  	_ =	swait.ge [sflag:s25], $0x1000  }
0x1f0: {  	[sflag:s25] =	ssyncset.done $0x0  }
0x1f1: {  	[sflag:s25] =	ssyncadd.s32 $0xFFFFF000  }
0x1f2: {  	_ =	swait.ge [sflag:s25], $0x1000  }
0x1f3: {  	[sflag:s25] =	ssyncset.done $0x0  }
0x1f4: {  	[sflag:s25] =	ssyncadd.s32 $0xFFFFF000  }
0x1f5: {  	_ =	swait.ge [sflag:s25], $0x1000  }
0x1f6: {  	[sflag:s25] =	ssyncset.done $0x0  }
0x1f7: {  	[sflag:s25] =	ssyncadd.s32 $0xFFFFF000  }
0x1f8: {  	v2 =	vld.msk @!p0 [tilespmem:s24+$0x280], $0xf;
	_ =	sdelay $0x4  }
0x1f9: {  	v3 =	vshll.u32 @!p0 v2, $0x3  }
0x1fa: {  	v4 =	vlaneseq.u32 @!p0;
	v2 =	vand.u32 @!p0 $0x7, v2;
	v3 =	vand.u32 @!p0 $0xFFFFFFC0, v3  }
0x1fb: {  	v2 =	vor.u32 @!p0 v2, v3;
	v3 =	vand.u32 @!p0 $0x3, v4;
	v4 =	vshrl.u32 @!p0 v4, $0x2  }
0x1fc: {  	v2 =	vperm.xlane @!p0 v2, v3;
	v4 =	vmul.u32 @!p0 $0x8, v4;
	_ =	sdelay $0x1  }
0x1fd: {  	v2 =	vadd.s32 @!p0 v4, v2;
	_ =	sdelay $0x3  }
0x1fe: {  	s7 =	simm.s32 @!p0 $0x7000;
	s1 =	simm.s32 @!p0 $0x0  }
0x1ff: {  	[tilespmem:s7], [sflag:$0x1] =	stream.indirect_vreg.gather @!p0 [hbm4b:s2+s1], $0x80, v2, vm1, $0xb8;
	[tilespmem:$0x13000] =	vst v63  }
0x200: {  	s7 =	simm.s32 @!p0 $0x7800  }
0x201: {  	[tilespmem:s7], [sflag:$0x1] =	stream.indirect_vreg.gather @!p0 [hbm4b:s8+s1], $0x80, v2, vm1, $0xb8;
	[tilespmem:$0x13000] =	vst v63  }
0x202: {  	v2 =	vld.msk @!p0 [tilespmem:s24+$0x284], $0xf;
	_ =	sdelay $0x4  }
0x203: {  	v5 =	vshll.u32 @!p0 v2, $0x3  }
0x204: {  	v2 =	vand.u32 @!p0 $0x7, v2;
	v5 =	vand.u32 @!p0 $0xFFFFFFC0, v5  }
0x205: {  	v2 =	vor.u32 @!p0 v2, v5  }
0x206: {  	v2 =	vperm.xlane @!p0 v2, v3;
	_ =	sdelay $0x1  }
0x207: {  	v2 =	vadd.s32 @!p0 v4, v2;
	_ =	sdelay $0x3  }
0x208: {  	s7 =	simm.s32 @!p0 $0x8000  }
0x209: {  	[tilespmem:s7], [sflag:$0x1] =	stream.indirect_vreg.gather @!p0 [hbm4b:s2+s1], $0x80, v2, vm1, $0xb8;
	[tilespmem:$0x13000] =	vst v63  }
0x20a: {  	s7 =	simm.s32 @!p0 $0x8800  }
0x20b: {  	[tilespmem:s7], [sflag:$0x1] =	stream.indirect_vreg.gather @!p0 [hbm4b:s8+s1], $0x80, v2, vm1, $0xb8;
	[tilespmem:$0x13000] =	vst v63  }
0x20c: {  	v2 =	vld.msk @!p0 [tilespmem:s24+$0x288], $0xf;
	_ =	sdelay $0x4  }
0x20d: {  	v5 =	vshll.u32 @!p0 v2, $0x3  }
0x20e: {  	v2 =	vand.u32 @!p0 $0x7, v2;
	v5 =	vand.u32 @!p0 $0xFFFFFFC0, v5  }
0x20f: {  	v2 =	vor.u32 @!p0 v2, v5  }
0x210: {  	v2 =	vperm.xlane @!p0 v2, v3;
	_ =	sdelay $0x1  }
0x211: {  	v2 =	vadd.s32 @!p0 v4, v2;
	_ =	sdelay $0x3  }
0x212: {  	s7 =	simm.s32 @!p0 $0x9000  }
0x213: {  	[tilespmem:s7], [sflag:$0x1] =	stream.indirect_vreg.gather @!p0 [hbm4b:s2+s1], $0x80, v2, vm1, $0xb8;
	[tilespmem:$0x13000] =	vst v63  }
0x214: {  	s7 =	simm.s32 @!p0 $0x9800  }
0x215: {  	[tilespmem:s7], [sflag:$0x1] =	stream.indirect_vreg.gather @!p0 [hbm4b:s8+s1], $0x80, v2, vm1, $0xb8;
	[tilespmem:$0x13000] =	vst v63  }
0x216: {  	v2 =	vld.msk @!p0 [tilespmem:s24+$0x28C], $0xf;
	_ =	sdelay $0x4  }
0x217: {  	v5 =	vshll.u32 @!p0 v2, $0x3  }
0x218: {  	v2 =	vand.u32 @!p0 $0x7, v2;
	v5 =	vand.u32 @!p0 $0xFFFFFFC0, v5  }
0x219: {  	v2 =	vor.u32 @!p0 v2, v5  }
0x21a: {  	v2 =	vperm.xlane @!p0 v2, v3;
	_ =	sdelay $0x1  }
0x21b: {  	v2 =	vadd.s32 @!p0 v4, v2;
	_ =	sdelay $0x3  }
0x21c: {  	s7 =	simm.s32 @!p0 $0xA000  }
0x21d: {  	[tilespmem:s7], [sflag:$0x1] =	stream.indirect_vreg.gather @!p0 [hbm4b:s2+s1], $0x80, v2, vm1, $0xb8;
	[tilespmem:$0x13000] =	vst v63  }
0x21e: {  	s7 =	simm.s32 @!p0 $0xA800  }
0x21f: {  	[tilespmem:s7], [sflag:$0x1] =	stream.indirect_vreg.gather @!p0 [hbm4b:s8+s1], $0x80, v2, vm1, $0xb8;
	[tilespmem:$0x13000] =	vst v63  }
0x220: {  	s1 =	sadd.s32 @!p0 s30, s16  }
0x221: {  	s1 =	sshll.u32 @!p0 s1, $0x7  }
0x222: {  	s9 =	simm.s32 @!p0 $0x400;
	s1 =	sand.u32 @!p0 $0x1FFFF800, s1  }
0x223: {  	s10 =	simm.s32 @!p0 $0x1000;
	s7 =	simm.s32 @!p0 $0x200;
	s1 =	sadd.s32 @!p0 s5, s1  }
0x224: {  	[tilespmem:s10], [sflag:$0x2] =	stream.strided.gather @!p0 [hbm4b:s1+s7], $0x1000, s9, s7, $0x38;
	[tilespmem:$0x13000] =	vst v63  }
0x225: {  	_ =	swait.ge [sflag:s31], $0x1000  }
0x226: {  	[sflag:s31] =	ssyncset.done $0x0  }
0x227: {  	[sflag:s31] =	ssyncadd.s32 $0xFFFFF000  }
0x228: {  	_ =	swait.ge [sflag:s31], $0x1000  }
0x229: {  	[sflag:s31] =	ssyncset.done $0x0  }
0x22a: {  	[sflag:s31] =	ssyncadd.s32 $0xFFFFF000  }
0x22b: {  	_ =	swait.ge [sflag:s31], $0x1000  }
0x22c: {  	[sflag:s31] =	ssyncset.done $0x0  }
0x22d: {  	[sflag:s31] =	ssyncadd.s32 $0xFFFFF000  }
0x22e: {  	_ =	swait.ge [sflag:s31], $0x1000  }
0x22f: {  	[sflag:s31] =	ssyncset.done $0x0  }
0x230: {  	[sflag:s31] =	ssyncadd.s32 $0xFFFFF000  }
0x231: {  	s19 =	simm.s32 $0x0;
	_ =	swait.ge [sflag:s22], $0x1000  }
0x232: {  	s24 =	sand.u32 $0x70, s19;
	s1 =	sand.u32 $0xE00, s19;
	[sflag:s22] =	ssyncset.done $0x0  }
0x233: {  	s1 =	sor.u32 s24, s1;
	[sflag:s22] =	ssyncadd.s32 $0xFFFFF000  }
0x234: {  	v5 =	vld [tilespmem:s1+$0x2000]  }
0x235: {  	v4 =	vld [tilespmem:s1+$0x2080]  }
0x236: {  	v3 =	vld [tilespmem:s1+$0x2100]  }
0x237: {  	v2 =	vld [tilespmem:s1+$0x2180]  }
0x238: {  	v6 =	vld [tilespmem:s1+$0xF000]  }
0x239: {  	v7 =	vld [tilespmem:s1+$0x10000]  }
0x23a: {  	v9 =	vld [tilespmem:s1+$0x12000]  }
0x23b: {  	v8 =	vld [tilespmem:s1+$0x11000]  }
0x23c: {  	v10 =	vld [tilespmem:s1+$0xF080]  }
0x23d: {  	v11 =	vld [tilespmem:s1+$0x10080];
	v6 =	vmul.f32 $3.200000000e+01, v6  }
0x23e: {  	v12 =	vld [tilespmem:s1+$0x11080];
	v7 =	vmul.f32 $3.200000000e+01, v7  }
0x23f: {  	v13 =	vld [tilespmem:s1+$0x12080];
	v9 =	vmul.f32 $3.200000000e+01, v9;
	v6 =	vadd.f32 v6, v5  }
0x240: {  	v14 =	vld [tilespmem:s1+$0xF100];
	v8 =	vmul.f32 $3.200000000e+01, v8;
	v7 =	vadd.f32 v7, v5  }
0x241: {  	v10 =	vmul.f32 $3.200000000e+01, v10;
	v9 =	vadd.f32 v9, v5;
	[tilespmem:s1+$0xF000] =	vst v6;
	v6 =	vld [tilespmem:s1+$0x10100]  }
0x242: {  	v11 =	vmul.f32 $3.200000000e+01, v11;
	v8 =	vadd.f32 v8, v5;
	[tilespmem:s1+$0x10000] =	vst v7;
	v7 =	vld [tilespmem:s1+$0x11100]  }
0x243: {  	v5 =	vld [tilespmem:s1+$0x12100];
	v10 =	vadd.f32 v10, v4;
	[tilespmem:s1+$0x12000] =	vst v9;
	v9 =	vmul.f32 $3.200000000e+01, v12  }
0x244: {  	v13 =	vmul.f32 $3.200000000e+01, v13;
	[tilespmem:s1+$0x11000] =	vst v8;
	v8 =	vld [tilespmem:s1+$0xF180];
	v12 =	vadd.f32 v11, v4  }
0x245: {  	s7 =	simm.s32 $0x40;
	s9 =	simm.s32 $0x10;
	[tilespmem:s1+$0xF080] =	vst v10;
	v11 =	vmul.f32 $3.200000000e+01, v14;
	v10 =	vadd.f32 v9, v4;
	v9 =	vld [tilespmem:s1+$0x10180]  }
.LBB2_9:
0x246: {  	s10 =	sand.u32 $0x70, s9;
	s19 =	sand.u32 $0xE00, s7;
	p1 =	sne.s32 s9, $0x3F0;
	[tilespmem:s1+$0x10080] =	vst v12;
	v4 =	vadd.f32 v13, v4;
	v6 =	vmul.f32 $3.200000000e+01, v6;
	v12 =	vld [tilespmem:s1+$0x11180]  }
0x247: {  	s10 =	sor.u32 s10, s19;
	[tilespmem:s1+$0x11080] =	vst v10;
	v10 =	vadd.f32 v11, v3;
	v7 =	vmul.f32 $3.200000000e+01, v7;
	v11 =	vld [tilespmem:s1+$0x12180]  }
0x248: {  	v13 =	vld [tilespmem:s10+$0x2000];
	[tilespmem:s1+$0x12080] =	vst v4;
	v6 =	vadd.f32 v6, v3;
	v5 =	vmul.f32 $3.200000000e+01, v5  }
0x249: {  	v4 =	vld [tilespmem:s10+$0x2080];
	[tilespmem:s1+$0xF100] =	vst v10;
	v7 =	vadd.f32 v7, v3;
	v8 =	vmul.f32 $3.200000000e+01, v8  }
0x24a: {  	[tilespmem:s1+$0x10100] =	vst v6;
	v5 =	vadd.f32 v5, v3;
	v3 =	vld [tilespmem:s10+$0x2100];
	v6 =	vmul.f32 $3.200000000e+01, v9  }
0x24b: {  	v9 =	vld [tilespmem:s10+$0x2180];
	[tilespmem:s1+$0x11100] =	vst v7;
	v7 =	vadd.f32 v8, v2;
	v8 =	vmul.f32 $3.200000000e+01, v12  }
0x24c: {  	v10 =	vld [tilespmem:s10+$0xF000];
	[tilespmem:s1+$0x12100] =	vst v5;
	v5 =	vadd.f32 v6, v2;
	v6 =	vmul.f32 $3.200000000e+01, v11  }
0x24d: {  	v11 =	vld [tilespmem:s10+$0x10000];
	[tilespmem:s1+$0xF180] =	vst v7;
	v7 =	vadd.f32 v8, v2  }
0x24e: {  	v8 =	vld [tilespmem:s10+$0x11000];
	[tilespmem:s1+$0x10180] =	vst v5;
	v12 =	vadd.f32 v6, v2  }
0x24f: {  	v5 =	vld [tilespmem:s10+$0x12000];
	[tilespmem:s1+$0x11180] =	vst v7  }
0x250: {  	v6 =	vld [tilespmem:s10+$0xF080];
	[tilespmem:s1+$0x12180] =	vst v12;
	v2 =	vmov v9;
	s1 =	smov.u32 s10  }
0x251: {  	v7 =	vmul.f32 $3.200000000e+01, v10;
	v9 =	vld [tilespmem:s1+$0x10080]  }
0x252: {  	v10 =	vmul.f32 $3.200000000e+01, v11;
	v11 =	vld [tilespmem:s1+$0x11080]  }
0x253: {  	v7 =	vadd.f32 v7, v13;
	v8 =	vmul.f32 $3.200000000e+01, v8;
	v14 =	vld [tilespmem:s1+$0x12080]  }
0x254: {  	v10 =	vadd.f32 v10, v13;
	v5 =	vmul.f32 $3.200000000e+01, v5;
	v15 =	vld [tilespmem:s1+$0xF100]  }
.Ltmp5:
0x255: {  	[tilespmem:s1+$0xF000] =	vst v7;
	v8 =	vadd.f32 v8, v13;
	v12 =	vmul.f32 $3.200000000e+01, v6;
	v6 =	vld [tilespmem:s1+$0x10100];
	(pc) =	sbr.rel @p1 .LBB2_9-.Ltmp5, $4  }
0x256: {  	[tilespmem:s1+$0x10000] =	vst v10;
	v10 =	vadd.f32 v5, v13;
	v9 =	vmul.f32 $3.200000000e+01, v9;
	v7 =	vld [tilespmem:s1+$0x11100]  }
0x257: {  	[tilespmem:s1+$0x11000] =	vst v8;
	v16 =	vadd.f32 v12, v4;
	v11 =	vmul.f32 $3.200000000e+01, v11;
	v5 =	vld [tilespmem:s1+$0x12100]  }
0x258: {  	[tilespmem:s1+$0x12000] =	vst v10;
	v12 =	vadd.f32 v9, v4;
	v13 =	vmul.f32 $3.200000000e+01, v14;
	v8 =	vld [tilespmem:s1+$0xF180]  }
0x259: {  	s7 =	sadd.s32 $0x40, s7;
	s9 =	sadd.s32 $0x10, s9;
	[tilespmem:s1+$0xF080] =	vst v16;
	v10 =	vadd.f32 v11, v4;
	v11 =	vmul.f32 $3.200000000e+01, v15;
	v9 =	vld [tilespmem:s1+$0x10180]  }
0x25a: {  	[tilespmem:s1+$0x10080] =	vst v12;
	v53 =	vld [tilespmem:s1+$0x11180];
	v4 =	vadd.f32 v13, v4;
	v6 =	vmul.f32 $3.200000000e+01, v6  }
0x25b: {  	v55 =	vld [tilespmem:s1+$0x12180];
	[tilespmem:s1+$0x11080] =	vst v10;
	v54 =	vadd.f32 v11, v3;
	v7 =	vmul.f32 $3.200000000e+01, v7  }
0x25c: {  	[tilespmem:s1+$0x12080] =	vst v4;
	v56 =	vadd.f32 v6, v3;
	v5 =	vmul.f32 $3.200000000e+01, v5  }
0x25d: {  	[tilespmem:s1+$0xF100] =	vst v54;
	v57 =	vadd.f32 v7, v3;
	v58 =	vmul.f32 $3.200000000e+01, v8  }
0x25e: {  	[tilespmem:s1+$0x10100] =	vst v56;
	v3 =	vadd.f32 v5, v3;
	v59 =	vmul.f32 $3.200000000e+01, v9  }
0x25f: {  	[tilespmem:s1+$0x11100] =	vst v57;
	v60 =	vadd.f32 v58, v2;
	v61 =	vmul.f32 $3.200000000e+01, v53  }
0x260: {  	v62 =	vmul.f32 $3.200000000e+01, v55;
	[tilespmem:s1+$0x12100] =	vst v3;
	v3 =	vadd.f32 v59, v2  }
0x261: {  	[tilespmem:s1+$0xF180] =	vst v60;
	v63 =	vadd.f32 v61, v2  }
0x262: {  	v2 =	vadd.f32 v62, v2;
	[tilespmem:s1+$0x10180] =	vst v3  }
0x263: {  	s10 =	sadd.s32 s12, s0;
	[tilespmem:s1+$0x11180] =	vst v63  }
0x264: {  	s7 =	sadd.s32 s3, s18;
	s19 =	simm.s32 $0xF000;
	[tilespmem:s1+$0x12180] =	vst v2;
	s1 =	sshll.u32 s10, $0x7  }
0x265: {  	[hbm4b:s7+s11] =	stream.strided.scatter [tilespmem:s19], [sflag:$0x3], $0x1000, s17, s11, $0x38;
	[tilespmem:$0x13000] =	vst v63  }
0x266: {  	s24 =	sadd.s32 s13, s0;
	s9 =	simm.s32 $0x10000;
	s1 =	sand.u32 $0x1FFFFC00, s1  }
0x267: {  	s18 =	sadd.s32 s14, s0;
	s10 =	sshll.u32 s24, $0x7;
	s1 =	sadd.s32 s1, s15  }
0x268: {  	[hbm4b:s1+s11] =	stream.strided.scatter [tilespmem:s9], [sflag:$0x3], $0x1000, s17, s11, $0x38;
	[tilespmem:$0x13000] =	vst v63  }
0x269: {  	s0 =	sshll.u32 s18, $0x7;
	s1 =	sand.u32 $0x1FFFFC00, s10  }
0x26a: {  	s0 =	sand.u32 $0x1FFFFC00, s0;
	s24 =	simm.s32 $0x11000;
	s1 =	sadd.s32 s1, s15  }
0x26b: {  	[hbm4b:s1+s11] =	stream.strided.scatter [tilespmem:s24], [sflag:$0x3], $0x1000, s17, s11, $0x38;
	[tilespmem:$0x13000] =	vst v63  }
0x26c: {  	s0 =	sadd.s32 s0, s15  }
0x26d: {  	[hbm4b:s0+s11] =	stream.strided.scatter [tilespmem:s23], [sflag:$0x3], $0x1000, s17, s11, $0x38;
	[tilespmem:$0x13000] =	vst v63  }
0x26e: {  	_ =	swait.ge [sflag:s25], $0x1000  }
0x26f: {  	[sflag:s25] =	ssyncset.done $0x0  }
0x270: {  	[sflag:s25] =	ssyncadd.s32 $0xFFFFF000  }
0x271: {  	_ =	swait.ge [sflag:s25], $0x1000  }
0x272: {  	[sflag:s25] =	ssyncset.done $0x0  }
0x273: {  	[sflag:s25] =	ssyncadd.s32 $0xFFFFF000  }
0x274: {  	_ =	swait.ge [sflag:s25], $0x1000  }
.Ltmp6:
0x275: {  	[sflag:s25] =	ssyncset.done $0x0;
	(pc) =	sbr.rel @p0 .LBB2_12-.Ltmp6, $4  }
0x276: {  	[sflag:s25] =	ssyncadd.s32 $0xFFFFF000  }
0x277: {  	_ =	swait.ge [sflag:s25], $0x1000  }
0x278: {  	[sflag:s25] =	ssyncset.done $0x0  }
0x279: {  	[sflag:s25] =	ssyncadd.s32 $0xFFFFF000  }
0x27a: {  	s0 =	sshll.u32 s28, $0x9  }
0x27b: {  	s0 =	sand.u32 $0x3FFFFE00, s0  }
0x27c: {  	v2 =	vld.msk [tilespmem:s0+$0x300], $0xf;
	_ =	sdelay $0x4  }
0x27d: {  	v3 =	vshll.u32 v2, $0x3  }
0x27e: {  	v2 =	vand.u32 $0x7, v2;
	v3 =	vand.u32 $0xFFFFFFC0, v3  }
0x27f: {  	v2 =	vor.u32 v2, v3  }
0x280: {  	v2 =	vperm.xlane v2, v0;
	_ =	sdelay $0x1  }
0x281: {  	v2 =	vadd.s32 v1, v2;
	_ =	sdelay $0x4  }
0x282: {  	[tilespmem:s21], [sflag:$0x1] =	stream.indirect_vreg.gather [hbm4b:s2+s4], $0x80, v2, vm0, $0xb8;
	[tilespmem:$0x13000] =	vst v63  }
0x283: {  	s1 =	simm.s32 $0xB800  }
0x284: {  	[tilespmem:s1], [sflag:$0x1] =	stream.indirect_vreg.gather [hbm4b:s8+s4], $0x80, v2, vm0, $0xb8;
	[tilespmem:$0x13000] =	vst v63  }
0x285: {  	v2 =	vld.msk [tilespmem:s0+$0x304], $0xf;
	_ =	sdelay $0x4  }
0x286: {  	v3 =	vshll.u32 v2, $0x3  }
0x287: {  	v2 =	vand.u32 $0x7, v2;
	v3 =	vand.u32 $0xFFFFFFC0, v3  }
0x288: {  	v2 =	vor.u32 v2, v3  }
0x289: {  	v2 =	vperm.xlane v2, v0;
	_ =	sdelay $0x1  }
0x28a: {  	v2 =	vadd.s32 v1, v2;
	_ =	sdelay $0x4  }
0x28b: {  	[tilespmem:s26], [sflag:$0x1] =	stream.indirect_vreg.gather [hbm4b:s2+s4], $0x80, v2, vm0, $0xb8;
	[tilespmem:$0x13000] =	vst v63  }
0x28c: {  	s18 =	simm.s32 $0xC800  }
0x28d: {  	[tilespmem:s18], [sflag:$0x1] =	stream.indirect_vreg.gather [hbm4b:s8+s4], $0x80, v2, vm0, $0xb8;
	[tilespmem:$0x13000] =	vst v63  }
0x28e: {  	v2 =	vld.msk [tilespmem:s0+$0x308], $0xf;
	_ =	sdelay $0x4  }
0x28f: {  	v3 =	vshll.u32 v2, $0x3  }
0x290: {  	v2 =	vand.u32 $0x7, v2;
	v3 =	vand.u32 $0xFFFFFFC0, v3  }
0x291: {  	v2 =	vor.u32 v2, v3  }
0x292: {  	v2 =	vperm.xlane v2, v0;
	_ =	sdelay $0x1  }
0x293: {  	v2 =	vadd.s32 v1, v2;
	_ =	sdelay $0x4  }
0x294: {  	[tilespmem:s20], [sflag:$0x1] =	stream.indirect_vreg.gather [hbm4b:s2+s4], $0x80, v2, vm0, $0xb8;
	[tilespmem:$0x13000] =	vst v63  }
0x295: {  	s21 =	simm.s32 $0xD800  }
0x296: {  	[tilespmem:s21], [sflag:$0x1] =	stream.indirect_vreg.gather [hbm4b:s8+s4], $0x80, v2, vm0, $0xb8;
	[tilespmem:$0x13000] =	vst v63  }
0x297: {  	v2 =	vld.msk [tilespmem:s0+$0x30C], $0xf;
	_ =	sdelay $0x4  }
0x298: {  	v3 =	vshll.u32 v2, $0x3  }
0x299: {  	v2 =	vand.u32 $0x7, v2;
	v3 =	vand.u32 $0xFFFFFFC0, v3  }
0x29a: {  	v2 =	vor.u32 v2, v3  }
0x29b: {  	v2 =	vperm.xlane v2, v0;
	_ =	sdelay $0x1  }
0x29c: {  	v2 =	vadd.s32 v1, v2;
	_ =	sdelay $0x3  }
0x29d: {  	s26 =	sadd.s32 s30, s16  }
0x29e: {  	[tilespmem:s29], [sflag:$0x1] =	stream.indirect_vreg.gather [hbm4b:s2+s4], $0x80, v2, vm0, $0xb8;
	[tilespmem:$0x13000] =	vst v63  }
.Ltmp7:
0x29f: {  	s0 =	sshll.u32 s26, $0x7;
	(pc) =	sbr.rel .LBB2_2-.Ltmp7, $4  }
0x2a0: {  	s24 =	simm.s32 $0xE800;
	s0 =	sand.u32 $0x1FFFF800, s0;
	s29 =	rddreg [dreg:$0x6]  }
0x2a1: {  	[tilespmem:s24], [sflag:$0x1] =	stream.indirect_vreg.gather [hbm4b:s8+s4], $0x80, v2, vm0, $0xb8;
	[tilespmem:$0x13000] =	vst v63  }
0x2a2: {  	s28 =	sadd.s32 $0x1, s28;
	s30 =	simm.s32 $0x2000;
	s0 =	sadd.s32 s0, s29  }
0x2a3: {  	[tilespmem:s30], [sflag:$0x2] =	stream.strided.gather [hbm4b:s0+s11], $0x1000, s17, s11, $0x38;
	[tilespmem:$0x13000] =	vst v63  }
.LBB2_13:
0x2a4: {  	_ =	sfence.sel $0x180000  }
0x2a5: {  	[bflag:$0x0] =	sbarrier.arrive $0xFFFF  }
0x2a6: {  	_ =	strace $0x90000047  }
0x2a7: {  	s0 =	stileid.u32;
	[bflag:$0x2] =	sbarrier.arrive $0xFFFF  }
0x2a8: {  	p0 =	sne.s32 s0, $0x0;
	s0 =	rddreg [dreg:$0x3]  }
0x2a9: {  	s0 =	sadd.s32 @!p0 $0x100000, s0  }
0x2aa: {  	[sflag:s0] =	ssyncadd.tile.s32 @!p0 $0x1;
	_ =	shalt  }
.Lfunc_end2:
_tile_overlayer_lowered:
.L_overlay_start_2:
0x2ab: {  	(tag) =	ssettag $0x2  }
0x2ac: {  	s0 =	rddreg [dreg:$0x0];
	s2 =	stileid.u32  }
0x2ad: {  	s1 =	rddreg [dreg:$0x1];
	p0 =	sne.s32 s2, $0x0  }
0x2ae: {  	s3 =	rddreg [dreg:$0x2];
	[bflag:$0x3] =	sbarrier.arrive $0xFFFF;
	s2 =	simm.s32 @!p0 $0x1C04  }
0x2af: {  	[timem:s3], [sflag:s2] =	dma.local @!p0 [hbm:s0], s1  }
0x2b0: {  	s0 =	simm.s32 @!p0 $0x4  }
0x2b1: {  	_ =	swait.ge @!p0 [sflag:s0], s1  }
0x2b2: {  	s1 =	ssub.s32 @!p0 $0x0, s1;
	[sflag:s0] =	ssyncset.done @!p0 $0x0  }
0x2b3: {  	[sflag:s0] =	ssyncadd.s32 @!p0 s1  }
0x2b4: {  	[bflag:$0x3] =	sbarrier.arrive $0xFFFF  }
0x2b5: {  	_ =	shalt  }

</sc_bundles>
